<compile_context>
chip_gen: v7x
topology: tpu7x:2x2x1
jax: 0.10.2.dev20260603
libtpu: 0.0.44.dev20260713+nightly
codegen_flags: <defaults>
</compile_context>

<pallas_src>
import functools

import jax
import jax.numpy as jnp
import numpy as np
from jax import lax
from jax.experimental import pallas as pl
from jax.experimental.pallas import tpu as pltpu
from jax.experimental.pallas import tpu_sc as plsc

_NC = 2
_NS = 16
_NW = _NC * _NS


@functools.lru_cache(maxsize=None)
def _make_segsum(N, HH, E, CH):
    assert E % (_NS * CH) == 0
    NCH = E // (_NS * CH)
    assert NCH % 8 == 0
    M = 6
    NMAIN = ((NCH - M) // M) * M
    NREM = NCH - M - NMAIN
    RP = (N // _NS) & ~7
    TAIL = N - _NS * RP
    assert TAIL % 8 == 0 and TAIL <= RP

    mesh = plsc.VectorSubcoreMesh(
        core_axis_name="c", subcore_axis_name="s",
        num_cores=_NC, num_subcores=_NS)

    @functools.partial(
        pl.kernel,
        out_type=jax.ShapeDtypeStruct((_NC, N, HH), jnp.float32),
        mesh=mesh,
        compiler_params=pltpu.CompilerParams(use_tc_tiling_on_sc=False),
        scratch_types=(
            [pltpu.VMEM((NCH, CH), jnp.int32),
             pltpu.VMEM((NCH, CH), jnp.int32),
             pltpu.VMEM((M, CH, HH), jnp.float32),
             pltpu.VMEM_SHARED((N, HH), jnp.float32)]
            + [pltpu.SemaphoreType.DMA] * (2 * M + 3)
        ),
    )
    def segsum(pf_hbm, src_hbm, dst_hbm, zeros_hbm, out_hbm, src_v, dst_v,
               rows_v, acc_sh, *sems):
        gsem = sems[:M]
        ssem = sems[M:2 * M]
        zsem, isem0, isem1 = sems[2 * M:]
        c = lax.axis_index("c")
        s = lax.axis_index("s")

        pltpu.async_copy(zeros_hbm, acc_sh.at[pl.ds(s * RP, RP)], zsem)

        @pl.when(s == _NS - 1)
        def _zero_tail():
            pltpu.async_copy(zeros_hbm.at[pl.ds(0, TAIL)],
                             acc_sh.at[pl.ds(_NS * RP, TAIL)], zsem)

        pltpu.async_copy(src_hbm.at[pl.ds(s * NCH, NCH)], src_v, isem0)
        pltpu.async_copy(dst_hbm.at[pl.ds(s * NCH, NCH)], dst_v, isem1)
        pltpu.make_async_copy(src_hbm.at[pl.ds(s * NCH, NCH)], src_v,
                              isem0).wait()
        pltpu.make_async_copy(dst_hbm.at[pl.ds(s * NCH, NCH)], dst_v,
                              isem1).wait()

        my_pf = pf_hbm.at[c]

        def fire_gather(g, b):
            pltpu.async_copy(my_pf.at[src_v.at[g]], rows_v.at[b], gsem[b])

        def fire_scatter(g, b):
            pltpu.async_copy(rows_v.at[b], acc_sh.at[dst_v.at[g]], ssem[b],
                             add=True)

        def wait_gather(b):
            pltpu.make_async_copy(my_pf.at[src_v.at[0]], rows_v.at[b],
                                  gsem[b]).wait()

        def wait_scatter(b):
            pltpu.make_async_copy(rows_v.at[b], acc_sh.at[dst_v.at[0]],
                                  ssem[b]).wait()

        for v in range(M):
            fire_gather(v, v)

        pltpu.make_async_copy(zeros_hbm, acc_sh.at[pl.ds(s * RP, RP)],
                              zsem).wait()

        @pl.when(s == _NS - 1)
        def _zero_tail_wait():
            pltpu.make_async_copy(zeros_hbm.at[pl.ds(0, TAIL)],
                                  acc_sh.at[pl.ds(_NS * RP, TAIL)],
                                  zsem).wait()

        plsc.subcore_barrier()

        K = M // 2
        for v in range(K, M):
            wait_gather(v - K)
            fire_scatter(v - K, v - K)

        @pl.loop(0, NMAIN // M)
        def _rounds(r):
            for b in range(M):
                v = M + r * M + b
                wait_scatter(b)
                fire_gather(v, b)
                s2 = (b + M - K) % M
                wait_gather(s2)
                fire_scatter(v - K, s2)

        for i in range(NREM):
            v = M + NMAIN + i
            b = v % M
            wait_scatter(b)
            fire_gather(v, b)
            s2 = (v - K) % M
            wait_gather(s2)
            fire_scatter(v - K, s2)
        for i in range(K):
            g2 = NCH - K + i
            s2 = g2 % M
            wait_gather(s2)
            fire_scatter(g2, s2)
        for b in range(M):
            wait_scatter(b)

        plsc.subcore_barrier()

        pltpu.sync_copy(acc_sh.at[pl.ds(s * RP, RP)],
                        out_hbm.at[c].at[pl.ds(s * RP, RP)])

        @pl.when(s == _NS - 1)
        def _out_tail():
            pltpu.sync_copy(acc_sh.at[pl.ds(_NS * RP, TAIL)],
                            out_hbm.at[c].at[pl.ds(_NS * RP, TAIL)])

    return segsum


def _segsum(pf, src2d, dst2d, zeros, CH):
    _, N, HH = pf.shape
    E = src2d.shape[0] * src2d.shape[1]
    return _make_segsum(N, HH, E, CH)(pf, src2d, dst2d, zeros)


def _unpack_parts(parts_ref, perm_ref, BN, H):
    pp = jnp.concatenate([parts_ref[0], parts_ref[1]], axis=1)
    t = jnp.dot(pp, perm_ref[...], preferred_element_type=jnp.float32)
    return t.reshape(BN, H)


def _pack_pf(h, clo_ref, chi_ref, pf_ref, BN, H):
    hfold = h.reshape(BN // 2, 2 * H)
    pf_ref[0] = jnp.dot(hfold, clo_ref[...], preferred_element_type=jnp.float32)
    pf_ref[1] = jnp.dot(hfold, chi_ref[...], preferred_element_type=jnp.float32)


def _prep_body(x_ref, clo_ref, chi_ref, pf_ref):
    BN, H = x_ref.shape
    _pack_pf(x_ref[...], clo_ref, chi_ref, pf_ref, BN, H)


def _prep(x, Clo, Chi, BN=2000):
    N, H = x.shape
    grid = N // BN
    return pl.pallas_call(
        _prep_body,
        grid=(grid,),
        in_specs=[
            pl.BlockSpec((BN, H), lambda i: (i, 0)),
            pl.BlockSpec((2 * H, H), lambda i: (0, 0)),
            pl.BlockSpec((2 * H, H), lambda i: (0, 0)),
        ],
        out_specs=pl.BlockSpec((2, BN // 2, H), lambda i: (0, i, 0)),
        out_shape=jax.ShapeDtypeStruct((2, N // 2, H), jnp.float32),
    )(x, Clo, Chi)


def _layer_body(parts_ref, h_ref, wr_ref, wo_ref, b_ref, perm_ref, clo_ref,
                chi_ref, o_ref, pf_ref):
    BN, H = h_ref.shape
    aggr = _unpack_parts(parts_ref, perm_ref, BN, H)
    acc = jnp.dot(aggr, wr_ref[...], preferred_element_type=jnp.float32)
    acc = acc + jnp.dot(h_ref[...], wo_ref[...],
                        preferred_element_type=jnp.float32)
    h_new = jnp.maximum(acc + b_ref[...], 0.0)
    o_ref[...] = h_new
    _pack_pf(h_new, clo_ref, chi_ref, pf_ref, BN, H)


def _layer(parts, h, W_rel, W_root, b, PERM, Clo, Chi, BN=2000):
    N, H = h.shape
    grid = N // BN
    return pl.pallas_call(
        _layer_body,
        grid=(grid,),
        in_specs=[
            pl.BlockSpec((2, BN // 2, H), lambda i: (0, i, 0)),
            pl.BlockSpec((BN, H), lambda i: (i, 0)),
            pl.BlockSpec((H, H), lambda i: (0, 0)),
            pl.BlockSpec((H, H), lambda i: (0, 0)),
            pl.BlockSpec((1, H), lambda i: (0, 0)),
            pl.BlockSpec((2 * H, 2 * H), lambda i: (0, 0)),
            pl.BlockSpec((2 * H, H), lambda i: (0, 0)),
            pl.BlockSpec((2 * H, H), lambda i: (0, 0)),
        ],
        out_specs=[
            pl.BlockSpec((BN, H), lambda i: (i, 0)),
            pl.BlockSpec((2, BN // 2, H), lambda i: (0, i, 0)),
        ],
        out_shape=[
            jax.ShapeDtypeStruct((N, H), jnp.float32),
            jax.ShapeDtypeStruct((2, N // 2, H), jnp.float32),
        ],
    )(parts, h, W_rel, W_root, b.reshape(1, H), PERM, Clo, Chi)


def _final_body(parts_ref, h_ref, wr_ref, wo_ref, b_ref, perm_ref,
                batch_ref, valid_ref, l1w_ref, l1b_ref, l2w_ref, l2b_ref,
                o_ref, pooled_acc, cnt_acc):
    i = pl.program_id(0)
    G = pooled_acc.shape[0]
    BN, H = h_ref.shape

    @pl.when(i == 0)
    def _init():
        pooled_acc[...] = jnp.zeros_like(pooled_acc)
        cnt_acc[...] = jnp.zeros_like(cnt_acc)

    aggr = _unpack_parts(parts_ref, perm_ref, BN, H)
    acc = jnp.dot(aggr, wr_ref[...], preferred_element_type=jnp.float32)
    acc = acc + jnp.dot(h_ref[...], wo_ref[...],
                        preferred_element_type=jnp.float32)
    h3 = jnp.maximum(acc + b_ref[...], 0.0)

    seg = lax.broadcasted_iota(jnp.int32, (G, BN), 0)
    bvals = jnp.broadcast_to(batch_ref[0], (G, BN))
    oh = (bvals == seg).astype(jnp.float32)
    pooled_acc[...] += jnp.dot(oh, h3, preferred_element_type=jnp.float32)
    cnt_acc[...] += jnp.broadcast_to(
        jnp.sum(oh, axis=1, keepdims=True), cnt_acc.shape)

    @pl.when(i == pl.num_programs(0) - 1)
    def _finish():
        valid = valid_ref[...]
        sums = pooled_acc[...] * valid
        cnt = cnt_acc[...] * valid
        pooled = sums / jnp.maximum(cnt, 1.0)
        z = jnp.maximum(
            jnp.dot(pooled, l1w_ref[...], preferred_element_type=jnp.float32)
            + l1b_ref[...], 0.0)
        logits = jnp.dot(z, l2w_ref[...],
                         preferred_element_type=jnp.float32) + l2b_ref[...]
        m = jnp.max(logits, axis=-1, keepdims=True)
        lse = jnp.log(jnp.sum(jnp.exp(logits - m), axis=-1,
                              keepdims=True)) + m
        o_ref[...] = logits - lse


def _final(parts, h, W_rel, W_root, b, PERM, batch3d, valid, lin1_W, lin1_b,
           lin2_W, lin2_b, BN=2000):
    N, H = h.shape
    G = valid.shape[0]
    H2 = lin1_W.shape[1]
    C = lin2_W.shape[1]
    grid = N // BN
    nb = batch3d.shape[0]
    assert nb == grid and batch3d.shape[2] == BN
    return pl.pallas_call(
        _final_body,
        grid=(grid,),
        in_specs=[
            pl.BlockSpec((2, BN // 2, H), lambda i: (0, i, 0)),
            pl.BlockSpec((BN, H), lambda i: (i, 0)),
            pl.BlockSpec((H, H), lambda i: (0, 0)),
            pl.BlockSpec((H, H), lambda i: (0, 0)),
            pl.BlockSpec((1, H), lambda i: (0, 0)),
            pl.BlockSpec((2 * H, 2 * H), lambda i: (0, 0)),
            pl.BlockSpec((1, 1, BN), lambda i: (i, 0, 0)),
            pl.BlockSpec((G, 1), lambda i: (0, 0)),
            pl.BlockSpec((H, H2), lambda i: (0, 0)),
            pl.BlockSpec((1, H2), lambda i: (0, 0)),
            pl.BlockSpec((H2, C), lambda i: (0, 0)),
            pl.BlockSpec((1, C), lambda i: (0, 0)),
        ],
        out_specs=pl.BlockSpec((G, C), lambda i: (0, 0)),
        out_shape=jax.ShapeDtypeStruct((G, C), jnp.float32),
        scratch_shapes=[
            pltpu.VMEM((G, H), jnp.float32),
            pltpu.VMEM((G, H), jnp.float32),
        ],
    )(parts, h, W_rel, W_root, b.reshape(1, H), PERM, batch3d,
      valid, lin1_W, lin1_b.reshape(1, H2), lin2_W, lin2_b.reshape(1, C))


def kernel(x, edge_index, batch, target_size, W1_rel, b1_rel, W1_root,
           W2_rel, b2_rel, W2_root, W3_rel, b3_rel, W3_root, lin1_W, lin1_b,
           lin2_W, lin2_b):
    N, H = x.shape
    E = edge_index.shape[1]
    G = 64
    CH = 125
    BN = 2000

    HH = H // 2
    src2d = edge_index[0].astype(jnp.int32).reshape(E // CH, CH)
    dst2d = edge_index[1].astype(jnp.int32).reshape(E // CH, CH)
    batch3d = batch.astype(jnp.int32).reshape(N // BN, 1, BN)
    valid = (jnp.arange(G) < target_size).astype(jnp.float32).reshape(G, 1)

    eye = np.eye(2 * H, dtype=np.float32)
    perm_src = np.concatenate([
        np.arange(0, HH), np.arange(2 * HH, 3 * HH),
        np.arange(HH, 2 * HH), np.arange(3 * HH, 4 * HH)])
    PERM = jnp.asarray(eye[perm_src].T)
    clo_src = np.concatenate([np.arange(0, HH), np.arange(H, H + HH)])
    chi_src = np.concatenate([np.arange(HH, H), np.arange(H + HH, 2 * H)])
    Clo = jnp.asarray(eye[clo_src].T)
    Chi = jnp.asarray(eye[chi_src].T)

    def as_sc(pf):
        return pf.reshape(2, N, HH)

    def as_tc(parts):
        return parts.reshape(2, N // 2, H)

    zeros = jnp.zeros(((N // _NS) & ~7, HH), jnp.float32)

    pf = _prep(x, Clo, Chi, BN)
    parts = as_tc(_segsum(as_sc(pf), src2d, dst2d, zeros, CH))
    h1, pf = _layer(parts, x, W1_rel, W1_root, b1_rel, PERM, Clo, Chi, BN)
    parts = as_tc(_segsum(as_sc(pf), src2d, dst2d, zeros, CH))
    h2, pf = _layer(parts, h1, W2_rel, W2_root, b2_rel, PERM, Clo, Chi, BN)
    parts = as_tc(_segsum(as_sc(pf), src2d, dst2d, zeros, CH))
    return _final(parts, h2, W3_rel, W3_root, b3_rel, PERM, batch3d,
                  valid, lin1_W, lin1_b, lin2_W, lin2_b, BN)

# --- scband reference (transcript-rebuilt; emitter-appended) ---
"""Pipeline reference for scband-graph-conv0-tpk-79250736546092 (READ-ONLY COPY).

The authoritative reference and input builder live on the scoring server;
editing this copy changes nothing except your own understanding.
"""

import jax, jax.numpy as jnp
import numpy as np


def _graph_conv(x, src, dst, W_rel, b_rel, W_root):
    # PyG GraphConv (aggr='add'): out = lin_rel(sum_{j in N(i)} x_j) + lin_root(x_i)
    aggr = jax.ops.segment_sum(x[src], dst, num_segments=x.shape[0])
    return aggr @ W_rel + b_rel + x @ W_root


def setup_inputs(seed: int = 0):
    key = jax.random.key(seed)
    ks = jax.random.split(key, 14)
    N, E, F_in, H, H2, C, G = 10000, 320000, 128, 128, 64, 16, 64

    def lin(k, fi, fo):
        return jax.random.uniform(k, (fi, fo), minval=-1.0, maxval=1.0, dtype=jnp.float32) / np.sqrt(fi)

    return {
        "x": jax.random.normal(ks[0], (N, F_in), dtype=jnp.float32),
        "edge_index": jax.random.randint(ks[1], (2, E), 0, N),
        "batch": jnp.sort(jax.random.randint(ks[2], (N,), 0, G)),
        "target_size": G,
        "W1_rel": lin(ks[3], F_in, H), "b1_rel": jnp.zeros((H,), jnp.float32), "W1_root": lin(ks[4], F_in, H),
        "W2_rel": lin(ks[5], H, H), "b2_rel": jnp.zeros((H,), jnp.float32), "W2_root": lin(ks[6], H, H),
        "W3_rel": lin(ks[7], H, H), "b3_rel": jnp.zeros((H,), jnp.float32), "W3_root": lin(ks[8], H, H),
        "lin1_W": lin(ks[9], H, H2), "lin1_b": jnp.zeros((H2,), jnp.float32),
        "lin2_W": lin(ks[10], H2, C), "lin2_b": jnp.zeros((C,), jnp.float32),
    }


def reference(x, edge_index, batch, target_size, W1_rel, b1_rel, W1_root, W2_rel, b2_rel, W2_root, W3_rel, b3_rel, W3_root, lin1_W, lin1_b, lin2_W, lin2_b):
    src, dst = edge_index[0], edge_index[1]
    h = jax.nn.relu(_graph_conv(x, src, dst, W1_rel, b1_rel, W1_root))
    h = jax.nn.relu(_graph_conv(h, src, dst, W2_rel, b2_rel, W2_root))
    h = jax.nn.relu(_graph_conv(h, src, dst, W3_rel, b3_rel, W3_root))
    num_segments = 64
    valid = jnp.arange(num_segments) < target_size
    sums = jax.ops.segment_sum(h, batch, num_segments=num_segments)
    cnt = jax.ops.segment_sum(jnp.ones((h.shape[0],), jnp.float32), batch, num_segments=num_segments)
    sums = jnp.where(valid[:, None], sums, 0.0)
    cnt = jnp.where(valid, cnt, 0.0)
    pooled = sums / jnp.maximum(cnt, 1.0)[:, None]
    z = jax.nn.relu(pooled @ lin1_W + lin1_b)
    logits = z @ lin2_W + lin2_b
    return jax.nn.log_softmax(logits, axis=-1)

if __name__ == "__main__":
    import jax
    _d = setup_inputs()
    print(jax.jit(kernel)(*tuple(_d.values())))

</pallas_src>

<mosaic_0001>
#map = affine_map<(d0, d1) -> (0, 0, 0)>
#map1 = affine_map<(d0, d1) -> (0, 0)>
module attributes {stable_mosaic.version = 14 : i64} {
  func.func @segsum(%arg0: i32, %arg1: i32, %arg2: memref<2x10000x64xf32, #tpu.memory_space<hbm>>, %arg3: memref<2560x125xi32, #tpu.memory_space<hbm>>, %arg4: memref<2560x125xi32, #tpu.memory_space<hbm>>, %arg5: memref<624x64xf32, #tpu.memory_space<hbm>>, %arg6: memref<2x10000x64xf32, #tpu.memory_space<hbm>>, %arg7: memref<160x125xi32, #tpu.memory_space<vmem>>, %arg8: memref<160x125xi32, #tpu.memory_space<vmem>>, %arg9: memref<6x125x64xf32, #tpu.memory_space<vmem>>, %arg10: memref<10000x64xf32, #tpu.memory_space<vmem_shared>>, %arg11: memref<!tpu.dma_semaphore, #tpu.memory_space<semaphore_mem>>, %arg12: memref<!tpu.dma_semaphore, #tpu.memory_space<semaphore_mem>>, %arg13: memref<!tpu.dma_semaphore, #tpu.memory_space<semaphore_mem>>, %arg14: memref<!tpu.dma_semaphore, #tpu.memory_space<semaphore_mem>>, %arg15: memref<!tpu.dma_semaphore, #tpu.memory_space<semaphore_mem>>, %arg16: memref<!tpu.dma_semaphore, #tpu.memory_space<semaphore_mem>>, %arg17: memref<!tpu.dma_semaphore, #tpu.memory_space<semaphore_mem>>, %arg18: memref<!tpu.dma_semaphore, #tpu.memory_space<semaphore_mem>>, %arg19: memref<!tpu.dma_semaphore, #tpu.memory_space<semaphore_mem>>, %arg20: memref<!tpu.dma_semaphore, #tpu.memory_space<semaphore_mem>>, %arg21: memref<!tpu.dma_semaphore, #tpu.memory_space<semaphore_mem>>, %arg22: memref<!tpu.dma_semaphore, #tpu.memory_space<semaphore_mem>>, %arg23: memref<!tpu.dma_semaphore, #tpu.memory_space<semaphore_mem>>, %arg24: memref<!tpu.dma_semaphore, #tpu.memory_space<semaphore_mem>>, %arg25: memref<!tpu.dma_semaphore, #tpu.memory_space<semaphore_mem>>) attributes {dimension_semantics = [#tpu.dimension_semantics<core_parallel>, #tpu.dimension_semantics<subcore_parallel>], iteration_bounds = array<i64: 2, 16>, scalar_prefetch = 0 : i64, scratch_operands = 19 : i64, tpu.core_type = #tpu.core_type<sc_vector_subcore>, window_params = [{transform_indices = #map}, {transform_indices = #map1}, {transform_indices = #map1}, {transform_indices = #map1}, {transform_indices = #map}]} {
    %mul3A = arith.constant 624 : i32
    %mul3A_0 = arith.muli %arg1, %mul3A : i32
    %dma_start3A = arith.constant 0 : i32
    %dma_start3A_1 = tpu.memref_slice %arg10[%mul3A_0, %dma_start3A] : memref<10000x64xf32, #tpu.memory_space<vmem_shared>> -> memref<624x64xf32, #tpu.memory_space<vmem_shared>>
    tpu.enqueue_dma source(%arg5 : memref<624x64xf32, #tpu.memory_space<hbm>>) target(%dma_start3A_1 : memref<624x64xf32, #tpu.memory_space<vmem_shared>>) target_semaphore(%arg23 : memref<!tpu.dma_semaphore, #tpu.memory_space<semaphore_mem>>)
    %eq3A = arith.constant 15 : i32
    %eq3A_2 = arith.cmpi eq, %arg1, %eq3A : i32
    %convert_element_type3A = arith.extui %eq3A_2 : i1 to i32
    %cond3A = arith.constant 0 : i32
    %cond3A_3 = arith.cmpi ne, %convert_element_type3A, %cond3A : i32
    scf.if %cond3A_3 {
      %dma_start3A_610 = arith.constant 9984 : i32
      %dma_start3A_611 = arith.constant 0 : i32
      %dma_start3A_612 = tpu.memref_slice %arg10[%dma_start3A_610, %dma_start3A_611] : memref<10000x64xf32, #tpu.memory_space<vmem_shared>> -> memref<16x64xf32, #tpu.memory_space<vmem_shared>>
      %dma_start3A_613 = arith.constant 0 : i32
      %dma_start3A_614 = arith.constant 0 : i32
      %dma_start3A_615 = tpu.memref_slice %arg5[%dma_start3A_613, %dma_start3A_614] : memref<624x64xf32, #tpu.memory_space<hbm>> -> memref<16x64xf32, #tpu.memory_space<hbm>>
      tpu.enqueue_dma source(%dma_start3A_615 : memref<16x64xf32, #tpu.memory_space<hbm>>) target(%dma_start3A_612 : memref<16x64xf32, #tpu.memory_space<vmem_shared>>) target_semaphore(%arg23 : memref<!tpu.dma_semaphore, #tpu.memory_space<semaphore_mem>>)
    } else {
    }
    %mul3A_4 = arith.constant 160 : i32
    %mul3A_5 = arith.muli %arg1, %mul3A_4 : i32
    %dma_start3A_6 = arith.constant 0 : i32
    %dma_start3A_7 = tpu.memref_slice %arg3[%mul3A_5, %dma_start3A_6] : memref<2560x125xi32, #tpu.memory_space<hbm>> -> memref<160x125xi32, #tpu.memory_space<hbm>>
    %dma_start3A_8 = arith.constant 0 : i32
    %dma_start3A_9 = tpu.memref_slice %arg3[%mul3A_5, %dma_start3A_8] : memref<2560x125xi32, #tpu.memory_space<hbm>> -> memref<160x125xi32, #tpu.memory_space<hbm>>
    tpu.enqueue_dma source(%dma_start3A_9 : memref<160x125xi32, #tpu.memory_space<hbm>>) target(%arg7 : memref<160x125xi32, #tpu.memory_space<vmem>>) target_semaphore(%arg24 : memref<!tpu.dma_semaphore, #tpu.memory_space<semaphore_mem>>)
    %mul3A_10 = arith.constant 160 : i32
    %mul3A_11 = arith.muli %arg1, %mul3A_10 : i32
    %dma_start3A_12 = arith.constant 0 : i32
    %dma_start3A_13 = tpu.memref_slice %arg4[%mul3A_11, %dma_start3A_12] : memref<2560x125xi32, #tpu.memory_space<hbm>> -> memref<160x125xi32, #tpu.memory_space<hbm>>
    %dma_start3A_14 = arith.constant 0 : i32
    %dma_start3A_15 = tpu.memref_slice %arg4[%mul3A_11, %dma_start3A_14] : memref<2560x125xi32, #tpu.memory_space<hbm>> -> memref<160x125xi32, #tpu.memory_space<hbm>>
    tpu.enqueue_dma source(%dma_start3A_15 : memref<160x125xi32, #tpu.memory_space<hbm>>) target(%arg8 : memref<160x125xi32, #tpu.memory_space<vmem>>) target_semaphore(%arg25 : memref<!tpu.dma_semaphore, #tpu.memory_space<semaphore_mem>>)
    %mul3A_16 = arith.constant 160 : i32
    %mul3A_17 = arith.muli %arg1, %mul3A_16 : i32
    %dma_wait3A = arith.constant 0 : i32
    %dma_wait3A_18 = tpu.memref_slice %arg3[%mul3A_17, %dma_wait3A] : memref<2560x125xi32, #tpu.memory_space<hbm>> -> memref<160x125xi32, #tpu.memory_space<hbm>>
    %dma_wait3A_19 = arith.constant 0 : i32
    %dma_wait3A_20 = tpu.memref_slice %arg3[%mul3A_17, %dma_wait3A_19] : memref<2560x125xi32, #tpu.memory_space<hbm>> -> memref<160x125xi32, #tpu.memory_space<hbm>>
    tpu.wait_dma2 semaphore(%arg24 : memref<!tpu.dma_semaphore, #tpu.memory_space<semaphore_mem>>) src(%dma_wait3A_20 : memref<160x125xi32, #tpu.memory_space<hbm>>) dst(%arg7 : memref<160x125xi32, #tpu.memory_space<vmem>>)
    %mul3A_21 = arith.constant 160 : i32
    %mul3A_22 = arith.muli %arg1, %mul3A_21 : i32
    %dma_wait3A_23 = arith.constant 0 : i32
    %dma_wait3A_24 = tpu.memref_slice %arg4[%mul3A_22, %dma_wait3A_23] : memref<2560x125xi32, #tpu.memory_space<hbm>> -> memref<160x125xi32, #tpu.memory_space<hbm>>
    %dma_wait3A_25 = arith.constant 0 : i32
    %dma_wait3A_26 = tpu.memref_slice %arg4[%mul3A_22, %dma_wait3A_25] : memref<2560x125xi32, #tpu.memory_space<hbm>> -> memref<160x125xi32, #tpu.memory_space<hbm>>
    tpu.wait_dma2 semaphore(%arg25 : memref<!tpu.dma_semaphore, #tpu.memory_space<semaphore_mem>>) src(%dma_wait3A_26 : memref<160x125xi32, #tpu.memory_space<hbm>>) dst(%arg8 : memref<160x125xi32, #tpu.memory_space<vmem>>)
    %dma_start3A_27 = arith.constant 0 : i32
    %dma_start3A_28 = arith.constant 0 : i32
    %dma_start3A_29 = arith.constant 0 : i32
    %dma_start3A_30 = arith.constant 0 : i32
    %dma_start3A_31 = tpu.memref_slice %arg9[%dma_start3A_28, %dma_start3A_29, %dma_start3A_30] : memref<6x125x64xf32, #tpu.memory_space<vmem>> -> memref<1x125x64xf32, #tpu.memory_space<vmem>>
    %dma_start3A_32 = tpu.memref_squeeze %dma_start3A_31 : memref<1x125x64xf32, #tpu.memory_space<vmem>> -> memref<125x64xf32, #tpu.memory_space<vmem>>
    %dma_start3A_33 = arith.constant 0 : i32
    %dma_start3A_34 = tpu.memref_slice %arg7[%dma_start3A_27, %dma_start3A_33] : memref<160x125xi32, #tpu.memory_space<vmem>> -> memref<1x125xi32, #tpu.memory_space<vmem>>
    %dma_start3A_35 = tpu.memref_squeeze %dma_start3A_34 : memref<1x125xi32, #tpu.memory_space<vmem>> -> memref<125xi32, #tpu.memory_space<vmem>>
    %dma_start3A_36 = arith.constant 0 : i32
    %dma_start3A_37 = arith.constant 0 : i32
    %dma_start3A_38 = tpu.memref_slice %arg2[%arg0, %dma_start3A_36, %dma_start3A_37] : memref<2x10000x64xf32, #tpu.memory_space<hbm>> -> memref<1x10000x64xf32, #tpu.memory_space<hbm>>
    %dma_start3A_39 = tpu.memref_squeeze %dma_start3A_38 : memref<1x10000x64xf32, #tpu.memory_space<hbm>> -> memref<10000x64xf32, #tpu.memory_space<hbm>>
    %dma_start3A_40 = arith.constant 0 : i32
    %dma_start3A_41 = arith.constant 0 : i32
    %dma_start3A_42 = tpu.memref_slice %dma_start3A_39[%dma_start3A_40, %dma_start3A_41] : memref<10000x64xf32, #tpu.memory_space<hbm>> -> memref<10000x64xf32, #tpu.memory_space<hbm>>
    tpu.enqueue_indirect_dma source(%dma_start3A_42 : memref<10000x64xf32, #tpu.memory_space<hbm>>) target(%dma_start3A_32 : memref<125x64xf32, #tpu.memory_space<vmem>>) offsets(%dma_start3A_35 : memref<125xi32, #tpu.memory_space<vmem>>) semaphore(%arg11 : memref<!tpu.dma_semaphore, #tpu.memory_space<semaphore_mem>>)
    %dma_start3A_43 = arith.constant 1 : i32
    %dma_start3A_44 = arith.constant 1 : i32
    %dma_start3A_45 = arith.constant 0 : i32
    %dma_start3A_46 = arith.constant 0 : i32
    %dma_start3A_47 = tpu.memref_slice %arg9[%dma_start3A_44, %dma_start3A_45, %dma_start3A_46] : memref<6x125x64xf32, #tpu.memory_space<vmem>> -> memref<1x125x64xf32, #tpu.memory_space<vmem>>
    %dma_start3A_48 = tpu.memref_squeeze %dma_start3A_47 : memref<1x125x64xf32, #tpu.memory_space<vmem>> -> memref<125x64xf32, #tpu.memory_space<vmem>>
    %dma_start3A_49 = arith.constant 0 : i32
    %dma_start3A_50 = tpu.memref_slice %arg7[%dma_start3A_43, %dma_start3A_49] : memref<160x125xi32, #tpu.memory_space<vmem>> -> memref<1x125xi32, #tpu.memory_space<vmem>>
    %dma_start3A_51 = tpu.memref_squeeze %dma_start3A_50 : memref<1x125xi32, #tpu.memory_space<vmem>> -> memref<125xi32, #tpu.memory_space<vmem>>
    %dma_start3A_52 = arith.constant 0 : i32
    %dma_start3A_53 = arith.constant 0 : i32
    %dma_start3A_54 = tpu.memref_slice %arg2[%arg0, %dma_start3A_52, %dma_start3A_53] : memref<2x10000x64xf32, #tpu.memory_space<hbm>> -> memref<1x10000x64xf32, #tpu.memory_space<hbm>>
    %dma_start3A_55 = tpu.memref_squeeze %dma_start3A_54 : memref<1x10000x64xf32, #tpu.memory_space<hbm>> -> memref<10000x64xf32, #tpu.memory_space<hbm>>
    %dma_start3A_56 = arith.constant 0 : i32
    %dma_start3A_57 = arith.constant 0 : i32
    %dma_start3A_58 = tpu.memref_slice %dma_start3A_55[%dma_start3A_56, %dma_start3A_57] : memref<10000x64xf32, #tpu.memory_space<hbm>> -> memref<10000x64xf32, #tpu.memory_space<hbm>>
    tpu.enqueue_indirect_dma source(%dma_start3A_58 : memref<10000x64xf32, #tpu.memory_space<hbm>>) target(%dma_start3A_48 : memref<125x64xf32, #tpu.memory_space<vmem>>) offsets(%dma_start3A_51 : memref<125xi32, #tpu.memory_space<vmem>>) semaphore(%arg12 : memref<!tpu.dma_semaphore, #tpu.memory_space<semaphore_mem>>)
    %dma_start3A_59 = arith.constant 2 : i32
    %dma_start3A_60 = arith.constant 2 : i32
    %dma_start3A_61 = arith.constant 0 : i32
    %dma_start3A_62 = arith.constant 0 : i32
    %dma_start3A_63 = tpu.memref_slice %arg9[%dma_start3A_60, %dma_start3A_61, %dma_start3A_62] : memref<6x125x64xf32, #tpu.memory_space<vmem>> -> memref<1x125x64xf32, #tpu.memory_space<vmem>>
    %dma_start3A_64 = tpu.memref_squeeze %dma_start3A_63 : memref<1x125x64xf32, #tpu.memory_space<vmem>> -> memref<125x64xf32, #tpu.memory_space<vmem>>
    %dma_start3A_65 = arith.constant 0 : i32
    %dma_start3A_66 = tpu.memref_slice %arg7[%dma_start3A_59, %dma_start3A_65] : memref<160x125xi32, #tpu.memory_space<vmem>> -> memref<1x125xi32, #tpu.memory_space<vmem>>
    %dma_start3A_67 = tpu.memref_squeeze %dma_start3A_66 : memref<1x125xi32, #tpu.memory_space<vmem>> -> memref<125xi32, #tpu.memory_space<vmem>>
    %dma_start3A_68 = arith.constant 0 : i32
    %dma_start3A_69 = arith.constant 0 : i32
    %dma_start3A_70 = tpu.memref_slice %arg2[%arg0, %dma_start3A_68, %dma_start3A_69] : memref<2x10000x64xf32, #tpu.memory_space<hbm>> -> memref<1x10000x64xf32, #tpu.memory_space<hbm>>
    %dma_start3A_71 = tpu.memref_squeeze %dma_start3A_70 : memref<1x10000x64xf32, #tpu.memory_space<hbm>> -> memref<10000x64xf32, #tpu.memory_space<hbm>>
    %dma_start3A_72 = arith.constant 0 : i32
    %dma_start3A_73 = arith.constant 0 : i32
    %dma_start3A_74 = tpu.memref_slice %dma_start3A_71[%dma_start3A_72, %dma_start3A_73] : memref<10000x64xf32, #tpu.memory_space<hbm>> -> memref<10000x64xf32, #tpu.memory_space<hbm>>
    tpu.enqueue_indirect_dma source(%dma_start3A_74 : memref<10000x64xf32, #tpu.memory_space<hbm>>) target(%dma_start3A_64 : memref<125x64xf32, #tpu.memory_space<vmem>>) offsets(%dma_start3A_67 : memref<125xi32, #tpu.memory_space<vmem>>) semaphore(%arg13 : memref<!tpu.dma_semaphore, #tpu.memory_space<semaphore_mem>>)
    %dma_start3A_75 = arith.constant 3 : i32
    %dma_start3A_76 = arith.constant 3 : i32
    %dma_start3A_77 = arith.constant 0 : i32
    %dma_start3A_78 = arith.constant 0 : i32
    %dma_start3A_79 = tpu.memref_slice %arg9[%dma_start3A_76, %dma_start3A_77, %dma_start3A_78] : memref<6x125x64xf32, #tpu.memory_space<vmem>> -> memref<1x125x64xf32, #tpu.memory_space<vmem>>
    %dma_start3A_80 = tpu.memref_squeeze %dma_start3A_79 : memref<1x125x64xf32, #tpu.memory_space<vmem>> -> memref<125x64xf32, #tpu.memory_space<vmem>>
    %dma_start3A_81 = arith.constant 0 : i32
    %dma_start3A_82 = tpu.memref_slice %arg7[%dma_start3A_75, %dma_start3A_81] : memref<160x125xi32, #tpu.memory_space<vmem>> -> memref<1x125xi32, #tpu.memory_space<vmem>>
    %dma_start3A_83 = tpu.memref_squeeze %dma_start3A_82 : memref<1x125xi32, #tpu.memory_space<vmem>> -> memref<125xi32, #tpu.memory_space<vmem>>
    %dma_start3A_84 = arith.constant 0 : i32
    %dma_start3A_85 = arith.constant 0 : i32
    %dma_start3A_86 = tpu.memref_slice %arg2[%arg0, %dma_start3A_84, %dma_start3A_85] : memref<2x10000x64xf32, #tpu.memory_space<hbm>> -> memref<1x10000x64xf32, #tpu.memory_space<hbm>>
    %dma_start3A_87 = tpu.memref_squeeze %dma_start3A_86 : memref<1x10000x64xf32, #tpu.memory_space<hbm>> -> memref<10000x64xf32, #tpu.memory_space<hbm>>
    %dma_start3A_88 = arith.constant 0 : i32
    %dma_start3A_89 = arith.constant 0 : i32
    %dma_start3A_90 = tpu.memref_slice %dma_start3A_87[%dma_start3A_88, %dma_start3A_89] : memref<10000x64xf32, #tpu.memory_space<hbm>> -> memref<10000x64xf32, #tpu.memory_space<hbm>>
    tpu.enqueue_indirect_dma source(%dma_start3A_90 : memref<10000x64xf32, #tpu.memory_space<hbm>>) target(%dma_start3A_80 : memref<125x64xf32, #tpu.memory_space<vmem>>) offsets(%dma_start3A_83 : memref<125xi32, #tpu.memory_space<vmem>>) semaphore(%arg14 : memref<!tpu.dma_semaphore, #tpu.memory_space<semaphore_mem>>)
    %dma_start3A_91 = arith.constant 4 : i32
    %dma_start3A_92 = arith.constant 4 : i32
    %dma_start3A_93 = arith.constant 0 : i32
    %dma_start3A_94 = arith.constant 0 : i32
    %dma_start3A_95 = tpu.memref_slice %arg9[%dma_start3A_92, %dma_start3A_93, %dma_start3A_94] : memref<6x125x64xf32, #tpu.memory_space<vmem>> -> memref<1x125x64xf32, #tpu.memory_space<vmem>>
    %dma_start3A_96 = tpu.memref_squeeze %dma_start3A_95 : memref<1x125x64xf32, #tpu.memory_space<vmem>> -> memref<125x64xf32, #tpu.memory_space<vmem>>
    %dma_start3A_97 = arith.constant 0 : i32
    %dma_start3A_98 = tpu.memref_slice %arg7[%dma_start3A_91, %dma_start3A_97] : memref<160x125xi32, #tpu.memory_space<vmem>> -> memref<1x125xi32, #tpu.memory_space<vmem>>
    %dma_start3A_99 = tpu.memref_squeeze %dma_start3A_98 : memref<1x125xi32, #tpu.memory_space<vmem>> -> memref<125xi32, #tpu.memory_space<vmem>>
    %dma_start3A_100 = arith.constant 0 : i32
    %dma_start3A_101 = arith.constant 0 : i32
    %dma_start3A_102 = tpu.memref_slice %arg2[%arg0, %dma_start3A_100, %dma_start3A_101] : memref<2x10000x64xf32, #tpu.memory_space<hbm>> -> memref<1x10000x64xf32, #tpu.memory_space<hbm>>
    %dma_start3A_103 = tpu.memref_squeeze %dma_start3A_102 : memref<1x10000x64xf32, #tpu.memory_space<hbm>> -> memref<10000x64xf32, #tpu.memory_space<hbm>>
    %dma_start3A_104 = arith.constant 0 : i32
    %dma_start3A_105 = arith.constant 0 : i32
    %dma_start3A_106 = tpu.memref_slice %dma_start3A_103[%dma_start3A_104, %dma_start3A_105] : memref<10000x64xf32, #tpu.memory_space<hbm>> -> memref<10000x64xf32, #tpu.memory_space<hbm>>
    tpu.enqueue_indirect_dma source(%dma_start3A_106 : memref<10000x64xf32, #tpu.memory_space<hbm>>) target(%dma_start3A_96 : memref<125x64xf32, #tpu.memory_space<vmem>>) offsets(%dma_start3A_99 : memref<125xi32, #tpu.memory_space<vmem>>) semaphore(%arg15 : memref<!tpu.dma_semaphore, #tpu.memory_space<semaphore_mem>>)
    %dma_start3A_107 = arith.constant 5 : i32
    %dma_start3A_108 = arith.constant 5 : i32
    %dma_start3A_109 = arith.constant 0 : i32
    %dma_start3A_110 = arith.constant 0 : i32
    %dma_start3A_111 = tpu.memref_slice %arg9[%dma_start3A_108, %dma_start3A_109, %dma_start3A_110] : memref<6x125x64xf32, #tpu.memory_space<vmem>> -> memref<1x125x64xf32, #tpu.memory_space<vmem>>
    %dma_start3A_112 = tpu.memref_squeeze %dma_start3A_111 : memref<1x125x64xf32, #tpu.memory_space<vmem>> -> memref<125x64xf32, #tpu.memory_space<vmem>>
    %dma_start3A_113 = arith.constant 0 : i32
    %dma_start3A_114 = tpu.memref_slice %arg7[%dma_start3A_107, %dma_start3A_113] : memref<160x125xi32, #tpu.memory_space<vmem>> -> memref<1x125xi32, #tpu.memory_space<vmem>>
    %dma_start3A_115 = tpu.memref_squeeze %dma_start3A_114 : memref<1x125xi32, #tpu.memory_space<vmem>> -> memref<125xi32, #tpu.memory_space<vmem>>
    %dma_start3A_116 = arith.constant 0 : i32
    %dma_start3A_117 = arith.constant 0 : i32
    %dma_start3A_118 = tpu.memref_slice %arg2[%arg0, %dma_start3A_116, %dma_start3A_117] : memref<2x10000x64xf32, #tpu.memory_space<hbm>> -> memref<1x10000x64xf32, #tpu.memory_space<hbm>>
    %dma_start3A_119 = tpu.memref_squeeze %dma_start3A_118 : memref<1x10000x64xf32, #tpu.memory_space<hbm>> -> memref<10000x64xf32, #tpu.memory_space<hbm>>
    %dma_start3A_120 = arith.constant 0 : i32
    %dma_start3A_121 = arith.constant 0 : i32
    %dma_start3A_122 = tpu.memref_slice %dma_start3A_119[%dma_start3A_120, %dma_start3A_121] : memref<10000x64xf32, #tpu.memory_space<hbm>> -> memref<10000x64xf32, #tpu.memory_space<hbm>>
    tpu.enqueue_indirect_dma source(%dma_start3A_122 : memref<10000x64xf32, #tpu.memory_space<hbm>>) target(%dma_start3A_112 : memref<125x64xf32, #tpu.memory_space<vmem>>) offsets(%dma_start3A_115 : memref<125xi32, #tpu.memory_space<vmem>>) semaphore(%arg16 : memref<!tpu.dma_semaphore, #tpu.memory_space<semaphore_mem>>)
    %mul3A_123 = arith.constant 624 : i32
    %mul3A_124 = arith.muli %arg1, %mul3A_123 : i32
    %dma_wait3A_125 = arith.constant 0 : i32
    %dma_wait3A_126 = tpu.memref_slice %arg10[%mul3A_124, %dma_wait3A_125] : memref<10000x64xf32, #tpu.memory_space<vmem_shared>> -> memref<624x64xf32, #tpu.memory_space<vmem_shared>>
    tpu.wait_dma2 semaphore(%arg23 : memref<!tpu.dma_semaphore, #tpu.memory_space<semaphore_mem>>) src(%arg5 : memref<624x64xf32, #tpu.memory_space<hbm>>) dst(%dma_wait3A_126 : memref<624x64xf32, #tpu.memory_space<vmem_shared>>)
    %eq3A_127 = arith.constant 15 : i32
    %eq3A_128 = arith.cmpi eq, %arg1, %eq3A_127 : i32
    %convert_element_type3A_129 = arith.extui %eq3A_128 : i1 to i32
    %cond3A_130 = arith.constant 0 : i32
    %cond3A_131 = arith.cmpi ne, %convert_element_type3A_129, %cond3A_130 : i32
    scf.if %cond3A_131 {
      %dma_wait3A_610 = arith.constant 9984 : i32
      %dma_wait3A_611 = arith.constant 0 : i32
      %dma_wait3A_612 = tpu.memref_slice %arg10[%dma_wait3A_610, %dma_wait3A_611] : memref<10000x64xf32, #tpu.memory_space<vmem_shared>> -> memref<16x64xf32, #tpu.memory_space<vmem_shared>>
      %dma_wait3A_613 = arith.constant 0 : i32
      %dma_wait3A_614 = arith.constant 0 : i32
      %dma_wait3A_615 = tpu.memref_slice %arg5[%dma_wait3A_613, %dma_wait3A_614] : memref<624x64xf32, #tpu.memory_space<hbm>> -> memref<16x64xf32, #tpu.memory_space<hbm>>
      tpu.wait_dma2 semaphore(%arg23 : memref<!tpu.dma_semaphore, #tpu.memory_space<semaphore_mem>>) src(%dma_wait3A_615 : memref<16x64xf32, #tpu.memory_space<hbm>>) dst(%dma_wait3A_612 : memref<16x64xf32, #tpu.memory_space<vmem_shared>>)
    } else {
    }
    %barrier3A = arith.constant 0 : index
    tpu.barrier barrier_id(%barrier3A)
    %dma_wait3A_132 = arith.constant 0 : i32
    %dma_wait3A_133 = arith.constant 0 : i32
    %dma_wait3A_134 = arith.constant 0 : i32
    %dma_wait3A_135 = arith.constant 0 : i32
    %dma_wait3A_136 = tpu.memref_slice %arg9[%dma_wait3A_133, %dma_wait3A_134, %dma_wait3A_135] : memref<6x125x64xf32, #tpu.memory_space<vmem>> -> memref<1x125x64xf32, #tpu.memory_space<vmem>>
    %dma_wait3A_137 = tpu.memref_squeeze %dma_wait3A_136 : memref<1x125x64xf32, #tpu.memory_space<vmem>> -> memref<125x64xf32, #tpu.memory_space<vmem>>
    %dma_wait3A_138 = arith.constant 0 : i32
    %dma_wait3A_139 = tpu.memref_slice %arg7[%dma_wait3A_132, %dma_wait3A_138] : memref<160x125xi32, #tpu.memory_space<vmem>> -> memref<1x125xi32, #tpu.memory_space<vmem>>
    %dma_wait3A_140 = tpu.memref_squeeze %dma_wait3A_139 : memref<1x125xi32, #tpu.memory_space<vmem>> -> memref<125xi32, #tpu.memory_space<vmem>>
    %dma_wait3A_141 = arith.constant 0 : i32
    %dma_wait3A_142 = arith.constant 0 : i32
    %dma_wait3A_143 = tpu.memref_slice %arg2[%arg0, %dma_wait3A_141, %dma_wait3A_142] : memref<2x10000x64xf32, #tpu.memory_space<hbm>> -> memref<1x10000x64xf32, #tpu.memory_space<hbm>>
    %dma_wait3A_144 = tpu.memref_squeeze %dma_wait3A_143 : memref<1x10000x64xf32, #tpu.memory_space<hbm>> -> memref<10000x64xf32, #tpu.memory_space<hbm>>
    %dma_wait3A_145 = arith.constant 0 : i32
    %dma_wait3A_146 = arith.constant 0 : i32
    %dma_wait3A_147 = tpu.memref_slice %dma_wait3A_144[%dma_wait3A_145, %dma_wait3A_146] : memref<10000x64xf32, #tpu.memory_space<hbm>> -> memref<10000x64xf32, #tpu.memory_space<hbm>>
    tpu.wait_indirect_dma semaphore(%arg11 : memref<!tpu.dma_semaphore, #tpu.memory_space<semaphore_mem>>) src(%dma_wait3A_147 : memref<10000x64xf32, #tpu.memory_space<hbm>>) dst(%dma_wait3A_137 : memref<125x64xf32, #tpu.memory_space<vmem>>)
    %dma_start3A_148 = arith.constant 0 : i32
    %dma_start3A_149 = arith.constant 0 : i32
    %dma_start3A_150 = arith.constant 0 : i32
    %dma_start3A_151 = arith.constant 0 : i32
    %dma_start3A_152 = tpu.memref_slice %arg9[%dma_start3A_148, %dma_start3A_150, %dma_start3A_151] : memref<6x125x64xf32, #tpu.memory_space<vmem>> -> memref<1x125x64xf32, #tpu.memory_space<vmem>>
    %dma_start3A_153 = tpu.memref_squeeze %dma_start3A_152 : memref<1x125x64xf32, #tpu.memory_space<vmem>> -> memref<125x64xf32, #tpu.memory_space<vmem>>
    %dma_start3A_154 = arith.constant 0 : i32
    %dma_start3A_155 = tpu.memref_slice %arg8[%dma_start3A_149, %dma_start3A_154] : memref<160x125xi32, #tpu.memory_space<vmem>> -> memref<1x125xi32, #tpu.memory_space<vmem>>
    %dma_start3A_156 = tpu.memref_squeeze %dma_start3A_155 : memref<1x125xi32, #tpu.memory_space<vmem>> -> memref<125xi32, #tpu.memory_space<vmem>>
    %dma_start3A_157 = arith.constant 0 : i32
    %dma_start3A_158 = arith.constant 0 : i32
    %dma_start3A_159 = tpu.memref_slice %arg10[%dma_start3A_157, %dma_start3A_158] : memref<10000x64xf32, #tpu.memory_space<vmem_shared>> -> memref<10000x64xf32, #tpu.memory_space<vmem_shared>>
    tpu.enqueue_indirect_dma source(%dma_start3A_153 : memref<125x64xf32, #tpu.memory_space<vmem>>) target(%dma_start3A_159 : memref<10000x64xf32, #tpu.memory_space<vmem_shared>>) offsets(%dma_start3A_156 : memref<125xi32, #tpu.memory_space<vmem>>) semaphore(%arg17 : memref<!tpu.dma_semaphore, #tpu.memory_space<semaphore_mem>>) {add = true}
    %dma_wait3A_160 = arith.constant 0 : i32
    %dma_wait3A_161 = arith.constant 1 : i32
    %dma_wait3A_162 = arith.constant 0 : i32
    %dma_wait3A_163 = arith.constant 0 : i32
    %dma_wait3A_164 = tpu.memref_slice %arg9[%dma_wait3A_161, %dma_wait3A_162, %dma_wait3A_163] : memref<6x125x64xf32, #tpu.memory_space<vmem>> -> memref<1x125x64xf32, #tpu.memory_space<vmem>>
    %dma_wait3A_165 = tpu.memref_squeeze %dma_wait3A_164 : memref<1x125x64xf32, #tpu.memory_space<vmem>> -> memref<125x64xf32, #tpu.memory_space<vmem>>
    %dma_wait3A_166 = arith.constant 0 : i32
    %dma_wait3A_167 = tpu.memref_slice %arg7[%dma_wait3A_160, %dma_wait3A_166] : memref<160x125xi32, #tpu.memory_space<vmem>> -> memref<1x125xi32, #tpu.memory_space<vmem>>
    %dma_wait3A_168 = tpu.memref_squeeze %dma_wait3A_167 : memref<1x125xi32, #tpu.memory_space<vmem>> -> memref<125xi32, #tpu.memory_space<vmem>>
    %dma_wait3A_169 = arith.constant 0 : i32
    %dma_wait3A_170 = arith.constant 0 : i32
    %dma_wait3A_171 = tpu.memref_slice %arg2[%arg0, %dma_wait3A_169, %dma_wait3A_170] : memref<2x10000x64xf32, #tpu.memory_space<hbm>> -> memref<1x10000x64xf32, #tpu.memory_space<hbm>>
    %dma_wait3A_172 = tpu.memref_squeeze %dma_wait3A_171 : memref<1x10000x64xf32, #tpu.memory_space<hbm>> -> memref<10000x64xf32, #tpu.memory_space<hbm>>
    %dma_wait3A_173 = arith.constant 0 : i32
    %dma_wait3A_174 = arith.constant 0 : i32
    %dma_wait3A_175 = tpu.memref_slice %dma_wait3A_172[%dma_wait3A_173, %dma_wait3A_174] : memref<10000x64xf32, #tpu.memory_space<hbm>> -> memref<10000x64xf32, #tpu.memory_space<hbm>>
    tpu.wait_indirect_dma semaphore(%arg12 : memref<!tpu.dma_semaphore, #tpu.memory_space<semaphore_mem>>) src(%dma_wait3A_175 : memref<10000x64xf32, #tpu.memory_space<hbm>>) dst(%dma_wait3A_165 : memref<125x64xf32, #tpu.memory_space<vmem>>)
    %dma_start3A_176 = arith.constant 1 : i32
    %dma_start3A_177 = arith.constant 1 : i32
    %dma_start3A_178 = arith.constant 0 : i32
    %dma_start3A_179 = arith.constant 0 : i32
    %dma_start3A_180 = tpu.memref_slice %arg9[%dma_start3A_176, %dma_start3A_178, %dma_start3A_179] : memref<6x125x64xf32, #tpu.memory_space<vmem>> -> memref<1x125x64xf32, #tpu.memory_space<vmem>>
    %dma_start3A_181 = tpu.memref_squeeze %dma_start3A_180 : memref<1x125x64xf32, #tpu.memory_space<vmem>> -> memref<125x64xf32, #tpu.memory_space<vmem>>
    %dma_start3A_182 = arith.constant 0 : i32
    %dma_start3A_183 = tpu.memref_slice %arg8[%dma_start3A_177, %dma_start3A_182] : memref<160x125xi32, #tpu.memory_space<vmem>> -> memref<1x125xi32, #tpu.memory_space<vmem>>
    %dma_start3A_184 = tpu.memref_squeeze %dma_start3A_183 : memref<1x125xi32, #tpu.memory_space<vmem>> -> memref<125xi32, #tpu.memory_space<vmem>>
    %dma_start3A_185 = arith.constant 0 : i32
    %dma_start3A_186 = arith.constant 0 : i32
    %dma_start3A_187 = tpu.memref_slice %arg10[%dma_start3A_185, %dma_start3A_186] : memref<10000x64xf32, #tpu.memory_space<vmem_shared>> -> memref<10000x64xf32, #tpu.memory_space<vmem_shared>>
    tpu.enqueue_indirect_dma source(%dma_start3A_181 : memref<125x64xf32, #tpu.memory_space<vmem>>) target(%dma_start3A_187 : memref<10000x64xf32, #tpu.memory_space<vmem_shared>>) offsets(%dma_start3A_184 : memref<125xi32, #tpu.memory_space<vmem>>) semaphore(%arg18 : memref<!tpu.dma_semaphore, #tpu.memory_space<semaphore_mem>>) {add = true}
    %dma_wait3A_188 = arith.constant 0 : i32
    %dma_wait3A_189 = arith.constant 2 : i32
    %dma_wait3A_190 = arith.constant 0 : i32
    %dma_wait3A_191 = arith.constant 0 : i32
    %dma_wait3A_192 = tpu.memref_slice %arg9[%dma_wait3A_189, %dma_wait3A_190, %dma_wait3A_191] : memref<6x125x64xf32, #tpu.memory_space<vmem>> -> memref<1x125x64xf32, #tpu.memory_space<vmem>>
    %dma_wait3A_193 = tpu.memref_squeeze %dma_wait3A_192 : memref<1x125x64xf32, #tpu.memory_space<vmem>> -> memref<125x64xf32, #tpu.memory_space<vmem>>
    %dma_wait3A_194 = arith.constant 0 : i32
    %dma_wait3A_195 = tpu.memref_slice %arg7[%dma_wait3A_188, %dma_wait3A_194] : memref<160x125xi32, #tpu.memory_space<vmem>> -> memref<1x125xi32, #tpu.memory_space<vmem>>
    %dma_wait3A_196 = tpu.memref_squeeze %dma_wait3A_195 : memref<1x125xi32, #tpu.memory_space<vmem>> -> memref<125xi32, #tpu.memory_space<vmem>>
    %dma_wait3A_197 = arith.constant 0 : i32
    %dma_wait3A_198 = arith.constant 0 : i32
    %dma_wait3A_199 = tpu.memref_slice %arg2[%arg0, %dma_wait3A_197, %dma_wait3A_198] : memref<2x10000x64xf32, #tpu.memory_space<hbm>> -> memref<1x10000x64xf32, #tpu.memory_space<hbm>>
    %dma_wait3A_200 = tpu.memref_squeeze %dma_wait3A_199 : memref<1x10000x64xf32, #tpu.memory_space<hbm>> -> memref<10000x64xf32, #tpu.memory_space<hbm>>
    %dma_wait3A_201 = arith.constant 0 : i32
    %dma_wait3A_202 = arith.constant 0 : i32
    %dma_wait3A_203 = tpu.memref_slice %dma_wait3A_200[%dma_wait3A_201, %dma_wait3A_202] : memref<10000x64xf32, #tpu.memory_space<hbm>> -> memref<10000x64xf32, #tpu.memory_space<hbm>>
    tpu.wait_indirect_dma semaphore(%arg13 : memref<!tpu.dma_semaphore, #tpu.memory_space<semaphore_mem>>) src(%dma_wait3A_203 : memref<10000x64xf32, #tpu.memory_space<hbm>>) dst(%dma_wait3A_193 : memref<125x64xf32, #tpu.memory_space<vmem>>)
    %dma_start3A_204 = arith.constant 2 : i32
    %dma_start3A_205 = arith.constant 2 : i32
    %dma_start3A_206 = arith.constant 0 : i32
    %dma_start3A_207 = arith.constant 0 : i32
    %dma_start3A_208 = tpu.memref_slice %arg9[%dma_start3A_204, %dma_start3A_206, %dma_start3A_207] : memref<6x125x64xf32, #tpu.memory_space<vmem>> -> memref<1x125x64xf32, #tpu.memory_space<vmem>>
    %dma_start3A_209 = tpu.memref_squeeze %dma_start3A_208 : memref<1x125x64xf32, #tpu.memory_space<vmem>> -> memref<125x64xf32, #tpu.memory_space<vmem>>
    %dma_start3A_210 = arith.constant 0 : i32
    %dma_start3A_211 = tpu.memref_slice %arg8[%dma_start3A_205, %dma_start3A_210] : memref<160x125xi32, #tpu.memory_space<vmem>> -> memref<1x125xi32, #tpu.memory_space<vmem>>
    %dma_start3A_212 = tpu.memref_squeeze %dma_start3A_211 : memref<1x125xi32, #tpu.memory_space<vmem>> -> memref<125xi32, #tpu.memory_space<vmem>>
    %dma_start3A_213 = arith.constant 0 : i32
    %dma_start3A_214 = arith.constant 0 : i32
    %dma_start3A_215 = tpu.memref_slice %arg10[%dma_start3A_213, %dma_start3A_214] : memref<10000x64xf32, #tpu.memory_space<vmem_shared>> -> memref<10000x64xf32, #tpu.memory_space<vmem_shared>>
    tpu.enqueue_indirect_dma source(%dma_start3A_209 : memref<125x64xf32, #tpu.memory_space<vmem>>) target(%dma_start3A_215 : memref<10000x64xf32, #tpu.memory_space<vmem_shared>>) offsets(%dma_start3A_212 : memref<125xi32, #tpu.memory_space<vmem>>) semaphore(%arg19 : memref<!tpu.dma_semaphore, #tpu.memory_space<semaphore_mem>>) {add = true}
    %scan3A = arith.constant 0 : i32
    %scan3A_216 = arith.constant 25 : i32
    %scan3A_217 = arith.addi %scan3A, %scan3A_216 : i32
    %scan3A_218 = arith.constant 1 : i32
    scf.for %scan3A_610 = %scan3A to %scan3A_217 step %scan3A_218  : i32 {
      %mul3A_611 = arith.constant 1 : i32
      %mul3A_612 = arith.muli %scan3A_610, %mul3A_611 : i32
      %add3A = arith.constant 0 : i32
      %add3A_613 = arith.addi %add3A, %mul3A_612 : i32
      %mul3A_614 = arith.constant 6 : i32
      %mul3A_615 = arith.muli %add3A_613, %mul3A_614 : i32
      %add3A_616 = arith.constant 6 : i32
      %add3A_617 = arith.addi %add3A_616, %mul3A_615 : i32
      %add3A_618 = arith.constant 0 : i32
      %add3A_619 = arith.addi %add3A_617, %add3A_618 : i32
      %dma_wait3A_620 = arith.constant 0 : i32
      %dma_wait3A_621 = arith.constant 0 : i32
      %dma_wait3A_622 = arith.constant 0 : i32
      %dma_wait3A_623 = arith.constant 0 : i32
      %dma_wait3A_624 = tpu.memref_slice %arg9[%dma_wait3A_620, %dma_wait3A_622, %dma_wait3A_623] : memref<6x125x64xf32, #tpu.memory_space<vmem>> -> memref<1x125x64xf32, #tpu.memory_space<vmem>>
      %dma_wait3A_625 = tpu.memref_squeeze %dma_wait3A_624 : memref<1x125x64xf32, #tpu.memory_space<vmem>> -> memref<125x64xf32, #tpu.memory_space<vmem>>
      %dma_wait3A_626 = arith.constant 0 : i32
      %dma_wait3A_627 = tpu.memref_slice %arg8[%dma_wait3A_621, %dma_wait3A_626] : memref<160x125xi32, #tpu.memory_space<vmem>> -> memref<1x125xi32, #tpu.memory_space<vmem>>
      %dma_wait3A_628 = tpu.memref_squeeze %dma_wait3A_627 : memref<1x125xi32, #tpu.memory_space<vmem>> -> memref<125xi32, #tpu.memory_space<vmem>>
      %dma_wait3A_629 = arith.constant 0 : i32
      %dma_wait3A_630 = arith.constant 0 : i32
      %dma_wait3A_631 = tpu.memref_slice %arg10[%dma_wait3A_629, %dma_wait3A_630] : memref<10000x64xf32, #tpu.memory_space<vmem_shared>> -> memref<10000x64xf32, #tpu.memory_space<vmem_shared>>
      tpu.wait_indirect_dma semaphore(%arg17 : memref<!tpu.dma_semaphore, #tpu.memory_space<semaphore_mem>>) src(%dma_wait3A_625 : memref<125x64xf32, #tpu.memory_space<vmem>>) dst(%dma_wait3A_631 : memref<10000x64xf32, #tpu.memory_space<vmem_shared>>)
      %dma_start3A_632 = arith.constant 0 : i32
      %dma_start3A_633 = arith.constant 0 : i32
      %dma_start3A_634 = arith.constant 0 : i32
      %dma_start3A_635 = tpu.memref_slice %arg9[%dma_start3A_632, %dma_start3A_633, %dma_start3A_634] : memref<6x125x64xf32, #tpu.memory_space<vmem>> -> memref<1x125x64xf32, #tpu.memory_space<vmem>>
      %dma_start3A_636 = tpu.memref_squeeze %dma_start3A_635 : memref<1x125x64xf32, #tpu.memory_space<vmem>> -> memref<125x64xf32, #tpu.memory_space<vmem>>
      %dma_start3A_637 = arith.constant 0 : i32
      %dma_start3A_638 = tpu.memref_slice %arg7[%add3A_619, %dma_start3A_637] : memref<160x125xi32, #tpu.memory_space<vmem>> -> memref<1x125xi32, #tpu.memory_space<vmem>>
      %dma_start3A_639 = tpu.memref_squeeze %dma_start3A_638 : memref<1x125xi32, #tpu.memory_space<vmem>> -> memref<125xi32, #tpu.memory_space<vmem>>
      %dma_start3A_640 = arith.constant 0 : i32
      %dma_start3A_641 = arith.constant 0 : i32
      %dma_start3A_642 = tpu.memref_slice %arg2[%arg0, %dma_start3A_640, %dma_start3A_641] : memref<2x10000x64xf32, #tpu.memory_space<hbm>> -> memref<1x10000x64xf32, #tpu.memory_space<hbm>>
      %dma_start3A_643 = tpu.memref_squeeze %dma_start3A_642 : memref<1x10000x64xf32, #tpu.memory_space<hbm>> -> memref<10000x64xf32, #tpu.memory_space<hbm>>
      %dma_start3A_644 = arith.constant 0 : i32
      %dma_start3A_645 = arith.constant 0 : i32
      %dma_start3A_646 = tpu.memref_slice %dma_start3A_643[%dma_start3A_644, %dma_start3A_645] : memref<10000x64xf32, #tpu.memory_space<hbm>> -> memref<10000x64xf32, #tpu.memory_space<hbm>>
      tpu.enqueue_indirect_dma source(%dma_start3A_646 : memref<10000x64xf32, #tpu.memory_space<hbm>>) target(%dma_start3A_636 : memref<125x64xf32, #tpu.memory_space<vmem>>) offsets(%dma_start3A_639 : memref<125xi32, #tpu.memory_space<vmem>>) semaphore(%arg11 : memref<!tpu.dma_semaphore, #tpu.memory_space<semaphore_mem>>)
      %dma_wait3A_647 = arith.constant 0 : i32
      %dma_wait3A_648 = arith.constant 3 : i32
      %dma_wait3A_649 = arith.constant 0 : i32
      %dma_wait3A_650 = arith.constant 0 : i32
      %dma_wait3A_651 = tpu.memref_slice %arg9[%dma_wait3A_648, %dma_wait3A_649, %dma_wait3A_650] : memref<6x125x64xf32, #tpu.memory_space<vmem>> -> memref<1x125x64xf32, #tpu.memory_space<vmem>>
      %dma_wait3A_652 = tpu.memref_squeeze %dma_wait3A_651 : memref<1x125x64xf32, #tpu.memory_space<vmem>> -> memref<125x64xf32, #tpu.memory_space<vmem>>
      %dma_wait3A_653 = arith.constant 0 : i32
      %dma_wait3A_654 = tpu.memref_slice %arg7[%dma_wait3A_647, %dma_wait3A_653] : memref<160x125xi32, #tpu.memory_space<vmem>> -> memref<1x125xi32, #tpu.memory_space<vmem>>
      %dma_wait3A_655 = tpu.memref_squeeze %dma_wait3A_654 : memref<1x125xi32, #tpu.memory_space<vmem>> -> memref<125xi32, #tpu.memory_space<vmem>>
      %dma_wait3A_656 = arith.constant 0 : i32
      %dma_wait3A_657 = arith.constant 0 : i32
      %dma_wait3A_658 = tpu.memref_slice %arg2[%arg0, %dma_wait3A_656, %dma_wait3A_657] : memref<2x10000x64xf32, #tpu.memory_space<hbm>> -> memref<1x10000x64xf32, #tpu.memory_space<hbm>>
      %dma_wait3A_659 = tpu.memref_squeeze %dma_wait3A_658 : memref<1x10000x64xf32, #tpu.memory_space<hbm>> -> memref<10000x64xf32, #tpu.memory_space<hbm>>
      %dma_wait3A_660 = arith.constant 0 : i32
      %dma_wait3A_661 = arith.constant 0 : i32
      %dma_wait3A_662 = tpu.memref_slice %dma_wait3A_659[%dma_wait3A_660, %dma_wait3A_661] : memref<10000x64xf32, #tpu.memory_space<hbm>> -> memref<10000x64xf32, #tpu.memory_space<hbm>>
      tpu.wait_indirect_dma semaphore(%arg14 : memref<!tpu.dma_semaphore, #tpu.memory_space<semaphore_mem>>) src(%dma_wait3A_662 : memref<10000x64xf32, #tpu.memory_space<hbm>>) dst(%dma_wait3A_652 : memref<125x64xf32, #tpu.memory_space<vmem>>)
      %sub3A = arith.constant 3 : i32
      %sub3A_663 = arith.subi %add3A_619, %sub3A : i32
      %dma_start3A_664 = arith.constant 3 : i32
      %dma_start3A_665 = arith.constant 0 : i32
      %dma_start3A_666 = arith.constant 0 : i32
      %dma_start3A_667 = tpu.memref_slice %arg9[%dma_start3A_664, %dma_start3A_665, %dma_start3A_666] : memref<6x125x64xf32, #tpu.memory_space<vmem>> -> memref<1x125x64xf32, #tpu.memory_space<vmem>>
      %dma_start3A_668 = tpu.memref_squeeze %dma_start3A_667 : memref<1x125x64xf32, #tpu.memory_space<vmem>> -> memref<125x64xf32, #tpu.memory_space<vmem>>
      %dma_start3A_669 = arith.constant 0 : i32
      %dma_start3A_670 = tpu.memref_slice %arg8[%sub3A_663, %dma_start3A_669] : memref<160x125xi32, #tpu.memory_space<vmem>> -> memref<1x125xi32, #tpu.memory_space<vmem>>
      %dma_start3A_671 = tpu.memref_squeeze %dma_start3A_670 : memref<1x125xi32, #tpu.memory_space<vmem>> -> memref<125xi32, #tpu.memory_space<vmem>>
      %dma_start3A_672 = arith.constant 0 : i32
      %dma_start3A_673 = arith.constant 0 : i32
      %dma_start3A_674 = tpu.memref_slice %arg10[%dma_start3A_672, %dma_start3A_673] : memref<10000x64xf32, #tpu.memory_space<vmem_shared>> -> memref<10000x64xf32, #tpu.memory_space<vmem_shared>>
      tpu.enqueue_indirect_dma source(%dma_start3A_668 : memref<125x64xf32, #tpu.memory_space<vmem>>) target(%dma_start3A_674 : memref<10000x64xf32, #tpu.memory_space<vmem_shared>>) offsets(%dma_start3A_671 : memref<125xi32, #tpu.memory_space<vmem>>) semaphore(%arg20 : memref<!tpu.dma_semaphore, #tpu.memory_space<semaphore_mem>>) {add = true}
      %mul3A_675 = arith.constant 6 : i32
      %mul3A_676 = arith.muli %add3A_613, %mul3A_675 : i32
      %add3A_677 = arith.constant 6 : i32
      %add3A_678 = arith.addi %add3A_677, %mul3A_676 : i32
      %add3A_679 = arith.constant 1 : i32
      %add3A_680 = arith.addi %add3A_678, %add3A_679 : i32
      %dma_wait3A_681 = arith.constant 1 : i32
      %dma_wait3A_682 = arith.constant 0 : i32
      %dma_wait3A_683 = arith.constant 0 : i32
      %dma_wait3A_684 = arith.constant 0 : i32
      %dma_wait3A_685 = tpu.memref_slice %arg9[%dma_wait3A_681, %dma_wait3A_683, %dma_wait3A_684] : memref<6x125x64xf32, #tpu.memory_space<vmem>> -> memref<1x125x64xf32, #tpu.memory_space<vmem>>
      %dma_wait3A_686 = tpu.memref_squeeze %dma_wait3A_685 : memref<1x125x64xf32, #tpu.memory_space<vmem>> -> memref<125x64xf32, #tpu.memory_space<vmem>>
      %dma_wait3A_687 = arith.constant 0 : i32
      %dma_wait3A_688 = tpu.memref_slice %arg8[%dma_wait3A_682, %dma_wait3A_687] : memref<160x125xi32, #tpu.memory_space<vmem>> -> memref<1x125xi32, #tpu.memory_space<vmem>>
      %dma_wait3A_689 = tpu.memref_squeeze %dma_wait3A_688 : memref<1x125xi32, #tpu.memory_space<vmem>> -> memref<125xi32, #tpu.memory_space<vmem>>
      %dma_wait3A_690 = arith.constant 0 : i32
      %dma_wait3A_691 = arith.constant 0 : i32
      %dma_wait3A_692 = tpu.memref_slice %arg10[%dma_wait3A_690, %dma_wait3A_691] : memref<10000x64xf32, #tpu.memory_space<vmem_shared>> -> memref<10000x64xf32, #tpu.memory_space<vmem_shared>>
      tpu.wait_indirect_dma semaphore(%arg18 : memref<!tpu.dma_semaphore, #tpu.memory_space<semaphore_mem>>) src(%dma_wait3A_686 : memref<125x64xf32, #tpu.memory_space<vmem>>) dst(%dma_wait3A_692 : memref<10000x64xf32, #tpu.memory_space<vmem_shared>>)
      %dma_start3A_693 = arith.constant 1 : i32
      %dma_start3A_694 = arith.constant 0 : i32
      %dma_start3A_695 = arith.constant 0 : i32
      %dma_start3A_696 = tpu.memref_slice %arg9[%dma_start3A_693, %dma_start3A_694, %dma_start3A_695] : memref<6x125x64xf32, #tpu.memory_space<vmem>> -> memref<1x125x64xf32, #tpu.memory_space<vmem>>
      %dma_start3A_697 = tpu.memref_squeeze %dma_start3A_696 : memref<1x125x64xf32, #tpu.memory_space<vmem>> -> memref<125x64xf32, #tpu.memory_space<vmem>>
      %dma_start3A_698 = arith.constant 0 : i32
      %dma_start3A_699 = tpu.memref_slice %arg7[%add3A_680, %dma_start3A_698] : memref<160x125xi32, #tpu.memory_space<vmem>> -> memref<1x125xi32, #tpu.memory_space<vmem>>
      %dma_start3A_700 = tpu.memref_squeeze %dma_start3A_699 : memref<1x125xi32, #tpu.memory_space<vmem>> -> memref<125xi32, #tpu.memory_space<vmem>>
      %dma_start3A_701 = arith.constant 0 : i32
      %dma_start3A_702 = arith.constant 0 : i32
      %dma_start3A_703 = tpu.memref_slice %arg2[%arg0, %dma_start3A_701, %dma_start3A_702] : memref<2x10000x64xf32, #tpu.memory_space<hbm>> -> memref<1x10000x64xf32, #tpu.memory_space<hbm>>
      %dma_start3A_704 = tpu.memref_squeeze %dma_start3A_703 : memref<1x10000x64xf32, #tpu.memory_space<hbm>> -> memref<10000x64xf32, #tpu.memory_space<hbm>>
      %dma_start3A_705 = arith.constant 0 : i32
      %dma_start3A_706 = arith.constant 0 : i32
      %dma_start3A_707 = tpu.memref_slice %dma_start3A_704[%dma_start3A_705, %dma_start3A_706] : memref<10000x64xf32, #tpu.memory_space<hbm>> -> memref<10000x64xf32, #tpu.memory_space<hbm>>
      tpu.enqueue_indirect_dma source(%dma_start3A_707 : memref<10000x64xf32, #tpu.memory_space<hbm>>) target(%dma_start3A_697 : memref<125x64xf32, #tpu.memory_space<vmem>>) offsets(%dma_start3A_700 : memref<125xi32, #tpu.memory_space<vmem>>) semaphore(%arg12 : memref<!tpu.dma_semaphore, #tpu.memory_space<semaphore_mem>>)
      %dma_wait3A_708 = arith.constant 0 : i32
      %dma_wait3A_709 = arith.constant 4 : i32
      %dma_wait3A_710 = arith.constant 0 : i32
      %dma_wait3A_711 = arith.constant 0 : i32
      %dma_wait3A_712 = tpu.memref_slice %arg9[%dma_wait3A_709, %dma_wait3A_710, %dma_wait3A_711] : memref<6x125x64xf32, #tpu.memory_space<vmem>> -> memref<1x125x64xf32, #tpu.memory_space<vmem>>
      %dma_wait3A_713 = tpu.memref_squeeze %dma_wait3A_712 : memref<1x125x64xf32, #tpu.memory_space<vmem>> -> memref<125x64xf32, #tpu.memory_space<vmem>>
      %dma_wait3A_714 = arith.constant 0 : i32
      %dma_wait3A_715 = tpu.memref_slice %arg7[%dma_wait3A_708, %dma_wait3A_714] : memref<160x125xi32, #tpu.memory_space<vmem>> -> memref<1x125xi32, #tpu.memory_space<vmem>>
      %dma_wait3A_716 = tpu.memref_squeeze %dma_wait3A_715 : memref<1x125xi32, #tpu.memory_space<vmem>> -> memref<125xi32, #tpu.memory_space<vmem>>
      %dma_wait3A_717 = arith.constant 0 : i32
      %dma_wait3A_718 = arith.constant 0 : i32
      %dma_wait3A_719 = tpu.memref_slice %arg2[%arg0, %dma_wait3A_717, %dma_wait3A_718] : memref<2x10000x64xf32, #tpu.memory_space<hbm>> -> memref<1x10000x64xf32, #tpu.memory_space<hbm>>
      %dma_wait3A_720 = tpu.memref_squeeze %dma_wait3A_719 : memref<1x10000x64xf32, #tpu.memory_space<hbm>> -> memref<10000x64xf32, #tpu.memory_space<hbm>>
      %dma_wait3A_721 = arith.constant 0 : i32
      %dma_wait3A_722 = arith.constant 0 : i32
      %dma_wait3A_723 = tpu.memref_slice %dma_wait3A_720[%dma_wait3A_721, %dma_wait3A_722] : memref<10000x64xf32, #tpu.memory_space<hbm>> -> memref<10000x64xf32, #tpu.memory_space<hbm>>
      tpu.wait_indirect_dma semaphore(%arg15 : memref<!tpu.dma_semaphore, #tpu.memory_space<semaphore_mem>>) src(%dma_wait3A_723 : memref<10000x64xf32, #tpu.memory_space<hbm>>) dst(%dma_wait3A_713 : memref<125x64xf32, #tpu.memory_space<vmem>>)
      %sub3A_724 = arith.constant 3 : i32
      %sub3A_725 = arith.subi %add3A_680, %sub3A_724 : i32
      %dma_start3A_726 = arith.constant 4 : i32
      %dma_start3A_727 = arith.constant 0 : i32
      %dma_start3A_728 = arith.constant 0 : i32
      %dma_start3A_729 = tpu.memref_slice %arg9[%dma_start3A_726, %dma_start3A_727, %dma_start3A_728] : memref<6x125x64xf32, #tpu.memory_space<vmem>> -> memref<1x125x64xf32, #tpu.memory_space<vmem>>
      %dma_start3A_730 = tpu.memref_squeeze %dma_start3A_729 : memref<1x125x64xf32, #tpu.memory_space<vmem>> -> memref<125x64xf32, #tpu.memory_space<vmem>>
      %dma_start3A_731 = arith.constant 0 : i32
      %dma_start3A_732 = tpu.memref_slice %arg8[%sub3A_725, %dma_start3A_731] : memref<160x125xi32, #tpu.memory_space<vmem>> -> memref<1x125xi32, #tpu.memory_space<vmem>>
      %dma_start3A_733 = tpu.memref_squeeze %dma_start3A_732 : memref<1x125xi32, #tpu.memory_space<vmem>> -> memref<125xi32, #tpu.memory_space<vmem>>
      %dma_start3A_734 = arith.constant 0 : i32
      %dma_start3A_735 = arith.constant 0 : i32
      %dma_start3A_736 = tpu.memref_slice %arg10[%dma_start3A_734, %dma_start3A_735] : memref<10000x64xf32, #tpu.memory_space<vmem_shared>> -> memref<10000x64xf32, #tpu.memory_space<vmem_shared>>
      tpu.enqueue_indirect_dma source(%dma_start3A_730 : memref<125x64xf32, #tpu.memory_space<vmem>>) target(%dma_start3A_736 : memref<10000x64xf32, #tpu.memory_space<vmem_shared>>) offsets(%dma_start3A_733 : memref<125xi32, #tpu.memory_space<vmem>>) semaphore(%arg21 : memref<!tpu.dma_semaphore, #tpu.memory_space<semaphore_mem>>) {add = true}
      %mul3A_737 = arith.constant 6 : i32
      %mul3A_738 = arith.muli %add3A_613, %mul3A_737 : i32
      %add3A_739 = arith.constant 6 : i32
      %add3A_740 = arith.addi %add3A_739, %mul3A_738 : i32
      %add3A_741 = arith.constant 2 : i32
      %add3A_742 = arith.addi %add3A_740, %add3A_741 : i32
      %dma_wait3A_743 = arith.constant 2 : i32
      %dma_wait3A_744 = arith.constant 0 : i32
      %dma_wait3A_745 = arith.constant 0 : i32
      %dma_wait3A_746 = arith.constant 0 : i32
      %dma_wait3A_747 = tpu.memref_slice %arg9[%dma_wait3A_743, %dma_wait3A_745, %dma_wait3A_746] : memref<6x125x64xf32, #tpu.memory_space<vmem>> -> memref<1x125x64xf32, #tpu.memory_space<vmem>>
      %dma_wait3A_748 = tpu.memref_squeeze %dma_wait3A_747 : memref<1x125x64xf32, #tpu.memory_space<vmem>> -> memref<125x64xf32, #tpu.memory_space<vmem>>
      %dma_wait3A_749 = arith.constant 0 : i32
      %dma_wait3A_750 = tpu.memref_slice %arg8[%dma_wait3A_744, %dma_wait3A_749] : memref<160x125xi32, #tpu.memory_space<vmem>> -> memref<1x125xi32, #tpu.memory_space<vmem>>
      %dma_wait3A_751 = tpu.memref_squeeze %dma_wait3A_750 : memref<1x125xi32, #tpu.memory_space<vmem>> -> memref<125xi32, #tpu.memory_space<vmem>>
      %dma_wait3A_752 = arith.constant 0 : i32
      %dma_wait3A_753 = arith.constant 0 : i32
      %dma_wait3A_754 = tpu.memref_slice %arg10[%dma_wait3A_752, %dma_wait3A_753] : memref<10000x64xf32, #tpu.memory_space<vmem_shared>> -> memref<10000x64xf32, #tpu.memory_space<vmem_shared>>
      tpu.wait_indirect_dma semaphore(%arg19 : memref<!tpu.dma_semaphore, #tpu.memory_space<semaphore_mem>>) src(%dma_wait3A_748 : memref<125x64xf32, #tpu.memory_space<vmem>>) dst(%dma_wait3A_754 : memref<10000x64xf32, #tpu.memory_space<vmem_shared>>)
      %dma_start3A_755 = arith.constant 2 : i32
      %dma_start3A_756 = arith.constant 0 : i32
      %dma_start3A_757 = arith.constant 0 : i32
      %dma_start3A_758 = tpu.memref_slice %arg9[%dma_start3A_755, %dma_start3A_756, %dma_start3A_757] : memref<6x125x64xf32, #tpu.memory_space<vmem>> -> memref<1x125x64xf32, #tpu.memory_space<vmem>>
      %dma_start3A_759 = tpu.memref_squeeze %dma_start3A_758 : memref<1x125x64xf32, #tpu.memory_space<vmem>> -> memref<125x64xf32, #tpu.memory_space<vmem>>
      %dma_start3A_760 = arith.constant 0 : i32
      %dma_start3A_761 = tpu.memref_slice %arg7[%add3A_742, %dma_start3A_760] : memref<160x125xi32, #tpu.memory_space<vmem>> -> memref<1x125xi32, #tpu.memory_space<vmem>>
      %dma_start3A_762 = tpu.memref_squeeze %dma_start3A_761 : memref<1x125xi32, #tpu.memory_space<vmem>> -> memref<125xi32, #tpu.memory_space<vmem>>
      %dma_start3A_763 = arith.constant 0 : i32
      %dma_start3A_764 = arith.constant 0 : i32
      %dma_start3A_765 = tpu.memref_slice %arg2[%arg0, %dma_start3A_763, %dma_start3A_764] : memref<2x10000x64xf32, #tpu.memory_space<hbm>> -> memref<1x10000x64xf32, #tpu.memory_space<hbm>>
      %dma_start3A_766 = tpu.memref_squeeze %dma_start3A_765 : memref<1x10000x64xf32, #tpu.memory_space<hbm>> -> memref<10000x64xf32, #tpu.memory_space<hbm>>
      %dma_start3A_767 = arith.constant 0 : i32
      %dma_start3A_768 = arith.constant 0 : i32
      %dma_start3A_769 = tpu.memref_slice %dma_start3A_766[%dma_start3A_767, %dma_start3A_768] : memref<10000x64xf32, #tpu.memory_space<hbm>> -> memref<10000x64xf32, #tpu.memory_space<hbm>>
      tpu.enqueue_indirect_dma source(%dma_start3A_769 : memref<10000x64xf32, #tpu.memory_space<hbm>>) target(%dma_start3A_759 : memref<125x64xf32, #tpu.memory_space<vmem>>) offsets(%dma_start3A_762 : memref<125xi32, #tpu.memory_space<vmem>>) semaphore(%arg13 : memref<!tpu.dma_semaphore, #tpu.memory_space<semaphore_mem>>)
      %dma_wait3A_770 = arith.constant 0 : i32
      %dma_wait3A_771 = arith.constant 5 : i32
      %dma_wait3A_772 = arith.constant 0 : i32
      %dma_wait3A_773 = arith.constant 0 : i32
      %dma_wait3A_774 = tpu.memref_slice %arg9[%dma_wait3A_771, %dma_wait3A_772, %dma_wait3A_773] : memref<6x125x64xf32, #tpu.memory_space<vmem>> -> memref<1x125x64xf32, #tpu.memory_space<vmem>>
      %dma_wait3A_775 = tpu.memref_squeeze %dma_wait3A_774 : memref<1x125x64xf32, #tpu.memory_space<vmem>> -> memref<125x64xf32, #tpu.memory_space<vmem>>
      %dma_wait3A_776 = arith.constant 0 : i32
      %dma_wait3A_777 = tpu.memref_slice %arg7[%dma_wait3A_770, %dma_wait3A_776] : memref<160x125xi32, #tpu.memory_space<vmem>> -> memref<1x125xi32, #tpu.memory_space<vmem>>
      %dma_wait3A_778 = tpu.memref_squeeze %dma_wait3A_777 : memref<1x125xi32, #tpu.memory_space<vmem>> -> memref<125xi32, #tpu.memory_space<vmem>>
      %dma_wait3A_779 = arith.constant 0 : i32
      %dma_wait3A_780 = arith.constant 0 : i32
      %dma_wait3A_781 = tpu.memref_slice %arg2[%arg0, %dma_wait3A_779, %dma_wait3A_780] : memref<2x10000x64xf32, #tpu.memory_space<hbm>> -> memref<1x10000x64xf32, #tpu.memory_space<hbm>>
      %dma_wait3A_782 = tpu.memref_squeeze %dma_wait3A_781 : memref<1x10000x64xf32, #tpu.memory_space<hbm>> -> memref<10000x64xf32, #tpu.memory_space<hbm>>
      %dma_wait3A_783 = arith.constant 0 : i32
      %dma_wait3A_784 = arith.constant 0 : i32
      %dma_wait3A_785 = tpu.memref_slice %dma_wait3A_782[%dma_wait3A_783, %dma_wait3A_784] : memref<10000x64xf32, #tpu.memory_space<hbm>> -> memref<10000x64xf32, #tpu.memory_space<hbm>>
      tpu.wait_indirect_dma semaphore(%arg16 : memref<!tpu.dma_semaphore, #tpu.memory_space<semaphore_mem>>) src(%dma_wait3A_785 : memref<10000x64xf32, #tpu.memory_space<hbm>>) dst(%dma_wait3A_775 : memref<125x64xf32, #tpu.memory_space<vmem>>)
      %sub3A_786 = arith.constant 3 : i32
      %sub3A_787 = arith.subi %add3A_742, %sub3A_786 : i32
      %dma_start3A_788 = arith.constant 5 : i32
      %dma_start3A_789 = arith.constant 0 : i32
      %dma_start3A_790 = arith.constant 0 : i32
      %dma_start3A_791 = tpu.memref_slice %arg9[%dma_start3A_788, %dma_start3A_789, %dma_start3A_790] : memref<6x125x64xf32, #tpu.memory_space<vmem>> -> memref<1x125x64xf32, #tpu.memory_space<vmem>>
      %dma_start3A_792 = tpu.memref_squeeze %dma_start3A_791 : memref<1x125x64xf32, #tpu.memory_space<vmem>> -> memref<125x64xf32, #tpu.memory_space<vmem>>
      %dma_start3A_793 = arith.constant 0 : i32
      %dma_start3A_794 = tpu.memref_slice %arg8[%sub3A_787, %dma_start3A_793] : memref<160x125xi32, #tpu.memory_space<vmem>> -> memref<1x125xi32, #tpu.memory_space<vmem>>
      %dma_start3A_795 = tpu.memref_squeeze %dma_start3A_794 : memref<1x125xi32, #tpu.memory_space<vmem>> -> memref<125xi32, #tpu.memory_space<vmem>>
      %dma_start3A_796 = arith.constant 0 : i32
      %dma_start3A_797 = arith.constant 0 : i32
      %dma_start3A_798 = tpu.memref_slice %arg10[%dma_start3A_796, %dma_start3A_797] : memref<10000x64xf32, #tpu.memory_space<vmem_shared>> -> memref<10000x64xf32, #tpu.memory_space<vmem_shared>>
      tpu.enqueue_indirect_dma source(%dma_start3A_792 : memref<125x64xf32, #tpu.memory_space<vmem>>) target(%dma_start3A_798 : memref<10000x64xf32, #tpu.memory_space<vmem_shared>>) offsets(%dma_start3A_795 : memref<125xi32, #tpu.memory_space<vmem>>) semaphore(%arg22 : memref<!tpu.dma_semaphore, #tpu.memory_space<semaphore_mem>>) {add = true}
      %mul3A_799 = arith.constant 6 : i32
      %mul3A_800 = arith.muli %add3A_613, %mul3A_799 : i32
      %add3A_801 = arith.constant 6 : i32
      %add3A_802 = arith.addi %add3A_801, %mul3A_800 : i32
      %add3A_803 = arith.constant 3 : i32
      %add3A_804 = arith.addi %add3A_802, %add3A_803 : i32
      %dma_wait3A_805 = arith.constant 3 : i32
      %dma_wait3A_806 = arith.constant 0 : i32
      %dma_wait3A_807 = arith.constant 0 : i32
      %dma_wait3A_808 = arith.constant 0 : i32
      %dma_wait3A_809 = tpu.memref_slice %arg9[%dma_wait3A_805, %dma_wait3A_807, %dma_wait3A_808] : memref<6x125x64xf32, #tpu.memory_space<vmem>> -> memref<1x125x64xf32, #tpu.memory_space<vmem>>
      %dma_wait3A_810 = tpu.memref_squeeze %dma_wait3A_809 : memref<1x125x64xf32, #tpu.memory_space<vmem>> -> memref<125x64xf32, #tpu.memory_space<vmem>>
      %dma_wait3A_811 = arith.constant 0 : i32
      %dma_wait3A_812 = tpu.memref_slice %arg8[%dma_wait3A_806, %dma_wait3A_811] : memref<160x125xi32, #tpu.memory_space<vmem>> -> memref<1x125xi32, #tpu.memory_space<vmem>>
      %dma_wait3A_813 = tpu.memref_squeeze %dma_wait3A_812 : memref<1x125xi32, #tpu.memory_space<vmem>> -> memref<125xi32, #tpu.memory_space<vmem>>
      %dma_wait3A_814 = arith.constant 0 : i32
      %dma_wait3A_815 = arith.constant 0 : i32
      %dma_wait3A_816 = tpu.memref_slice %arg10[%dma_wait3A_814, %dma_wait3A_815] : memref<10000x64xf32, #tpu.memory_space<vmem_shared>> -> memref<10000x64xf32, #tpu.memory_space<vmem_shared>>
      tpu.wait_indirect_dma semaphore(%arg20 : memref<!tpu.dma_semaphore, #tpu.memory_space<semaphore_mem>>) src(%dma_wait3A_810 : memref<125x64xf32, #tpu.memory_space<vmem>>) dst(%dma_wait3A_816 : memref<10000x64xf32, #tpu.memory_space<vmem_shared>>)
      %dma_start3A_817 = arith.constant 3 : i32
      %dma_start3A_818 = arith.constant 0 : i32
      %dma_start3A_819 = arith.constant 0 : i32
      %dma_start3A_820 = tpu.memref_slice %arg9[%dma_start3A_817, %dma_start3A_818, %dma_start3A_819] : memref<6x125x64xf32, #tpu.memory_space<vmem>> -> memref<1x125x64xf32, #tpu.memory_space<vmem>>
      %dma_start3A_821 = tpu.memref_squeeze %dma_start3A_820 : memref<1x125x64xf32, #tpu.memory_space<vmem>> -> memref<125x64xf32, #tpu.memory_space<vmem>>
      %dma_start3A_822 = arith.constant 0 : i32
      %dma_start3A_823 = tpu.memref_slice %arg7[%add3A_804, %dma_start3A_822] : memref<160x125xi32, #tpu.memory_space<vmem>> -> memref<1x125xi32, #tpu.memory_space<vmem>>
      %dma_start3A_824 = tpu.memref_squeeze %dma_start3A_823 : memref<1x125xi32, #tpu.memory_space<vmem>> -> memref<125xi32, #tpu.memory_space<vmem>>
      %dma_start3A_825 = arith.constant 0 : i32
      %dma_start3A_826 = arith.constant 0 : i32
      %dma_start3A_827 = tpu.memref_slice %arg2[%arg0, %dma_start3A_825, %dma_start3A_826] : memref<2x10000x64xf32, #tpu.memory_space<hbm>> -> memref<1x10000x64xf32, #tpu.memory_space<hbm>>
      %dma_start3A_828 = tpu.memref_squeeze %dma_start3A_827 : memref<1x10000x64xf32, #tpu.memory_space<hbm>> -> memref<10000x64xf32, #tpu.memory_space<hbm>>
      %dma_start3A_829 = arith.constant 0 : i32
      %dma_start3A_830 = arith.constant 0 : i32
      %dma_start3A_831 = tpu.memref_slice %dma_start3A_828[%dma_start3A_829, %dma_start3A_830] : memref<10000x64xf32, #tpu.memory_space<hbm>> -> memref<10000x64xf32, #tpu.memory_space<hbm>>
      tpu.enqueue_indirect_dma source(%dma_start3A_831 : memref<10000x64xf32, #tpu.memory_space<hbm>>) target(%dma_start3A_821 : memref<125x64xf32, #tpu.memory_space<vmem>>) offsets(%dma_start3A_824 : memref<125xi32, #tpu.memory_space<vmem>>) semaphore(%arg14 : memref<!tpu.dma_semaphore, #tpu.memory_space<semaphore_mem>>)
      %dma_wait3A_832 = arith.constant 0 : i32
      %dma_wait3A_833 = arith.constant 0 : i32
      %dma_wait3A_834 = arith.constant 0 : i32
      %dma_wait3A_835 = arith.constant 0 : i32
      %dma_wait3A_836 = tpu.memref_slice %arg9[%dma_wait3A_833, %dma_wait3A_834, %dma_wait3A_835] : memref<6x125x64xf32, #tpu.memory_space<vmem>> -> memref<1x125x64xf32, #tpu.memory_space<vmem>>
      %dma_wait3A_837 = tpu.memref_squeeze %dma_wait3A_836 : memref<1x125x64xf32, #tpu.memory_space<vmem>> -> memref<125x64xf32, #tpu.memory_space<vmem>>
      %dma_wait3A_838 = arith.constant 0 : i32
      %dma_wait3A_839 = tpu.memref_slice %arg7[%dma_wait3A_832, %dma_wait3A_838] : memref<160x125xi32, #tpu.memory_space<vmem>> -> memref<1x125xi32, #tpu.memory_space<vmem>>
      %dma_wait3A_840 = tpu.memref_squeeze %dma_wait3A_839 : memref<1x125xi32, #tpu.memory_space<vmem>> -> memref<125xi32, #tpu.memory_space<vmem>>
      %dma_wait3A_841 = arith.constant 0 : i32
      %dma_wait3A_842 = arith.constant 0 : i32
      %dma_wait3A_843 = tpu.memref_slice %arg2[%arg0, %dma_wait3A_841, %dma_wait3A_842] : memref<2x10000x64xf32, #tpu.memory_space<hbm>> -> memref<1x10000x64xf32, #tpu.memory_space<hbm>>
      %dma_wait3A_844 = tpu.memref_squeeze %dma_wait3A_843 : memref<1x10000x64xf32, #tpu.memory_space<hbm>> -> memref<10000x64xf32, #tpu.memory_space<hbm>>
      %dma_wait3A_845 = arith.constant 0 : i32
      %dma_wait3A_846 = arith.constant 0 : i32
      %dma_wait3A_847 = tpu.memref_slice %dma_wait3A_844[%dma_wait3A_845, %dma_wait3A_846] : memref<10000x64xf32, #tpu.memory_space<hbm>> -> memref<10000x64xf32, #tpu.memory_space<hbm>>
      tpu.wait_indirect_dma semaphore(%arg11 : memref<!tpu.dma_semaphore, #tpu.memory_space<semaphore_mem>>) src(%dma_wait3A_847 : memref<10000x64xf32, #tpu.memory_space<hbm>>) dst(%dma_wait3A_837 : memref<125x64xf32, #tpu.memory_space<vmem>>)
      %sub3A_848 = arith.constant 3 : i32
      %sub3A_849 = arith.subi %add3A_804, %sub3A_848 : i32
      %dma_start3A_850 = arith.constant 0 : i32
      %dma_start3A_851 = arith.constant 0 : i32
      %dma_start3A_852 = arith.constant 0 : i32
      %dma_start3A_853 = tpu.memref_slice %arg9[%dma_start3A_850, %dma_start3A_851, %dma_start3A_852] : memref<6x125x64xf32, #tpu.memory_space<vmem>> -> memref<1x125x64xf32, #tpu.memory_space<vmem>>
      %dma_start3A_854 = tpu.memref_squeeze %dma_start3A_853 : memref<1x125x64xf32, #tpu.memory_space<vmem>> -> memref<125x64xf32, #tpu.memory_space<vmem>>
      %dma_start3A_855 = arith.constant 0 : i32
      %dma_start3A_856 = tpu.memref_slice %arg8[%sub3A_849, %dma_start3A_855] : memref<160x125xi32, #tpu.memory_space<vmem>> -> memref<1x125xi32, #tpu.memory_space<vmem>>
      %dma_start3A_857 = tpu.memref_squeeze %dma_start3A_856 : memref<1x125xi32, #tpu.memory_space<vmem>> -> memref<125xi32, #tpu.memory_space<vmem>>
      %dma_start3A_858 = arith.constant 0 : i32
      %dma_start3A_859 = arith.constant 0 : i32
      %dma_start3A_860 = tpu.memref_slice %arg10[%dma_start3A_858, %dma_start3A_859] : memref<10000x64xf32, #tpu.memory_space<vmem_shared>> -> memref<10000x64xf32, #tpu.memory_space<vmem_shared>>
      tpu.enqueue_indirect_dma source(%dma_start3A_854 : memref<125x64xf32, #tpu.memory_space<vmem>>) target(%dma_start3A_860 : memref<10000x64xf32, #tpu.memory_space<vmem_shared>>) offsets(%dma_start3A_857 : memref<125xi32, #tpu.memory_space<vmem>>) semaphore(%arg17 : memref<!tpu.dma_semaphore, #tpu.memory_space<semaphore_mem>>) {add = true}
      %mul3A_861 = arith.constant 6 : i32
      %mul3A_862 = arith.muli %add3A_613, %mul3A_861 : i32
      %add3A_863 = arith.constant 6 : i32
      %add3A_864 = arith.addi %add3A_863, %mul3A_862 : i32
      %add3A_865 = arith.constant 4 : i32
      %add3A_866 = arith.addi %add3A_864, %add3A_865 : i32
      %dma_wait3A_867 = arith.constant 4 : i32
      %dma_wait3A_868 = arith.constant 0 : i32
      %dma_wait3A_869 = arith.constant 0 : i32
      %dma_wait3A_870 = arith.constant 0 : i32
      %dma_wait3A_871 = tpu.memref_slice %arg9[%dma_wait3A_867, %dma_wait3A_869, %dma_wait3A_870] : memref<6x125x64xf32, #tpu.memory_space<vmem>> -> memref<1x125x64xf32, #tpu.memory_space<vmem>>
      %dma_wait3A_872 = tpu.memref_squeeze %dma_wait3A_871 : memref<1x125x64xf32, #tpu.memory_space<vmem>> -> memref<125x64xf32, #tpu.memory_space<vmem>>
      %dma_wait3A_873 = arith.constant 0 : i32
      %dma_wait3A_874 = tpu.memref_slice %arg8[%dma_wait3A_868, %dma_wait3A_873] : memref<160x125xi32, #tpu.memory_space<vmem>> -> memref<1x125xi32, #tpu.memory_space<vmem>>
      %dma_wait3A_875 = tpu.memref_squeeze %dma_wait3A_874 : memref<1x125xi32, #tpu.memory_space<vmem>> -> memref<125xi32, #tpu.memory_space<vmem>>
      %dma_wait3A_876 = arith.constant 0 : i32
      %dma_wait3A_877 = arith.constant 0 : i32
      %dma_wait3A_878 = tpu.memref_slice %arg10[%dma_wait3A_876, %dma_wait3A_877] : memref<10000x64xf32, #tpu.memory_space<vmem_shared>> -> memref<10000x64xf32, #tpu.memory_space<vmem_shared>>
      tpu.wait_indirect_dma semaphore(%arg21 : memref<!tpu.dma_semaphore, #tpu.memory_space<semaphore_mem>>) src(%dma_wait3A_872 : memref<125x64xf32, #tpu.memory_space<vmem>>) dst(%dma_wait3A_878 : memref<10000x64xf32, #tpu.memory_space<vmem_shared>>)
      %dma_start3A_879 = arith.constant 4 : i32
      %dma_start3A_880 = arith.constant 0 : i32
      %dma_start3A_881 = arith.constant 0 : i32
      %dma_start3A_882 = tpu.memref_slice %arg9[%dma_start3A_879, %dma_start3A_880, %dma_start3A_881] : memref<6x125x64xf32, #tpu.memory_space<vmem>> -> memref<1x125x64xf32, #tpu.memory_space<vmem>>
      %dma_start3A_883 = tpu.memref_squeeze %dma_start3A_882 : memref<1x125x64xf32, #tpu.memory_space<vmem>> -> memref<125x64xf32, #tpu.memory_space<vmem>>
      %dma_start3A_884 = arith.constant 0 : i32
      %dma_start3A_885 = tpu.memref_slice %arg7[%add3A_866, %dma_start3A_884] : memref<160x125xi32, #tpu.memory_space<vmem>> -> memref<1x125xi32, #tpu.memory_space<vmem>>
      %dma_start3A_886 = tpu.memref_squeeze %dma_start3A_885 : memref<1x125xi32, #tpu.memory_space<vmem>> -> memref<125xi32, #tpu.memory_space<vmem>>
      %dma_start3A_887 = arith.constant 0 : i32
      %dma_start3A_888 = arith.constant 0 : i32
      %dma_start3A_889 = tpu.memref_slice %arg2[%arg0, %dma_start3A_887, %dma_start3A_888] : memref<2x10000x64xf32, #tpu.memory_space<hbm>> -> memref<1x10000x64xf32, #tpu.memory_space<hbm>>
      %dma_start3A_890 = tpu.memref_squeeze %dma_start3A_889 : memref<1x10000x64xf32, #tpu.memory_space<hbm>> -> memref<10000x64xf32, #tpu.memory_space<hbm>>
      %dma_start3A_891 = arith.constant 0 : i32
      %dma_start3A_892 = arith.constant 0 : i32
      %dma_start3A_893 = tpu.memref_slice %dma_start3A_890[%dma_start3A_891, %dma_start3A_892] : memref<10000x64xf32, #tpu.memory_space<hbm>> -> memref<10000x64xf32, #tpu.memory_space<hbm>>
      tpu.enqueue_indirect_dma source(%dma_start3A_893 : memref<10000x64xf32, #tpu.memory_space<hbm>>) target(%dma_start3A_883 : memref<125x64xf32, #tpu.memory_space<vmem>>) offsets(%dma_start3A_886 : memref<125xi32, #tpu.memory_space<vmem>>) semaphore(%arg15 : memref<!tpu.dma_semaphore, #tpu.memory_space<semaphore_mem>>)
      %dma_wait3A_894 = arith.constant 0 : i32
      %dma_wait3A_895 = arith.constant 1 : i32
      %dma_wait3A_896 = arith.constant 0 : i32
      %dma_wait3A_897 = arith.constant 0 : i32
      %dma_wait3A_898 = tpu.memref_slice %arg9[%dma_wait3A_895, %dma_wait3A_896, %dma_wait3A_897] : memref<6x125x64xf32, #tpu.memory_space<vmem>> -> memref<1x125x64xf32, #tpu.memory_space<vmem>>
      %dma_wait3A_899 = tpu.memref_squeeze %dma_wait3A_898 : memref<1x125x64xf32, #tpu.memory_space<vmem>> -> memref<125x64xf32, #tpu.memory_space<vmem>>
      %dma_wait3A_900 = arith.constant 0 : i32
      %dma_wait3A_901 = tpu.memref_slice %arg7[%dma_wait3A_894, %dma_wait3A_900] : memref<160x125xi32, #tpu.memory_space<vmem>> -> memref<1x125xi32, #tpu.memory_space<vmem>>
      %dma_wait3A_902 = tpu.memref_squeeze %dma_wait3A_901 : memref<1x125xi32, #tpu.memory_space<vmem>> -> memref<125xi32, #tpu.memory_space<vmem>>
      %dma_wait3A_903 = arith.constant 0 : i32
      %dma_wait3A_904 = arith.constant 0 : i32
      %dma_wait3A_905 = tpu.memref_slice %arg2[%arg0, %dma_wait3A_903, %dma_wait3A_904] : memref<2x10000x64xf32, #tpu.memory_space<hbm>> -> memref<1x10000x64xf32, #tpu.memory_space<hbm>>
      %dma_wait3A_906 = tpu.memref_squeeze %dma_wait3A_905 : memref<1x10000x64xf32, #tpu.memory_space<hbm>> -> memref<10000x64xf32, #tpu.memory_space<hbm>>
      %dma_wait3A_907 = arith.constant 0 : i32
      %dma_wait3A_908 = arith.constant 0 : i32
      %dma_wait3A_909 = tpu.memref_slice %dma_wait3A_906[%dma_wait3A_907, %dma_wait3A_908] : memref<10000x64xf32, #tpu.memory_space<hbm>> -> memref<10000x64xf32, #tpu.memory_space<hbm>>
      tpu.wait_indirect_dma semaphore(%arg12 : memref<!tpu.dma_semaphore, #tpu.memory_space<semaphore_mem>>) src(%dma_wait3A_909 : memref<10000x64xf32, #tpu.memory_space<hbm>>) dst(%dma_wait3A_899 : memref<125x64xf32, #tpu.memory_space<vmem>>)
      %sub3A_910 = arith.constant 3 : i32
      %sub3A_911 = arith.subi %add3A_866, %sub3A_910 : i32
      %dma_start3A_912 = arith.constant 1 : i32
      %dma_start3A_913 = arith.constant 0 : i32
      %dma_start3A_914 = arith.constant 0 : i32
      %dma_start3A_915 = tpu.memref_slice %arg9[%dma_start3A_912, %dma_start3A_913, %dma_start3A_914] : memref<6x125x64xf32, #tpu.memory_space<vmem>> -> memref<1x125x64xf32, #tpu.memory_space<vmem>>
      %dma_start3A_916 = tpu.memref_squeeze %dma_start3A_915 : memref<1x125x64xf32, #tpu.memory_space<vmem>> -> memref<125x64xf32, #tpu.memory_space<vmem>>
      %dma_start3A_917 = arith.constant 0 : i32
      %dma_start3A_918 = tpu.memref_slice %arg8[%sub3A_911, %dma_start3A_917] : memref<160x125xi32, #tpu.memory_space<vmem>> -> memref<1x125xi32, #tpu.memory_space<vmem>>
      %dma_start3A_919 = tpu.memref_squeeze %dma_start3A_918 : memref<1x125xi32, #tpu.memory_space<vmem>> -> memref<125xi32, #tpu.memory_space<vmem>>
      %dma_start3A_920 = arith.constant 0 : i32
      %dma_start3A_921 = arith.constant 0 : i32
      %dma_start3A_922 = tpu.memref_slice %arg10[%dma_start3A_920, %dma_start3A_921] : memref<10000x64xf32, #tpu.memory_space<vmem_shared>> -> memref<10000x64xf32, #tpu.memory_space<vmem_shared>>
      tpu.enqueue_indirect_dma source(%dma_start3A_916 : memref<125x64xf32, #tpu.memory_space<vmem>>) target(%dma_start3A_922 : memref<10000x64xf32, #tpu.memory_space<vmem_shared>>) offsets(%dma_start3A_919 : memref<125xi32, #tpu.memory_space<vmem>>) semaphore(%arg18 : memref<!tpu.dma_semaphore, #tpu.memory_space<semaphore_mem>>) {add = true}
      %mul3A_923 = arith.constant 6 : i32
      %mul3A_924 = arith.muli %add3A_613, %mul3A_923 : i32
      %add3A_925 = arith.constant 6 : i32
      %add3A_926 = arith.addi %add3A_925, %mul3A_924 : i32
      %add3A_927 = arith.constant 5 : i32
      %add3A_928 = arith.addi %add3A_926, %add3A_927 : i32
      %dma_wait3A_929 = arith.constant 5 : i32
      %dma_wait3A_930 = arith.constant 0 : i32
      %dma_wait3A_931 = arith.constant 0 : i32
      %dma_wait3A_932 = arith.constant 0 : i32
      %dma_wait3A_933 = tpu.memref_slice %arg9[%dma_wait3A_929, %dma_wait3A_931, %dma_wait3A_932] : memref<6x125x64xf32, #tpu.memory_space<vmem>> -> memref<1x125x64xf32, #tpu.memory_space<vmem>>
      %dma_wait3A_934 = tpu.memref_squeeze %dma_wait3A_933 : memref<1x125x64xf32, #tpu.memory_space<vmem>> -> memref<125x64xf32, #tpu.memory_space<vmem>>
      %dma_wait3A_935 = arith.constant 0 : i32
      %dma_wait3A_936 = tpu.memref_slice %arg8[%dma_wait3A_930, %dma_wait3A_935] : memref<160x125xi32, #tpu.memory_space<vmem>> -> memref<1x125xi32, #tpu.memory_space<vmem>>
      %dma_wait3A_937 = tpu.memref_squeeze %dma_wait3A_936 : memref<1x125xi32, #tpu.memory_space<vmem>> -> memref<125xi32, #tpu.memory_space<vmem>>
      %dma_wait3A_938 = arith.constant 0 : i32
      %dma_wait3A_939 = arith.constant 0 : i32
      %dma_wait3A_940 = tpu.memref_slice %arg10[%dma_wait3A_938, %dma_wait3A_939] : memref<10000x64xf32, #tpu.memory_space<vmem_shared>> -> memref<10000x64xf32, #tpu.memory_space<vmem_shared>>
      tpu.wait_indirect_dma semaphore(%arg22 : memref<!tpu.dma_semaphore, #tpu.memory_space<semaphore_mem>>) src(%dma_wait3A_934 : memref<125x64xf32, #tpu.memory_space<vmem>>) dst(%dma_wait3A_940 : memref<10000x64xf32, #tpu.memory_space<vmem_shared>>)
      %dma_start3A_941 = arith.constant 5 : i32
      %dma_start3A_942 = arith.constant 0 : i32
      %dma_start3A_943 = arith.constant 0 : i32
      %dma_start3A_944 = tpu.memref_slice %arg9[%dma_start3A_941, %dma_start3A_942, %dma_start3A_943] : memref<6x125x64xf32, #tpu.memory_space<vmem>> -> memref<1x125x64xf32, #tpu.memory_space<vmem>>
      %dma_start3A_945 = tpu.memref_squeeze %dma_start3A_944 : memref<1x125x64xf32, #tpu.memory_space<vmem>> -> memref<125x64xf32, #tpu.memory_space<vmem>>
      %dma_start3A_946 = arith.constant 0 : i32
      %dma_start3A_947 = tpu.memref_slice %arg7[%add3A_928, %dma_start3A_946] : memref<160x125xi32, #tpu.memory_space<vmem>> -> memref<1x125xi32, #tpu.memory_space<vmem>>
      %dma_start3A_948 = tpu.memref_squeeze %dma_start3A_947 : memref<1x125xi32, #tpu.memory_space<vmem>> -> memref<125xi32, #tpu.memory_space<vmem>>
      %dma_start3A_949 = arith.constant 0 : i32
      %dma_start3A_950 = arith.constant 0 : i32
      %dma_start3A_951 = tpu.memref_slice %arg2[%arg0, %dma_start3A_949, %dma_start3A_950] : memref<2x10000x64xf32, #tpu.memory_space<hbm>> -> memref<1x10000x64xf32, #tpu.memory_space<hbm>>
      %dma_start3A_952 = tpu.memref_squeeze %dma_start3A_951 : memref<1x10000x64xf32, #tpu.memory_space<hbm>> -> memref<10000x64xf32, #tpu.memory_space<hbm>>
      %dma_start3A_953 = arith.constant 0 : i32
      %dma_start3A_954 = arith.constant 0 : i32
      %dma_start3A_955 = tpu.memref_slice %dma_start3A_952[%dma_start3A_953, %dma_start3A_954] : memref<10000x64xf32, #tpu.memory_space<hbm>> -> memref<10000x64xf32, #tpu.memory_space<hbm>>
      tpu.enqueue_indirect_dma source(%dma_start3A_955 : memref<10000x64xf32, #tpu.memory_space<hbm>>) target(%dma_start3A_945 : memref<125x64xf32, #tpu.memory_space<vmem>>) offsets(%dma_start3A_948 : memref<125xi32, #tpu.memory_space<vmem>>) semaphore(%arg16 : memref<!tpu.dma_semaphore, #tpu.memory_space<semaphore_mem>>)
      %dma_wait3A_956 = arith.constant 0 : i32
      %dma_wait3A_957 = arith.constant 2 : i32
      %dma_wait3A_958 = arith.constant 0 : i32
      %dma_wait3A_959 = arith.constant 0 : i32
      %dma_wait3A_960 = tpu.memref_slice %arg9[%dma_wait3A_957, %dma_wait3A_958, %dma_wait3A_959] : memref<6x125x64xf32, #tpu.memory_space<vmem>> -> memref<1x125x64xf32, #tpu.memory_space<vmem>>
      %dma_wait3A_961 = tpu.memref_squeeze %dma_wait3A_960 : memref<1x125x64xf32, #tpu.memory_space<vmem>> -> memref<125x64xf32, #tpu.memory_space<vmem>>
      %dma_wait3A_962 = arith.constant 0 : i32
      %dma_wait3A_963 = tpu.memref_slice %arg7[%dma_wait3A_956, %dma_wait3A_962] : memref<160x125xi32, #tpu.memory_space<vmem>> -> memref<1x125xi32, #tpu.memory_space<vmem>>
      %dma_wait3A_964 = tpu.memref_squeeze %dma_wait3A_963 : memref<1x125xi32, #tpu.memory_space<vmem>> -> memref<125xi32, #tpu.memory_space<vmem>>
      %dma_wait3A_965 = arith.constant 0 : i32
      %dma_wait3A_966 = arith.constant 0 : i32
      %dma_wait3A_967 = tpu.memref_slice %arg2[%arg0, %dma_wait3A_965, %dma_wait3A_966] : memref<2x10000x64xf32, #tpu.memory_space<hbm>> -> memref<1x10000x64xf32, #tpu.memory_space<hbm>>
      %dma_wait3A_968 = tpu.memref_squeeze %dma_wait3A_967 : memref<1x10000x64xf32, #tpu.memory_space<hbm>> -> memref<10000x64xf32, #tpu.memory_space<hbm>>
      %dma_wait3A_969 = arith.constant 0 : i32
      %dma_wait3A_970 = arith.constant 0 : i32
      %dma_wait3A_971 = tpu.memref_slice %dma_wait3A_968[%dma_wait3A_969, %dma_wait3A_970] : memref<10000x64xf32, #tpu.memory_space<hbm>> -> memref<10000x64xf32, #tpu.memory_space<hbm>>
      tpu.wait_indirect_dma semaphore(%arg13 : memref<!tpu.dma_semaphore, #tpu.memory_space<semaphore_mem>>) src(%dma_wait3A_971 : memref<10000x64xf32, #tpu.memory_space<hbm>>) dst(%dma_wait3A_961 : memref<125x64xf32, #tpu.memory_space<vmem>>)
      %sub3A_972 = arith.constant 3 : i32
      %sub3A_973 = arith.subi %add3A_928, %sub3A_972 : i32
      %dma_start3A_974 = arith.constant 2 : i32
      %dma_start3A_975 = arith.constant 0 : i32
      %dma_start3A_976 = arith.constant 0 : i32
      %dma_start3A_977 = tpu.memref_slice %arg9[%dma_start3A_974, %dma_start3A_975, %dma_start3A_976] : memref<6x125x64xf32, #tpu.memory_space<vmem>> -> memref<1x125x64xf32, #tpu.memory_space<vmem>>
      %dma_start3A_978 = tpu.memref_squeeze %dma_start3A_977 : memref<1x125x64xf32, #tpu.memory_space<vmem>> -> memref<125x64xf32, #tpu.memory_space<vmem>>
      %dma_start3A_979 = arith.constant 0 : i32
      %dma_start3A_980 = tpu.memref_slice %arg8[%sub3A_973, %dma_start3A_979] : memref<160x125xi32, #tpu.memory_space<vmem>> -> memref<1x125xi32, #tpu.memory_space<vmem>>
      %dma_start3A_981 = tpu.memref_squeeze %dma_start3A_980 : memref<1x125xi32, #tpu.memory_space<vmem>> -> memref<125xi32, #tpu.memory_space<vmem>>
      %dma_start3A_982 = arith.constant 0 : i32
      %dma_start3A_983 = arith.constant 0 : i32
      %dma_start3A_984 = tpu.memref_slice %arg10[%dma_start3A_982, %dma_start3A_983] : memref<10000x64xf32, #tpu.memory_space<vmem_shared>> -> memref<10000x64xf32, #tpu.memory_space<vmem_shared>>
      tpu.enqueue_indirect_dma source(%dma_start3A_978 : memref<125x64xf32, #tpu.memory_space<vmem>>) target(%dma_start3A_984 : memref<10000x64xf32, #tpu.memory_space<vmem_shared>>) offsets(%dma_start3A_981 : memref<125xi32, #tpu.memory_space<vmem>>) semaphore(%arg19 : memref<!tpu.dma_semaphore, #tpu.memory_space<semaphore_mem>>) {add = true}
    }
    %scan3A_219 = arith.constant 25 : i32
    %dma_wait3A_220 = arith.constant 0 : i32
    %dma_wait3A_221 = arith.constant 0 : i32
    %dma_wait3A_222 = arith.constant 0 : i32
    %dma_wait3A_223 = arith.constant 0 : i32
    %dma_wait3A_224 = tpu.memref_slice %arg9[%dma_wait3A_220, %dma_wait3A_222, %dma_wait3A_223] : memref<6x125x64xf32, #tpu.memory_space<vmem>> -> memref<1x125x64xf32, #tpu.memory_space<vmem>>
    %dma_wait3A_225 = tpu.memref_squeeze %dma_wait3A_224 : memref<1x125x64xf32, #tpu.memory_space<vmem>> -> memref<125x64xf32, #tpu.memory_space<vmem>>
    %dma_wait3A_226 = arith.constant 0 : i32
    %dma_wait3A_227 = tpu.memref_slice %arg8[%dma_wait3A_221, %dma_wait3A_226] : memref<160x125xi32, #tpu.memory_space<vmem>> -> memref<1x125xi32, #tpu.memory_space<vmem>>
    %dma_wait3A_228 = tpu.memref_squeeze %dma_wait3A_227 : memref<1x125xi32, #tpu.memory_space<vmem>> -> memref<125xi32, #tpu.memory_space<vmem>>
    %dma_wait3A_229 = arith.constant 0 : i32
    %dma_wait3A_230 = arith.constant 0 : i32
    %dma_wait3A_231 = tpu.memref_slice %arg10[%dma_wait3A_229, %dma_wait3A_230] : memref<10000x64xf32, #tpu.memory_space<vmem_shared>> -> memref<10000x64xf32, #tpu.memory_space<vmem_shared>>
    tpu.wait_indirect_dma semaphore(%arg17 : memref<!tpu.dma_semaphore, #tpu.memory_space<semaphore_mem>>) src(%dma_wait3A_225 : memref<125x64xf32, #tpu.memory_space<vmem>>) dst(%dma_wait3A_231 : memref<10000x64xf32, #tpu.memory_space<vmem_shared>>)
    %dma_start3A_232 = arith.constant 156 : i32
    %dma_start3A_233 = arith.constant 0 : i32
    %dma_start3A_234 = arith.constant 0 : i32
    %dma_start3A_235 = arith.constant 0 : i32
    %dma_start3A_236 = tpu.memref_slice %arg9[%dma_start3A_233, %dma_start3A_234, %dma_start3A_235] : memref<6x125x64xf32, #tpu.memory_space<vmem>> -> memref<1x125x64xf32, #tpu.memory_space<vmem>>
    %dma_start3A_237 = tpu.memref_squeeze %dma_start3A_236 : memref<1x125x64xf32, #tpu.memory_space<vmem>> -> memref<125x64xf32, #tpu.memory_space<vmem>>
    %dma_start3A_238 = arith.constant 0 : i32
    %dma_start3A_239 = tpu.memref_slice %arg7[%dma_start3A_232, %dma_start3A_238] : memref<160x125xi32, #tpu.memory_space<vmem>> -> memref<1x125xi32, #tpu.memory_space<vmem>>
    %dma_start3A_240 = tpu.memref_squeeze %dma_start3A_239 : memref<1x125xi32, #tpu.memory_space<vmem>> -> memref<125xi32, #tpu.memory_space<vmem>>
    %dma_start3A_241 = arith.constant 0 : i32
    %dma_start3A_242 = arith.constant 0 : i32
    %dma_start3A_243 = tpu.memref_slice %arg2[%arg0, %dma_start3A_241, %dma_start3A_242] : memref<2x10000x64xf32, #tpu.memory_space<hbm>> -> memref<1x10000x64xf32, #tpu.memory_space<hbm>>
    %dma_start3A_244 = tpu.memref_squeeze %dma_start3A_243 : memref<1x10000x64xf32, #tpu.memory_space<hbm>> -> memref<10000x64xf32, #tpu.memory_space<hbm>>
    %dma_start3A_245 = arith.constant 0 : i32
    %dma_start3A_246 = arith.constant 0 : i32
    %dma_start3A_247 = tpu.memref_slice %dma_start3A_244[%dma_start3A_245, %dma_start3A_246] : memref<10000x64xf32, #tpu.memory_space<hbm>> -> memref<10000x64xf32, #tpu.memory_space<hbm>>
    tpu.enqueue_indirect_dma source(%dma_start3A_247 : memref<10000x64xf32, #tpu.memory_space<hbm>>) target(%dma_start3A_237 : memref<125x64xf32, #tpu.memory_space<vmem>>) offsets(%dma_start3A_240 : memref<125xi32, #tpu.memory_space<vmem>>) semaphore(%arg11 : memref<!tpu.dma_semaphore, #tpu.memory_space<semaphore_mem>>)
    %dma_wait3A_248 = arith.constant 0 : i32
    %dma_wait3A_249 = arith.constant 3 : i32
    %dma_wait3A_250 = arith.constant 0 : i32
    %dma_wait3A_251 = arith.constant 0 : i32
    %dma_wait3A_252 = tpu.memref_slice %arg9[%dma_wait3A_249, %dma_wait3A_250, %dma_wait3A_251] : memref<6x125x64xf32, #tpu.memory_space<vmem>> -> memref<1x125x64xf32, #tpu.memory_space<vmem>>
    %dma_wait3A_253 = tpu.memref_squeeze %dma_wait3A_252 : memref<1x125x64xf32, #tpu.memory_space<vmem>> -> memref<125x64xf32, #tpu.memory_space<vmem>>
    %dma_wait3A_254 = arith.constant 0 : i32
    %dma_wait3A_255 = tpu.memref_slice %arg7[%dma_wait3A_248, %dma_wait3A_254] : memref<160x125xi32, #tpu.memory_space<vmem>> -> memref<1x125xi32, #tpu.memory_space<vmem>>
    %dma_wait3A_256 = tpu.memref_squeeze %dma_wait3A_255 : memref<1x125xi32, #tpu.memory_space<vmem>> -> memref<125xi32, #tpu.memory_space<vmem>>
    %dma_wait3A_257 = arith.constant 0 : i32
    %dma_wait3A_258 = arith.constant 0 : i32
    %dma_wait3A_259 = tpu.memref_slice %arg2[%arg0, %dma_wait3A_257, %dma_wait3A_258] : memref<2x10000x64xf32, #tpu.memory_space<hbm>> -> memref<1x10000x64xf32, #tpu.memory_space<hbm>>
    %dma_wait3A_260 = tpu.memref_squeeze %dma_wait3A_259 : memref<1x10000x64xf32, #tpu.memory_space<hbm>> -> memref<10000x64xf32, #tpu.memory_space<hbm>>
    %dma_wait3A_261 = arith.constant 0 : i32
    %dma_wait3A_262 = arith.constant 0 : i32
    %dma_wait3A_263 = tpu.memref_slice %dma_wait3A_260[%dma_wait3A_261, %dma_wait3A_262] : memref<10000x64xf32, #tpu.memory_space<hbm>> -> memref<10000x64xf32, #tpu.memory_space<hbm>>
    tpu.wait_indirect_dma semaphore(%arg14 : memref<!tpu.dma_semaphore, #tpu.memory_space<semaphore_mem>>) src(%dma_wait3A_263 : memref<10000x64xf32, #tpu.memory_space<hbm>>) dst(%dma_wait3A_253 : memref<125x64xf32, #tpu.memory_space<vmem>>)
    %dma_start3A_264 = arith.constant 3 : i32
    %dma_start3A_265 = arith.constant 153 : i32
    %dma_start3A_266 = arith.constant 0 : i32
    %dma_start3A_267 = arith.constant 0 : i32
    %dma_start3A_268 = tpu.memref_slice %arg9[%dma_start3A_264, %dma_start3A_266, %dma_start3A_267] : memref<6x125x64xf32, #tpu.memory_space<vmem>> -> memref<1x125x64xf32, #tpu.memory_space<vmem>>
    %dma_start3A_269 = tpu.memref_squeeze %dma_start3A_268 : memref<1x125x64xf32, #tpu.memory_space<vmem>> -> memref<125x64xf32, #tpu.memory_space<vmem>>
    %dma_start3A_270 = arith.constant 0 : i32
    %dma_start3A_271 = tpu.memref_slice %arg8[%dma_start3A_265, %dma_start3A_270] : memref<160x125xi32, #tpu.memory_space<vmem>> -> memref<1x125xi32, #tpu.memory_space<vmem>>
    %dma_start3A_272 = tpu.memref_squeeze %dma_start3A_271 : memref<1x125xi32, #tpu.memory_space<vmem>> -> memref<125xi32, #tpu.memory_space<vmem>>
    %dma_start3A_273 = arith.constant 0 : i32
    %dma_start3A_274 = arith.constant 0 : i32
    %dma_start3A_275 = tpu.memref_slice %arg10[%dma_start3A_273, %dma_start3A_274] : memref<10000x64xf32, #tpu.memory_space<vmem_shared>> -> memref<10000x64xf32, #tpu.memory_space<vmem_shared>>
    tpu.enqueue_indirect_dma source(%dma_start3A_269 : memref<125x64xf32, #tpu.memory_space<vmem>>) target(%dma_start3A_275 : memref<10000x64xf32, #tpu.memory_space<vmem_shared>>) offsets(%dma_start3A_272 : memref<125xi32, #tpu.memory_space<vmem>>) semaphore(%arg20 : memref<!tpu.dma_semaphore, #tpu.memory_space<semaphore_mem>>) {add = true}
    %dma_wait3A_276 = arith.constant 1 : i32
    %dma_wait3A_277 = arith.constant 0 : i32
    %dma_wait3A_278 = arith.constant 0 : i32
    %dma_wait3A_279 = arith.constant 0 : i32
    %dma_wait3A_280 = tpu.memref_slice %arg9[%dma_wait3A_276, %dma_wait3A_278, %dma_wait3A_279] : memref<6x125x64xf32, #tpu.memory_space<vmem>> -> memref<1x125x64xf32, #tpu.memory_space<vmem>>
    %dma_wait3A_281 = tpu.memref_squeeze %dma_wait3A_280 : memref<1x125x64xf32, #tpu.memory_space<vmem>> -> memref<125x64xf32, #tpu.memory_space<vmem>>
    %dma_wait3A_282 = arith.constant 0 : i32
    %dma_wait3A_283 = tpu.memref_slice %arg8[%dma_wait3A_277, %dma_wait3A_282] : memref<160x125xi32, #tpu.memory_space<vmem>> -> memref<1x125xi32, #tpu.memory_space<vmem>>
    %dma_wait3A_284 = tpu.memref_squeeze %dma_wait3A_283 : memref<1x125xi32, #tpu.memory_space<vmem>> -> memref<125xi32, #tpu.memory_space<vmem>>
    %dma_wait3A_285 = arith.constant 0 : i32
    %dma_wait3A_286 = arith.constant 0 : i32
    %dma_wait3A_287 = tpu.memref_slice %arg10[%dma_wait3A_285, %dma_wait3A_286] : memref<10000x64xf32, #tpu.memory_space<vmem_shared>> -> memref<10000x64xf32, #tpu.memory_space<vmem_shared>>
    tpu.wait_indirect_dma semaphore(%arg18 : memref<!tpu.dma_semaphore, #tpu.memory_space<semaphore_mem>>) src(%dma_wait3A_281 : memref<125x64xf32, #tpu.memory_space<vmem>>) dst(%dma_wait3A_287 : memref<10000x64xf32, #tpu.memory_space<vmem_shared>>)
    %dma_start3A_288 = arith.constant 157 : i32
    %dma_start3A_289 = arith.constant 1 : i32
    %dma_start3A_290 = arith.constant 0 : i32
    %dma_start3A_291 = arith.constant 0 : i32
    %dma_start3A_292 = tpu.memref_slice %arg9[%dma_start3A_289, %dma_start3A_290, %dma_start3A_291] : memref<6x125x64xf32, #tpu.memory_space<vmem>> -> memref<1x125x64xf32, #tpu.memory_space<vmem>>
    %dma_start3A_293 = tpu.memref_squeeze %dma_start3A_292 : memref<1x125x64xf32, #tpu.memory_space<vmem>> -> memref<125x64xf32, #tpu.memory_space<vmem>>
    %dma_start3A_294 = arith.constant 0 : i32
    %dma_start3A_295 = tpu.memref_slice %arg7[%dma_start3A_288, %dma_start3A_294] : memref<160x125xi32, #tpu.memory_space<vmem>> -> memref<1x125xi32, #tpu.memory_space<vmem>>
    %dma_start3A_296 = tpu.memref_squeeze %dma_start3A_295 : memref<1x125xi32, #tpu.memory_space<vmem>> -> memref<125xi32, #tpu.memory_space<vmem>>
    %dma_start3A_297 = arith.constant 0 : i32
    %dma_start3A_298 = arith.constant 0 : i32
    %dma_start3A_299 = tpu.memref_slice %arg2[%arg0, %dma_start3A_297, %dma_start3A_298] : memref<2x10000x64xf32, #tpu.memory_space<hbm>> -> memref<1x10000x64xf32, #tpu.memory_space<hbm>>
    %dma_start3A_300 = tpu.memref_squeeze %dma_start3A_299 : memref<1x10000x64xf32, #tpu.memory_space<hbm>> -> memref<10000x64xf32, #tpu.memory_space<hbm>>
    %dma_start3A_301 = arith.constant 0 : i32
    %dma_start3A_302 = arith.constant 0 : i32
    %dma_start3A_303 = tpu.memref_slice %dma_start3A_300[%dma_start3A_301, %dma_start3A_302] : memref<10000x64xf32, #tpu.memory_space<hbm>> -> memref<10000x64xf32, #tpu.memory_space<hbm>>
    tpu.enqueue_indirect_dma source(%dma_start3A_303 : memref<10000x64xf32, #tpu.memory_space<hbm>>) target(%dma_start3A_293 : memref<125x64xf32, #tpu.memory_space<vmem>>) offsets(%dma_start3A_296 : memref<125xi32, #tpu.memory_space<vmem>>) semaphore(%arg12 : memref<!tpu.dma_semaphore, #tpu.memory_space<semaphore_mem>>)
    %dma_wait3A_304 = arith.constant 0 : i32
    %dma_wait3A_305 = arith.constant 4 : i32
    %dma_wait3A_306 = arith.constant 0 : i32
    %dma_wait3A_307 = arith.constant 0 : i32
    %dma_wait3A_308 = tpu.memref_slice %arg9[%dma_wait3A_305, %dma_wait3A_306, %dma_wait3A_307] : memref<6x125x64xf32, #tpu.memory_space<vmem>> -> memref<1x125x64xf32, #tpu.memory_space<vmem>>
    %dma_wait3A_309 = tpu.memref_squeeze %dma_wait3A_308 : memref<1x125x64xf32, #tpu.memory_space<vmem>> -> memref<125x64xf32, #tpu.memory_space<vmem>>
    %dma_wait3A_310 = arith.constant 0 : i32
    %dma_wait3A_311 = tpu.memref_slice %arg7[%dma_wait3A_304, %dma_wait3A_310] : memref<160x125xi32, #tpu.memory_space<vmem>> -> memref<1x125xi32, #tpu.memory_space<vmem>>
    %dma_wait3A_312 = tpu.memref_squeeze %dma_wait3A_311 : memref<1x125xi32, #tpu.memory_space<vmem>> -> memref<125xi32, #tpu.memory_space<vmem>>
    %dma_wait3A_313 = arith.constant 0 : i32
    %dma_wait3A_314 = arith.constant 0 : i32
    %dma_wait3A_315 = tpu.memref_slice %arg2[%arg0, %dma_wait3A_313, %dma_wait3A_314] : memref<2x10000x64xf32, #tpu.memory_space<hbm>> -> memref<1x10000x64xf32, #tpu.memory_space<hbm>>
    %dma_wait3A_316 = tpu.memref_squeeze %dma_wait3A_315 : memref<1x10000x64xf32, #tpu.memory_space<hbm>> -> memref<10000x64xf32, #tpu.memory_space<hbm>>
    %dma_wait3A_317 = arith.constant 0 : i32
    %dma_wait3A_318 = arith.constant 0 : i32
    %dma_wait3A_319 = tpu.memref_slice %dma_wait3A_316[%dma_wait3A_317, %dma_wait3A_318] : memref<10000x64xf32, #tpu.memory_space<hbm>> -> memref<10000x64xf32, #tpu.memory_space<hbm>>
    tpu.wait_indirect_dma semaphore(%arg15 : memref<!tpu.dma_semaphore, #tpu.memory_space<semaphore_mem>>) src(%dma_wait3A_319 : memref<10000x64xf32, #tpu.memory_space<hbm>>) dst(%dma_wait3A_309 : memref<125x64xf32, #tpu.memory_space<vmem>>)
    %dma_start3A_320 = arith.constant 4 : i32
    %dma_start3A_321 = arith.constant 154 : i32
    %dma_start3A_322 = arith.constant 0 : i32
    %dma_start3A_323 = arith.constant 0 : i32
    %dma_start3A_324 = tpu.memref_slice %arg9[%dma_start3A_320, %dma_start3A_322, %dma_start3A_323] : memref<6x125x64xf32, #tpu.memory_space<vmem>> -> memref<1x125x64xf32, #tpu.memory_space<vmem>>
    %dma_start3A_325 = tpu.memref_squeeze %dma_start3A_324 : memref<1x125x64xf32, #tpu.memory_space<vmem>> -> memref<125x64xf32, #tpu.memory_space<vmem>>
    %dma_start3A_326 = arith.constant 0 : i32
    %dma_start3A_327 = tpu.memref_slice %arg8[%dma_start3A_321, %dma_start3A_326] : memref<160x125xi32, #tpu.memory_space<vmem>> -> memref<1x125xi32, #tpu.memory_space<vmem>>
    %dma_start3A_328 = tpu.memref_squeeze %dma_start3A_327 : memref<1x125xi32, #tpu.memory_space<vmem>> -> memref<125xi32, #tpu.memory_space<vmem>>
    %dma_start3A_329 = arith.constant 0 : i32
    %dma_start3A_330 = arith.constant 0 : i32
    %dma_start3A_331 = tpu.memref_slice %arg10[%dma_start3A_329, %dma_start3A_330] : memref<10000x64xf32, #tpu.memory_space<vmem_shared>> -> memref<10000x64xf32, #tpu.memory_space<vmem_shared>>
    tpu.enqueue_indirect_dma source(%dma_start3A_325 : memref<125x64xf32, #tpu.memory_space<vmem>>) target(%dma_start3A_331 : memref<10000x64xf32, #tpu.memory_space<vmem_shared>>) offsets(%dma_start3A_328 : memref<125xi32, #tpu.memory_space<vmem>>) semaphore(%arg21 : memref<!tpu.dma_semaphore, #tpu.memory_space<semaphore_mem>>) {add = true}
    %dma_wait3A_332 = arith.constant 2 : i32
    %dma_wait3A_333 = arith.constant 0 : i32
    %dma_wait3A_334 = arith.constant 0 : i32
    %dma_wait3A_335 = arith.constant 0 : i32
    %dma_wait3A_336 = tpu.memref_slice %arg9[%dma_wait3A_332, %dma_wait3A_334, %dma_wait3A_335] : memref<6x125x64xf32, #tpu.memory_space<vmem>> -> memref<1x125x64xf32, #tpu.memory_space<vmem>>
    %dma_wait3A_337 = tpu.memref_squeeze %dma_wait3A_336 : memref<1x125x64xf32, #tpu.memory_space<vmem>> -> memref<125x64xf32, #tpu.memory_space<vmem>>
    %dma_wait3A_338 = arith.constant 0 : i32
    %dma_wait3A_339 = tpu.memref_slice %arg8[%dma_wait3A_333, %dma_wait3A_338] : memref<160x125xi32, #tpu.memory_space<vmem>> -> memref<1x125xi32, #tpu.memory_space<vmem>>
    %dma_wait3A_340 = tpu.memref_squeeze %dma_wait3A_339 : memref<1x125xi32, #tpu.memory_space<vmem>> -> memref<125xi32, #tpu.memory_space<vmem>>
    %dma_wait3A_341 = arith.constant 0 : i32
    %dma_wait3A_342 = arith.constant 0 : i32
    %dma_wait3A_343 = tpu.memref_slice %arg10[%dma_wait3A_341, %dma_wait3A_342] : memref<10000x64xf32, #tpu.memory_space<vmem_shared>> -> memref<10000x64xf32, #tpu.memory_space<vmem_shared>>
    tpu.wait_indirect_dma semaphore(%arg19 : memref<!tpu.dma_semaphore, #tpu.memory_space<semaphore_mem>>) src(%dma_wait3A_337 : memref<125x64xf32, #tpu.memory_space<vmem>>) dst(%dma_wait3A_343 : memref<10000x64xf32, #tpu.memory_space<vmem_shared>>)
    %dma_start3A_344 = arith.constant 158 : i32
    %dma_start3A_345 = arith.constant 2 : i32
    %dma_start3A_346 = arith.constant 0 : i32
    %dma_start3A_347 = arith.constant 0 : i32
    %dma_start3A_348 = tpu.memref_slice %arg9[%dma_start3A_345, %dma_start3A_346, %dma_start3A_347] : memref<6x125x64xf32, #tpu.memory_space<vmem>> -> memref<1x125x64xf32, #tpu.memory_space<vmem>>
    %dma_start3A_349 = tpu.memref_squeeze %dma_start3A_348 : memref<1x125x64xf32, #tpu.memory_space<vmem>> -> memref<125x64xf32, #tpu.memory_space<vmem>>
    %dma_start3A_350 = arith.constant 0 : i32
    %dma_start3A_351 = tpu.memref_slice %arg7[%dma_start3A_344, %dma_start3A_350] : memref<160x125xi32, #tpu.memory_space<vmem>> -> memref<1x125xi32, #tpu.memory_space<vmem>>
    %dma_start3A_352 = tpu.memref_squeeze %dma_start3A_351 : memref<1x125xi32, #tpu.memory_space<vmem>> -> memref<125xi32, #tpu.memory_space<vmem>>
    %dma_start3A_353 = arith.constant 0 : i32
    %dma_start3A_354 = arith.constant 0 : i32
    %dma_start3A_355 = tpu.memref_slice %arg2[%arg0, %dma_start3A_353, %dma_start3A_354] : memref<2x10000x64xf32, #tpu.memory_space<hbm>> -> memref<1x10000x64xf32, #tpu.memory_space<hbm>>
    %dma_start3A_356 = tpu.memref_squeeze %dma_start3A_355 : memref<1x10000x64xf32, #tpu.memory_space<hbm>> -> memref<10000x64xf32, #tpu.memory_space<hbm>>
    %dma_start3A_357 = arith.constant 0 : i32
    %dma_start3A_358 = arith.constant 0 : i32
    %dma_start3A_359 = tpu.memref_slice %dma_start3A_356[%dma_start3A_357, %dma_start3A_358] : memref<10000x64xf32, #tpu.memory_space<hbm>> -> memref<10000x64xf32, #tpu.memory_space<hbm>>
    tpu.enqueue_indirect_dma source(%dma_start3A_359 : memref<10000x64xf32, #tpu.memory_space<hbm>>) target(%dma_start3A_349 : memref<125x64xf32, #tpu.memory_space<vmem>>) offsets(%dma_start3A_352 : memref<125xi32, #tpu.memory_space<vmem>>) semaphore(%arg13 : memref<!tpu.dma_semaphore, #tpu.memory_space<semaphore_mem>>)
    %dma_wait3A_360 = arith.constant 0 : i32
    %dma_wait3A_361 = arith.constant 5 : i32
    %dma_wait3A_362 = arith.constant 0 : i32
    %dma_wait3A_363 = arith.constant 0 : i32
    %dma_wait3A_364 = tpu.memref_slice %arg9[%dma_wait3A_361, %dma_wait3A_362, %dma_wait3A_363] : memref<6x125x64xf32, #tpu.memory_space<vmem>> -> memref<1x125x64xf32, #tpu.memory_space<vmem>>
    %dma_wait3A_365 = tpu.memref_squeeze %dma_wait3A_364 : memref<1x125x64xf32, #tpu.memory_space<vmem>> -> memref<125x64xf32, #tpu.memory_space<vmem>>
    %dma_wait3A_366 = arith.constant 0 : i32
    %dma_wait3A_367 = tpu.memref_slice %arg7[%dma_wait3A_360, %dma_wait3A_366] : memref<160x125xi32, #tpu.memory_space<vmem>> -> memref<1x125xi32, #tpu.memory_space<vmem>>
    %dma_wait3A_368 = tpu.memref_squeeze %dma_wait3A_367 : memref<1x125xi32, #tpu.memory_space<vmem>> -> memref<125xi32, #tpu.memory_space<vmem>>
    %dma_wait3A_369 = arith.constant 0 : i32
    %dma_wait3A_370 = arith.constant 0 : i32
    %dma_wait3A_371 = tpu.memref_slice %arg2[%arg0, %dma_wait3A_369, %dma_wait3A_370] : memref<2x10000x64xf32, #tpu.memory_space<hbm>> -> memref<1x10000x64xf32, #tpu.memory_space<hbm>>
    %dma_wait3A_372 = tpu.memref_squeeze %dma_wait3A_371 : memref<1x10000x64xf32, #tpu.memory_space<hbm>> -> memref<10000x64xf32, #tpu.memory_space<hbm>>
    %dma_wait3A_373 = arith.constant 0 : i32
    %dma_wait3A_374 = arith.constant 0 : i32
    %dma_wait3A_375 = tpu.memref_slice %dma_wait3A_372[%dma_wait3A_373, %dma_wait3A_374] : memref<10000x64xf32, #tpu.memory_space<hbm>> -> memref<10000x64xf32, #tpu.memory_space<hbm>>
    tpu.wait_indirect_dma semaphore(%arg16 : memref<!tpu.dma_semaphore, #tpu.memory_space<semaphore_mem>>) src(%dma_wait3A_375 : memref<10000x64xf32, #tpu.memory_space<hbm>>) dst(%dma_wait3A_365 : memref<125x64xf32, #tpu.memory_space<vmem>>)
    %dma_start3A_376 = arith.constant 5 : i32
    %dma_start3A_377 = arith.constant 155 : i32
    %dma_start3A_378 = arith.constant 0 : i32
    %dma_start3A_379 = arith.constant 0 : i32
    %dma_start3A_380 = tpu.memref_slice %arg9[%dma_start3A_376, %dma_start3A_378, %dma_start3A_379] : memref<6x125x64xf32, #tpu.memory_space<vmem>> -> memref<1x125x64xf32, #tpu.memory_space<vmem>>
    %dma_start3A_381 = tpu.memref_squeeze %dma_start3A_380 : memref<1x125x64xf32, #tpu.memory_space<vmem>> -> memref<125x64xf32, #tpu.memory_space<vmem>>
    %dma_start3A_382 = arith.constant 0 : i32
    %dma_start3A_383 = tpu.memref_slice %arg8[%dma_start3A_377, %dma_start3A_382] : memref<160x125xi32, #tpu.memory_space<vmem>> -> memref<1x125xi32, #tpu.memory_space<vmem>>
    %dma_start3A_384 = tpu.memref_squeeze %dma_start3A_383 : memref<1x125xi32, #tpu.memory_space<vmem>> -> memref<125xi32, #tpu.memory_space<vmem>>
    %dma_start3A_385 = arith.constant 0 : i32
    %dma_start3A_386 = arith.constant 0 : i32
    %dma_start3A_387 = tpu.memref_slice %arg10[%dma_start3A_385, %dma_start3A_386] : memref<10000x64xf32, #tpu.memory_space<vmem_shared>> -> memref<10000x64xf32, #tpu.memory_space<vmem_shared>>
    tpu.enqueue_indirect_dma source(%dma_start3A_381 : memref<125x64xf32, #tpu.memory_space<vmem>>) target(%dma_start3A_387 : memref<10000x64xf32, #tpu.memory_space<vmem_shared>>) offsets(%dma_start3A_384 : memref<125xi32, #tpu.memory_space<vmem>>) semaphore(%arg22 : memref<!tpu.dma_semaphore, #tpu.memory_space<semaphore_mem>>) {add = true}
    %dma_wait3A_388 = arith.constant 3 : i32
    %dma_wait3A_389 = arith.constant 0 : i32
    %dma_wait3A_390 = arith.constant 0 : i32
    %dma_wait3A_391 = arith.constant 0 : i32
    %dma_wait3A_392 = tpu.memref_slice %arg9[%dma_wait3A_388, %dma_wait3A_390, %dma_wait3A_391] : memref<6x125x64xf32, #tpu.memory_space<vmem>> -> memref<1x125x64xf32, #tpu.memory_space<vmem>>
    %dma_wait3A_393 = tpu.memref_squeeze %dma_wait3A_392 : memref<1x125x64xf32, #tpu.memory_space<vmem>> -> memref<125x64xf32, #tpu.memory_space<vmem>>
    %dma_wait3A_394 = arith.constant 0 : i32
    %dma_wait3A_395 = tpu.memref_slice %arg8[%dma_wait3A_389, %dma_wait3A_394] : memref<160x125xi32, #tpu.memory_space<vmem>> -> memref<1x125xi32, #tpu.memory_space<vmem>>
    %dma_wait3A_396 = tpu.memref_squeeze %dma_wait3A_395 : memref<1x125xi32, #tpu.memory_space<vmem>> -> memref<125xi32, #tpu.memory_space<vmem>>
    %dma_wait3A_397 = arith.constant 0 : i32
    %dma_wait3A_398 = arith.constant 0 : i32
    %dma_wait3A_399 = tpu.memref_slice %arg10[%dma_wait3A_397, %dma_wait3A_398] : memref<10000x64xf32, #tpu.memory_space<vmem_shared>> -> memref<10000x64xf32, #tpu.memory_space<vmem_shared>>
    tpu.wait_indirect_dma semaphore(%arg20 : memref<!tpu.dma_semaphore, #tpu.memory_space<semaphore_mem>>) src(%dma_wait3A_393 : memref<125x64xf32, #tpu.memory_space<vmem>>) dst(%dma_wait3A_399 : memref<10000x64xf32, #tpu.memory_space<vmem_shared>>)
    %dma_start3A_400 = arith.constant 159 : i32
    %dma_start3A_401 = arith.constant 3 : i32
    %dma_start3A_402 = arith.constant 0 : i32
    %dma_start3A_403 = arith.constant 0 : i32
    %dma_start3A_404 = tpu.memref_slice %arg9[%dma_start3A_401, %dma_start3A_402, %dma_start3A_403] : memref<6x125x64xf32, #tpu.memory_space<vmem>> -> memref<1x125x64xf32, #tpu.memory_space<vmem>>
    %dma_start3A_405 = tpu.memref_squeeze %dma_start3A_404 : memref<1x125x64xf32, #tpu.memory_space<vmem>> -> memref<125x64xf32, #tpu.memory_space<vmem>>
    %dma_start3A_406 = arith.constant 0 : i32
    %dma_start3A_407 = tpu.memref_slice %arg7[%dma_start3A_400, %dma_start3A_406] : memref<160x125xi32, #tpu.memory_space<vmem>> -> memref<1x125xi32, #tpu.memory_space<vmem>>
    %dma_start3A_408 = tpu.memref_squeeze %dma_start3A_407 : memref<1x125xi32, #tpu.memory_space<vmem>> -> memref<125xi32, #tpu.memory_space<vmem>>
    %dma_start3A_409 = arith.constant 0 : i32
    %dma_start3A_410 = arith.constant 0 : i32
    %dma_start3A_411 = tpu.memref_slice %arg2[%arg0, %dma_start3A_409, %dma_start3A_410] : memref<2x10000x64xf32, #tpu.memory_space<hbm>> -> memref<1x10000x64xf32, #tpu.memory_space<hbm>>
    %dma_start3A_412 = tpu.memref_squeeze %dma_start3A_411 : memref<1x10000x64xf32, #tpu.memory_space<hbm>> -> memref<10000x64xf32, #tpu.memory_space<hbm>>
    %dma_start3A_413 = arith.constant 0 : i32
    %dma_start3A_414 = arith.constant 0 : i32
    %dma_start3A_415 = tpu.memref_slice %dma_start3A_412[%dma_start3A_413, %dma_start3A_414] : memref<10000x64xf32, #tpu.memory_space<hbm>> -> memref<10000x64xf32, #tpu.memory_space<hbm>>
    tpu.enqueue_indirect_dma source(%dma_start3A_415 : memref<10000x64xf32, #tpu.memory_space<hbm>>) target(%dma_start3A_405 : memref<125x64xf32, #tpu.memory_space<vmem>>) offsets(%dma_start3A_408 : memref<125xi32, #tpu.memory_space<vmem>>) semaphore(%arg14 : memref<!tpu.dma_semaphore, #tpu.memory_space<semaphore_mem>>)
    %dma_wait3A_416 = arith.constant 0 : i32
    %dma_wait3A_417 = arith.constant 0 : i32
    %dma_wait3A_418 = arith.constant 0 : i32
    %dma_wait3A_419 = arith.constant 0 : i32
    %dma_wait3A_420 = tpu.memref_slice %arg9[%dma_wait3A_417, %dma_wait3A_418, %dma_wait3A_419] : memref<6x125x64xf32, #tpu.memory_space<vmem>> -> memref<1x125x64xf32, #tpu.memory_space<vmem>>
    %dma_wait3A_421 = tpu.memref_squeeze %dma_wait3A_420 : memref<1x125x64xf32, #tpu.memory_space<vmem>> -> memref<125x64xf32, #tpu.memory_space<vmem>>
    %dma_wait3A_422 = arith.constant 0 : i32
    %dma_wait3A_423 = tpu.memref_slice %arg7[%dma_wait3A_416, %dma_wait3A_422] : memref<160x125xi32, #tpu.memory_space<vmem>> -> memref<1x125xi32, #tpu.memory_space<vmem>>
    %dma_wait3A_424 = tpu.memref_squeeze %dma_wait3A_423 : memref<1x125xi32, #tpu.memory_space<vmem>> -> memref<125xi32, #tpu.memory_space<vmem>>
    %dma_wait3A_425 = arith.constant 0 : i32
    %dma_wait3A_426 = arith.constant 0 : i32
    %dma_wait3A_427 = tpu.memref_slice %arg2[%arg0, %dma_wait3A_425, %dma_wait3A_426] : memref<2x10000x64xf32, #tpu.memory_space<hbm>> -> memref<1x10000x64xf32, #tpu.memory_space<hbm>>
    %dma_wait3A_428 = tpu.memref_squeeze %dma_wait3A_427 : memref<1x10000x64xf32, #tpu.memory_space<hbm>> -> memref<10000x64xf32, #tpu.memory_space<hbm>>
    %dma_wait3A_429 = arith.constant 0 : i32
    %dma_wait3A_430 = arith.constant 0 : i32
    %dma_wait3A_431 = tpu.memref_slice %dma_wait3A_428[%dma_wait3A_429, %dma_wait3A_430] : memref<10000x64xf32, #tpu.memory_space<hbm>> -> memref<10000x64xf32, #tpu.memory_space<hbm>>
    tpu.wait_indirect_dma semaphore(%arg11 : memref<!tpu.dma_semaphore, #tpu.memory_space<semaphore_mem>>) src(%dma_wait3A_431 : memref<10000x64xf32, #tpu.memory_space<hbm>>) dst(%dma_wait3A_421 : memref<125x64xf32, #tpu.memory_space<vmem>>)
    %dma_start3A_432 = arith.constant 0 : i32
    %dma_start3A_433 = arith.constant 156 : i32
    %dma_start3A_434 = arith.constant 0 : i32
    %dma_start3A_435 = arith.constant 0 : i32
    %dma_start3A_436 = tpu.memref_slice %arg9[%dma_start3A_432, %dma_start3A_434, %dma_start3A_435] : memref<6x125x64xf32, #tpu.memory_space<vmem>> -> memref<1x125x64xf32, #tpu.memory_space<vmem>>
    %dma_start3A_437 = tpu.memref_squeeze %dma_start3A_436 : memref<1x125x64xf32, #tpu.memory_space<vmem>> -> memref<125x64xf32, #tpu.memory_space<vmem>>
    %dma_start3A_438 = arith.constant 0 : i32
    %dma_start3A_439 = tpu.memref_slice %arg8[%dma_start3A_433, %dma_start3A_438] : memref<160x125xi32, #tpu.memory_space<vmem>> -> memref<1x125xi32, #tpu.memory_space<vmem>>
    %dma_start3A_440 = tpu.memref_squeeze %dma_start3A_439 : memref<1x125xi32, #tpu.memory_space<vmem>> -> memref<125xi32, #tpu.memory_space<vmem>>
    %dma_start3A_441 = arith.constant 0 : i32
    %dma_start3A_442 = arith.constant 0 : i32
    %dma_start3A_443 = tpu.memref_slice %arg10[%dma_start3A_441, %dma_start3A_442] : memref<10000x64xf32, #tpu.memory_space<vmem_shared>> -> memref<10000x64xf32, #tpu.memory_space<vmem_shared>>
    tpu.enqueue_indirect_dma source(%dma_start3A_437 : memref<125x64xf32, #tpu.memory_space<vmem>>) target(%dma_start3A_443 : memref<10000x64xf32, #tpu.memory_space<vmem_shared>>) offsets(%dma_start3A_440 : memref<125xi32, #tpu.memory_space<vmem>>) semaphore(%arg17 : memref<!tpu.dma_semaphore, #tpu.memory_space<semaphore_mem>>) {add = true}
    %dma_wait3A_444 = arith.constant 0 : i32
    %dma_wait3A_445 = arith.constant 1 : i32
    %dma_wait3A_446 = arith.constant 0 : i32
    %dma_wait3A_447 = arith.constant 0 : i32
    %dma_wait3A_448 = tpu.memref_slice %arg9[%dma_wait3A_445, %dma_wait3A_446, %dma_wait3A_447] : memref<6x125x64xf32, #tpu.memory_space<vmem>> -> memref<1x125x64xf32, #tpu.memory_space<vmem>>
    %dma_wait3A_449 = tpu.memref_squeeze %dma_wait3A_448 : memref<1x125x64xf32, #tpu.memory_space<vmem>> -> memref<125x64xf32, #tpu.memory_space<vmem>>
    %dma_wait3A_450 = arith.constant 0 : i32
    %dma_wait3A_451 = tpu.memref_slice %arg7[%dma_wait3A_444, %dma_wait3A_450] : memref<160x125xi32, #tpu.memory_space<vmem>> -> memref<1x125xi32, #tpu.memory_space<vmem>>
    %dma_wait3A_452 = tpu.memref_squeeze %dma_wait3A_451 : memref<1x125xi32, #tpu.memory_space<vmem>> -> memref<125xi32, #tpu.memory_space<vmem>>
    %dma_wait3A_453 = arith.constant 0 : i32
    %dma_wait3A_454 = arith.constant 0 : i32
    %dma_wait3A_455 = tpu.memref_slice %arg2[%arg0, %dma_wait3A_453, %dma_wait3A_454] : memref<2x10000x64xf32, #tpu.memory_space<hbm>> -> memref<1x10000x64xf32, #tpu.memory_space<hbm>>
    %dma_wait3A_456 = tpu.memref_squeeze %dma_wait3A_455 : memref<1x10000x64xf32, #tpu.memory_space<hbm>> -> memref<10000x64xf32, #tpu.memory_space<hbm>>
    %dma_wait3A_457 = arith.constant 0 : i32
    %dma_wait3A_458 = arith.constant 0 : i32
    %dma_wait3A_459 = tpu.memref_slice %dma_wait3A_456[%dma_wait3A_457, %dma_wait3A_458] : memref<10000x64xf32, #tpu.memory_space<hbm>> -> memref<10000x64xf32, #tpu.memory_space<hbm>>
    tpu.wait_indirect_dma semaphore(%arg12 : memref<!tpu.dma_semaphore, #tpu.memory_space<semaphore_mem>>) src(%dma_wait3A_459 : memref<10000x64xf32, #tpu.memory_space<hbm>>) dst(%dma_wait3A_449 : memref<125x64xf32, #tpu.memory_space<vmem>>)
    %dma_start3A_460 = arith.constant 1 : i32
    %dma_start3A_461 = arith.constant 157 : i32
    %dma_start3A_462 = arith.constant 0 : i32
    %dma_start3A_463 = arith.constant 0 : i32
    %dma_start3A_464 = tpu.memref_slice %arg9[%dma_start3A_460, %dma_start3A_462, %dma_start3A_463] : memref<6x125x64xf32, #tpu.memory_space<vmem>> -> memref<1x125x64xf32, #tpu.memory_space<vmem>>
    %dma_start3A_465 = tpu.memref_squeeze %dma_start3A_464 : memref<1x125x64xf32, #tpu.memory_space<vmem>> -> memref<125x64xf32, #tpu.memory_space<vmem>>
    %dma_start3A_466 = arith.constant 0 : i32
    %dma_start3A_467 = tpu.memref_slice %arg8[%dma_start3A_461, %dma_start3A_466] : memref<160x125xi32, #tpu.memory_space<vmem>> -> memref<1x125xi32, #tpu.memory_space<vmem>>
    %dma_start3A_468 = tpu.memref_squeeze %dma_start3A_467 : memref<1x125xi32, #tpu.memory_space<vmem>> -> memref<125xi32, #tpu.memory_space<vmem>>
    %dma_start3A_469 = arith.constant 0 : i32
    %dma_start3A_470 = arith.constant 0 : i32
    %dma_start3A_471 = tpu.memref_slice %arg10[%dma_start3A_469, %dma_start3A_470] : memref<10000x64xf32, #tpu.memory_space<vmem_shared>> -> memref<10000x64xf32, #tpu.memory_space<vmem_shared>>
    tpu.enqueue_indirect_dma source(%dma_start3A_465 : memref<125x64xf32, #tpu.memory_space<vmem>>) target(%dma_start3A_471 : memref<10000x64xf32, #tpu.memory_space<vmem_shared>>) offsets(%dma_start3A_468 : memref<125xi32, #tpu.memory_space<vmem>>) semaphore(%arg18 : memref<!tpu.dma_semaphore, #tpu.memory_space<semaphore_mem>>) {add = true}
    %dma_wait3A_472 = arith.constant 0 : i32
    %dma_wait3A_473 = arith.constant 2 : i32
    %dma_wait3A_474 = arith.constant 0 : i32
    %dma_wait3A_475 = arith.constant 0 : i32
    %dma_wait3A_476 = tpu.memref_slice %arg9[%dma_wait3A_473, %dma_wait3A_474, %dma_wait3A_475] : memref<6x125x64xf32, #tpu.memory_space<vmem>> -> memref<1x125x64xf32, #tpu.memory_space<vmem>>
    %dma_wait3A_477 = tpu.memref_squeeze %dma_wait3A_476 : memref<1x125x64xf32, #tpu.memory_space<vmem>> -> memref<125x64xf32, #tpu.memory_space<vmem>>
    %dma_wait3A_478 = arith.constant 0 : i32
    %dma_wait3A_479 = tpu.memref_slice %arg7[%dma_wait3A_472, %dma_wait3A_478] : memref<160x125xi32, #tpu.memory_space<vmem>> -> memref<1x125xi32, #tpu.memory_space<vmem>>
    %dma_wait3A_480 = tpu.memref_squeeze %dma_wait3A_479 : memref<1x125xi32, #tpu.memory_space<vmem>> -> memref<125xi32, #tpu.memory_space<vmem>>
    %dma_wait3A_481 = arith.constant 0 : i32
    %dma_wait3A_482 = arith.constant 0 : i32
    %dma_wait3A_483 = tpu.memref_slice %arg2[%arg0, %dma_wait3A_481, %dma_wait3A_482] : memref<2x10000x64xf32, #tpu.memory_space<hbm>> -> memref<1x10000x64xf32, #tpu.memory_space<hbm>>
    %dma_wait3A_484 = tpu.memref_squeeze %dma_wait3A_483 : memref<1x10000x64xf32, #tpu.memory_space<hbm>> -> memref<10000x64xf32, #tpu.memory_space<hbm>>
    %dma_wait3A_485 = arith.constant 0 : i32
    %dma_wait3A_486 = arith.constant 0 : i32
    %dma_wait3A_487 = tpu.memref_slice %dma_wait3A_484[%dma_wait3A_485, %dma_wait3A_486] : memref<10000x64xf32, #tpu.memory_space<hbm>> -> memref<10000x64xf32, #tpu.memory_space<hbm>>
    tpu.wait_indirect_dma semaphore(%arg13 : memref<!tpu.dma_semaphore, #tpu.memory_space<semaphore_mem>>) src(%dma_wait3A_487 : memref<10000x64xf32, #tpu.memory_space<hbm>>) dst(%dma_wait3A_477 : memref<125x64xf32, #tpu.memory_space<vmem>>)
    %dma_start3A_488 = arith.constant 2 : i32
    %dma_start3A_489 = arith.constant 158 : i32
    %dma_start3A_490 = arith.constant 0 : i32
    %dma_start3A_491 = arith.constant 0 : i32
    %dma_start3A_492 = tpu.memref_slice %arg9[%dma_start3A_488, %dma_start3A_490, %dma_start3A_491] : memref<6x125x64xf32, #tpu.memory_space<vmem>> -> memref<1x125x64xf32, #tpu.memory_space<vmem>>
    %dma_start3A_493 = tpu.memref_squeeze %dma_start3A_492 : memref<1x125x64xf32, #tpu.memory_space<vmem>> -> memref<125x64xf32, #tpu.memory_space<vmem>>
    %dma_start3A_494 = arith.constant 0 : i32
    %dma_start3A_495 = tpu.memref_slice %arg8[%dma_start3A_489, %dma_start3A_494] : memref<160x125xi32, #tpu.memory_space<vmem>> -> memref<1x125xi32, #tpu.memory_space<vmem>>
    %dma_start3A_496 = tpu.memref_squeeze %dma_start3A_495 : memref<1x125xi32, #tpu.memory_space<vmem>> -> memref<125xi32, #tpu.memory_space<vmem>>
    %dma_start3A_497 = arith.constant 0 : i32
    %dma_start3A_498 = arith.constant 0 : i32
    %dma_start3A_499 = tpu.memref_slice %arg10[%dma_start3A_497, %dma_start3A_498] : memref<10000x64xf32, #tpu.memory_space<vmem_shared>> -> memref<10000x64xf32, #tpu.memory_space<vmem_shared>>
    tpu.enqueue_indirect_dma source(%dma_start3A_493 : memref<125x64xf32, #tpu.memory_space<vmem>>) target(%dma_start3A_499 : memref<10000x64xf32, #tpu.memory_space<vmem_shared>>) offsets(%dma_start3A_496 : memref<125xi32, #tpu.memory_space<vmem>>) semaphore(%arg19 : memref<!tpu.dma_semaphore, #tpu.memory_space<semaphore_mem>>) {add = true}
    %dma_wait3A_500 = arith.constant 0 : i32
    %dma_wait3A_501 = arith.constant 3 : i32
    %dma_wait3A_502 = arith.constant 0 : i32
    %dma_wait3A_503 = arith.constant 0 : i32
    %dma_wait3A_504 = tpu.memref_slice %arg9[%dma_wait3A_501, %dma_wait3A_502, %dma_wait3A_503] : memref<6x125x64xf32, #tpu.memory_space<vmem>> -> memref<1x125x64xf32, #tpu.memory_space<vmem>>
    %dma_wait3A_505 = tpu.memref_squeeze %dma_wait3A_504 : memref<1x125x64xf32, #tpu.memory_space<vmem>> -> memref<125x64xf32, #tpu.memory_space<vmem>>
    %dma_wait3A_506 = arith.constant 0 : i32
    %dma_wait3A_507 = tpu.memref_slice %arg7[%dma_wait3A_500, %dma_wait3A_506] : memref<160x125xi32, #tpu.memory_space<vmem>> -> memref<1x125xi32, #tpu.memory_space<vmem>>
    %dma_wait3A_508 = tpu.memref_squeeze %dma_wait3A_507 : memref<1x125xi32, #tpu.memory_space<vmem>> -> memref<125xi32, #tpu.memory_space<vmem>>
    %dma_wait3A_509 = arith.constant 0 : i32
    %dma_wait3A_510 = arith.constant 0 : i32
    %dma_wait3A_511 = tpu.memref_slice %arg2[%arg0, %dma_wait3A_509, %dma_wait3A_510] : memref<2x10000x64xf32, #tpu.memory_space<hbm>> -> memref<1x10000x64xf32, #tpu.memory_space<hbm>>
    %dma_wait3A_512 = tpu.memref_squeeze %dma_wait3A_511 : memref<1x10000x64xf32, #tpu.memory_space<hbm>> -> memref<10000x64xf32, #tpu.memory_space<hbm>>
    %dma_wait3A_513 = arith.constant 0 : i32
    %dma_wait3A_514 = arith.constant 0 : i32
    %dma_wait3A_515 = tpu.memref_slice %dma_wait3A_512[%dma_wait3A_513, %dma_wait3A_514] : memref<10000x64xf32, #tpu.memory_space<hbm>> -> memref<10000x64xf32, #tpu.memory_space<hbm>>
    tpu.wait_indirect_dma semaphore(%arg14 : memref<!tpu.dma_semaphore, #tpu.memory_space<semaphore_mem>>) src(%dma_wait3A_515 : memref<10000x64xf32, #tpu.memory_space<hbm>>) dst(%dma_wait3A_505 : memref<125x64xf32, #tpu.memory_space<vmem>>)
    %dma_start3A_516 = arith.constant 3 : i32
    %dma_start3A_517 = arith.constant 159 : i32
    %dma_start3A_518 = arith.constant 0 : i32
    %dma_start3A_519 = arith.constant 0 : i32
    %dma_start3A_520 = tpu.memref_slice %arg9[%dma_start3A_516, %dma_start3A_518, %dma_start3A_519] : memref<6x125x64xf32, #tpu.memory_space<vmem>> -> memref<1x125x64xf32, #tpu.memory_space<vmem>>
    %dma_start3A_521 = tpu.memref_squeeze %dma_start3A_520 : memref<1x125x64xf32, #tpu.memory_space<vmem>> -> memref<125x64xf32, #tpu.memory_space<vmem>>
    %dma_start3A_522 = arith.constant 0 : i32
    %dma_start3A_523 = tpu.memref_slice %arg8[%dma_start3A_517, %dma_start3A_522] : memref<160x125xi32, #tpu.memory_space<vmem>> -> memref<1x125xi32, #tpu.memory_space<vmem>>
    %dma_start3A_524 = tpu.memref_squeeze %dma_start3A_523 : memref<1x125xi32, #tpu.memory_space<vmem>> -> memref<125xi32, #tpu.memory_space<vmem>>
    %dma_start3A_525 = arith.constant 0 : i32
    %dma_start3A_526 = arith.constant 0 : i32
    %dma_start3A_527 = tpu.memref_slice %arg10[%dma_start3A_525, %dma_start3A_526] : memref<10000x64xf32, #tpu.memory_space<vmem_shared>> -> memref<10000x64xf32, #tpu.memory_space<vmem_shared>>
    tpu.enqueue_indirect_dma source(%dma_start3A_521 : memref<125x64xf32, #tpu.memory_space<vmem>>) target(%dma_start3A_527 : memref<10000x64xf32, #tpu.memory_space<vmem_shared>>) offsets(%dma_start3A_524 : memref<125xi32, #tpu.memory_space<vmem>>) semaphore(%arg20 : memref<!tpu.dma_semaphore, #tpu.memory_space<semaphore_mem>>) {add = true}
    %dma_wait3A_528 = arith.constant 0 : i32
    %dma_wait3A_529 = arith.constant 0 : i32
    %dma_wait3A_530 = arith.constant 0 : i32
    %dma_wait3A_531 = arith.constant 0 : i32
    %dma_wait3A_532 = tpu.memref_slice %arg9[%dma_wait3A_528, %dma_wait3A_530, %dma_wait3A_531] : memref<6x125x64xf32, #tpu.memory_space<vmem>> -> memref<1x125x64xf32, #tpu.memory_space<vmem>>
    %dma_wait3A_533 = tpu.memref_squeeze %dma_wait3A_532 : memref<1x125x64xf32, #tpu.memory_space<vmem>> -> memref<125x64xf32, #tpu.memory_space<vmem>>
    %dma_wait3A_534 = arith.constant 0 : i32
    %dma_wait3A_535 = tpu.memref_slice %arg8[%dma_wait3A_529, %dma_wait3A_534] : memref<160x125xi32, #tpu.memory_space<vmem>> -> memref<1x125xi32, #tpu.memory_space<vmem>>
    %dma_wait3A_536 = tpu.memref_squeeze %dma_wait3A_535 : memref<1x125xi32, #tpu.memory_space<vmem>> -> memref<125xi32, #tpu.memory_space<vmem>>
    %dma_wait3A_537 = arith.constant 0 : i32
    %dma_wait3A_538 = arith.constant 0 : i32
    %dma_wait3A_539 = tpu.memref_slice %arg10[%dma_wait3A_537, %dma_wait3A_538] : memref<10000x64xf32, #tpu.memory_space<vmem_shared>> -> memref<10000x64xf32, #tpu.memory_space<vmem_shared>>
    tpu.wait_indirect_dma semaphore(%arg17 : memref<!tpu.dma_semaphore, #tpu.memory_space<semaphore_mem>>) src(%dma_wait3A_533 : memref<125x64xf32, #tpu.memory_space<vmem>>) dst(%dma_wait3A_539 : memref<10000x64xf32, #tpu.memory_space<vmem_shared>>)
    %dma_wait3A_540 = arith.constant 1 : i32
    %dma_wait3A_541 = arith.constant 0 : i32
    %dma_wait3A_542 = arith.constant 0 : i32
    %dma_wait3A_543 = arith.constant 0 : i32
    %dma_wait3A_544 = tpu.memref_slice %arg9[%dma_wait3A_540, %dma_wait3A_542, %dma_wait3A_543] : memref<6x125x64xf32, #tpu.memory_space<vmem>> -> memref<1x125x64xf32, #tpu.memory_space<vmem>>
    %dma_wait3A_545 = tpu.memref_squeeze %dma_wait3A_544 : memref<1x125x64xf32, #tpu.memory_space<vmem>> -> memref<125x64xf32, #tpu.memory_space<vmem>>
    %dma_wait3A_546 = arith.constant 0 : i32
    %dma_wait3A_547 = tpu.memref_slice %arg8[%dma_wait3A_541, %dma_wait3A_546] : memref<160x125xi32, #tpu.memory_space<vmem>> -> memref<1x125xi32, #tpu.memory_space<vmem>>
    %dma_wait3A_548 = tpu.memref_squeeze %dma_wait3A_547 : memref<1x125xi32, #tpu.memory_space<vmem>> -> memref<125xi32, #tpu.memory_space<vmem>>
    %dma_wait3A_549 = arith.constant 0 : i32
    %dma_wait3A_550 = arith.constant 0 : i32
    %dma_wait3A_551 = tpu.memref_slice %arg10[%dma_wait3A_549, %dma_wait3A_550] : memref<10000x64xf32, #tpu.memory_space<vmem_shared>> -> memref<10000x64xf32, #tpu.memory_space<vmem_shared>>
    tpu.wait_indirect_dma semaphore(%arg18 : memref<!tpu.dma_semaphore, #tpu.memory_space<semaphore_mem>>) src(%dma_wait3A_545 : memref<125x64xf32, #tpu.memory_space<vmem>>) dst(%dma_wait3A_551 : memref<10000x64xf32, #tpu.memory_space<vmem_shared>>)
    %dma_wait3A_552 = arith.constant 2 : i32
    %dma_wait3A_553 = arith.constant 0 : i32
    %dma_wait3A_554 = arith.constant 0 : i32
    %dma_wait3A_555 = arith.constant 0 : i32
    %dma_wait3A_556 = tpu.memref_slice %arg9[%dma_wait3A_552, %dma_wait3A_554, %dma_wait3A_555] : memref<6x125x64xf32, #tpu.memory_space<vmem>> -> memref<1x125x64xf32, #tpu.memory_space<vmem>>
    %dma_wait3A_557 = tpu.memref_squeeze %dma_wait3A_556 : memref<1x125x64xf32, #tpu.memory_space<vmem>> -> memref<125x64xf32, #tpu.memory_space<vmem>>
    %dma_wait3A_558 = arith.constant 0 : i32
    %dma_wait3A_559 = tpu.memref_slice %arg8[%dma_wait3A_553, %dma_wait3A_558] : memref<160x125xi32, #tpu.memory_space<vmem>> -> memref<1x125xi32, #tpu.memory_space<vmem>>
    %dma_wait3A_560 = tpu.memref_squeeze %dma_wait3A_559 : memref<1x125xi32, #tpu.memory_space<vmem>> -> memref<125xi32, #tpu.memory_space<vmem>>
    %dma_wait3A_561 = arith.constant 0 : i32
    %dma_wait3A_562 = arith.constant 0 : i32
    %dma_wait3A_563 = tpu.memref_slice %arg10[%dma_wait3A_561, %dma_wait3A_562] : memref<10000x64xf32, #tpu.memory_space<vmem_shared>> -> memref<10000x64xf32, #tpu.memory_space<vmem_shared>>
    tpu.wait_indirect_dma semaphore(%arg19 : memref<!tpu.dma_semaphore, #tpu.memory_space<semaphore_mem>>) src(%dma_wait3A_557 : memref<125x64xf32, #tpu.memory_space<vmem>>) dst(%dma_wait3A_563 : memref<10000x64xf32, #tpu.memory_space<vmem_shared>>)
    %dma_wait3A_564 = arith.constant 3 : i32
    %dma_wait3A_565 = arith.constant 0 : i32
    %dma_wait3A_566 = arith.constant 0 : i32
    %dma_wait3A_567 = arith.constant 0 : i32
    %dma_wait3A_568 = tpu.memref_slice %arg9[%dma_wait3A_564, %dma_wait3A_566, %dma_wait3A_567] : memref<6x125x64xf32, #tpu.memory_space<vmem>> -> memref<1x125x64xf32, #tpu.memory_space<vmem>>
    %dma_wait3A_569 = tpu.memref_squeeze %dma_wait3A_568 : memref<1x125x64xf32, #tpu.memory_space<vmem>> -> memref<125x64xf32, #tpu.memory_space<vmem>>
    %dma_wait3A_570 = arith.constant 0 : i32
    %dma_wait3A_571 = tpu.memref_slice %arg8[%dma_wait3A_565, %dma_wait3A_570] : memref<160x125xi32, #tpu.memory_space<vmem>> -> memref<1x125xi32, #tpu.memory_space<vmem>>
    %dma_wait3A_572 = tpu.memref_squeeze %dma_wait3A_571 : memref<1x125xi32, #tpu.memory_space<vmem>> -> memref<125xi32, #tpu.memory_space<vmem>>
    %dma_wait3A_573 = arith.constant 0 : i32
    %dma_wait3A_574 = arith.constant 0 : i32
    %dma_wait3A_575 = tpu.memref_slice %arg10[%dma_wait3A_573, %dma_wait3A_574] : memref<10000x64xf32, #tpu.memory_space<vmem_shared>> -> memref<10000x64xf32, #tpu.memory_space<vmem_shared>>
    tpu.wait_indirect_dma semaphore(%arg20 : memref<!tpu.dma_semaphore, #tpu.memory_space<semaphore_mem>>) src(%dma_wait3A_569 : memref<125x64xf32, #tpu.memory_space<vmem>>) dst(%dma_wait3A_575 : memref<10000x64xf32, #tpu.memory_space<vmem_shared>>)
    %dma_wait3A_576 = arith.constant 4 : i32
    %dma_wait3A_577 = arith.constant 0 : i32
    %dma_wait3A_578 = arith.constant 0 : i32
    %dma_wait3A_579 = arith.constant 0 : i32
    %dma_wait3A_580 = tpu.memref_slice %arg9[%dma_wait3A_576, %dma_wait3A_578, %dma_wait3A_579] : memref<6x125x64xf32, #tpu.memory_space<vmem>> -> memref<1x125x64xf32, #tpu.memory_space<vmem>>
    %dma_wait3A_581 = tpu.memref_squeeze %dma_wait3A_580 : memref<1x125x64xf32, #tpu.memory_space<vmem>> -> memref<125x64xf32, #tpu.memory_space<vmem>>
    %dma_wait3A_582 = arith.constant 0 : i32
    %dma_wait3A_583 = tpu.memref_slice %arg8[%dma_wait3A_577, %dma_wait3A_582] : memref<160x125xi32, #tpu.memory_space<vmem>> -> memref<1x125xi32, #tpu.memory_space<vmem>>
    %dma_wait3A_584 = tpu.memref_squeeze %dma_wait3A_583 : memref<1x125xi32, #tpu.memory_space<vmem>> -> memref<125xi32, #tpu.memory_space<vmem>>
    %dma_wait3A_585 = arith.constant 0 : i32
    %dma_wait3A_586 = arith.constant 0 : i32
    %dma_wait3A_587 = tpu.memref_slice %arg10[%dma_wait3A_585, %dma_wait3A_586] : memref<10000x64xf32, #tpu.memory_space<vmem_shared>> -> memref<10000x64xf32, #tpu.memory_space<vmem_shared>>
    tpu.wait_indirect_dma semaphore(%arg21 : memref<!tpu.dma_semaphore, #tpu.memory_space<semaphore_mem>>) src(%dma_wait3A_581 : memref<125x64xf32, #tpu.memory_space<vmem>>) dst(%dma_wait3A_587 : memref<10000x64xf32, #tpu.memory_space<vmem_shared>>)
    %dma_wait3A_588 = arith.constant 5 : i32
    %dma_wait3A_589 = arith.constant 0 : i32
    %dma_wait3A_590 = arith.constant 0 : i32
    %dma_wait3A_591 = arith.constant 0 : i32
    %dma_wait3A_592 = tpu.memref_slice %arg9[%dma_wait3A_588, %dma_wait3A_590, %dma_wait3A_591] : memref<6x125x64xf32, #tpu.memory_space<vmem>> -> memref<1x125x64xf32, #tpu.memory_space<vmem>>
    %dma_wait3A_593 = tpu.memref_squeeze %dma_wait3A_592 : memref<1x125x64xf32, #tpu.memory_space<vmem>> -> memref<125x64xf32, #tpu.memory_space<vmem>>
    %dma_wait3A_594 = arith.constant 0 : i32
    %dma_wait3A_595 = tpu.memref_slice %arg8[%dma_wait3A_589, %dma_wait3A_594] : memref<160x125xi32, #tpu.memory_space<vmem>> -> memref<1x125xi32, #tpu.memory_space<vmem>>
    %dma_wait3A_596 = tpu.memref_squeeze %dma_wait3A_595 : memref<1x125xi32, #tpu.memory_space<vmem>> -> memref<125xi32, #tpu.memory_space<vmem>>
    %dma_wait3A_597 = arith.constant 0 : i32
    %dma_wait3A_598 = arith.constant 0 : i32
    %dma_wait3A_599 = tpu.memref_slice %arg10[%dma_wait3A_597, %dma_wait3A_598] : memref<10000x64xf32, #tpu.memory_space<vmem_shared>> -> memref<10000x64xf32, #tpu.memory_space<vmem_shared>>
    tpu.wait_indirect_dma semaphore(%arg22 : memref<!tpu.dma_semaphore, #tpu.memory_space<semaphore_mem>>) src(%dma_wait3A_593 : memref<125x64xf32, #tpu.memory_space<vmem>>) dst(%dma_wait3A_599 : memref<10000x64xf32, #tpu.memory_space<vmem_shared>>)
    %barrier3A_600 = arith.constant 0 : index
    tpu.barrier barrier_id(%barrier3A_600)
    %mul3A_601 = arith.constant 624 : i32
    %mul3A_602 = arith.muli %arg1, %mul3A_601 : i32
    %mul3A_603 = arith.constant 624 : i32
    %mul3A_604 = arith.muli %arg1, %mul3A_603 : i32
    "tpu.region"() ({
      %run_scoped3A = tpu.sem_alloc : memref<!tpu.dma_semaphore, #tpu.memory_space<semaphore_mem>>
      %dma_start3A_610 = arith.constant 0 : i32
      %dma_start3A_611 = arith.constant 0 : i32
      %dma_start3A_612 = tpu.memref_slice %arg6[%arg0, %dma_start3A_610, %dma_start3A_611] : memref<2x10000x64xf32, #tpu.memory_space<hbm>> -> memref<1x10000x64xf32, #tpu.memory_space<hbm>>
      %dma_start3A_613 = tpu.memref_squeeze %dma_start3A_612 : memref<1x10000x64xf32, #tpu.memory_space<hbm>> -> memref<10000x64xf32, #tpu.memory_space<hbm>>
      %dma_start3A_614 = arith.constant 0 : i32
      %dma_start3A_615 = tpu.memref_slice %dma_start3A_613[%mul3A_604, %dma_start3A_614] : memref<10000x64xf32, #tpu.memory_space<hbm>> -> memref<624x64xf32, #tpu.memory_space<hbm>>
      %dma_start3A_616 = arith.constant 0 : i32
      %dma_start3A_617 = tpu.memref_slice %arg10[%mul3A_602, %dma_start3A_616] : memref<10000x64xf32, #tpu.memory_space<vmem_shared>> -> memref<624x64xf32, #tpu.memory_space<vmem_shared>>
      tpu.enqueue_dma source(%dma_start3A_617 : memref<624x64xf32, #tpu.memory_space<vmem_shared>>) target(%dma_start3A_615 : memref<624x64xf32, #tpu.memory_space<hbm>>) target_semaphore(%run_scoped3A : memref<!tpu.dma_semaphore, #tpu.memory_space<semaphore_mem>>)
      %dma_wait3A_618 = arith.constant 0 : i32
      %dma_wait3A_619 = arith.constant 0 : i32
      %dma_wait3A_620 = tpu.memref_slice %arg6[%arg0, %dma_wait3A_618, %dma_wait3A_619] : memref<2x10000x64xf32, #tpu.memory_space<hbm>> -> memref<1x10000x64xf32, #tpu.memory_space<hbm>>
      %dma_wait3A_621 = tpu.memref_squeeze %dma_wait3A_620 : memref<1x10000x64xf32, #tpu.memory_space<hbm>> -> memref<10000x64xf32, #tpu.memory_space<hbm>>
      %dma_wait3A_622 = arith.constant 0 : i32
      %dma_wait3A_623 = tpu.memref_slice %dma_wait3A_621[%mul3A_604, %dma_wait3A_622] : memref<10000x64xf32, #tpu.memory_space<hbm>> -> memref<624x64xf32, #tpu.memory_space<hbm>>
      %dma_wait3A_624 = arith.constant 0 : i32
      %dma_wait3A_625 = tpu.memref_slice %arg10[%mul3A_602, %dma_wait3A_624] : memref<10000x64xf32, #tpu.memory_space<vmem_shared>> -> memref<624x64xf32, #tpu.memory_space<vmem_shared>>
      tpu.wait_dma2 semaphore(%run_scoped3A : memref<!tpu.dma_semaphore, #tpu.memory_space<semaphore_mem>>) src(%dma_wait3A_625 : memref<624x64xf32, #tpu.memory_space<vmem_shared>>) dst(%dma_wait3A_623 : memref<624x64xf32, #tpu.memory_space<hbm>>)
      tpu.yield
    }) : () -> ()
    %eq3A_605 = arith.constant 15 : i32
    %eq3A_606 = arith.cmpi eq, %arg1, %eq3A_605 : i32
    %convert_element_type3A_607 = arith.extui %eq3A_606 : i1 to i32
    %cond3A_608 = arith.constant 0 : i32
    %cond3A_609 = arith.cmpi ne, %convert_element_type3A_607, %cond3A_608 : i32
    scf.if %cond3A_609 {
      "tpu.region"() ({
        %run_scoped3A = tpu.sem_alloc : memref<!tpu.dma_semaphore, #tpu.memory_space<semaphore_mem>>
        %dma_start3A_610 = arith.constant 0 : i32
        %dma_start3A_611 = arith.constant 0 : i32
        %dma_start3A_612 = tpu.memref_slice %arg6[%arg0, %dma_start3A_610, %dma_start3A_611] : memref<2x10000x64xf32, #tpu.memory_space<hbm>> -> memref<1x10000x64xf32, #tpu.memory_space<hbm>>
        %dma_start3A_613 = tpu.memref_squeeze %dma_start3A_612 : memref<1x10000x64xf32, #tpu.memory_space<hbm>> -> memref<10000x64xf32, #tpu.memory_space<hbm>>
        %dma_start3A_614 = arith.constant 9984 : i32
        %dma_start3A_615 = arith.constant 0 : i32
        %dma_start3A_616 = tpu.memref_slice %dma_start3A_613[%dma_start3A_614, %dma_start3A_615] : memref<10000x64xf32, #tpu.memory_space<hbm>> -> memref<16x64xf32, #tpu.memory_space<hbm>>
        %dma_start3A_617 = arith.constant 9984 : i32
        %dma_start3A_618 = arith.constant 0 : i32
        %dma_start3A_619 = tpu.memref_slice %arg10[%dma_start3A_617, %dma_start3A_618] : memref<10000x64xf32, #tpu.memory_space<vmem_shared>> -> memref<16x64xf32, #tpu.memory_space<vmem_shared>>
        tpu.enqueue_dma source(%dma_start3A_619 : memref<16x64xf32, #tpu.memory_space<vmem_shared>>) target(%dma_start3A_616 : memref<16x64xf32, #tpu.memory_space<hbm>>) target_semaphore(%run_scoped3A : memref<!tpu.dma_semaphore, #tpu.memory_space<semaphore_mem>>)
        %dma_wait3A_620 = arith.constant 0 : i32
        %dma_wait3A_621 = arith.constant 0 : i32
        %dma_wait3A_622 = tpu.memref_slice %arg6[%arg0, %dma_wait3A_620, %dma_wait3A_621] : memref<2x10000x64xf32, #tpu.memory_space<hbm>> -> memref<1x10000x64xf32, #tpu.memory_space<hbm>>
        %dma_wait3A_623 = tpu.memref_squeeze %dma_wait3A_622 : memref<1x10000x64xf32, #tpu.memory_space<hbm>> -> memref<10000x64xf32, #tpu.memory_space<hbm>>
        %dma_wait3A_624 = arith.constant 9984 : i32
        %dma_wait3A_625 = arith.constant 0 : i32
        %dma_wait3A_626 = tpu.memref_slice %dma_wait3A_623[%dma_wait3A_624, %dma_wait3A_625] : memref<10000x64xf32, #tpu.memory_space<hbm>> -> memref<16x64xf32, #tpu.memory_space<hbm>>
        %dma_wait3A_627 = arith.constant 9984 : i32
        %dma_wait3A_628 = arith.constant 0 : i32
        %dma_wait3A_629 = tpu.memref_slice %arg10[%dma_wait3A_627, %dma_wait3A_628] : memref<10000x64xf32, #tpu.memory_space<vmem_shared>> -> memref<16x64xf32, #tpu.memory_space<vmem_shared>>
        tpu.wait_dma2 semaphore(%run_scoped3A : memref<!tpu.dma_semaphore, #tpu.memory_space<semaphore_mem>>) src(%dma_wait3A_629 : memref<16x64xf32, #tpu.memory_space<vmem_shared>>) dst(%dma_wait3A_626 : memref<16x64xf32, #tpu.memory_space<hbm>>)
        tpu.yield
      }) : () -> ()
    } else {
    }
    return
  }
}

#map = affine_map<(d0, d1) -> (0, 0, 0)>
#map1 = affine_map<(d0, d1) -> (0, 0)>
module attributes {stable_mosaic.version = 14 : i64} {
  func.func @segsum(%arg0: i32, %arg1: i32, %arg2: memref<2x10000x64xf32, #tpu.memory_space<hbm>>, %arg3: memref<2560x125xi32, #tpu.memory_space<hbm>>, %arg4: memref<2560x125xi32, #tpu.memory_space<hbm>>, %arg5: memref<624x64xf32, #tpu.memory_space<hbm>>, %arg6: memref<2x10000x64xf32, #tpu.memory_space<hbm>>, %arg7: memref<160x125xi32, #tpu.memory_space<vmem>>, %arg8: memref<160x125xi32, #tpu.memory_space<vmem>>, %arg9: memref<6x125x64xf32, #tpu.memory_space<vmem>>, %arg10: memref<10000x64xf32, #tpu.memory_space<vmem_shared>>, %arg11: memref<!tpu.dma_semaphore, #tpu.memory_space<semaphore_mem>>, %arg12: memref<!tpu.dma_semaphore, #tpu.memory_space<semaphore_mem>>, %arg13: memref<!tpu.dma_semaphore, #tpu.memory_space<semaphore_mem>>, %arg14: memref<!tpu.dma_semaphore, #tpu.memory_space<semaphore_mem>>, %arg15: memref<!tpu.dma_semaphore, #tpu.memory_space<semaphore_mem>>, %arg16: memref<!tpu.dma_semaphore, #tpu.memory_space<semaphore_mem>>, %arg17: memref<!tpu.dma_semaphore, #tpu.memory_space<semaphore_mem>>, %arg18: memref<!tpu.dma_semaphore, #tpu.memory_space<semaphore_mem>>, %arg19: memref<!tpu.dma_semaphore, #tpu.memory_space<semaphore_mem>>, %arg20: memref<!tpu.dma_semaphore, #tpu.memory_space<semaphore_mem>>, %arg21: memref<!tpu.dma_semaphore, #tpu.memory_space<semaphore_mem>>, %arg22: memref<!tpu.dma_semaphore, #tpu.memory_space<semaphore_mem>>, %arg23: memref<!tpu.dma_semaphore, #tpu.memory_space<semaphore_mem>>, %arg24: memref<!tpu.dma_semaphore, #tpu.memory_space<semaphore_mem>>, %arg25: memref<!tpu.dma_semaphore, #tpu.memory_space<semaphore_mem>>) attributes {dimension_semantics = [#tpu.dimension_semantics<core_parallel>, #tpu.dimension_semantics<subcore_parallel>], iteration_bounds = array<i64: 2, 16>, scalar_prefetch = 0 : i64, scratch_operands = 19 : i64, tpu.core_type = #tpu.core_type<sc_vector_subcore>, window_params = [{transform_indices = #map}, {transform_indices = #map1}, {transform_indices = #map1}, {transform_indices = #map1}, {transform_indices = #map}]} {
    %mul3A = arith.constant 624 : i32
    %mul3A_0 = arith.muli %arg1, %mul3A : i32
    %dma_start3A = arith.constant 0 : i32
    %dma_start3A_1 = tpu.memref_slice %arg10[%mul3A_0, %dma_start3A] : memref<10000x64xf32, #tpu.memory_space<vmem_shared>> -> memref<624x64xf32, #tpu.memory_space<vmem_shared>>
    tpu.enqueue_dma source(%arg5 : memref<624x64xf32, #tpu.memory_space<hbm>>) target(%dma_start3A_1 : memref<624x64xf32, #tpu.memory_space<vmem_shared>>) target_semaphore(%arg23 : memref<!tpu.dma_semaphore, #tpu.memory_space<semaphore_mem>>)
    %eq3A = arith.constant 15 : i32
    %eq3A_2 = arith.cmpi eq, %arg1, %eq3A : i32
    %convert_element_type3A = arith.extui %eq3A_2 : i1 to i32
    %cond3A = arith.constant 0 : i32
    %cond3A_3 = arith.cmpi ne, %convert_element_type3A, %cond3A : i32
    scf.if %cond3A_3 {
      %dma_start3A_610 = arith.constant 9984 : i32
      %dma_start3A_611 = arith.constant 0 : i32
      %dma_start3A_612 = tpu.memref_slice %arg10[%dma_start3A_610, %dma_start3A_611] : memref<10000x64xf32, #tpu.memory_space<vmem_shared>> -> memref<16x64xf32, #tpu.memory_space<vmem_shared>>
      %dma_start3A_613 = arith.constant 0 : i32
      %dma_start3A_614 = arith.constant 0 : i32
      %dma_start3A_615 = tpu.memref_slice %arg5[%dma_start3A_613, %dma_start3A_614] : memref<624x64xf32, #tpu.memory_space<hbm>> -> memref<16x64xf32, #tpu.memory_space<hbm>>
      tpu.enqueue_dma source(%dma_start3A_615 : memref<16x64xf32, #tpu.memory_space<hbm>>) target(%dma_start3A_612 : memref<16x64xf32, #tpu.memory_space<vmem_shared>>) target_semaphore(%arg23 : memref<!tpu.dma_semaphore, #tpu.memory_space<semaphore_mem>>)
    } else {
    }
    %mul3A_4 = arith.constant 160 : i32
    %mul3A_5 = arith.muli %arg1, %mul3A_4 : i32
    %dma_start3A_6 = arith.constant 0 : i32
    %dma_start3A_7 = tpu.memref_slice %arg3[%mul3A_5, %dma_start3A_6] : memref<2560x125xi32, #tpu.memory_space<hbm>> -> memref<160x125xi32, #tpu.memory_space<hbm>>
    %dma_start3A_8 = arith.constant 0 : i32
    %dma_start3A_9 = tpu.memref_slice %arg3[%mul3A_5, %dma_start3A_8] : memref<2560x125xi32, #tpu.memory_space<hbm>> -> memref<160x125xi32, #tpu.memory_space<hbm>>
    tpu.enqueue_dma source(%dma_start3A_9 : memref<160x125xi32, #tpu.memory_space<hbm>>) target(%arg7 : memref<160x125xi32, #tpu.memory_space<vmem>>) target_semaphore(%arg24 : memref<!tpu.dma_semaphore, #tpu.memory_space<semaphore_mem>>)
    %mul3A_10 = arith.constant 160 : i32
    %mul3A_11 = arith.muli %arg1, %mul3A_10 : i32
    %dma_start3A_12 = arith.constant 0 : i32
    %dma_start3A_13 = tpu.memref_slice %arg4[%mul3A_11, %dma_start3A_12] : memref<2560x125xi32, #tpu.memory_space<hbm>> -> memref<160x125xi32, #tpu.memory_space<hbm>>
    %dma_start3A_14 = arith.constant 0 : i32
    %dma_start3A_15 = tpu.memref_slice %arg4[%mul3A_11, %dma_start3A_14] : memref<2560x125xi32, #tpu.memory_space<hbm>> -> memref<160x125xi32, #tpu.memory_space<hbm>>
    tpu.enqueue_dma source(%dma_start3A_15 : memref<160x125xi32, #tpu.memory_space<hbm>>) target(%arg8 : memref<160x125xi32, #tpu.memory_space<vmem>>) target_semaphore(%arg25 : memref<!tpu.dma_semaphore, #tpu.memory_space<semaphore_mem>>)
    %mul3A_16 = arith.constant 160 : i32
    %mul3A_17 = arith.muli %arg1, %mul3A_16 : i32
    %dma_wait3A = arith.constant 0 : i32
    %dma_wait3A_18 = tpu.memref_slice %arg3[%mul3A_17, %dma_wait3A] : memref<2560x125xi32, #tpu.memory_space<hbm>> -> memref<160x125xi32, #tpu.memory_space<hbm>>
    %dma_wait3A_19 = arith.constant 0 : i32
    %dma_wait3A_20 = tpu.memref_slice %arg3[%mul3A_17, %dma_wait3A_19] : memref<2560x125xi32, #tpu.memory_space<hbm>> -> memref<160x125xi32, #tpu.memory_space<hbm>>
    tpu.wait_dma2 semaphore(%arg24 : memref<!tpu.dma_semaphore, #tpu.memory_space<semaphore_mem>>) src(%dma_wait3A_20 : memref<160x125xi32, #tpu.memory_space<hbm>>) dst(%arg7 : memref<160x125xi32, #tpu.memory_space<vmem>>)
    %mul3A_21 = arith.constant 160 : i32
    %mul3A_22 = arith.muli %arg1, %mul3A_21 : i32
    %dma_wait3A_23 = arith.constant 0 : i32
    %dma_wait3A_24 = tpu.memref_slice %arg4[%mul3A_22, %dma_wait3A_23] : memref<2560x125xi32, #tpu.memory_space<hbm>> -> memref<160x125xi32, #tpu.memory_space<hbm>>
    %dma_wait3A_25 = arith.constant 0 : i32
    %dma_wait3A_26 = tpu.memref_slice %arg4[%mul3A_22, %dma_wait3A_25] : memref<2560x125xi32, #tpu.memory_space<hbm>> -> memref<160x125xi32, #tpu.memory_space<hbm>>
    tpu.wait_dma2 semaphore(%arg25 : memref<!tpu.dma_semaphore, #tpu.memory_space<semaphore_mem>>) src(%dma_wait3A_26 : memref<160x125xi32, #tpu.memory_space<hbm>>) dst(%arg8 : memref<160x125xi32, #tpu.memory_space<vmem>>)
    %dma_start3A_27 = arith.constant 0 : i32
    %dma_start3A_28 = arith.constant 0 : i32
    %dma_start3A_29 = arith.constant 0 : i32
    %dma_start3A_30 = arith.constant 0 : i32
    %dma_start3A_31 = tpu.memref_slice %arg9[%dma_start3A_28, %dma_start3A_29, %dma_start3A_30] : memref<6x125x64xf32, #tpu.memory_space<vmem>> -> memref<1x125x64xf32, #tpu.memory_space<vmem>>
    %dma_start3A_32 = tpu.memref_squeeze %dma_start3A_31 : memref<1x125x64xf32, #tpu.memory_space<vmem>> -> memref<125x64xf32, #tpu.memory_space<vmem>>
    %dma_start3A_33 = arith.constant 0 : i32
    %dma_start3A_34 = tpu.memref_slice %arg7[%dma_start3A_27, %dma_start3A_33] : memref<160x125xi32, #tpu.memory_space<vmem>> -> memref<1x125xi32, #tpu.memory_space<vmem>>
    %dma_start3A_35 = tpu.memref_squeeze %dma_start3A_34 : memref<1x125xi32, #tpu.memory_space<vmem>> -> memref<125xi32, #tpu.memory_space<vmem>>
    %dma_start3A_36 = arith.constant 0 : i32
    %dma_start3A_37 = arith.constant 0 : i32
    %dma_start3A_38 = tpu.memref_slice %arg2[%arg0, %dma_start3A_36, %dma_start3A_37] : memref<2x10000x64xf32, #tpu.memory_space<hbm>> -> memref<1x10000x64xf32, #tpu.memory_space<hbm>>
    %dma_start3A_39 = tpu.memref_squeeze %dma_start3A_38 : memref<1x10000x64xf32, #tpu.memory_space<hbm>> -> memref<10000x64xf32, #tpu.memory_space<hbm>>
    %dma_start3A_40 = arith.constant 0 : i32
    %dma_start3A_41 = arith.constant 0 : i32
    %dma_start3A_42 = tpu.memref_slice %dma_start3A_39[%dma_start3A_40, %dma_start3A_41] : memref<10000x64xf32, #tpu.memory_space<hbm>> -> memref<10000x64xf32, #tpu.memory_space<hbm>>
    tpu.enqueue_indirect_dma source(%dma_start3A_42 : memref<10000x64xf32, #tpu.memory_space<hbm>>) target(%dma_start3A_32 : memref<125x64xf32, #tpu.memory_space<vmem>>) offsets(%dma_start3A_35 : memref<125xi32, #tpu.memory_space<vmem>>) semaphore(%arg11 : memref<!tpu.dma_semaphore, #tpu.memory_space<semaphore_mem>>)
    %dma_start3A_43 = arith.constant 1 : i32
    %dma_start3A_44 = arith.constant 1 : i32
    %dma_start3A_45 = arith.constant 0 : i32
    %dma_start3A_46 = arith.constant 0 : i32
    %dma_start3A_47 = tpu.memref_slice %arg9[%dma_start3A_44, %dma_start3A_45, %dma_start3A_46] : memref<6x125x64xf32, #tpu.memory_space<vmem>> -> memref<1x125x64xf32, #tpu.memory_space<vmem>>
    %dma_start3A_48 = tpu.memref_squeeze %dma_start3A_47 : memref<1x125x64xf32, #tpu.memory_space<vmem>> -> memref<125x64xf32, #tpu.memory_space<vmem>>
    %dma_start3A_49 = arith.constant 0 : i32
    %dma_start3A_50 = tpu.memref_slice %arg7[%dma_start3A_43, %dma_start3A_49] : memref<160x125xi32, #tpu.memory_space<vmem>> -> memref<1x125xi32, #tpu.memory_space<vmem>>
    %dma_start3A_51 = tpu.memref_squeeze %dma_start3A_50 : memref<1x125xi32, #tpu.memory_space<vmem>> -> memref<125xi32, #tpu.memory_space<vmem>>
    %dma_start3A_52 = arith.constant 0 : i32
    %dma_start3A_53 = arith.constant 0 : i32
    %dma_start3A_54 = tpu.memref_slice %arg2[%arg0, %dma_start3A_52, %dma_start3A_53] : memref<2x10000x64xf32, #tpu.memory_space<hbm>> -> memref<1x10000x64xf32, #tpu.memory_space<hbm>>
    %dma_start3A_55 = tpu.memref_squeeze %dma_start3A_54 : memref<1x10000x64xf32, #tpu.memory_space<hbm>> -> memref<10000x64xf32, #tpu.memory_space<hbm>>
    %dma_start3A_56 = arith.constant 0 : i32
    %dma_start3A_57 = arith.constant 0 : i32
    %dma_start3A_58 = tpu.memref_slice %dma_start3A_55[%dma_start3A_56, %dma_start3A_57] : memref<10000x64xf32, #tpu.memory_space<hbm>> -> memref<10000x64xf32, #tpu.memory_space<hbm>>
    tpu.enqueue_indirect_dma source(%dma_start3A_58 : memref<10000x64xf32, #tpu.memory_space<hbm>>) target(%dma_start3A_48 : memref<125x64xf32, #tpu.memory_space<vmem>>) offsets(%dma_start3A_51 : memref<125xi32, #tpu.memory_space<vmem>>) semaphore(%arg12 : memref<!tpu.dma_semaphore, #tpu.memory_space<semaphore_mem>>)
    %dma_start3A_59 = arith.constant 2 : i32
    %dma_start3A_60 = arith.constant 2 : i32
    %dma_start3A_61 = arith.constant 0 : i32
    %dma_start3A_62 = arith.constant 0 : i32
    %dma_start3A_63 = tpu.memref_slice %arg9[%dma_start3A_60, %dma_start3A_61, %dma_start3A_62] : memref<6x125x64xf32, #tpu.memory_space<vmem>> -> memref<1x125x64xf32, #tpu.memory_space<vmem>>
    %dma_start3A_64 = tpu.memref_squeeze %dma_start3A_63 : memref<1x125x64xf32, #tpu.memory_space<vmem>> -> memref<125x64xf32, #tpu.memory_space<vmem>>
    %dma_start3A_65 = arith.constant 0 : i32
    %dma_start3A_66 = tpu.memref_slice %arg7[%dma_start3A_59, %dma_start3A_65] : memref<160x125xi32, #tpu.memory_space<vmem>> -> memref<1x125xi32, #tpu.memory_space<vmem>>
    %dma_start3A_67 = tpu.memref_squeeze %dma_start3A_66 : memref<1x125xi32, #tpu.memory_space<vmem>> -> memref<125xi32, #tpu.memory_space<vmem>>
    %dma_start3A_68 = arith.constant 0 : i32
    %dma_start3A_69 = arith.constant 0 : i32
    %dma_start3A_70 = tpu.memref_slice %arg2[%arg0, %dma_start3A_68, %dma_start3A_69] : memref<2x10000x64xf32, #tpu.memory_space<hbm>> -> memref<1x10000x64xf32, #tpu.memory_space<hbm>>
    %dma_start3A_71 = tpu.memref_squeeze %dma_start3A_70 : memref<1x10000x64xf32, #tpu.memory_space<hbm>> -> memref<10000x64xf32, #tpu.memory_space<hbm>>
    %dma_start3A_72 = arith.constant 0 : i32
    %dma_start3A_73 = arith.constant 0 : i32
    %dma_start3A_74 = tpu.memref_slice %dma_start3A_71[%dma_start3A_72, %dma_start3A_73] : memref<10000x64xf32, #tpu.memory_space<hbm>> -> memref<10000x64xf32, #tpu.memory_space<hbm>>
    tpu.enqueue_indirect_dma source(%dma_start3A_74 : memref<10000x64xf32, #tpu.memory_space<hbm>>) target(%dma_start3A_64 : memref<125x64xf32, #tpu.memory_space<vmem>>) offsets(%dma_start3A_67 : memref<125xi32, #tpu.memory_space<vmem>>) semaphore(%arg13 : memref<!tpu.dma_semaphore, #tpu.memory_space<semaphore_mem>>)
    %dma_start3A_75 = arith.constant 3 : i32
    %dma_start3A_76 = arith.constant 3 : i32
    %dma_start3A_77 = arith.constant 0 : i32
    %dma_start3A_78 = arith.constant 0 : i32
    %dma_start3A_79 = tpu.memref_slice %arg9[%dma_start3A_76, %dma_start3A_77, %dma_start3A_78] : memref<6x125x64xf32, #tpu.memory_space<vmem>> -> memref<1x125x64xf32, #tpu.memory_space<vmem>>
    %dma_start3A_80 = tpu.memref_squeeze %dma_start3A_79 : memref<1x125x64xf32, #tpu.memory_space<vmem>> -> memref<125x64xf32, #tpu.memory_space<vmem>>
    %dma_start3A_81 = arith.constant 0 : i32
    %dma_start3A_82 = tpu.memref_slice %arg7[%dma_start3A_75, %dma_start3A_81] : memref<160x125xi32, #tpu.memory_space<vmem>> -> memref<1x125xi32, #tpu.memory_space<vmem>>
    %dma_start3A_83 = tpu.memref_squeeze %dma_start3A_82 : memref<1x125xi32, #tpu.memory_space<vmem>> -> memref<125xi32, #tpu.memory_space<vmem>>
    %dma_start3A_84 = arith.constant 0 : i32
    %dma_start3A_85 = arith.constant 0 : i32
    %dma_start3A_86 = tpu.memref_slice %arg2[%arg0, %dma_start3A_84, %dma_start3A_85] : memref<2x10000x64xf32, #tpu.memory_space<hbm>> -> memref<1x10000x64xf32, #tpu.memory_space<hbm>>
    %dma_start3A_87 = tpu.memref_squeeze %dma_start3A_86 : memref<1x10000x64xf32, #tpu.memory_space<hbm>> -> memref<10000x64xf32, #tpu.memory_space<hbm>>
    %dma_start3A_88 = arith.constant 0 : i32
    %dma_start3A_89 = arith.constant 0 : i32
    %dma_start3A_90 = tpu.memref_slice %dma_start3A_87[%dma_start3A_88, %dma_start3A_89] : memref<10000x64xf32, #tpu.memory_space<hbm>> -> memref<10000x64xf32, #tpu.memory_space<hbm>>
    tpu.enqueue_indirect_dma source(%dma_start3A_90 : memref<10000x64xf32, #tpu.memory_space<hbm>>) target(%dma_start3A_80 : memref<125x64xf32, #tpu.memory_space<vmem>>) offsets(%dma_start3A_83 : memref<125xi32, #tpu.memory_space<vmem>>) semaphore(%arg14 : memref<!tpu.dma_semaphore, #tpu.memory_space<semaphore_mem>>)
    %dma_start3A_91 = arith.constant 4 : i32
    %dma_start3A_92 = arith.constant 4 : i32
    %dma_start3A_93 = arith.constant 0 : i32
    %dma_start3A_94 = arith.constant 0 : i32
    %dma_start3A_95 = tpu.memref_slice %arg9[%dma_start3A_92, %dma_start3A_93, %dma_start3A_94] : memref<6x125x64xf32, #tpu.memory_space<vmem>> -> memref<1x125x64xf32, #tpu.memory_space<vmem>>
    %dma_start3A_96 = tpu.memref_squeeze %dma_start3A_95 : memref<1x125x64xf32, #tpu.memory_space<vmem>> -> memref<125x64xf32, #tpu.memory_space<vmem>>
    %dma_start3A_97 = arith.constant 0 : i32
    %dma_start3A_98 = tpu.memref_slice %arg7[%dma_start3A_91, %dma_start3A_97] : memref<160x125xi32, #tpu.memory_space<vmem>> -> memref<1x125xi32, #tpu.memory_space<vmem>>
    %dma_start3A_99 = tpu.memref_squeeze %dma_start3A_98 : memref<1x125xi32, #tpu.memory_space<vmem>> -> memref<125xi32, #tpu.memory_space<vmem>>
    %dma_start3A_100 = arith.constant 0 : i32
    %dma_start3A_101 = arith.constant 0 : i32
    %dma_start3A_102 = tpu.memref_slice %arg2[%arg0, %dma_start3A_100, %dma_start3A_101] : memref<2x10000x64xf32, #tpu.memory_space<hbm>> -> memref<1x10000x64xf32, #tpu.memory_space<hbm>>
    %dma_start3A_103 = tpu.memref_squeeze %dma_start3A_102 : memref<1x10000x64xf32, #tpu.memory_space<hbm>> -> memref<10000x64xf32, #tpu.memory_space<hbm>>
    %dma_start3A_104 = arith.constant 0 : i32
    %dma_start3A_105 = arith.constant 0 : i32
    %dma_start3A_106 = tpu.memref_slice %dma_start3A_103[%dma_start3A_104, %dma_start3A_105] : memref<10000x64xf32, #tpu.memory_space<hbm>> -> memref<10000x64xf32, #tpu.memory_space<hbm>>
    tpu.enqueue_indirect_dma source(%dma_start3A_106 : memref<10000x64xf32, #tpu.memory_space<hbm>>) target(%dma_start3A_96 : memref<125x64xf32, #tpu.memory_space<vmem>>) offsets(%dma_start3A_99 : memref<125xi32, #tpu.memory_space<vmem>>) semaphore(%arg15 : memref<!tpu.dma_semaphore, #tpu.memory_space<semaphore_mem>>)
    %dma_start3A_107 = arith.constant 5 : i32
    %dma_start3A_108 = arith.constant 5 : i32
    %dma_start3A_109 = arith.constant 0 : i32
    %dma_start3A_110 = arith.constant 0 : i32
    %dma_start3A_111 = tpu.memref_slice %arg9[%dma_start3A_108, %dma_start3A_109, %dma_start3A_110] : memref<6x125x64xf32, #tpu.memory_space<vmem>> -> memref<1x125x64xf32, #tpu.memory_space<vmem>>
    %dma_start3A_112 = tpu.memref_squeeze %dma_start3A_111 : memref<1x125x64xf32, #tpu.memory_space<vmem>> -> memref<125x64xf32, #tpu.memory_space<vmem>>
    %dma_start3A_113 = arith.constant 0 : i32
    %dma_start3A_114 = tpu.memref_slice %arg7[%dma_start3A_107, %dma_start3A_113] : memref<160x125xi32, #tpu.memory_space<vmem>> -> memref<1x125xi32, #tpu.memory_space<vmem>>
    %dma_start3A_115 = tpu.memref_squeeze %dma_start3A_114 : memref<1x125xi32, #tpu.memory_space<vmem>> -> memref<125xi32, #tpu.memory_space<vmem>>
    %dma_start3A_116 = arith.constant 0 : i32
    %dma_start3A_117 = arith.constant 0 : i32
    %dma_start3A_118 = tpu.memref_slice %arg2[%arg0, %dma_start3A_116, %dma_start3A_117] : memref<2x10000x64xf32, #tpu.memory_space<hbm>> -> memref<1x10000x64xf32, #tpu.memory_space<hbm>>
    %dma_start3A_119 = tpu.memref_squeeze %dma_start3A_118 : memref<1x10000x64xf32, #tpu.memory_space<hbm>> -> memref<10000x64xf32, #tpu.memory_space<hbm>>
    %dma_start3A_120 = arith.constant 0 : i32
    %dma_start3A_121 = arith.constant 0 : i32
    %dma_start3A_122 = tpu.memref_slice %dma_start3A_119[%dma_start3A_120, %dma_start3A_121] : memref<10000x64xf32, #tpu.memory_space<hbm>> -> memref<10000x64xf32, #tpu.memory_space<hbm>>
    tpu.enqueue_indirect_dma source(%dma_start3A_122 : memref<10000x64xf32, #tpu.memory_space<hbm>>) target(%dma_start3A_112 : memref<125x64xf32, #tpu.memory_space<vmem>>) offsets(%dma_start3A_115 : memref<125xi32, #tpu.memory_space<vmem>>) semaphore(%arg16 : memref<!tpu.dma_semaphore, #tpu.memory_space<semaphore_mem>>)
    %mul3A_123 = arith.constant 624 : i32
    %mul3A_124 = arith.muli %arg1, %mul3A_123 : i32
    %dma_wait3A_125 = arith.constant 0 : i32
    %dma_wait3A_126 = tpu.memref_slice %arg10[%mul3A_124, %dma_wait3A_125] : memref<10000x64xf32, #tpu.memory_space<vmem_shared>> -> memref<624x64xf32, #tpu.memory_space<vmem_shared>>
    tpu.wait_dma2 semaphore(%arg23 : memref<!tpu.dma_semaphore, #tpu.memory_space<semaphore_mem>>) src(%arg5 : memref<624x64xf32, #tpu.memory_space<hbm>>) dst(%dma_wait3A_126 : memref<624x64xf32, #tpu.memory_space<vmem_shared>>)
    %eq3A_127 = arith.constant 15 : i32
    %eq3A_128 = arith.cmpi eq, %arg1, %eq3A_127 : i32
    %convert_element_type3A_129 = arith.extui %eq3A_128 : i1 to i32
    %cond3A_130 = arith.constant 0 : i32
    %cond3A_131 = arith.cmpi ne, %convert_element_type3A_129, %cond3A_130 : i32
    scf.if %cond3A_131 {
      %dma_wait3A_610 = arith.constant 9984 : i32
      %dma_wait3A_611 = arith.constant 0 : i32
      %dma_wait3A_612 = tpu.memref_slice %arg10[%dma_wait3A_610, %dma_wait3A_611] : memref<10000x64xf32, #tpu.memory_space<vmem_shared>> -> memref<16x64xf32, #tpu.memory_space<vmem_shared>>
      %dma_wait3A_613 = arith.constant 0 : i32
      %dma_wait3A_614 = arith.constant 0 : i32
      %dma_wait3A_615 = tpu.memref_slice %arg5[%dma_wait3A_613, %dma_wait3A_614] : memref<624x64xf32, #tpu.memory_space<hbm>> -> memref<16x64xf32, #tpu.memory_space<hbm>>
      tpu.wait_dma2 semaphore(%arg23 : memref<!tpu.dma_semaphore, #tpu.memory_space<semaphore_mem>>) src(%dma_wait3A_615 : memref<16x64xf32, #tpu.memory_space<hbm>>) dst(%dma_wait3A_612 : memref<16x64xf32, #tpu.memory_space<vmem_shared>>)
    } else {
    }
    %barrier3A = arith.constant 0 : index
    tpu.barrier barrier_id(%barrier3A)
    %dma_wait3A_132 = arith.constant 0 : i32
    %dma_wait3A_133 = arith.constant 0 : i32
    %dma_wait3A_134 = arith.constant 0 : i32
    %dma_wait3A_135 = arith.constant 0 : i32
    %dma_wait3A_136 = tpu.memref_slice %arg9[%dma_wait3A_133, %dma_wait3A_134, %dma_wait3A_135] : memref<6x125x64xf32, #tpu.memory_space<vmem>> -> memref<1x125x64xf32, #tpu.memory_space<vmem>>
    %dma_wait3A_137 = tpu.memref_squeeze %dma_wait3A_136 : memref<1x125x64xf32, #tpu.memory_space<vmem>> -> memref<125x64xf32, #tpu.memory_space<vmem>>
    %dma_wait3A_138 = arith.constant 0 : i32
    %dma_wait3A_139 = tpu.memref_slice %arg7[%dma_wait3A_132, %dma_wait3A_138] : memref<160x125xi32, #tpu.memory_space<vmem>> -> memref<1x125xi32, #tpu.memory_space<vmem>>
    %dma_wait3A_140 = tpu.memref_squeeze %dma_wait3A_139 : memref<1x125xi32, #tpu.memory_space<vmem>> -> memref<125xi32, #tpu.memory_space<vmem>>
    %dma_wait3A_141 = arith.constant 0 : i32
    %dma_wait3A_142 = arith.constant 0 : i32
    %dma_wait3A_143 = tpu.memref_slice %arg2[%arg0, %dma_wait3A_141, %dma_wait3A_142] : memref<2x10000x64xf32, #tpu.memory_space<hbm>> -> memref<1x10000x64xf32, #tpu.memory_space<hbm>>
    %dma_wait3A_144 = tpu.memref_squeeze %dma_wait3A_143 : memref<1x10000x64xf32, #tpu.memory_space<hbm>> -> memref<10000x64xf32, #tpu.memory_space<hbm>>
    %dma_wait3A_145 = arith.constant 0 : i32
    %dma_wait3A_146 = arith.constant 0 : i32
    %dma_wait3A_147 = tpu.memref_slice %dma_wait3A_144[%dma_wait3A_145, %dma_wait3A_146] : memref<10000x64xf32, #tpu.memory_space<hbm>> -> memref<10000x64xf32, #tpu.memory_space<hbm>>
    tpu.wait_indirect_dma semaphore(%arg11 : memref<!tpu.dma_semaphore, #tpu.memory_space<semaphore_mem>>) src(%dma_wait3A_147 : memref<10000x64xf32, #tpu.memory_space<hbm>>) dst(%dma_wait3A_137 : memref<125x64xf32, #tpu.memory_space<vmem>>)
    %dma_start3A_148 = arith.constant 0 : i32
    %dma_start3A_149 = arith.constant 0 : i32
    %dma_start3A_150 = arith.constant 0 : i32
    %dma_start3A_151 = arith.constant 0 : i32
    %dma_start3A_152 = tpu.memref_slice %arg9[%dma_start3A_148, %dma_start3A_150, %dma_start3A_151] : memref<6x125x64xf32, #tpu.memory_space<vmem>> -> memref<1x125x64xf32, #tpu.memory_space<vmem>>
    %dma_start3A_153 = tpu.memref_squeeze %dma_start3A_152 : memref<1x125x64xf32, #tpu.memory_space<vmem>> -> memref<125x64xf32, #tpu.memory_space<vmem>>
    %dma_start3A_154 = arith.constant 0 : i32
    %dma_start3A_155 = tpu.memref_slice %arg8[%dma_start3A_149, %dma_start3A_154] : memref<160x125xi32, #tpu.memory_space<vmem>> -> memref<1x125xi32, #tpu.memory_space<vmem>>
    %dma_start3A_156 = tpu.memref_squeeze %dma_start3A_155 : memref<1x125xi32, #tpu.memory_space<vmem>> -> memref<125xi32, #tpu.memory_space<vmem>>
    %dma_start3A_157 = arith.constant 0 : i32
    %dma_start3A_158 = arith.constant 0 : i32
    %dma_start3A_159 = tpu.memref_slice %arg10[%dma_start3A_157, %dma_start3A_158] : memref<10000x64xf32, #tpu.memory_space<vmem_shared>> -> memref<10000x64xf32, #tpu.memory_space<vmem_shared>>
    tpu.enqueue_indirect_dma source(%dma_start3A_153 : memref<125x64xf32, #tpu.memory_space<vmem>>) target(%dma_start3A_159 : memref<10000x64xf32, #tpu.memory_space<vmem_shared>>) offsets(%dma_start3A_156 : memref<125xi32, #tpu.memory_space<vmem>>) semaphore(%arg17 : memref<!tpu.dma_semaphore, #tpu.memory_space<semaphore_mem>>) {add = true}
    %dma_wait3A_160 = arith.constant 0 : i32
    %dma_wait3A_161 = arith.constant 1 : i32
    %dma_wait3A_162 = arith.constant 0 : i32
    %dma_wait3A_163 = arith.constant 0 : i32
    %dma_wait3A_164 = tpu.memref_slice %arg9[%dma_wait3A_161, %dma_wait3A_162, %dma_wait3A_163] : memref<6x125x64xf32, #tpu.memory_space<vmem>> -> memref<1x125x64xf32, #tpu.memory_space<vmem>>
    %dma_wait3A_165 = tpu.memref_squeeze %dma_wait3A_164 : memref<1x125x64xf32, #tpu.memory_space<vmem>> -> memref<125x64xf32, #tpu.memory_space<vmem>>
    %dma_wait3A_166 = arith.constant 0 : i32
    %dma_wait3A_167 = tpu.memref_slice %arg7[%dma_wait3A_160, %dma_wait3A_166] : memref<160x125xi32, #tpu.memory_space<vmem>> -> memref<1x125xi32, #tpu.memory_space<vmem>>
    %dma_wait3A_168 = tpu.memref_squeeze %dma_wait3A_167 : memref<1x125xi32, #tpu.memory_space<vmem>> -> memref<125xi32, #tpu.memory_space<vmem>>
    %dma_wait3A_169 = arith.constant 0 : i32
    %dma_wait3A_170 = arith.constant 0 : i32
    %dma_wait3A_171 = tpu.memref_slice %arg2[%arg0, %dma_wait3A_169, %dma_wait3A_170] : memref<2x10000x64xf32, #tpu.memory_space<hbm>> -> memref<1x10000x64xf32, #tpu.memory_space<hbm>>
    %dma_wait3A_172 = tpu.memref_squeeze %dma_wait3A_171 : memref<1x10000x64xf32, #tpu.memory_space<hbm>> -> memref<10000x64xf32, #tpu.memory_space<hbm>>
    %dma_wait3A_173 = arith.constant 0 : i32
    %dma_wait3A_174 = arith.constant 0 : i32
    %dma_wait3A_175 = tpu.memref_slice %dma_wait3A_172[%dma_wait3A_173, %dma_wait3A_174] : memref<10000x64xf32, #tpu.memory_space<hbm>> -> memref<10000x64xf32, #tpu.memory_space<hbm>>
    tpu.wait_indirect_dma semaphore(%arg12 : memref<!tpu.dma_semaphore, #tpu.memory_space<semaphore_mem>>) src(%dma_wait3A_175 : memref<10000x64xf32, #tpu.memory_space<hbm>>) dst(%dma_wait3A_165 : memref<125x64xf32, #tpu.memory_space<vmem>>)
    %dma_start3A_176 = arith.constant 1 : i32
    %dma_start3A_177 = arith.constant 1 : i32
    %dma_start3A_178 = arith.constant 0 : i32
    %dma_start3A_179 = arith.constant 0 : i32
    %dma_start3A_180 = tpu.memref_slice %arg9[%dma_start3A_176, %dma_start3A_178, %dma_start3A_179] : memref<6x125x64xf32, #tpu.memory_space<vmem>> -> memref<1x125x64xf32, #tpu.memory_space<vmem>>
    %dma_start3A_181 = tpu.memref_squeeze %dma_start3A_180 : memref<1x125x64xf32, #tpu.memory_space<vmem>> -> memref<125x64xf32, #tpu.memory_space<vmem>>
    %dma_start3A_182 = arith.constant 0 : i32
    %dma_start3A_183 = tpu.memref_slice %arg8[%dma_start3A_177, %dma_start3A_182] : memref<160x125xi32, #tpu.memory_space<vmem>> -> memref<1x125xi32, #tpu.memory_space<vmem>>
    %dma_start3A_184 = tpu.memref_squeeze %dma_start3A_183 : memref<1x125xi32, #tpu.memory_space<vmem>> -> memref<125xi32, #tpu.memory_space<vmem>>
    %dma_start3A_185 = arith.constant 0 : i32
    %dma_start3A_186 = arith.constant 0 : i32
    %dma_start3A_187 = tpu.memref_slice %arg10[%dma_start3A_185, %dma_start3A_186] : memref<10000x64xf32, #tpu.memory_space<vmem_shared>> -> memref<10000x64xf32, #tpu.memory_space<vmem_shared>>
    tpu.enqueue_indirect_dma source(%dma_start3A_181 : memref<125x64xf32, #tpu.memory_space<vmem>>) target(%dma_start3A_187 : memref<10000x64xf32, #tpu.memory_space<vmem_shared>>) offsets(%dma_start3A_184 : memref<125xi32, #tpu.memory_space<vmem>>) semaphore(%arg18 : memref<!tpu.dma_semaphore, #tpu.memory_space<semaphore_mem>>) {add = true}
    %dma_wait3A_188 = arith.constant 0 : i32
    %dma_wait3A_189 = arith.constant 2 : i32
    %dma_wait3A_190 = arith.constant 0 : i32
    %dma_wait3A_191 = arith.constant 0 : i32
    %dma_wait3A_192 = tpu.memref_slice %arg9[%dma_wait3A_189, %dma_wait3A_190, %dma_wait3A_191] : memref<6x125x64xf32, #tpu.memory_space<vmem>> -> memref<1x125x64xf32, #tpu.memory_space<vmem>>
    %dma_wait3A_193 = tpu.memref_squeeze %dma_wait3A_192 : memref<1x125x64xf32, #tpu.memory_space<vmem>> -> memref<125x64xf32, #tpu.memory_space<vmem>>
    %dma_wait3A_194 = arith.constant 0 : i32
    %dma_wait3A_195 = tpu.memref_slice %arg7[%dma_wait3A_188, %dma_wait3A_194] : memref<160x125xi32, #tpu.memory_space<vmem>> -> memref<1x125xi32, #tpu.memory_space<vmem>>
    %dma_wait3A_196 = tpu.memref_squeeze %dma_wait3A_195 : memref<1x125xi32, #tpu.memory_space<vmem>> -> memref<125xi32, #tpu.memory_space<vmem>>
    %dma_wait3A_197 = arith.constant 0 : i32
    %dma_wait3A_198 = arith.constant 0 : i32
    %dma_wait3A_199 = tpu.memref_slice %arg2[%arg0, %dma_wait3A_197, %dma_wait3A_198] : memref<2x10000x64xf32, #tpu.memory_space<hbm>> -> memref<1x10000x64xf32, #tpu.memory_space<hbm>>
    %dma_wait3A_200 = tpu.memref_squeeze %dma_wait3A_199 : memref<1x10000x64xf32, #tpu.memory_space<hbm>> -> memref<10000x64xf32, #tpu.memory_space<hbm>>
    %dma_wait3A_201 = arith.constant 0 : i32
    %dma_wait3A_202 = arith.constant 0 : i32
    %dma_wait3A_203 = tpu.memref_slice %dma_wait3A_200[%dma_wait3A_201, %dma_wait3A_202] : memref<10000x64xf32, #tpu.memory_space<hbm>> -> memref<10000x64xf32, #tpu.memory_space<hbm>>
    tpu.wait_indirect_dma semaphore(%arg13 : memref<!tpu.dma_semaphore, #tpu.memory_space<semaphore_mem>>) src(%dma_wait3A_203 : memref<10000x64xf32, #tpu.memory_space<hbm>>) dst(%dma_wait3A_193 : memref<125x64xf32, #tpu.memory_space<vmem>>)
    %dma_start3A_204 = arith.constant 2 : i32
    %dma_start3A_205 = arith.constant 2 : i32
    %dma_start3A_206 = arith.constant 0 : i32
    %dma_start3A_207 = arith.constant 0 : i32
    %dma_start3A_208 = tpu.memref_slice %arg9[%dma_start3A_204, %dma_start3A_206, %dma_start3A_207] : memref<6x125x64xf32, #tpu.memory_space<vmem>> -> memref<1x125x64xf32, #tpu.memory_space<vmem>>
    %dma_start3A_209 = tpu.memref_squeeze %dma_start3A_208 : memref<1x125x64xf32, #tpu.memory_space<vmem>> -> memref<125x64xf32, #tpu.memory_space<vmem>>
    %dma_start3A_210 = arith.constant 0 : i32
    %dma_start3A_211 = tpu.memref_slice %arg8[%dma_start3A_205, %dma_start3A_210] : memref<160x125xi32, #tpu.memory_space<vmem>> -> memref<1x125xi32, #tpu.memory_space<vmem>>
    %dma_start3A_212 = tpu.memref_squeeze %dma_start3A_211 : memref<1x125xi32, #tpu.memory_space<vmem>> -> memref<125xi32, #tpu.memory_space<vmem>>
    %dma_start3A_213 = arith.constant 0 : i32
    %dma_start3A_214 = arith.constant 0 : i32
    %dma_start3A_215 = tpu.memref_slice %arg10[%dma_start3A_213, %dma_start3A_214] : memref<10000x64xf32, #tpu.memory_space<vmem_shared>> -> memref<10000x64xf32, #tpu.memory_space<vmem_shared>>
    tpu.enqueue_indirect_dma source(%dma_start3A_209 : memref<125x64xf32, #tpu.memory_space<vmem>>) target(%dma_start3A_215 : memref<10000x64xf32, #tpu.memory_space<vmem_shared>>) offsets(%dma_start3A_212 : memref<125xi32, #tpu.memory_space<vmem>>) semaphore(%arg19 : memref<!tpu.dma_semaphore, #tpu.memory_space<semaphore_mem>>) {add = true}
    %scan3A = arith.constant 0 : i32
    %scan3A_216 = arith.constant 25 : i32
    %scan3A_217 = arith.addi %scan3A, %scan3A_216 : i32
    %scan3A_218 = arith.constant 1 : i32
    scf.for %scan3A_610 = %scan3A to %scan3A_217 step %scan3A_218  : i32 {
      %mul3A_611 = arith.constant 1 : i32
      %mul3A_612 = arith.muli %scan3A_610, %mul3A_611 : i32
      %add3A = arith.constant 0 : i32
      %add3A_613 = arith.addi %add3A, %mul3A_612 : i32
      %mul3A_614 = arith.constant 6 : i32
      %mul3A_615 = arith.muli %add3A_613, %mul3A_614 : i32
      %add3A_616 = arith.constant 6 : i32
      %add3A_617 = arith.addi %add3A_616, %mul3A_615 : i32
      %add3A_618 = arith.constant 0 : i32
      %add3A_619 = arith.addi %add3A_617, %add3A_618 : i32
      %dma_wait3A_620 = arith.constant 0 : i32
      %dma_wait3A_621 = arith.constant 0 : i32
      %dma_wait3A_622 = arith.constant 0 : i32
      %dma_wait3A_623 = arith.constant 0 : i32
      %dma_wait3A_624 = tpu.memref_slice %arg9[%dma_wait3A_620, %dma_wait3A_622, %dma_wait3A_623] : memref<6x125x64xf32, #tpu.memory_space<vmem>> -> memref<1x125x64xf32, #tpu.memory_space<vmem>>
      %dma_wait3A_625 = tpu.memref_squeeze %dma_wait3A_624 : memref<1x125x64xf32, #tpu.memory_space<vmem>> -> memref<125x64xf32, #tpu.memory_space<vmem>>
      %dma_wait3A_626 = arith.constant 0 : i32
      %dma_wait3A_627 = tpu.memref_slice %arg8[%dma_wait3A_621, %dma_wait3A_626] : memref<160x125xi32, #tpu.memory_space<vmem>> -> memref<1x125xi32, #tpu.memory_space<vmem>>
      %dma_wait3A_628 = tpu.memref_squeeze %dma_wait3A_627 : memref<1x125xi32, #tpu.memory_space<vmem>> -> memref<125xi32, #tpu.memory_space<vmem>>
      %dma_wait3A_629 = arith.constant 0 : i32
      %dma_wait3A_630 = arith.constant 0 : i32
      %dma_wait3A_631 = tpu.memref_slice %arg10[%dma_wait3A_629, %dma_wait3A_630] : memref<10000x64xf32, #tpu.memory_space<vmem_shared>> -> memref<10000x64xf32, #tpu.memory_space<vmem_shared>>
      tpu.wait_indirect_dma semaphore(%arg17 : memref<!tpu.dma_semaphore, #tpu.memory_space<semaphore_mem>>) src(%dma_wait3A_625 : memref<125x64xf32, #tpu.memory_space<vmem>>) dst(%dma_wait3A_631 : memref<10000x64xf32, #tpu.memory_space<vmem_shared>>)
      %dma_start3A_632 = arith.constant 0 : i32
      %dma_start3A_633 = arith.constant 0 : i32
      %dma_start3A_634 = arith.constant 0 : i32
      %dma_start3A_635 = tpu.memref_slice %arg9[%dma_start3A_632, %dma_start3A_633, %dma_start3A_634] : memref<6x125x64xf32, #tpu.memory_space<vmem>> -> memref<1x125x64xf32, #tpu.memory_space<vmem>>
      %dma_start3A_636 = tpu.memref_squeeze %dma_start3A_635 : memref<1x125x64xf32, #tpu.memory_space<vmem>> -> memref<125x64xf32, #tpu.memory_space<vmem>>
      %dma_start3A_637 = arith.constant 0 : i32
      %dma_start3A_638 = tpu.memref_slice %arg7[%add3A_619, %dma_start3A_637] : memref<160x125xi32, #tpu.memory_space<vmem>> -> memref<1x125xi32, #tpu.memory_space<vmem>>
      %dma_start3A_639 = tpu.memref_squeeze %dma_start3A_638 : memref<1x125xi32, #tpu.memory_space<vmem>> -> memref<125xi32, #tpu.memory_space<vmem>>
      %dma_start3A_640 = arith.constant 0 : i32
      %dma_start3A_641 = arith.constant 0 : i32
      %dma_start3A_642 = tpu.memref_slice %arg2[%arg0, %dma_start3A_640, %dma_start3A_641] : memref<2x10000x64xf32, #tpu.memory_space<hbm>> -> memref<1x10000x64xf32, #tpu.memory_space<hbm>>
      %dma_start3A_643 = tpu.memref_squeeze %dma_start3A_642 : memref<1x10000x64xf32, #tpu.memory_space<hbm>> -> memref<10000x64xf32, #tpu.memory_space<hbm>>
      %dma_start3A_644 = arith.constant 0 : i32
      %dma_start3A_645 = arith.constant 0 : i32
      %dma_start3A_646 = tpu.memref_slice %dma_start3A_643[%dma_start3A_644, %dma_start3A_645] : memref<10000x64xf32, #tpu.memory_space<hbm>> -> memref<10000x64xf32, #tpu.memory_space<hbm>>
      tpu.enqueue_indirect_dma source(%dma_start3A_646 : memref<10000x64xf32, #tpu.memory_space<hbm>>) target(%dma_start3A_636 : memref<125x64xf32, #tpu.memory_space<vmem>>) offsets(%dma_start3A_639 : memref<125xi32, #tpu.memory_space<vmem>>) semaphore(%arg11 : memref<!tpu.dma_semaphore, #tpu.memory_space<semaphore_mem>>)
      %dma_wait3A_647 = arith.constant 0 : i32
      %dma_wait3A_648 = arith.constant 3 : i32
      %dma_wait3A_649 = arith.constant 0 : i32
      %dma_wait3A_650 = arith.constant 0 : i32
      %dma_wait3A_651 = tpu.memref_slice %arg9[%dma_wait3A_648, %dma_wait3A_649, %dma_wait3A_650] : memref<6x125x64xf32, #tpu.memory_space<vmem>> -> memref<1x125x64xf32, #tpu.memory_space<vmem>>
      %dma_wait3A_652 = tpu.memref_squeeze %dma_wait3A_651 : memref<1x125x64xf32, #tpu.memory_space<vmem>> -> memref<125x64xf32, #tpu.memory_space<vmem>>
      %dma_wait3A_653 = arith.constant 0 : i32
      %dma_wait3A_654 = tpu.memref_slice %arg7[%dma_wait3A_647, %dma_wait3A_653] : memref<160x125xi32, #tpu.memory_space<vmem>> -> memref<1x125xi32, #tpu.memory_space<vmem>>
      %dma_wait3A_655 = tpu.memref_squeeze %dma_wait3A_654 : memref<1x125xi32, #tpu.memory_space<vmem>> -> memref<125xi32, #tpu.memory_space<vmem>>
      %dma_wait3A_656 = arith.constant 0 : i32
      %dma_wait3A_657 = arith.constant 0 : i32
      %dma_wait3A_658 = tpu.memref_slice %arg2[%arg0, %dma_wait3A_656, %dma_wait3A_657] : memref<2x10000x64xf32, #tpu.memory_space<hbm>> -> memref<1x10000x64xf32, #tpu.memory_space<hbm>>
      %dma_wait3A_659 = tpu.memref_squeeze %dma_wait3A_658 : memref<1x10000x64xf32, #tpu.memory_space<hbm>> -> memref<10000x64xf32, #tpu.memory_space<hbm>>
      %dma_wait3A_660 = arith.constant 0 : i32
      %dma_wait3A_661 = arith.constant 0 : i32
      %dma_wait3A_662 = tpu.memref_slice %dma_wait3A_659[%dma_wait3A_660, %dma_wait3A_661] : memref<10000x64xf32, #tpu.memory_space<hbm>> -> memref<10000x64xf32, #tpu.memory_space<hbm>>
      tpu.wait_indirect_dma semaphore(%arg14 : memref<!tpu.dma_semaphore, #tpu.memory_space<semaphore_mem>>) src(%dma_wait3A_662 : memref<10000x64xf32, #tpu.memory_space<hbm>>) dst(%dma_wait3A_652 : memref<125x64xf32, #tpu.memory_space<vmem>>)
      %sub3A = arith.constant 3 : i32
      %sub3A_663 = arith.subi %add3A_619, %sub3A : i32
      %dma_start3A_664 = arith.constant 3 : i32
      %dma_start3A_665 = arith.constant 0 : i32
      %dma_start3A_666 = arith.constant 0 : i32
      %dma_start3A_667 = tpu.memref_slice %arg9[%dma_start3A_664, %dma_start3A_665, %dma_start3A_666] : memref<6x125x64xf32, #tpu.memory_space<vmem>> -> memref<1x125x64xf32, #tpu.memory_space<vmem>>
      %dma_start3A_668 = tpu.memref_squeeze %dma_start3A_667 : memref<1x125x64xf32, #tpu.memory_space<vmem>> -> memref<125x64xf32, #tpu.memory_space<vmem>>
      %dma_start3A_669 = arith.constant 0 : i32
      %dma_start3A_670 = tpu.memref_slice %arg8[%sub3A_663, %dma_start3A_669] : memref<160x125xi32, #tpu.memory_space<vmem>> -> memref<1x125xi32, #tpu.memory_space<vmem>>
      %dma_start3A_671 = tpu.memref_squeeze %dma_start3A_670 : memref<1x125xi32, #tpu.memory_space<vmem>> -> memref<125xi32, #tpu.memory_space<vmem>>
      %dma_start3A_672 = arith.constant 0 : i32
      %dma_start3A_673 = arith.constant 0 : i32
      %dma_start3A_674 = tpu.memref_slice %arg10[%dma_start3A_672, %dma_start3A_673] : memref<10000x64xf32, #tpu.memory_space<vmem_shared>> -> memref<10000x64xf32, #tpu.memory_space<vmem_shared>>
      tpu.enqueue_indirect_dma source(%dma_start3A_668 : memref<125x64xf32, #tpu.memory_space<vmem>>) target(%dma_start3A_674 : memref<10000x64xf32, #tpu.memory_space<vmem_shared>>) offsets(%dma_start3A_671 : memref<125xi32, #tpu.memory_space<vmem>>) semaphore(%arg20 : memref<!tpu.dma_semaphore, #tpu.memory_space<semaphore_mem>>) {add = true}
      %mul3A_675 = arith.constant 6 : i32
      %mul3A_676 = arith.muli %add3A_613, %mul3A_675 : i32
      %add3A_677 = arith.constant 6 : i32
      %add3A_678 = arith.addi %add3A_677, %mul3A_676 : i32
      %add3A_679 = arith.constant 1 : i32
      %add3A_680 = arith.addi %add3A_678, %add3A_679 : i32
      %dma_wait3A_681 = arith.constant 1 : i32
      %dma_wait3A_682 = arith.constant 0 : i32
      %dma_wait3A_683 = arith.constant 0 : i32
      %dma_wait3A_684 = arith.constant 0 : i32
      %dma_wait3A_685 = tpu.memref_slice %arg9[%dma_wait3A_681, %dma_wait3A_683, %dma_wait3A_684] : memref<6x125x64xf32, #tpu.memory_space<vmem>> -> memref<1x125x64xf32, #tpu.memory_space<vmem>>
      %dma_wait3A_686 = tpu.memref_squeeze %dma_wait3A_685 : memref<1x125x64xf32, #tpu.memory_space<vmem>> -> memref<125x64xf32, #tpu.memory_space<vmem>>
      %dma_wait3A_687 = arith.constant 0 : i32
      %dma_wait3A_688 = tpu.memref_slice %arg8[%dma_wait3A_682, %dma_wait3A_687] : memref<160x125xi32, #tpu.memory_space<vmem>> -> memref<1x125xi32, #tpu.memory_space<vmem>>
      %dma_wait3A_689 = tpu.memref_squeeze %dma_wait3A_688 : memref<1x125xi32, #tpu.memory_space<vmem>> -> memref<125xi32, #tpu.memory_space<vmem>>
      %dma_wait3A_690 = arith.constant 0 : i32
      %dma_wait3A_691 = arith.constant 0 : i32
      %dma_wait3A_692 = tpu.memref_slice %arg10[%dma_wait3A_690, %dma_wait3A_691] : memref<10000x64xf32, #tpu.memory_space<vmem_shared>> -> memref<10000x64xf32, #tpu.memory_space<vmem_shared>>
      tpu.wait_indirect_dma semaphore(%arg18 : memref<!tpu.dma_semaphore, #tpu.memory_space<semaphore_mem>>) src(%dma_wait3A_686 : memref<125x64xf32, #tpu.memory_space<vmem>>) dst(%dma_wait3A_692 : memref<10000x64xf32, #tpu.memory_space<vmem_shared>>)
      %dma_start3A_693 = arith.constant 1 : i32
      %dma_start3A_694 = arith.constant 0 : i32
      %dma_start3A_695 = arith.constant 0 : i32
      %dma_start3A_696 = tpu.memref_slice %arg9[%dma_start3A_693, %dma_start3A_694, %dma_start3A_695] : memref<6x125x64xf32, #tpu.memory_space<vmem>> -> memref<1x125x64xf32, #tpu.memory_space<vmem>>
      %dma_start3A_697 = tpu.memref_squeeze %dma_start3A_696 : memref<1x125x64xf32, #tpu.memory_space<vmem>> -> memref<125x64xf32, #tpu.memory_space<vmem>>
      %dma_start3A_698 = arith.constant 0 : i32
      %dma_start3A_699 = tpu.memref_slice %arg7[%add3A_680, %dma_start3A_698] : memref<160x125xi32, #tpu.memory_space<vmem>> -> memref<1x125xi32, #tpu.memory_space<vmem>>
      %dma_start3A_700 = tpu.memref_squeeze %dma_start3A_699 : memref<1x125xi32, #tpu.memory_space<vmem>> -> memref<125xi32, #tpu.memory_space<vmem>>
      %dma_start3A_701 = arith.constant 0 : i32
      %dma_start3A_702 = arith.constant 0 : i32
      %dma_start3A_703 = tpu.memref_slice %arg2[%arg0, %dma_start3A_701, %dma_start3A_702] : memref<2x10000x64xf32, #tpu.memory_space<hbm>> -> memref<1x10000x64xf32, #tpu.memory_space<hbm>>
      %dma_start3A_704 = tpu.memref_squeeze %dma_start3A_703 : memref<1x10000x64xf32, #tpu.memory_space<hbm>> -> memref<10000x64xf32, #tpu.memory_space<hbm>>
      %dma_start3A_705 = arith.constant 0 : i32
      %dma_start3A_706 = arith.constant 0 : i32
      %dma_start3A_707 = tpu.memref_slice %dma_start3A_704[%dma_start3A_705, %dma_start3A_706] : memref<10000x64xf32, #tpu.memory_space<hbm>> -> memref<10000x64xf32, #tpu.memory_space<hbm>>
      tpu.enqueue_indirect_dma source(%dma_start3A_707 : memref<10000x64xf32, #tpu.memory_space<hbm>>) target(%dma_start3A_697 : memref<125x64xf32, #tpu.memory_space<vmem>>) offsets(%dma_start3A_700 : memref<125xi32, #tpu.memory_space<vmem>>) semaphore(%arg12 : memref<!tpu.dma_semaphore, #tpu.memory_space<semaphore_mem>>)
      %dma_wait3A_708 = arith.constant 0 : i32
      %dma_wait3A_709 = arith.constant 4 : i32
      %dma_wait3A_710 = arith.constant 0 : i32
      %dma_wait3A_711 = arith.constant 0 : i32
      %dma_wait3A_712 = tpu.memref_slice %arg9[%dma_wait3A_709, %dma_wait3A_710, %dma_wait3A_711] : memref<6x125x64xf32, #tpu.memory_space<vmem>> -> memref<1x125x64xf32, #tpu.memory_space<vmem>>
      %dma_wait3A_713 = tpu.memref_squeeze %dma_wait3A_712 : memref<1x125x64xf32, #tpu.memory_space<vmem>> -> memref<125x64xf32, #tpu.memory_space<vmem>>
      %dma_wait3A_714 = arith.constant 0 : i32
      %dma_wait3A_715 = tpu.memref_slice %arg7[%dma_wait3A_708, %dma_wait3A_714] : memref<160x125xi32, #tpu.memory_space<vmem>> -> memref<1x125xi32, #tpu.memory_space<vmem>>
      %dma_wait3A_716 = tpu.memref_squeeze %dma_wait3A_715 : memref<1x125xi32, #tpu.memory_space<vmem>> -> memref<125xi32, #tpu.memory_space<vmem>>
      %dma_wait3A_717 = arith.constant 0 : i32
      %dma_wait3A_718 = arith.constant 0 : i32
      %dma_wait3A_719 = tpu.memref_slice %arg2[%arg0, %dma_wait3A_717, %dma_wait3A_718] : memref<2x10000x64xf32, #tpu.memory_space<hbm>> -> memref<1x10000x64xf32, #tpu.memory_space<hbm>>
      %dma_wait3A_720 = tpu.memref_squeeze %dma_wait3A_719 : memref<1x10000x64xf32, #tpu.memory_space<hbm>> -> memref<10000x64xf32, #tpu.memory_space<hbm>>
      %dma_wait3A_721 = arith.constant 0 : i32
      %dma_wait3A_722 = arith.constant 0 : i32
      %dma_wait3A_723 = tpu.memref_slice %dma_wait3A_720[%dma_wait3A_721, %dma_wait3A_722] : memref<10000x64xf32, #tpu.memory_space<hbm>> -> memref<10000x64xf32, #tpu.memory_space<hbm>>
      tpu.wait_indirect_dma semaphore(%arg15 : memref<!tpu.dma_semaphore, #tpu.memory_space<semaphore_mem>>) src(%dma_wait3A_723 : memref<10000x64xf32, #tpu.memory_space<hbm>>) dst(%dma_wait3A_713 : memref<125x64xf32, #tpu.memory_space<vmem>>)
      %sub3A_724 = arith.constant 3 : i32
      %sub3A_725 = arith.subi %add3A_680, %sub3A_724 : i32
      %dma_start3A_726 = arith.constant 4 : i32
      %dma_start3A_727 = arith.constant 0 : i32
      %dma_start3A_728 = arith.constant 0 : i32
      %dma_start3A_729 = tpu.memref_slice %arg9[%dma_start3A_726, %dma_start3A_727, %dma_start3A_728] : memref<6x125x64xf32, #tpu.memory_space<vmem>> -> memref<1x125x64xf32, #tpu.memory_space<vmem>>
      %dma_start3A_730 = tpu.memref_squeeze %dma_start3A_729 : memref<1x125x64xf32, #tpu.memory_space<vmem>> -> memref<125x64xf32, #tpu.memory_space<vmem>>
      %dma_start3A_731 = arith.constant 0 : i32
      %dma_start3A_732 = tpu.memref_slice %arg8[%sub3A_725, %dma_start3A_731] : memref<160x125xi32, #tpu.memory_space<vmem>> -> memref<1x125xi32, #tpu.memory_space<vmem>>
      %dma_start3A_733 = tpu.memref_squeeze %dma_start3A_732 : memref<1x125xi32, #tpu.memory_space<vmem>> -> memref<125xi32, #tpu.memory_space<vmem>>
      %dma_start3A_734 = arith.constant 0 : i32
      %dma_start3A_735 = arith.constant 0 : i32
      %dma_start3A_736 = tpu.memref_slice %arg10[%dma_start3A_734, %dma_start3A_735] : memref<10000x64xf32, #tpu.memory_space<vmem_shared>> -> memref<10000x64xf32, #tpu.memory_space<vmem_shared>>
      tpu.enqueue_indirect_dma source(%dma_start3A_730 : memref<125x64xf32, #tpu.memory_space<vmem>>) target(%dma_start3A_736 : memref<10000x64xf32, #tpu.memory_space<vmem_shared>>) offsets(%dma_start3A_733 : memref<125xi32, #tpu.memory_space<vmem>>) semaphore(%arg21 : memref<!tpu.dma_semaphore, #tpu.memory_space<semaphore_mem>>) {add = true}
      %mul3A_737 = arith.constant 6 : i32
      %mul3A_738 = arith.muli %add3A_613, %mul3A_737 : i32
      %add3A_739 = arith.constant 6 : i32
      %add3A_740 = arith.addi %add3A_739, %mul3A_738 : i32
      %add3A_741 = arith.constant 2 : i32
      %add3A_742 = arith.addi %add3A_740, %add3A_741 : i32
      %dma_wait3A_743 = arith.constant 2 : i32
      %dma_wait3A_744 = arith.constant 0 : i32
      %dma_wait3A_745 = arith.constant 0 : i32
      %dma_wait3A_746 = arith.constant 0 : i32
      %dma_wait3A_747 = tpu.memref_slice %arg9[%dma_wait3A_743, %dma_wait3A_745, %dma_wait3A_746] : memref<6x125x64xf32, #tpu.memory_space<vmem>> -> memref<1x125x64xf32, #tpu.memory_space<vmem>>
      %dma_wait3A_748 = tpu.memref_squeeze %dma_wait3A_747 : memref<1x125x64xf32, #tpu.memory_space<vmem>> -> memref<125x64xf32, #tpu.memory_space<vmem>>
      %dma_wait3A_749 = arith.constant 0 : i32
      %dma_wait3A_750 = tpu.memref_slice %arg8[%dma_wait3A_744, %dma_wait3A_749] : memref<160x125xi32, #tpu.memory_space<vmem>> -> memref<1x125xi32, #tpu.memory_space<vmem>>
      %dma_wait3A_751 = tpu.memref_squeeze %dma_wait3A_750 : memref<1x125xi32, #tpu.memory_space<vmem>> -> memref<125xi32, #tpu.memory_space<vmem>>
      %dma_wait3A_752 = arith.constant 0 : i32
      %dma_wait3A_753 = arith.constant 0 : i32
      %dma_wait3A_754 = tpu.memref_slice %arg10[%dma_wait3A_752, %dma_wait3A_753] : memref<10000x64xf32, #tpu.memory_space<vmem_shared>> -> memref<10000x64xf32, #tpu.memory_space<vmem_shared>>
      tpu.wait_indirect_dma semaphore(%arg19 : memref<!tpu.dma_semaphore, #tpu.memory_space<semaphore_mem>>) src(%dma_wait3A_748 : memref<125x64xf32, #tpu.memory_space<vmem>>) dst(%dma_wait3A_754 : memref<10000x64xf32, #tpu.memory_space<vmem_shared>>)
      %dma_start3A_755 = arith.constant 2 : i32
      %dma_start3A_756 = arith.constant 0 : i32
      %dma_start3A_757 = arith.constant 0 : i32
      %dma_start3A_758 = tpu.memref_slice %arg9[%dma_start3A_755, %dma_start3A_756, %dma_start3A_757] : memref<6x125x64xf32, #tpu.memory_space<vmem>> -> memref<1x125x64xf32, #tpu.memory_space<vmem>>
      %dma_start3A_759 = tpu.memref_squeeze %dma_start3A_758 : memref<1x125x64xf32, #tpu.memory_space<vmem>> -> memref<125x64xf32, #tpu.memory_space<vmem>>
      %dma_start3A_760 = arith.constant 0 : i32
      %dma_start3A_761 = tpu.memref_slice %arg7[%add3A_742, %dma_start3A_760] : memref<160x125xi32, #tpu.memory_space<vmem>> -> memref<1x125xi32, #tpu.memory_space<vmem>>
      %dma_start3A_762 = tpu.memref_squeeze %dma_start3A_761 : memref<1x125xi32, #tpu.memory_space<vmem>> -> memref<125xi32, #tpu.memory_space<vmem>>
      %dma_start3A_763 = arith.constant 0 : i32
      %dma_start3A_764 = arith.constant 0 : i32
      %dma_start3A_765 = tpu.memref_slice %arg2[%arg0, %dma_start3A_763, %dma_start3A_764] : memref<2x10000x64xf32, #tpu.memory_space<hbm>> -> memref<1x10000x64xf32, #tpu.memory_space<hbm>>
      %dma_start3A_766 = tpu.memref_squeeze %dma_start3A_765 : memref<1x10000x64xf32, #tpu.memory_space<hbm>> -> memref<10000x64xf32, #tpu.memory_space<hbm>>
      %dma_start3A_767 = arith.constant 0 : i32
      %dma_start3A_768 = arith.constant 0 : i32
      %dma_start3A_769 = tpu.memref_slice %dma_start3A_766[%dma_start3A_767, %dma_start3A_768] : memref<10000x64xf32, #tpu.memory_space<hbm>> -> memref<10000x64xf32, #tpu.memory_space<hbm>>
      tpu.enqueue_indirect_dma source(%dma_start3A_769 : memref<10000x64xf32, #tpu.memory_space<hbm>>) target(%dma_start3A_759 : memref<125x64xf32, #tpu.memory_space<vmem>>) offsets(%dma_start3A_762 : memref<125xi32, #tpu.memory_space<vmem>>) semaphore(%arg13 : memref<!tpu.dma_semaphore, #tpu.memory_space<semaphore_mem>>)
      %dma_wait3A_770 = arith.constant 0 : i32
      %dma_wait3A_771 = arith.constant 5 : i32
      %dma_wait3A_772 = arith.constant 0 : i32
      %dma_wait3A_773 = arith.constant 0 : i32
      %dma_wait3A_774 = tpu.memref_slice %arg9[%dma_wait3A_771, %dma_wait3A_772, %dma_wait3A_773] : memref<6x125x64xf32, #tpu.memory_space<vmem>> -> memref<1x125x64xf32, #tpu.memory_space<vmem>>
      %dma_wait3A_775 = tpu.memref_squeeze %dma_wait3A_774 : memref<1x125x64xf32, #tpu.memory_space<vmem>> -> memref<125x64xf32, #tpu.memory_space<vmem>>
      %dma_wait3A_776 = arith.constant 0 : i32
      %dma_wait3A_777 = tpu.memref_slice %arg7[%dma_wait3A_770, %dma_wait3A_776] : memref<160x125xi32, #tpu.memory_space<vmem>> -> memref<1x125xi32, #tpu.memory_space<vmem>>
      %dma_wait3A_778 = tpu.memref_squeeze %dma_wait3A_777 : memref<1x125xi32, #tpu.memory_space<vmem>> -> memref<125xi32, #tpu.memory_space<vmem>>
      %dma_wait3A_779 = arith.constant 0 : i32
      %dma_wait3A_780 = arith.constant 0 : i32
      %dma_wait3A_781 = tpu.memref_slice %arg2[%arg0, %dma_wait3A_779, %dma_wait3A_780] : memref<2x10000x64xf32, #tpu.memory_space<hbm>> -> memref<1x10000x64xf32, #tpu.memory_space<hbm>>
      %dma_wait3A_782 = tpu.memref_squeeze %dma_wait3A_781 : memref<1x10000x64xf32, #tpu.memory_space<hbm>> -> memref<10000x64xf32, #tpu.memory_space<hbm>>
      %dma_wait3A_783 = arith.constant 0 : i32
      %dma_wait3A_784 = arith.constant 0 : i32
      %dma_wait3A_785 = tpu.memref_slice %dma_wait3A_782[%dma_wait3A_783, %dma_wait3A_784] : memref<10000x64xf32, #tpu.memory_space<hbm>> -> memref<10000x64xf32, #tpu.memory_space<hbm>>
      tpu.wait_indirect_dma semaphore(%arg16 : memref<!tpu.dma_semaphore, #tpu.memory_space<semaphore_mem>>) src(%dma_wait3A_785 : memref<10000x64xf32, #tpu.memory_space<hbm>>) dst(%dma_wait3A_775 : memref<125x64xf32, #tpu.memory_space<vmem>>)
      %sub3A_786 = arith.constant 3 : i32
      %sub3A_787 = arith.subi %add3A_742, %sub3A_786 : i32
      %dma_start3A_788 = arith.constant 5 : i32
      %dma_start3A_789 = arith.constant 0 : i32
      %dma_start3A_790 = arith.constant 0 : i32
      %dma_start3A_791 = tpu.memref_slice %arg9[%dma_start3A_788, %dma_start3A_789, %dma_start3A_790] : memref<6x125x64xf32, #tpu.memory_space<vmem>> -> memref<1x125x64xf32, #tpu.memory_space<vmem>>
      %dma_start3A_792 = tpu.memref_squeeze %dma_start3A_791 : memref<1x125x64xf32, #tpu.memory_space<vmem>> -> memref<125x64xf32, #tpu.memory_space<vmem>>
      %dma_start3A_793 = arith.constant 0 : i32
      %dma_start3A_794 = tpu.memref_slice %arg8[%sub3A_787, %dma_start3A_793] : memref<160x125xi32, #tpu.memory_space<vmem>> -> memref<1x125xi32, #tpu.memory_space<vmem>>
      %dma_start3A_795 = tpu.memref_squeeze %dma_start3A_794 : memref<1x125xi32, #tpu.memory_space<vmem>> -> memref<125xi32, #tpu.memory_space<vmem>>
      %dma_start3A_796 = arith.constant 0 : i32
      %dma_start3A_797 = arith.constant 0 : i32
      %dma_start3A_798 = tpu.memref_slice %arg10[%dma_start3A_796, %dma_start3A_797] : memref<10000x64xf32, #tpu.memory_space<vmem_shared>> -> memref<10000x64xf32, #tpu.memory_space<vmem_shared>>
      tpu.enqueue_indirect_dma source(%dma_start3A_792 : memref<125x64xf32, #tpu.memory_space<vmem>>) target(%dma_start3A_798 : memref<10000x64xf32, #tpu.memory_space<vmem_shared>>) offsets(%dma_start3A_795 : memref<125xi32, #tpu.memory_space<vmem>>) semaphore(%arg22 : memref<!tpu.dma_semaphore, #tpu.memory_space<semaphore_mem>>) {add = true}
      %mul3A_799 = arith.constant 6 : i32
      %mul3A_800 = arith.muli %add3A_613, %mul3A_799 : i32
      %add3A_801 = arith.constant 6 : i32
      %add3A_802 = arith.addi %add3A_801, %mul3A_800 : i32
      %add3A_803 = arith.constant 3 : i32
      %add3A_804 = arith.addi %add3A_802, %add3A_803 : i32
      %dma_wait3A_805 = arith.constant 3 : i32
      %dma_wait3A_806 = arith.constant 0 : i32
      %dma_wait3A_807 = arith.constant 0 : i32
      %dma_wait3A_808 = arith.constant 0 : i32
      %dma_wait3A_809 = tpu.memref_slice %arg9[%dma_wait3A_805, %dma_wait3A_807, %dma_wait3A_808] : memref<6x125x64xf32, #tpu.memory_space<vmem>> -> memref<1x125x64xf32, #tpu.memory_space<vmem>>
      %dma_wait3A_810 = tpu.memref_squeeze %dma_wait3A_809 : memref<1x125x64xf32, #tpu.memory_space<vmem>> -> memref<125x64xf32, #tpu.memory_space<vmem>>
      %dma_wait3A_811 = arith.constant 0 : i32
      %dma_wait3A_812 = tpu.memref_slice %arg8[%dma_wait3A_806, %dma_wait3A_811] : memref<160x125xi32, #tpu.memory_space<vmem>> -> memref<1x125xi32, #tpu.memory_space<vmem>>
      %dma_wait3A_813 = tpu.memref_squeeze %dma_wait3A_812 : memref<1x125xi32, #tpu.memory_space<vmem>> -> memref<125xi32, #tpu.memory_space<vmem>>
      %dma_wait3A_814 = arith.constant 0 : i32
      %dma_wait3A_815 = arith.constant 0 : i32
      %dma_wait3A_816 = tpu.memref_slice %arg10[%dma_wait3A_814, %dma_wait3A_815] : memref<10000x64xf32, #tpu.memory_space<vmem_shared>> -> memref<10000x64xf32, #tpu.memory_space<vmem_shared>>
      tpu.wait_indirect_dma semaphore(%arg20 : memref<!tpu.dma_semaphore, #tpu.memory_space<semaphore_mem>>) src(%dma_wait3A_810 : memref<125x64xf32, #tpu.memory_space<vmem>>) dst(%dma_wait3A_816 : memref<10000x64xf32, #tpu.memory_space<vmem_shared>>)
      %dma_start3A_817 = arith.constant 3 : i32
      %dma_start3A_818 = arith.constant 0 : i32
      %dma_start3A_819 = arith.constant 0 : i32
      %dma_start3A_820 = tpu.memref_slice %arg9[%dma_start3A_817, %dma_start3A_818, %dma_start3A_819] : memref<6x125x64xf32, #tpu.memory_space<vmem>> -> memref<1x125x64xf32, #tpu.memory_space<vmem>>
      %dma_start3A_821 = tpu.memref_squeeze %dma_start3A_820 : memref<1x125x64xf32, #tpu.memory_space<vmem>> -> memref<125x64xf32, #tpu.memory_space<vmem>>
      %dma_start3A_822 = arith.constant 0 : i32
      %dma_start3A_823 = tpu.memref_slice %arg7[%add3A_804, %dma_start3A_822] : memref<160x125xi32, #tpu.memory_space<vmem>> -> memref<1x125xi32, #tpu.memory_space<vmem>>
      %dma_start3A_824 = tpu.memref_squeeze %dma_start3A_823 : memref<1x125xi32, #tpu.memory_space<vmem>> -> memref<125xi32, #tpu.memory_space<vmem>>
      %dma_start3A_825 = arith.constant 0 : i32
      %dma_start3A_826 = arith.constant 0 : i32
      %dma_start3A_827 = tpu.memref_slice %arg2[%arg0, %dma_start3A_825, %dma_start3A_826] : memref<2x10000x64xf32, #tpu.memory_space<hbm>> -> memref<1x10000x64xf32, #tpu.memory_space<hbm>>
      %dma_start3A_828 = tpu.memref_squeeze %dma_start3A_827 : memref<1x10000x64xf32, #tpu.memory_space<hbm>> -> memref<10000x64xf32, #tpu.memory_space<hbm>>
      %dma_start3A_829 = arith.constant 0 : i32
      %dma_start3A_830 = arith.constant 0 : i32
      %dma_start3A_831 = tpu.memref_slice %dma_start3A_828[%dma_start3A_829, %dma_start3A_830] : memref<10000x64xf32, #tpu.memory_space<hbm>> -> memref<10000x64xf32, #tpu.memory_space<hbm>>
      tpu.enqueue_indirect_dma source(%dma_start3A_831 : memref<10000x64xf32, #tpu.memory_space<hbm>>) target(%dma_start3A_821 : memref<125x64xf32, #tpu.memory_space<vmem>>) offsets(%dma_start3A_824 : memref<125xi32, #tpu.memory_space<vmem>>) semaphore(%arg14 : memref<!tpu.dma_semaphore, #tpu.memory_space<semaphore_mem>>)
      %dma_wait3A_832 = arith.constant 0 : i32
      %dma_wait3A_833 = arith.constant 0 : i32
      %dma_wait3A_834 = arith.constant 0 : i32
      %dma_wait3A_835 = arith.constant 0 : i32
      %dma_wait3A_836 = tpu.memref_slice %arg9[%dma_wait3A_833, %dma_wait3A_834, %dma_wait3A_835] : memref<6x125x64xf32, #tpu.memory_space<vmem>> -> memref<1x125x64xf32, #tpu.memory_space<vmem>>
      %dma_wait3A_837 = tpu.memref_squeeze %dma_wait3A_836 : memref<1x125x64xf32, #tpu.memory_space<vmem>> -> memref<125x64xf32, #tpu.memory_space<vmem>>
      %dma_wait3A_838 = arith.constant 0 : i32
      %dma_wait3A_839 = tpu.memref_slice %arg7[%dma_wait3A_832, %dma_wait3A_838] : memref<160x125xi32, #tpu.memory_space<vmem>> -> memref<1x125xi32, #tpu.memory_space<vmem>>
      %dma_wait3A_840 = tpu.memref_squeeze %dma_wait3A_839 : memref<1x125xi32, #tpu.memory_space<vmem>> -> memref<125xi32, #tpu.memory_space<vmem>>
      %dma_wait3A_841 = arith.constant 0 : i32
      %dma_wait3A_842 = arith.constant 0 : i32
      %dma_wait3A_843 = tpu.memref_slice %arg2[%arg0, %dma_wait3A_841, %dma_wait3A_842] : memref<2x10000x64xf32, #tpu.memory_space<hbm>> -> memref<1x10000x64xf32, #tpu.memory_space<hbm>>
      %dma_wait3A_844 = tpu.memref_squeeze %dma_wait3A_843 : memref<1x10000x64xf32, #tpu.memory_space<hbm>> -> memref<10000x64xf32, #tpu.memory_space<hbm>>
      %dma_wait3A_845 = arith.constant 0 : i32
      %dma_wait3A_846 = arith.constant 0 : i32
      %dma_wait3A_847 = tpu.memref_slice %dma_wait3A_844[%dma_wait3A_845, %dma_wait3A_846] : memref<10000x64xf32, #tpu.memory_space<hbm>> -> memref<10000x64xf32, #tpu.memory_space<hbm>>
      tpu.wait_indirect_dma semaphore(%arg11 : memref<!tpu.dma_semaphore, #tpu.memory_space<semaphore_mem>>) src(%dma_wait3A_847 : memref<10000x64xf32, #tpu.memory_space<hbm>>) dst(%dma_wait3A_837 : memref<125x64xf32, #tpu.memory_space<vmem>>)
      %sub3A_848 = arith.constant 3 : i32
      %sub3A_849 = arith.subi %add3A_804, %sub3A_848 : i32
      %dma_start3A_850 = arith.constant 0 : i32
      %dma_start3A_851 = arith.constant 0 : i32
      %dma_start3A_852 = arith.constant 0 : i32
      %dma_start3A_853 = tpu.memref_slice %arg9[%dma_start3A_850, %dma_start3A_851, %dma_start3A_852] : memref<6x125x64xf32, #tpu.memory_space<vmem>> -> memref<1x125x64xf32, #tpu.memory_space<vmem>>
      %dma_start3A_854 = tpu.memref_squeeze %dma_start3A_853 : memref<1x125x64xf32, #tpu.memory_space<vmem>> -> memref<125x64xf32, #tpu.memory_space<vmem>>
      %dma_start3A_855 = arith.constant 0 : i32
      %dma_start3A_856 = tpu.memref_slice %arg8[%sub3A_849, %dma_start3A_855] : memref<160x125xi32, #tpu.memory_space<vmem>> -> memref<1x125xi32, #tpu.memory_space<vmem>>
      %dma_start3A_857 = tpu.memref_squeeze %dma_start3A_856 : memref<1x125xi32, #tpu.memory_space<vmem>> -> memref<125xi32, #tpu.memory_space<vmem>>
      %dma_start3A_858 = arith.constant 0 : i32
      %dma_start3A_859 = arith.constant 0 : i32
      %dma_start3A_860 = tpu.memref_slice %arg10[%dma_start3A_858, %dma_start3A_859] : memref<10000x64xf32, #tpu.memory_space<vmem_shared>> -> memref<10000x64xf32, #tpu.memory_space<vmem_shared>>
      tpu.enqueue_indirect_dma source(%dma_start3A_854 : memref<125x64xf32, #tpu.memory_space<vmem>>) target(%dma_start3A_860 : memref<10000x64xf32, #tpu.memory_space<vmem_shared>>) offsets(%dma_start3A_857 : memref<125xi32, #tpu.memory_space<vmem>>) semaphore(%arg17 : memref<!tpu.dma_semaphore, #tpu.memory_space<semaphore_mem>>) {add = true}
      %mul3A_861 = arith.constant 6 : i32
      %mul3A_862 = arith.muli %add3A_613, %mul3A_861 : i32
      %add3A_863 = arith.constant 6 : i32
      %add3A_864 = arith.addi %add3A_863, %mul3A_862 : i32
      %add3A_865 = arith.constant 4 : i32
      %add3A_866 = arith.addi %add3A_864, %add3A_865 : i32
      %dma_wait3A_867 = arith.constant 4 : i32
      %dma_wait3A_868 = arith.constant 0 : i32
      %dma_wait3A_869 = arith.constant 0 : i32
      %dma_wait3A_870 = arith.constant 0 : i32
      %dma_wait3A_871 = tpu.memref_slice %arg9[%dma_wait3A_867, %dma_wait3A_869, %dma_wait3A_870] : memref<6x125x64xf32, #tpu.memory_space<vmem>> -> memref<1x125x64xf32, #tpu.memory_space<vmem>>
      %dma_wait3A_872 = tpu.memref_squeeze %dma_wait3A_871 : memref<1x125x64xf32, #tpu.memory_space<vmem>> -> memref<125x64xf32, #tpu.memory_space<vmem>>
      %dma_wait3A_873 = arith.constant 0 : i32
      %dma_wait3A_874 = tpu.memref_slice %arg8[%dma_wait3A_868, %dma_wait3A_873] : memref<160x125xi32, #tpu.memory_space<vmem>> -> memref<1x125xi32, #tpu.memory_space<vmem>>
      %dma_wait3A_875 = tpu.memref_squeeze %dma_wait3A_874 : memref<1x125xi32, #tpu.memory_space<vmem>> -> memref<125xi32, #tpu.memory_space<vmem>>
      %dma_wait3A_876 = arith.constant 0 : i32
      %dma_wait3A_877 = arith.constant 0 : i32
      %dma_wait3A_878 = tpu.memref_slice %arg10[%dma_wait3A_876, %dma_wait3A_877] : memref<10000x64xf32, #tpu.memory_space<vmem_shared>> -> memref<10000x64xf32, #tpu.memory_space<vmem_shared>>
      tpu.wait_indirect_dma semaphore(%arg21 : memref<!tpu.dma_semaphore, #tpu.memory_space<semaphore_mem>>) src(%dma_wait3A_872 : memref<125x64xf32, #tpu.memory_space<vmem>>) dst(%dma_wait3A_878 : memref<10000x64xf32, #tpu.memory_space<vmem_shared>>)
      %dma_start3A_879 = arith.constant 4 : i32
      %dma_start3A_880 = arith.constant 0 : i32
      %dma_start3A_881 = arith.constant 0 : i32
      %dma_start3A_882 = tpu.memref_slice %arg9[%dma_start3A_879, %dma_start3A_880, %dma_start3A_881] : memref<6x125x64xf32, #tpu.memory_space<vmem>> -> memref<1x125x64xf32, #tpu.memory_space<vmem>>
      %dma_start3A_883 = tpu.memref_squeeze %dma_start3A_882 : memref<1x125x64xf32, #tpu.memory_space<vmem>> -> memref<125x64xf32, #tpu.memory_space<vmem>>
      %dma_start3A_884 = arith.constant 0 : i32
      %dma_start3A_885 = tpu.memref_slice %arg7[%add3A_866, %dma_start3A_884] : memref<160x125xi32, #tpu.memory_space<vmem>> -> memref<1x125xi32, #tpu.memory_space<vmem>>
      %dma_start3A_886 = tpu.memref_squeeze %dma_start3A_885 : memref<1x125xi32, #tpu.memory_space<vmem>> -> memref<125xi32, #tpu.memory_space<vmem>>
      %dma_start3A_887 = arith.constant 0 : i32
      %dma_start3A_888 = arith.constant 0 : i32
      %dma_start3A_889 = tpu.memref_slice %arg2[%arg0, %dma_start3A_887, %dma_start3A_888] : memref<2x10000x64xf32, #tpu.memory_space<hbm>> -> memref<1x10000x64xf32, #tpu.memory_space<hbm>>
      %dma_start3A_890 = tpu.memref_squeeze %dma_start3A_889 : memref<1x10000x64xf32, #tpu.memory_space<hbm>> -> memref<10000x64xf32, #tpu.memory_space<hbm>>
      %dma_start3A_891 = arith.constant 0 : i32
      %dma_start3A_892 = arith.constant 0 : i32
      %dma_start3A_893 = tpu.memref_slice %dma_start3A_890[%dma_start3A_891, %dma_start3A_892] : memref<10000x64xf32, #tpu.memory_space<hbm>> -> memref<10000x64xf32, #tpu.memory_space<hbm>>
      tpu.enqueue_indirect_dma source(%dma_start3A_893 : memref<10000x64xf32, #tpu.memory_space<hbm>>) target(%dma_start3A_883 : memref<125x64xf32, #tpu.memory_space<vmem>>) offsets(%dma_start3A_886 : memref<125xi32, #tpu.memory_space<vmem>>) semaphore(%arg15 : memref<!tpu.dma_semaphore, #tpu.memory_space<semaphore_mem>>)
      %dma_wait3A_894 = arith.constant 0 : i32
      %dma_wait3A_895 = arith.constant 1 : i32
      %dma_wait3A_896 = arith.constant 0 : i32
      %dma_wait3A_897 = arith.constant 0 : i32
      %dma_wait3A_898 = tpu.memref_slice %arg9[%dma_wait3A_895, %dma_wait3A_896, %dma_wait3A_897] : memref<6x125x64xf32, #tpu.memory_space<vmem>> -> memref<1x125x64xf32, #tpu.memory_space<vmem>>
      %dma_wait3A_899 = tpu.memref_squeeze %dma_wait3A_898 : memref<1x125x64xf32, #tpu.memory_space<vmem>> -> memref<125x64xf32, #tpu.memory_space<vmem>>
      %dma_wait3A_900 = arith.constant 0 : i32
      %dma_wait3A_901 = tpu.memref_slice %arg7[%dma_wait3A_894, %dma_wait3A_900] : memref<160x125xi32, #tpu.memory_space<vmem>> -> memref<1x125xi32, #tpu.memory_space<vmem>>
      %dma_wait3A_902 = tpu.memref_squeeze %dma_wait3A_901 : memref<1x125xi32, #tpu.memory_space<vmem>> -> memref<125xi32, #tpu.memory_space<vmem>>
      %dma_wait3A_903 = arith.constant 0 : i32
      %dma_wait3A_904 = arith.constant 0 : i32
      %dma_wait3A_905 = tpu.memref_slice %arg2[%arg0, %dma_wait3A_903, %dma_wait3A_904] : memref<2x10000x64xf32, #tpu.memory_space<hbm>> -> memref<1x10000x64xf32, #tpu.memory_space<hbm>>
      %dma_wait3A_906 = tpu.memref_squeeze %dma_wait3A_905 : memref<1x10000x64xf32, #tpu.memory_space<hbm>> -> memref<10000x64xf32, #tpu.memory_space<hbm>>
      %dma_wait3A_907 = arith.constant 0 : i32
      %dma_wait3A_908 = arith.constant 0 : i32
      %dma_wait3A_909 = tpu.memref_slice %dma_wait3A_906[%dma_wait3A_907, %dma_wait3A_908] : memref<10000x64xf32, #tpu.memory_space<hbm>> -> memref<10000x64xf32, #tpu.memory_space<hbm>>
      tpu.wait_indirect_dma semaphore(%arg12 : memref<!tpu.dma_semaphore, #tpu.memory_space<semaphore_mem>>) src(%dma_wait3A_909 : memref<10000x64xf32, #tpu.memory_space<hbm>>) dst(%dma_wait3A_899 : memref<125x64xf32, #tpu.memory_space<vmem>>)
      %sub3A_910 = arith.constant 3 : i32
      %sub3A_911 = arith.subi %add3A_866, %sub3A_910 : i32
      %dma_start3A_912 = arith.constant 1 : i32
      %dma_start3A_913 = arith.constant 0 : i32
      %dma_start3A_914 = arith.constant 0 : i32
      %dma_start3A_915 = tpu.memref_slice %arg9[%dma_start3A_912, %dma_start3A_913, %dma_start3A_914] : memref<6x125x64xf32, #tpu.memory_space<vmem>> -> memref<1x125x64xf32, #tpu.memory_space<vmem>>
      %dma_start3A_916 = tpu.memref_squeeze %dma_start3A_915 : memref<1x125x64xf32, #tpu.memory_space<vmem>> -> memref<125x64xf32, #tpu.memory_space<vmem>>
      %dma_start3A_917 = arith.constant 0 : i32
      %dma_start3A_918 = tpu.memref_slice %arg8[%sub3A_911, %dma_start3A_917] : memref<160x125xi32, #tpu.memory_space<vmem>> -> memref<1x125xi32, #tpu.memory_space<vmem>>
      %dma_start3A_919 = tpu.memref_squeeze %dma_start3A_918 : memref<1x125xi32, #tpu.memory_space<vmem>> -> memref<125xi32, #tpu.memory_space<vmem>>
      %dma_start3A_920 = arith.constant 0 : i32
      %dma_start3A_921 = arith.constant 0 : i32
      %dma_start3A_922 = tpu.memref_slice %arg10[%dma_start3A_920, %dma_start3A_921] : memref<10000x64xf32, #tpu.memory_space<vmem_shared>> -> memref<10000x64xf32, #tpu.memory_space<vmem_shared>>
      tpu.enqueue_indirect_dma source(%dma_start3A_916 : memref<125x64xf32, #tpu.memory_space<vmem>>) target(%dma_start3A_922 : memref<10000x64xf32, #tpu.memory_space<vmem_shared>>) offsets(%dma_start3A_919 : memref<125xi32, #tpu.memory_space<vmem>>) semaphore(%arg18 : memref<!tpu.dma_semaphore, #tpu.memory_space<semaphore_mem>>) {add = true}
      %mul3A_923 = arith.constant 6 : i32
      %mul3A_924 = arith.muli %add3A_613, %mul3A_923 : i32
      %add3A_925 = arith.constant 6 : i32
      %add3A_926 = arith.addi %add3A_925, %mul3A_924 : i32
      %add3A_927 = arith.constant 5 : i32
      %add3A_928 = arith.addi %add3A_926, %add3A_927 : i32
      %dma_wait3A_929 = arith.constant 5 : i32
      %dma_wait3A_930 = arith.constant 0 : i32
      %dma_wait3A_931 = arith.constant 0 : i32
      %dma_wait3A_932 = arith.constant 0 : i32
      %dma_wait3A_933 = tpu.memref_slice %arg9[%dma_wait3A_929, %dma_wait3A_931, %dma_wait3A_932] : memref<6x125x64xf32, #tpu.memory_space<vmem>> -> memref<1x125x64xf32, #tpu.memory_space<vmem>>
      %dma_wait3A_934 = tpu.memref_squeeze %dma_wait3A_933 : memref<1x125x64xf32, #tpu.memory_space<vmem>> -> memref<125x64xf32, #tpu.memory_space<vmem>>
      %dma_wait3A_935 = arith.constant 0 : i32
      %dma_wait3A_936 = tpu.memref_slice %arg8[%dma_wait3A_930, %dma_wait3A_935] : memref<160x125xi32, #tpu.memory_space<vmem>> -> memref<1x125xi32, #tpu.memory_space<vmem>>
      %dma_wait3A_937 = tpu.memref_squeeze %dma_wait3A_936 : memref<1x125xi32, #tpu.memory_space<vmem>> -> memref<125xi32, #tpu.memory_space<vmem>>
      %dma_wait3A_938 = arith.constant 0 : i32
      %dma_wait3A_939 = arith.constant 0 : i32
      %dma_wait3A_940 = tpu.memref_slice %arg10[%dma_wait3A_938, %dma_wait3A_939] : memref<10000x64xf32, #tpu.memory_space<vmem_shared>> -> memref<10000x64xf32, #tpu.memory_space<vmem_shared>>
      tpu.wait_indirect_dma semaphore(%arg22 : memref<!tpu.dma_semaphore, #tpu.memory_space<semaphore_mem>>) src(%dma_wait3A_934 : memref<125x64xf32, #tpu.memory_space<vmem>>) dst(%dma_wait3A_940 : memref<10000x64xf32, #tpu.memory_space<vmem_shared>>)
      %dma_start3A_941 = arith.constant 5 : i32
      %dma_start3A_942 = arith.constant 0 : i32
      %dma_start3A_943 = arith.constant 0 : i32
      %dma_start3A_944 = tpu.memref_slice %arg9[%dma_start3A_941, %dma_start3A_942, %dma_start3A_943] : memref<6x125x64xf32, #tpu.memory_space<vmem>> -> memref<1x125x64xf32, #tpu.memory_space<vmem>>
      %dma_start3A_945 = tpu.memref_squeeze %dma_start3A_944 : memref<1x125x64xf32, #tpu.memory_space<vmem>> -> memref<125x64xf32, #tpu.memory_space<vmem>>
      %dma_start3A_946 = arith.constant 0 : i32
      %dma_start3A_947 = tpu.memref_slice %arg7[%add3A_928, %dma_start3A_946] : memref<160x125xi32, #tpu.memory_space<vmem>> -> memref<1x125xi32, #tpu.memory_space<vmem>>
      %dma_start3A_948 = tpu.memref_squeeze %dma_start3A_947 : memref<1x125xi32, #tpu.memory_space<vmem>> -> memref<125xi32, #tpu.memory_space<vmem>>
      %dma_start3A_949 = arith.constant 0 : i32
      %dma_start3A_950 = arith.constant 0 : i32
      %dma_start3A_951 = tpu.memref_slice %arg2[%arg0, %dma_start3A_949, %dma_start3A_950] : memref<2x10000x64xf32, #tpu.memory_space<hbm>> -> memref<1x10000x64xf32, #tpu.memory_space<hbm>>
      %dma_start3A_952 = tpu.memref_squeeze %dma_start3A_951 : memref<1x10000x64xf32, #tpu.memory_space<hbm>> -> memref<10000x64xf32, #tpu.memory_space<hbm>>
      %dma_start3A_953 = arith.constant 0 : i32
      %dma_start3A_954 = arith.constant 0 : i32
      %dma_start3A_955 = tpu.memref_slice %dma_start3A_952[%dma_start3A_953, %dma_start3A_954] : memref<10000x64xf32, #tpu.memory_space<hbm>> -> memref<10000x64xf32, #tpu.memory_space<hbm>>
      tpu.enqueue_indirect_dma source(%dma_start3A_955 : memref<10000x64xf32, #tpu.memory_space<hbm>>) target(%dma_start3A_945 : memref<125x64xf32, #tpu.memory_space<vmem>>) offsets(%dma_start3A_948 : memref<125xi32, #tpu.memory_space<vmem>>) semaphore(%arg16 : memref<!tpu.dma_semaphore, #tpu.memory_space<semaphore_mem>>)
      %dma_wait3A_956 = arith.constant 0 : i32
      %dma_wait3A_957 = arith.constant 2 : i32
      %dma_wait3A_958 = arith.constant 0 : i32
      %dma_wait3A_959 = arith.constant 0 : i32
      %dma_wait3A_960 = tpu.memref_slice %arg9[%dma_wait3A_957, %dma_wait3A_958, %dma_wait3A_959] : memref<6x125x64xf32, #tpu.memory_space<vmem>> -> memref<1x125x64xf32, #tpu.memory_space<vmem>>
      %dma_wait3A_961 = tpu.memref_squeeze %dma_wait3A_960 : memref<1x125x64xf32, #tpu.memory_space<vmem>> -> memref<125x64xf32, #tpu.memory_space<vmem>>
      %dma_wait3A_962 = arith.constant 0 : i32
      %dma_wait3A_963 = tpu.memref_slice %arg7[%dma_wait3A_956, %dma_wait3A_962] : memref<160x125xi32, #tpu.memory_space<vmem>> -> memref<1x125xi32, #tpu.memory_space<vmem>>
      %dma_wait3A_964 = tpu.memref_squeeze %dma_wait3A_963 : memref<1x125xi32, #tpu.memory_space<vmem>> -> memref<125xi32, #tpu.memory_space<vmem>>
      %dma_wait3A_965 = arith.constant 0 : i32
      %dma_wait3A_966 = arith.constant 0 : i32
      %dma_wait3A_967 = tpu.memref_slice %arg2[%arg0, %dma_wait3A_965, %dma_wait3A_966] : memref<2x10000x64xf32, #tpu.memory_space<hbm>> -> memref<1x10000x64xf32, #tpu.memory_space<hbm>>
      %dma_wait3A_968 = tpu.memref_squeeze %dma_wait3A_967 : memref<1x10000x64xf32, #tpu.memory_space<hbm>> -> memref<10000x64xf32, #tpu.memory_space<hbm>>
      %dma_wait3A_969 = arith.constant 0 : i32
      %dma_wait3A_970 = arith.constant 0 : i32
      %dma_wait3A_971 = tpu.memref_slice %dma_wait3A_968[%dma_wait3A_969, %dma_wait3A_970] : memref<10000x64xf32, #tpu.memory_space<hbm>> -> memref<10000x64xf32, #tpu.memory_space<hbm>>
      tpu.wait_indirect_dma semaphore(%arg13 : memref<!tpu.dma_semaphore, #tpu.memory_space<semaphore_mem>>) src(%dma_wait3A_971 : memref<10000x64xf32, #tpu.memory_space<hbm>>) dst(%dma_wait3A_961 : memref<125x64xf32, #tpu.memory_space<vmem>>)
      %sub3A_972 = arith.constant 3 : i32
      %sub3A_973 = arith.subi %add3A_928, %sub3A_972 : i32
      %dma_start3A_974 = arith.constant 2 : i32
      %dma_start3A_975 = arith.constant 0 : i32
      %dma_start3A_976 = arith.constant 0 : i32
      %dma_start3A_977 = tpu.memref_slice %arg9[%dma_start3A_974, %dma_start3A_975, %dma_start3A_976] : memref<6x125x64xf32, #tpu.memory_space<vmem>> -> memref<1x125x64xf32, #tpu.memory_space<vmem>>
      %dma_start3A_978 = tpu.memref_squeeze %dma_start3A_977 : memref<1x125x64xf32, #tpu.memory_space<vmem>> -> memref<125x64xf32, #tpu.memory_space<vmem>>
      %dma_start3A_979 = arith.constant 0 : i32
      %dma_start3A_980 = tpu.memref_slice %arg8[%sub3A_973, %dma_start3A_979] : memref<160x125xi32, #tpu.memory_space<vmem>> -> memref<1x125xi32, #tpu.memory_space<vmem>>
      %dma_start3A_981 = tpu.memref_squeeze %dma_start3A_980 : memref<1x125xi32, #tpu.memory_space<vmem>> -> memref<125xi32, #tpu.memory_space<vmem>>
      %dma_start3A_982 = arith.constant 0 : i32
      %dma_start3A_983 = arith.constant 0 : i32
      %dma_start3A_984 = tpu.memref_slice %arg10[%dma_start3A_982, %dma_start3A_983] : memref<10000x64xf32, #tpu.memory_space<vmem_shared>> -> memref<10000x64xf32, #tpu.memory_space<vmem_shared>>
      tpu.enqueue_indirect_dma source(%dma_start3A_978 : memref<125x64xf32, #tpu.memory_space<vmem>>) target(%dma_start3A_984 : memref<10000x64xf32, #tpu.memory_space<vmem_shared>>) offsets(%dma_start3A_981 : memref<125xi32, #tpu.memory_space<vmem>>) semaphore(%arg19 : memref<!tpu.dma_semaphore, #tpu.memory_space<semaphore_mem>>) {add = true}
    }
    %scan3A_219 = arith.constant 25 : i32
    %dma_wait3A_220 = arith.constant 0 : i32
    %dma_wait3A_221 = arith.constant 0 : i32
    %dma_wait3A_222 = arith.constant 0 : i32
    %dma_wait3A_223 = arith.constant 0 : i32
    %dma_wait3A_224 = tpu.memref_slice %arg9[%dma_wait3A_220, %dma_wait3A_222, %dma_wait3A_223] : memref<6x125x64xf32, #tpu.memory_space<vmem>> -> memref<1x125x64xf32, #tpu.memory_space<vmem>>
    %dma_wait3A_225 = tpu.memref_squeeze %dma_wait3A_224 : memref<1x125x64xf32, #tpu.memory_space<vmem>> -> memref<125x64xf32, #tpu.memory_space<vmem>>
    %dma_wait3A_226 = arith.constant 0 : i32
    %dma_wait3A_227 = tpu.memref_slice %arg8[%dma_wait3A_221, %dma_wait3A_226] : memref<160x125xi32, #tpu.memory_space<vmem>> -> memref<1x125xi32, #tpu.memory_space<vmem>>
    %dma_wait3A_228 = tpu.memref_squeeze %dma_wait3A_227 : memref<1x125xi32, #tpu.memory_space<vmem>> -> memref<125xi32, #tpu.memory_space<vmem>>
    %dma_wait3A_229 = arith.constant 0 : i32
    %dma_wait3A_230 = arith.constant 0 : i32
    %dma_wait3A_231 = tpu.memref_slice %arg10[%dma_wait3A_229, %dma_wait3A_230] : memref<10000x64xf32, #tpu.memory_space<vmem_shared>> -> memref<10000x64xf32, #tpu.memory_space<vmem_shared>>
    tpu.wait_indirect_dma semaphore(%arg17 : memref<!tpu.dma_semaphore, #tpu.memory_space<semaphore_mem>>) src(%dma_wait3A_225 : memref<125x64xf32, #tpu.memory_space<vmem>>) dst(%dma_wait3A_231 : memref<10000x64xf32, #tpu.memory_space<vmem_shared>>)
    %dma_start3A_232 = arith.constant 156 : i32
    %dma_start3A_233 = arith.constant 0 : i32
    %dma_start3A_234 = arith.constant 0 : i32
    %dma_start3A_235 = arith.constant 0 : i32
    %dma_start3A_236 = tpu.memref_slice %arg9[%dma_start3A_233, %dma_start3A_234, %dma_start3A_235] : memref<6x125x64xf32, #tpu.memory_space<vmem>> -> memref<1x125x64xf32, #tpu.memory_space<vmem>>
    %dma_start3A_237 = tpu.memref_squeeze %dma_start3A_236 : memref<1x125x64xf32, #tpu.memory_space<vmem>> -> memref<125x64xf32, #tpu.memory_space<vmem>>
    %dma_start3A_238 = arith.constant 0 : i32
    %dma_start3A_239 = tpu.memref_slice %arg7[%dma_start3A_232, %dma_start3A_238] : memref<160x125xi32, #tpu.memory_space<vmem>> -> memref<1x125xi32, #tpu.memory_space<vmem>>
    %dma_start3A_240 = tpu.memref_squeeze %dma_start3A_239 : memref<1x125xi32, #tpu.memory_space<vmem>> -> memref<125xi32, #tpu.memory_space<vmem>>
    %dma_start3A_241 = arith.constant 0 : i32
    %dma_start3A_242 = arith.constant 0 : i32
    %dma_start3A_243 = tpu.memref_slice %arg2[%arg0, %dma_start3A_241, %dma_start3A_242] : memref<2x10000x64xf32, #tpu.memory_space<hbm>> -> memref<1x10000x64xf32, #tpu.memory_space<hbm>>
    %dma_start3A_244 = tpu.memref_squeeze %dma_start3A_243 : memref<1x10000x64xf32, #tpu.memory_space<hbm>> -> memref<10000x64xf32, #tpu.memory_space<hbm>>
    %dma_start3A_245 = arith.constant 0 : i32
    %dma_start3A_246 = arith.constant 0 : i32
    %dma_start3A_247 = tpu.memref_slice %dma_start3A_244[%dma_start3A_245, %dma_start3A_246] : memref<10000x64xf32, #tpu.memory_space<hbm>> -> memref<10000x64xf32, #tpu.memory_space<hbm>>
    tpu.enqueue_indirect_dma source(%dma_start3A_247 : memref<10000x64xf32, #tpu.memory_space<hbm>>) target(%dma_start3A_237 : memref<125x64xf32, #tpu.memory_space<vmem>>) offsets(%dma_start3A_240 : memref<125xi32, #tpu.memory_space<vmem>>) semaphore(%arg11 : memref<!tpu.dma_semaphore, #tpu.memory_space<semaphore_mem>>)
    %dma_wait3A_248 = arith.constant 0 : i32
    %dma_wait3A_249 = arith.constant 3 : i32
    %dma_wait3A_250 = arith.constant 0 : i32
    %dma_wait3A_251 = arith.constant 0 : i32
    %dma_wait3A_252 = tpu.memref_slice %arg9[%dma_wait3A_249, %dma_wait3A_250, %dma_wait3A_251] : memref<6x125x64xf32, #tpu.memory_space<vmem>> -> memref<1x125x64xf32, #tpu.memory_space<vmem>>
    %dma_wait3A_253 = tpu.memref_squeeze %dma_wait3A_252 : memref<1x125x64xf32, #tpu.memory_space<vmem>> -> memref<125x64xf32, #tpu.memory_space<vmem>>
    %dma_wait3A_254 = arith.constant 0 : i32
    %dma_wait3A_255 = tpu.memref_slice %arg7[%dma_wait3A_248, %dma_wait3A_254] : memref<160x125xi32, #tpu.memory_space<vmem>> -> memref<1x125xi32, #tpu.memory_space<vmem>>
    %dma_wait3A_256 = tpu.memref_squeeze %dma_wait3A_255 : memref<1x125xi32, #tpu.memory_space<vmem>> -> memref<125xi32, #tpu.memory_space<vmem>>
    %dma_wait3A_257 = arith.constant 0 : i32
    %dma_wait3A_258 = arith.constant 0 : i32
    %dma_wait3A_259 = tpu.memref_slice %arg2[%arg0, %dma_wait3A_257, %dma_wait3A_258] : memref<2x10000x64xf32, #tpu.memory_space<hbm>> -> memref<1x10000x64xf32, #tpu.memory_space<hbm>>
    %dma_wait3A_260 = tpu.memref_squeeze %dma_wait3A_259 : memref<1x10000x64xf32, #tpu.memory_space<hbm>> -> memref<10000x64xf32, #tpu.memory_space<hbm>>
    %dma_wait3A_261 = arith.constant 0 : i32
    %dma_wait3A_262 = arith.constant 0 : i32
    %dma_wait3A_263 = tpu.memref_slice %dma_wait3A_260[%dma_wait3A_261, %dma_wait3A_262] : memref<10000x64xf32, #tpu.memory_space<hbm>> -> memref<10000x64xf32, #tpu.memory_space<hbm>>
    tpu.wait_indirect_dma semaphore(%arg14 : memref<!tpu.dma_semaphore, #tpu.memory_space<semaphore_mem>>) src(%dma_wait3A_263 : memref<10000x64xf32, #tpu.memory_space<hbm>>) dst(%dma_wait3A_253 : memref<125x64xf32, #tpu.memory_space<vmem>>)
    %dma_start3A_264 = arith.constant 3 : i32
    %dma_start3A_265 = arith.constant 153 : i32
    %dma_start3A_266 = arith.constant 0 : i32
    %dma_start3A_267 = arith.constant 0 : i32
    %dma_start3A_268 = tpu.memref_slice %arg9[%dma_start3A_264, %dma_start3A_266, %dma_start3A_267] : memref<6x125x64xf32, #tpu.memory_space<vmem>> -> memref<1x125x64xf32, #tpu.memory_space<vmem>>
    %dma_start3A_269 = tpu.memref_squeeze %dma_start3A_268 : memref<1x125x64xf32, #tpu.memory_space<vmem>> -> memref<125x64xf32, #tpu.memory_space<vmem>>
    %dma_start3A_270 = arith.constant 0 : i32
    %dma_start3A_271 = tpu.memref_slice %arg8[%dma_start3A_265, %dma_start3A_270] : memref<160x125xi32, #tpu.memory_space<vmem>> -> memref<1x125xi32, #tpu.memory_space<vmem>>
    %dma_start3A_272 = tpu.memref_squeeze %dma_start3A_271 : memref<1x125xi32, #tpu.memory_space<vmem>> -> memref<125xi32, #tpu.memory_space<vmem>>
    %dma_start3A_273 = arith.constant 0 : i32
    %dma_start3A_274 = arith.constant 0 : i32
    %dma_start3A_275 = tpu.memref_slice %arg10[%dma_start3A_273, %dma_start3A_274] : memref<10000x64xf32, #tpu.memory_space<vmem_shared>> -> memref<10000x64xf32, #tpu.memory_space<vmem_shared>>
    tpu.enqueue_indirect_dma source(%dma_start3A_269 : memref<125x64xf32, #tpu.memory_space<vmem>>) target(%dma_start3A_275 : memref<10000x64xf32, #tpu.memory_space<vmem_shared>>) offsets(%dma_start3A_272 : memref<125xi32, #tpu.memory_space<vmem>>) semaphore(%arg20 : memref<!tpu.dma_semaphore, #tpu.memory_space<semaphore_mem>>) {add = true}
    %dma_wait3A_276 = arith.constant 1 : i32
    %dma_wait3A_277 = arith.constant 0 : i32
    %dma_wait3A_278 = arith.constant 0 : i32
    %dma_wait3A_279 = arith.constant 0 : i32
    %dma_wait3A_280 = tpu.memref_slice %arg9[%dma_wait3A_276, %dma_wait3A_278, %dma_wait3A_279] : memref<6x125x64xf32, #tpu.memory_space<vmem>> -> memref<1x125x64xf32, #tpu.memory_space<vmem>>
    %dma_wait3A_281 = tpu.memref_squeeze %dma_wait3A_280 : memref<1x125x64xf32, #tpu.memory_space<vmem>> -> memref<125x64xf32, #tpu.memory_space<vmem>>
    %dma_wait3A_282 = arith.constant 0 : i32
    %dma_wait3A_283 = tpu.memref_slice %arg8[%dma_wait3A_277, %dma_wait3A_282] : memref<160x125xi32, #tpu.memory_space<vmem>> -> memref<1x125xi32, #tpu.memory_space<vmem>>
    %dma_wait3A_284 = tpu.memref_squeeze %dma_wait3A_283 : memref<1x125xi32, #tpu.memory_space<vmem>> -> memref<125xi32, #tpu.memory_space<vmem>>
    %dma_wait3A_285 = arith.constant 0 : i32
    %dma_wait3A_286 = arith.constant 0 : i32
    %dma_wait3A_287 = tpu.memref_slice %arg10[%dma_wait3A_285, %dma_wait3A_286] : memref<10000x64xf32, #tpu.memory_space<vmem_shared>> -> memref<10000x64xf32, #tpu.memory_space<vmem_shared>>
    tpu.wait_indirect_dma semaphore(%arg18 : memref<!tpu.dma_semaphore, #tpu.memory_space<semaphore_mem>>) src(%dma_wait3A_281 : memref<125x64xf32, #tpu.memory_space<vmem>>) dst(%dma_wait3A_287 : memref<10000x64xf32, #tpu.memory_space<vmem_shared>>)
    %dma_start3A_288 = arith.constant 157 : i32
    %dma_start3A_289 = arith.constant 1 : i32
    %dma_start3A_290 = arith.constant 0 : i32
    %dma_start3A_291 = arith.constant 0 : i32
    %dma_start3A_292 = tpu.memref_slice %arg9[%dma_start3A_289, %dma_start3A_290, %dma_start3A_291] : memref<6x125x64xf32, #tpu.memory_space<vmem>> -> memref<1x125x64xf32, #tpu.memory_space<vmem>>
    %dma_start3A_293 = tpu.memref_squeeze %dma_start3A_292 : memref<1x125x64xf32, #tpu.memory_space<vmem>> -> memref<125x64xf32, #tpu.memory_space<vmem>>
    %dma_start3A_294 = arith.constant 0 : i32
    %dma_start3A_295 = tpu.memref_slice %arg7[%dma_start3A_288, %dma_start3A_294] : memref<160x125xi32, #tpu.memory_space<vmem>> -> memref<1x125xi32, #tpu.memory_space<vmem>>
    %dma_start3A_296 = tpu.memref_squeeze %dma_start3A_295 : memref<1x125xi32, #tpu.memory_space<vmem>> -> memref<125xi32, #tpu.memory_space<vmem>>
    %dma_start3A_297 = arith.constant 0 : i32
    %dma_start3A_298 = arith.constant 0 : i32
    %dma_start3A_299 = tpu.memref_slice %arg2[%arg0, %dma_start3A_297, %dma_start3A_298] : memref<2x10000x64xf32, #tpu.memory_space<hbm>> -> memref<1x10000x64xf32, #tpu.memory_space<hbm>>
    %dma_start3A_300 = tpu.memref_squeeze %dma_start3A_299 : memref<1x10000x64xf32, #tpu.memory_space<hbm>> -> memref<10000x64xf32, #tpu.memory_space<hbm>>
    %dma_start3A_301 = arith.constant 0 : i32
    %dma_start3A_302 = arith.constant 0 : i32
    %dma_start3A_303 = tpu.memref_slice %dma_start3A_300[%dma_start3A_301, %dma_start3A_302] : memref<10000x64xf32, #tpu.memory_space<hbm>> -> memref<10000x64xf32, #tpu.memory_space<hbm>>
    tpu.enqueue_indirect_dma source(%dma_start3A_303 : memref<10000x64xf32, #tpu.memory_space<hbm>>) target(%dma_start3A_293 : memref<125x64xf32, #tpu.memory_space<vmem>>) offsets(%dma_start3A_296 : memref<125xi32, #tpu.memory_space<vmem>>) semaphore(%arg12 : memref<!tpu.dma_semaphore, #tpu.memory_space<semaphore_mem>>)
    %dma_wait3A_304 = arith.constant 0 : i32
    %dma_wait3A_305 = arith.constant 4 : i32
    %dma_wait3A_306 = arith.constant 0 : i32
    %dma_wait3A_307 = arith.constant 0 : i32
    %dma_wait3A_308 = tpu.memref_slice %arg9[%dma_wait3A_305, %dma_wait3A_306, %dma_wait3A_307] : memref<6x125x64xf32, #tpu.memory_space<vmem>> -> memref<1x125x64xf32, #tpu.memory_space<vmem>>
    %dma_wait3A_309 = tpu.memref_squeeze %dma_wait3A_308 : memref<1x125x64xf32, #tpu.memory_space<vmem>> -> memref<125x64xf32, #tpu.memory_space<vmem>>
    %dma_wait3A_310 = arith.constant 0 : i32
    %dma_wait3A_311 = tpu.memref_slice %arg7[%dma_wait3A_304, %dma_wait3A_310] : memref<160x125xi32, #tpu.memory_space<vmem>> -> memref<1x125xi32, #tpu.memory_space<vmem>>
    %dma_wait3A_312 = tpu.memref_squeeze %dma_wait3A_311 : memref<1x125xi32, #tpu.memory_space<vmem>> -> memref<125xi32, #tpu.memory_space<vmem>>
    %dma_wait3A_313 = arith.constant 0 : i32
    %dma_wait3A_314 = arith.constant 0 : i32
    %dma_wait3A_315 = tpu.memref_slice %arg2[%arg0, %dma_wait3A_313, %dma_wait3A_314] : memref<2x10000x64xf32, #tpu.memory_space<hbm>> -> memref<1x10000x64xf32, #tpu.memory_space<hbm>>
    %dma_wait3A_316 = tpu.memref_squeeze %dma_wait3A_315 : memref<1x10000x64xf32, #tpu.memory_space<hbm>> -> memref<10000x64xf32, #tpu.memory_space<hbm>>
    %dma_wait3A_317 = arith.constant 0 : i32
    %dma_wait3A_318 = arith.constant 0 : i32
    %dma_wait3A_319 = tpu.memref_slice %dma_wait3A_316[%dma_wait3A_317, %dma_wait3A_318] : memref<10000x64xf32, #tpu.memory_space<hbm>> -> memref<10000x64xf32, #tpu.memory_space<hbm>>
    tpu.wait_indirect_dma semaphore(%arg15 : memref<!tpu.dma_semaphore, #tpu.memory_space<semaphore_mem>>) src(%dma_wait3A_319 : memref<10000x64xf32, #tpu.memory_space<hbm>>) dst(%dma_wait3A_309 : memref<125x64xf32, #tpu.memory_space<vmem>>)
    %dma_start3A_320 = arith.constant 4 : i32
    %dma_start3A_321 = arith.constant 154 : i32
    %dma_start3A_322 = arith.constant 0 : i32
    %dma_start3A_323 = arith.constant 0 : i32
    %dma_start3A_324 = tpu.memref_slice %arg9[%dma_start3A_320, %dma_start3A_322, %dma_start3A_323] : memref<6x125x64xf32, #tpu.memory_space<vmem>> -> memref<1x125x64xf32, #tpu.memory_space<vmem>>
    %dma_start3A_325 = tpu.memref_squeeze %dma_start3A_324 : memref<1x125x64xf32, #tpu.memory_space<vmem>> -> memref<125x64xf32, #tpu.memory_space<vmem>>
    %dma_start3A_326 = arith.constant 0 : i32
    %dma_start3A_327 = tpu.memref_slice %arg8[%dma_start3A_321, %dma_start3A_326] : memref<160x125xi32, #tpu.memory_space<vmem>> -> memref<1x125xi32, #tpu.memory_space<vmem>>
    %dma_start3A_328 = tpu.memref_squeeze %dma_start3A_327 : memref<1x125xi32, #tpu.memory_space<vmem>> -> memref<125xi32, #tpu.memory_space<vmem>>
    %dma_start3A_329 = arith.constant 0 : i32
    %dma_start3A_330 = arith.constant 0 : i32
    %dma_start3A_331 = tpu.memref_slice %arg10[%dma_start3A_329, %dma_start3A_330] : memref<10000x64xf32, #tpu.memory_space<vmem_shared>> -> memref<10000x64xf32, #tpu.memory_space<vmem_shared>>
    tpu.enqueue_indirect_dma source(%dma_start3A_325 : memref<125x64xf32, #tpu.memory_space<vmem>>) target(%dma_start3A_331 : memref<10000x64xf32, #tpu.memory_space<vmem_shared>>) offsets(%dma_start3A_328 : memref<125xi32, #tpu.memory_space<vmem>>) semaphore(%arg21 : memref<!tpu.dma_semaphore, #tpu.memory_space<semaphore_mem>>) {add = true}
    %dma_wait3A_332 = arith.constant 2 : i32
    %dma_wait3A_333 = arith.constant 0 : i32
    %dma_wait3A_334 = arith.constant 0 : i32
    %dma_wait3A_335 = arith.constant 0 : i32
    %dma_wait3A_336 = tpu.memref_slice %arg9[%dma_wait3A_332, %dma_wait3A_334, %dma_wait3A_335] : memref<6x125x64xf32, #tpu.memory_space<vmem>> -> memref<1x125x64xf32, #tpu.memory_space<vmem>>
    %dma_wait3A_337 = tpu.memref_squeeze %dma_wait3A_336 : memref<1x125x64xf32, #tpu.memory_space<vmem>> -> memref<125x64xf32, #tpu.memory_space<vmem>>
    %dma_wait3A_338 = arith.constant 0 : i32
    %dma_wait3A_339 = tpu.memref_slice %arg8[%dma_wait3A_333, %dma_wait3A_338] : memref<160x125xi32, #tpu.memory_space<vmem>> -> memref<1x125xi32, #tpu.memory_space<vmem>>
    %dma_wait3A_340 = tpu.memref_squeeze %dma_wait3A_339 : memref<1x125xi32, #tpu.memory_space<vmem>> -> memref<125xi32, #tpu.memory_space<vmem>>
    %dma_wait3A_341 = arith.constant 0 : i32
    %dma_wait3A_342 = arith.constant 0 : i32
    %dma_wait3A_343 = tpu.memref_slice %arg10[%dma_wait3A_341, %dma_wait3A_342] : memref<10000x64xf32, #tpu.memory_space<vmem_shared>> -> memref<10000x64xf32, #tpu.memory_space<vmem_shared>>
    tpu.wait_indirect_dma semaphore(%arg19 : memref<!tpu.dma_semaphore, #tpu.memory_space<semaphore_mem>>) src(%dma_wait3A_337 : memref<125x64xf32, #tpu.memory_space<vmem>>) dst(%dma_wait3A_343 : memref<10000x64xf32, #tpu.memory_space<vmem_shared>>)
    %dma_start3A_344 = arith.constant 158 : i32
    %dma_start3A_345 = arith.constant 2 : i32
    %dma_start3A_346 = arith.constant 0 : i32
    %dma_start3A_347 = arith.constant 0 : i32
    %dma_start3A_348 = tpu.memref_slice %arg9[%dma_start3A_345, %dma_start3A_346, %dma_start3A_347] : memref<6x125x64xf32, #tpu.memory_space<vmem>> -> memref<1x125x64xf32, #tpu.memory_space<vmem>>
    %dma_start3A_349 = tpu.memref_squeeze %dma_start3A_348 : memref<1x125x64xf32, #tpu.memory_space<vmem>> -> memref<125x64xf32, #tpu.memory_space<vmem>>
    %dma_start3A_350 = arith.constant 0 : i32
    %dma_start3A_351 = tpu.memref_slice %arg7[%dma_start3A_344, %dma_start3A_350] : memref<160x125xi32, #tpu.memory_space<vmem>> -> memref<1x125xi32, #tpu.memory_space<vmem>>
    %dma_start3A_352 = tpu.memref_squeeze %dma_start3A_351 : memref<1x125xi32, #tpu.memory_space<vmem>> -> memref<125xi32, #tpu.memory_space<vmem>>
    %dma_start3A_353 = arith.constant 0 : i32
    %dma_start3A_354 = arith.constant 0 : i32
    %dma_start3A_355 = tpu.memref_slice %arg2[%arg0, %dma_start3A_353, %dma_start3A_354] : memref<2x10000x64xf32, #tpu.memory_space<hbm>> -> memref<1x10000x64xf32, #tpu.memory_space<hbm>>
    %dma_start3A_356 = tpu.memref_squeeze %dma_start3A_355 : memref<1x10000x64xf32, #tpu.memory_space<hbm>> -> memref<10000x64xf32, #tpu.memory_space<hbm>>
    %dma_start3A_357 = arith.constant 0 : i32
    %dma_start3A_358 = arith.constant 0 : i32
    %dma_start3A_359 = tpu.memref_slice %dma_start3A_356[%dma_start3A_357, %dma_start3A_358] : memref<10000x64xf32, #tpu.memory_space<hbm>> -> memref<10000x64xf32, #tpu.memory_space<hbm>>
    tpu.enqueue_indirect_dma source(%dma_start3A_359 : memref<10000x64xf32, #tpu.memory_space<hbm>>) target(%dma_start3A_349 : memref<125x64xf32, #tpu.memory_space<vmem>>) offsets(%dma_start3A_352 : memref<125xi32, #tpu.memory_space<vmem>>) semaphore(%arg13 : memref<!tpu.dma_semaphore, #tpu.memory_space<semaphore_mem>>)
    %dma_wait3A_360 = arith.constant 0 : i32
    %dma_wait3A_361 = arith.constant 5 : i32
    %dma_wait3A_362 = arith.constant 0 : i32
    %dma_wait3A_363 = arith.constant 0 : i32
    %dma_wait3A_364 = tpu.memref_slice %arg9[%dma_wait3A_361, %dma_wait3A_362, %dma_wait3A_363] : memref<6x125x64xf32, #tpu.memory_space<vmem>> -> memref<1x125x64xf32, #tpu.memory_space<vmem>>
    %dma_wait3A_365 = tpu.memref_squeeze %dma_wait3A_364 : memref<1x125x64xf32, #tpu.memory_space<vmem>> -> memref<125x64xf32, #tpu.memory_space<vmem>>
    %dma_wait3A_366 = arith.constant 0 : i32
    %dma_wait3A_367 = tpu.memref_slice %arg7[%dma_wait3A_360, %dma_wait3A_366] : memref<160x125xi32, #tpu.memory_space<vmem>> -> memref<1x125xi32, #tpu.memory_space<vmem>>
    %dma_wait3A_368 = tpu.memref_squeeze %dma_wait3A_367 : memref<1x125xi32, #tpu.memory_space<vmem>> -> memref<125xi32, #tpu.memory_space<vmem>>
    %dma_wait3A_369 = arith.constant 0 : i32
    %dma_wait3A_370 = arith.constant 0 : i32
    %dma_wait3A_371 = tpu.memref_slice %arg2[%arg0, %dma_wait3A_369, %dma_wait3A_370] : memref<2x10000x64xf32, #tpu.memory_space<hbm>> -> memref<1x10000x64xf32, #tpu.memory_space<hbm>>
    %dma_wait3A_372 = tpu.memref_squeeze %dma_wait3A_371 : memref<1x10000x64xf32, #tpu.memory_space<hbm>> -> memref<10000x64xf32, #tpu.memory_space<hbm>>
    %dma_wait3A_373 = arith.constant 0 : i32
    %dma_wait3A_374 = arith.constant 0 : i32
    %dma_wait3A_375 = tpu.memref_slice %dma_wait3A_372[%dma_wait3A_373, %dma_wait3A_374] : memref<10000x64xf32, #tpu.memory_space<hbm>> -> memref<10000x64xf32, #tpu.memory_space<hbm>>
    tpu.wait_indirect_dma semaphore(%arg16 : memref<!tpu.dma_semaphore, #tpu.memory_space<semaphore_mem>>) src(%dma_wait3A_375 : memref<10000x64xf32, #tpu.memory_space<hbm>>) dst(%dma_wait3A_365 : memref<125x64xf32, #tpu.memory_space<vmem>>)
    %dma_start3A_376 = arith.constant 5 : i32
    %dma_start3A_377 = arith.constant 155 : i32
    %dma_start3A_378 = arith.constant 0 : i32
    %dma_start3A_379 = arith.constant 0 : i32
    %dma_start3A_380 = tpu.memref_slice %arg9[%dma_start3A_376, %dma_start3A_378, %dma_start3A_379] : memref<6x125x64xf32, #tpu.memory_space<vmem>> -> memref<1x125x64xf32, #tpu.memory_space<vmem>>
    %dma_start3A_381 = tpu.memref_squeeze %dma_start3A_380 : memref<1x125x64xf32, #tpu.memory_space<vmem>> -> memref<125x64xf32, #tpu.memory_space<vmem>>
    %dma_start3A_382 = arith.constant 0 : i32
    %dma_start3A_383 = tpu.memref_slice %arg8[%dma_start3A_377, %dma_start3A_382] : memref<160x125xi32, #tpu.memory_space<vmem>> -> memref<1x125xi32, #tpu.memory_space<vmem>>
    %dma_start3A_384 = tpu.memref_squeeze %dma_start3A_383 : memref<1x125xi32, #tpu.memory_space<vmem>> -> memref<125xi32, #tpu.memory_space<vmem>>
    %dma_start3A_385 = arith.constant 0 : i32
    %dma_start3A_386 = arith.constant 0 : i32
    %dma_start3A_387 = tpu.memref_slice %arg10[%dma_start3A_385, %dma_start3A_386] : memref<10000x64xf32, #tpu.memory_space<vmem_shared>> -> memref<10000x64xf32, #tpu.memory_space<vmem_shared>>
    tpu.enqueue_indirect_dma source(%dma_start3A_381 : memref<125x64xf32, #tpu.memory_space<vmem>>) target(%dma_start3A_387 : memref<10000x64xf32, #tpu.memory_space<vmem_shared>>) offsets(%dma_start3A_384 : memref<125xi32, #tpu.memory_space<vmem>>) semaphore(%arg22 : memref<!tpu.dma_semaphore, #tpu.memory_space<semaphore_mem>>) {add = true}
    %dma_wait3A_388 = arith.constant 3 : i32
    %dma_wait3A_389 = arith.constant 0 : i32
    %dma_wait3A_390 = arith.constant 0 : i32
    %dma_wait3A_391 = arith.constant 0 : i32
    %dma_wait3A_392 = tpu.memref_slice %arg9[%dma_wait3A_388, %dma_wait3A_390, %dma_wait3A_391] : memref<6x125x64xf32, #tpu.memory_space<vmem>> -> memref<1x125x64xf32, #tpu.memory_space<vmem>>
    %dma_wait3A_393 = tpu.memref_squeeze %dma_wait3A_392 : memref<1x125x64xf32, #tpu.memory_space<vmem>> -> memref<125x64xf32, #tpu.memory_space<vmem>>
    %dma_wait3A_394 = arith.constant 0 : i32
    %dma_wait3A_395 = tpu.memref_slice %arg8[%dma_wait3A_389, %dma_wait3A_394] : memref<160x125xi32, #tpu.memory_space<vmem>> -> memref<1x125xi32, #tpu.memory_space<vmem>>
    %dma_wait3A_396 = tpu.memref_squeeze %dma_wait3A_395 : memref<1x125xi32, #tpu.memory_space<vmem>> -> memref<125xi32, #tpu.memory_space<vmem>>
    %dma_wait3A_397 = arith.constant 0 : i32
    %dma_wait3A_398 = arith.constant 0 : i32
    %dma_wait3A_399 = tpu.memref_slice %arg10[%dma_wait3A_397, %dma_wait3A_398] : memref<10000x64xf32, #tpu.memory_space<vmem_shared>> -> memref<10000x64xf32, #tpu.memory_space<vmem_shared>>
    tpu.wait_indirect_dma semaphore(%arg20 : memref<!tpu.dma_semaphore, #tpu.memory_space<semaphore_mem>>) src(%dma_wait3A_393 : memref<125x64xf32, #tpu.memory_space<vmem>>) dst(%dma_wait3A_399 : memref<10000x64xf32, #tpu.memory_space<vmem_shared>>)
    %dma_start3A_400 = arith.constant 159 : i32
    %dma_start3A_401 = arith.constant 3 : i32
    %dma_start3A_402 = arith.constant 0 : i32
    %dma_start3A_403 = arith.constant 0 : i32
    %dma_start3A_404 = tpu.memref_slice %arg9[%dma_start3A_401, %dma_start3A_402, %dma_start3A_403] : memref<6x125x64xf32, #tpu.memory_space<vmem>> -> memref<1x125x64xf32, #tpu.memory_space<vmem>>
    %dma_start3A_405 = tpu.memref_squeeze %dma_start3A_404 : memref<1x125x64xf32, #tpu.memory_space<vmem>> -> memref<125x64xf32, #tpu.memory_space<vmem>>
    %dma_start3A_406 = arith.constant 0 : i32
    %dma_start3A_407 = tpu.memref_slice %arg7[%dma_start3A_400, %dma_start3A_406] : memref<160x125xi32, #tpu.memory_space<vmem>> -> memref<1x125xi32, #tpu.memory_space<vmem>>
    %dma_start3A_408 = tpu.memref_squeeze %dma_start3A_407 : memref<1x125xi32, #tpu.memory_space<vmem>> -> memref<125xi32, #tpu.memory_space<vmem>>
    %dma_start3A_409 = arith.constant 0 : i32
    %dma_start3A_410 = arith.constant 0 : i32
    %dma_start3A_411 = tpu.memref_slice %arg2[%arg0, %dma_start3A_409, %dma_start3A_410] : memref<2x10000x64xf32, #tpu.memory_space<hbm>> -> memref<1x10000x64xf32, #tpu.memory_space<hbm>>
    %dma_start3A_412 = tpu.memref_squeeze %dma_start3A_411 : memref<1x10000x64xf32, #tpu.memory_space<hbm>> -> memref<10000x64xf32, #tpu.memory_space<hbm>>
    %dma_start3A_413 = arith.constant 0 : i32
    %dma_start3A_414 = arith.constant 0 : i32
    %dma_start3A_415 = tpu.memref_slice %dma_start3A_412[%dma_start3A_413, %dma_start3A_414] : memref<10000x64xf32, #tpu.memory_space<hbm>> -> memref<10000x64xf32, #tpu.memory_space<hbm>>
    tpu.enqueue_indirect_dma source(%dma_start3A_415 : memref<10000x64xf32, #tpu.memory_space<hbm>>) target(%dma_start3A_405 : memref<125x64xf32, #tpu.memory_space<vmem>>) offsets(%dma_start3A_408 : memref<125xi32, #tpu.memory_space<vmem>>) semaphore(%arg14 : memref<!tpu.dma_semaphore, #tpu.memory_space<semaphore_mem>>)
    %dma_wait3A_416 = arith.constant 0 : i32
    %dma_wait3A_417 = arith.constant 0 : i32
    %dma_wait3A_418 = arith.constant 0 : i32
    %dma_wait3A_419 = arith.constant 0 : i32
    %dma_wait3A_420 = tpu.memref_slice %arg9[%dma_wait3A_417, %dma_wait3A_418, %dma_wait3A_419] : memref<6x125x64xf32, #tpu.memory_space<vmem>> -> memref<1x125x64xf32, #tpu.memory_space<vmem>>
    %dma_wait3A_421 = tpu.memref_squeeze %dma_wait3A_420 : memref<1x125x64xf32, #tpu.memory_space<vmem>> -> memref<125x64xf32, #tpu.memory_space<vmem>>
    %dma_wait3A_422 = arith.constant 0 : i32
    %dma_wait3A_423 = tpu.memref_slice %arg7[%dma_wait3A_416, %dma_wait3A_422] : memref<160x125xi32, #tpu.memory_space<vmem>> -> memref<1x125xi32, #tpu.memory_space<vmem>>
    %dma_wait3A_424 = tpu.memref_squeeze %dma_wait3A_423 : memref<1x125xi32, #tpu.memory_space<vmem>> -> memref<125xi32, #tpu.memory_space<vmem>>
    %dma_wait3A_425 = arith.constant 0 : i32
    %dma_wait3A_426 = arith.constant 0 : i32
    %dma_wait3A_427 = tpu.memref_slice %arg2[%arg0, %dma_wait3A_425, %dma_wait3A_426] : memref<2x10000x64xf32, #tpu.memory_space<hbm>> -> memref<1x10000x64xf32, #tpu.memory_space<hbm>>
    %dma_wait3A_428 = tpu.memref_squeeze %dma_wait3A_427 : memref<1x10000x64xf32, #tpu.memory_space<hbm>> -> memref<10000x64xf32, #tpu.memory_space<hbm>>
    %dma_wait3A_429 = arith.constant 0 : i32
    %dma_wait3A_430 = arith.constant 0 : i32
    %dma_wait3A_431 = tpu.memref_slice %dma_wait3A_428[%dma_wait3A_429, %dma_wait3A_430] : memref<10000x64xf32, #tpu.memory_space<hbm>> -> memref<10000x64xf32, #tpu.memory_space<hbm>>
    tpu.wait_indirect_dma semaphore(%arg11 : memref<!tpu.dma_semaphore, #tpu.memory_space<semaphore_mem>>) src(%dma_wait3A_431 : memref<10000x64xf32, #tpu.memory_space<hbm>>) dst(%dma_wait3A_421 : memref<125x64xf32, #tpu.memory_space<vmem>>)
    %dma_start3A_432 = arith.constant 0 : i32
    %dma_start3A_433 = arith.constant 156 : i32
    %dma_start3A_434 = arith.constant 0 : i32
    %dma_start3A_435 = arith.constant 0 : i32
    %dma_start3A_436 = tpu.memref_slice %arg9[%dma_start3A_432, %dma_start3A_434, %dma_start3A_435] : memref<6x125x64xf32, #tpu.memory_space<vmem>> -> memref<1x125x64xf32, #tpu.memory_space<vmem>>
    %dma_start3A_437 = tpu.memref_squeeze %dma_start3A_436 : memref<1x125x64xf32, #tpu.memory_space<vmem>> -> memref<125x64xf32, #tpu.memory_space<vmem>>
    %dma_start3A_438 = arith.constant 0 : i32
    %dma_start3A_439 = tpu.memref_slice %arg8[%dma_start3A_433, %dma_start3A_438] : memref<160x125xi32, #tpu.memory_space<vmem>> -> memref<1x125xi32, #tpu.memory_space<vmem>>
    %dma_start3A_440 = tpu.memref_squeeze %dma_start3A_439 : memref<1x125xi32, #tpu.memory_space<vmem>> -> memref<125xi32, #tpu.memory_space<vmem>>
    %dma_start3A_441 = arith.constant 0 : i32
    %dma_start3A_442 = arith.constant 0 : i32
    %dma_start3A_443 = tpu.memref_slice %arg10[%dma_start3A_441, %dma_start3A_442] : memref<10000x64xf32, #tpu.memory_space<vmem_shared>> -> memref<10000x64xf32, #tpu.memory_space<vmem_shared>>
    tpu.enqueue_indirect_dma source(%dma_start3A_437 : memref<125x64xf32, #tpu.memory_space<vmem>>) target(%dma_start3A_443 : memref<10000x64xf32, #tpu.memory_space<vmem_shared>>) offsets(%dma_start3A_440 : memref<125xi32, #tpu.memory_space<vmem>>) semaphore(%arg17 : memref<!tpu.dma_semaphore, #tpu.memory_space<semaphore_mem>>) {add = true}
    %dma_wait3A_444 = arith.constant 0 : i32
    %dma_wait3A_445 = arith.constant 1 : i32
    %dma_wait3A_446 = arith.constant 0 : i32
    %dma_wait3A_447 = arith.constant 0 : i32
    %dma_wait3A_448 = tpu.memref_slice %arg9[%dma_wait3A_445, %dma_wait3A_446, %dma_wait3A_447] : memref<6x125x64xf32, #tpu.memory_space<vmem>> -> memref<1x125x64xf32, #tpu.memory_space<vmem>>
    %dma_wait3A_449 = tpu.memref_squeeze %dma_wait3A_448 : memref<1x125x64xf32, #tpu.memory_space<vmem>> -> memref<125x64xf32, #tpu.memory_space<vmem>>
    %dma_wait3A_450 = arith.constant 0 : i32
    %dma_wait3A_451 = tpu.memref_slice %arg7[%dma_wait3A_444, %dma_wait3A_450] : memref<160x125xi32, #tpu.memory_space<vmem>> -> memref<1x125xi32, #tpu.memory_space<vmem>>
    %dma_wait3A_452 = tpu.memref_squeeze %dma_wait3A_451 : memref<1x125xi32, #tpu.memory_space<vmem>> -> memref<125xi32, #tpu.memory_space<vmem>>
    %dma_wait3A_453 = arith.constant 0 : i32
    %dma_wait3A_454 = arith.constant 0 : i32
    %dma_wait3A_455 = tpu.memref_slice %arg2[%arg0, %dma_wait3A_453, %dma_wait3A_454] : memref<2x10000x64xf32, #tpu.memory_space<hbm>> -> memref<1x10000x64xf32, #tpu.memory_space<hbm>>
    %dma_wait3A_456 = tpu.memref_squeeze %dma_wait3A_455 : memref<1x10000x64xf32, #tpu.memory_space<hbm>> -> memref<10000x64xf32, #tpu.memory_space<hbm>>
    %dma_wait3A_457 = arith.constant 0 : i32
    %dma_wait3A_458 = arith.constant 0 : i32
    %dma_wait3A_459 = tpu.memref_slice %dma_wait3A_456[%dma_wait3A_457, %dma_wait3A_458] : memref<10000x64xf32, #tpu.memory_space<hbm>> -> memref<10000x64xf32, #tpu.memory_space<hbm>>
    tpu.wait_indirect_dma semaphore(%arg12 : memref<!tpu.dma_semaphore, #tpu.memory_space<semaphore_mem>>) src(%dma_wait3A_459 : memref<10000x64xf32, #tpu.memory_space<hbm>>) dst(%dma_wait3A_449 : memref<125x64xf32, #tpu.memory_space<vmem>>)
    %dma_start3A_460 = arith.constant 1 : i32
    %dma_start3A_461 = arith.constant 157 : i32
    %dma_start3A_462 = arith.constant 0 : i32
    %dma_start3A_463 = arith.constant 0 : i32
    %dma_start3A_464 = tpu.memref_slice %arg9[%dma_start3A_460, %dma_start3A_462, %dma_start3A_463] : memref<6x125x64xf32, #tpu.memory_space<vmem>> -> memref<1x125x64xf32, #tpu.memory_space<vmem>>
    %dma_start3A_465 = tpu.memref_squeeze %dma_start3A_464 : memref<1x125x64xf32, #tpu.memory_space<vmem>> -> memref<125x64xf32, #tpu.memory_space<vmem>>
    %dma_start3A_466 = arith.constant 0 : i32
    %dma_start3A_467 = tpu.memref_slice %arg8[%dma_start3A_461, %dma_start3A_466] : memref<160x125xi32, #tpu.memory_space<vmem>> -> memref<1x125xi32, #tpu.memory_space<vmem>>
    %dma_start3A_468 = tpu.memref_squeeze %dma_start3A_467 : memref<1x125xi32, #tpu.memory_space<vmem>> -> memref<125xi32, #tpu.memory_space<vmem>>
    %dma_start3A_469 = arith.constant 0 : i32
    %dma_start3A_470 = arith.constant 0 : i32
    %dma_start3A_471 = tpu.memref_slice %arg10[%dma_start3A_469, %dma_start3A_470] : memref<10000x64xf32, #tpu.memory_space<vmem_shared>> -> memref<10000x64xf32, #tpu.memory_space<vmem_shared>>
    tpu.enqueue_indirect_dma source(%dma_start3A_465 : memref<125x64xf32, #tpu.memory_space<vmem>>) target(%dma_start3A_471 : memref<10000x64xf32, #tpu.memory_space<vmem_shared>>) offsets(%dma_start3A_468 : memref<125xi32, #tpu.memory_space<vmem>>) semaphore(%arg18 : memref<!tpu.dma_semaphore, #tpu.memory_space<semaphore_mem>>) {add = true}
    %dma_wait3A_472 = arith.constant 0 : i32
    %dma_wait3A_473 = arith.constant 2 : i32
    %dma_wait3A_474 = arith.constant 0 : i32
    %dma_wait3A_475 = arith.constant 0 : i32
    %dma_wait3A_476 = tpu.memref_slice %arg9[%dma_wait3A_473, %dma_wait3A_474, %dma_wait3A_475] : memref<6x125x64xf32, #tpu.memory_space<vmem>> -> memref<1x125x64xf32, #tpu.memory_space<vmem>>
    %dma_wait3A_477 = tpu.memref_squeeze %dma_wait3A_476 : memref<1x125x64xf32, #tpu.memory_space<vmem>> -> memref<125x64xf32, #tpu.memory_space<vmem>>
    %dma_wait3A_478 = arith.constant 0 : i32
    %dma_wait3A_479 = tpu.memref_slice %arg7[%dma_wait3A_472, %dma_wait3A_478] : memref<160x125xi32, #tpu.memory_space<vmem>> -> memref<1x125xi32, #tpu.memory_space<vmem>>
    %dma_wait3A_480 = tpu.memref_squeeze %dma_wait3A_479 : memref<1x125xi32, #tpu.memory_space<vmem>> -> memref<125xi32, #tpu.memory_space<vmem>>
    %dma_wait3A_481 = arith.constant 0 : i32
    %dma_wait3A_482 = arith.constant 0 : i32
    %dma_wait3A_483 = tpu.memref_slice %arg2[%arg0, %dma_wait3A_481, %dma_wait3A_482] : memref<2x10000x64xf32, #tpu.memory_space<hbm>> -> memref<1x10000x64xf32, #tpu.memory_space<hbm>>
    %dma_wait3A_484 = tpu.memref_squeeze %dma_wait3A_483 : memref<1x10000x64xf32, #tpu.memory_space<hbm>> -> memref<10000x64xf32, #tpu.memory_space<hbm>>
    %dma_wait3A_485 = arith.constant 0 : i32
    %dma_wait3A_486 = arith.constant 0 : i32
    %dma_wait3A_487 = tpu.memref_slice %dma_wait3A_484[%dma_wait3A_485, %dma_wait3A_486] : memref<10000x64xf32, #tpu.memory_space<hbm>> -> memref<10000x64xf32, #tpu.memory_space<hbm>>
    tpu.wait_indirect_dma semaphore(%arg13 : memref<!tpu.dma_semaphore, #tpu.memory_space<semaphore_mem>>) src(%dma_wait3A_487 : memref<10000x64xf32, #tpu.memory_space<hbm>>) dst(%dma_wait3A_477 : memref<125x64xf32, #tpu.memory_space<vmem>>)
    %dma_start3A_488 = arith.constant 2 : i32
    %dma_start3A_489 = arith.constant 158 : i32
    %dma_start3A_490 = arith.constant 0 : i32
    %dma_start3A_491 = arith.constant 0 : i32
    %dma_start3A_492 = tpu.memref_slice %arg9[%dma_start3A_488, %dma_start3A_490, %dma_start3A_491] : memref<6x125x64xf32, #tpu.memory_space<vmem>> -> memref<1x125x64xf32, #tpu.memory_space<vmem>>
    %dma_start3A_493 = tpu.memref_squeeze %dma_start3A_492 : memref<1x125x64xf32, #tpu.memory_space<vmem>> -> memref<125x64xf32, #tpu.memory_space<vmem>>
    %dma_start3A_494 = arith.constant 0 : i32
    %dma_start3A_495 = tpu.memref_slice %arg8[%dma_start3A_489, %dma_start3A_494] : memref<160x125xi32, #tpu.memory_space<vmem>> -> memref<1x125xi32, #tpu.memory_space<vmem>>
    %dma_start3A_496 = tpu.memref_squeeze %dma_start3A_495 : memref<1x125xi32, #tpu.memory_space<vmem>> -> memref<125xi32, #tpu.memory_space<vmem>>
    %dma_start3A_497 = arith.constant 0 : i32
    %dma_start3A_498 = arith.constant 0 : i32
    %dma_start3A_499 = tpu.memref_slice %arg10[%dma_start3A_497, %dma_start3A_498] : memref<10000x64xf32, #tpu.memory_space<vmem_shared>> -> memref<10000x64xf32, #tpu.memory_space<vmem_shared>>
    tpu.enqueue_indirect_dma source(%dma_start3A_493 : memref<125x64xf32, #tpu.memory_space<vmem>>) target(%dma_start3A_499 : memref<10000x64xf32, #tpu.memory_space<vmem_shared>>) offsets(%dma_start3A_496 : memref<125xi32, #tpu.memory_space<vmem>>) semaphore(%arg19 : memref<!tpu.dma_semaphore, #tpu.memory_space<semaphore_mem>>) {add = true}
    %dma_wait3A_500 = arith.constant 0 : i32
    %dma_wait3A_501 = arith.constant 3 : i32
    %dma_wait3A_502 = arith.constant 0 : i32
    %dma_wait3A_503 = arith.constant 0 : i32
    %dma_wait3A_504 = tpu.memref_slice %arg9[%dma_wait3A_501, %dma_wait3A_502, %dma_wait3A_503] : memref<6x125x64xf32, #tpu.memory_space<vmem>> -> memref<1x125x64xf32, #tpu.memory_space<vmem>>
    %dma_wait3A_505 = tpu.memref_squeeze %dma_wait3A_504 : memref<1x125x64xf32, #tpu.memory_space<vmem>> -> memref<125x64xf32, #tpu.memory_space<vmem>>
    %dma_wait3A_506 = arith.constant 0 : i32
    %dma_wait3A_507 = tpu.memref_slice %arg7[%dma_wait3A_500, %dma_wait3A_506] : memref<160x125xi32, #tpu.memory_space<vmem>> -> memref<1x125xi32, #tpu.memory_space<vmem>>
    %dma_wait3A_508 = tpu.memref_squeeze %dma_wait3A_507 : memref<1x125xi32, #tpu.memory_space<vmem>> -> memref<125xi32, #tpu.memory_space<vmem>>
    %dma_wait3A_509 = arith.constant 0 : i32
    %dma_wait3A_510 = arith.constant 0 : i32
    %dma_wait3A_511 = tpu.memref_slice %arg2[%arg0, %dma_wait3A_509, %dma_wait3A_510] : memref<2x10000x64xf32, #tpu.memory_space<hbm>> -> memref<1x10000x64xf32, #tpu.memory_space<hbm>>
    %dma_wait3A_512 = tpu.memref_squeeze %dma_wait3A_511 : memref<1x10000x64xf32, #tpu.memory_space<hbm>> -> memref<10000x64xf32, #tpu.memory_space<hbm>>
    %dma_wait3A_513 = arith.constant 0 : i32
    %dma_wait3A_514 = arith.constant 0 : i32
    %dma_wait3A_515 = tpu.memref_slice %dma_wait3A_512[%dma_wait3A_513, %dma_wait3A_514] : memref<10000x64xf32, #tpu.memory_space<hbm>> -> memref<10000x64xf32, #tpu.memory_space<hbm>>
    tpu.wait_indirect_dma semaphore(%arg14 : memref<!tpu.dma_semaphore, #tpu.memory_space<semaphore_mem>>) src(%dma_wait3A_515 : memref<10000x64xf32, #tpu.memory_space<hbm>>) dst(%dma_wait3A_505 : memref<125x64xf32, #tpu.memory_space<vmem>>)
    %dma_start3A_516 = arith.constant 3 : i32
    %dma_start3A_517 = arith.constant 159 : i32
    %dma_start3A_518 = arith.constant 0 : i32
    %dma_start3A_519 = arith.constant 0 : i32
    %dma_start3A_520 = tpu.memref_slice %arg9[%dma_start3A_516, %dma_start3A_518, %dma_start3A_519] : memref<6x125x64xf32, #tpu.memory_space<vmem>> -> memref<1x125x64xf32, #tpu.memory_space<vmem>>
    %dma_start3A_521 = tpu.memref_squeeze %dma_start3A_520 : memref<1x125x64xf32, #tpu.memory_space<vmem>> -> memref<125x64xf32, #tpu.memory_space<vmem>>
    %dma_start3A_522 = arith.constant 0 : i32
    %dma_start3A_523 = tpu.memref_slice %arg8[%dma_start3A_517, %dma_start3A_522] : memref<160x125xi32, #tpu.memory_space<vmem>> -> memref<1x125xi32, #tpu.memory_space<vmem>>
    %dma_start3A_524 = tpu.memref_squeeze %dma_start3A_523 : memref<1x125xi32, #tpu.memory_space<vmem>> -> memref<125xi32, #tpu.memory_space<vmem>>
    %dma_start3A_525 = arith.constant 0 : i32
    %dma_start3A_526 = arith.constant 0 : i32
    %dma_start3A_527 = tpu.memref_slice %arg10[%dma_start3A_525, %dma_start3A_526] : memref<10000x64xf32, #tpu.memory_space<vmem_shared>> -> memref<10000x64xf32, #tpu.memory_space<vmem_shared>>
    tpu.enqueue_indirect_dma source(%dma_start3A_521 : memref<125x64xf32, #tpu.memory_space<vmem>>) target(%dma_start3A_527 : memref<10000x64xf32, #tpu.memory_space<vmem_shared>>) offsets(%dma_start3A_524 : memref<125xi32, #tpu.memory_space<vmem>>) semaphore(%arg20 : memref<!tpu.dma_semaphore, #tpu.memory_space<semaphore_mem>>) {add = true}
    %dma_wait3A_528 = arith.constant 0 : i32
    %dma_wait3A_529 = arith.constant 0 : i32
    %dma_wait3A_530 = arith.constant 0 : i32
    %dma_wait3A_531 = arith.constant 0 : i32
    %dma_wait3A_532 = tpu.memref_slice %arg9[%dma_wait3A_528, %dma_wait3A_530, %dma_wait3A_531] : memref<6x125x64xf32, #tpu.memory_space<vmem>> -> memref<1x125x64xf32, #tpu.memory_space<vmem>>
    %dma_wait3A_533 = tpu.memref_squeeze %dma_wait3A_532 : memref<1x125x64xf32, #tpu.memory_space<vmem>> -> memref<125x64xf32, #tpu.memory_space<vmem>>
    %dma_wait3A_534 = arith.constant 0 : i32
    %dma_wait3A_535 = tpu.memref_slice %arg8[%dma_wait3A_529, %dma_wait3A_534] : memref<160x125xi32, #tpu.memory_space<vmem>> -> memref<1x125xi32, #tpu.memory_space<vmem>>
    %dma_wait3A_536 = tpu.memref_squeeze %dma_wait3A_535 : memref<1x125xi32, #tpu.memory_space<vmem>> -> memref<125xi32, #tpu.memory_space<vmem>>
    %dma_wait3A_537 = arith.constant 0 : i32
    %dma_wait3A_538 = arith.constant 0 : i32
    %dma_wait3A_539 = tpu.memref_slice %arg10[%dma_wait3A_537, %dma_wait3A_538] : memref<10000x64xf32, #tpu.memory_space<vmem_shared>> -> memref<10000x64xf32, #tpu.memory_space<vmem_shared>>
    tpu.wait_indirect_dma semaphore(%arg17 : memref<!tpu.dma_semaphore, #tpu.memory_space<semaphore_mem>>) src(%dma_wait3A_533 : memref<125x64xf32, #tpu.memory_space<vmem>>) dst(%dma_wait3A_539 : memref<10000x64xf32, #tpu.memory_space<vmem_shared>>)
    %dma_wait3A_540 = arith.constant 1 : i32
    %dma_wait3A_541 = arith.constant 0 : i32
    %dma_wait3A_542 = arith.constant 0 : i32
    %dma_wait3A_543 = arith.constant 0 : i32
    %dma_wait3A_544 = tpu.memref_slice %arg9[%dma_wait3A_540, %dma_wait3A_542, %dma_wait3A_543] : memref<6x125x64xf32, #tpu.memory_space<vmem>> -> memref<1x125x64xf32, #tpu.memory_space<vmem>>
    %dma_wait3A_545 = tpu.memref_squeeze %dma_wait3A_544 : memref<1x125x64xf32, #tpu.memory_space<vmem>> -> memref<125x64xf32, #tpu.memory_space<vmem>>
    %dma_wait3A_546 = arith.constant 0 : i32
    %dma_wait3A_547 = tpu.memref_slice %arg8[%dma_wait3A_541, %dma_wait3A_546] : memref<160x125xi32, #tpu.memory_space<vmem>> -> memref<1x125xi32, #tpu.memory_space<vmem>>
    %dma_wait3A_548 = tpu.memref_squeeze %dma_wait3A_547 : memref<1x125xi32, #tpu.memory_space<vmem>> -> memref<125xi32, #tpu.memory_space<vmem>>
    %dma_wait3A_549 = arith.constant 0 : i32
    %dma_wait3A_550 = arith.constant 0 : i32
    %dma_wait3A_551 = tpu.memref_slice %arg10[%dma_wait3A_549, %dma_wait3A_550] : memref<10000x64xf32, #tpu.memory_space<vmem_shared>> -> memref<10000x64xf32, #tpu.memory_space<vmem_shared>>
    tpu.wait_indirect_dma semaphore(%arg18 : memref<!tpu.dma_semaphore, #tpu.memory_space<semaphore_mem>>) src(%dma_wait3A_545 : memref<125x64xf32, #tpu.memory_space<vmem>>) dst(%dma_wait3A_551 : memref<10000x64xf32, #tpu.memory_space<vmem_shared>>)
    %dma_wait3A_552 = arith.constant 2 : i32
    %dma_wait3A_553 = arith.constant 0 : i32
    %dma_wait3A_554 = arith.constant 0 : i32
    %dma_wait3A_555 = arith.constant 0 : i32
    %dma_wait3A_556 = tpu.memref_slice %arg9[%dma_wait3A_552, %dma_wait3A_554, %dma_wait3A_555] : memref<6x125x64xf32, #tpu.memory_space<vmem>> -> memref<1x125x64xf32, #tpu.memory_space<vmem>>
    %dma_wait3A_557 = tpu.memref_squeeze %dma_wait3A_556 : memref<1x125x64xf32, #tpu.memory_space<vmem>> -> memref<125x64xf32, #tpu.memory_space<vmem>>
    %dma_wait3A_558 = arith.constant 0 : i32
    %dma_wait3A_559 = tpu.memref_slice %arg8[%dma_wait3A_553, %dma_wait3A_558] : memref<160x125xi32, #tpu.memory_space<vmem>> -> memref<1x125xi32, #tpu.memory_space<vmem>>
    %dma_wait3A_560 = tpu.memref_squeeze %dma_wait3A_559 : memref<1x125xi32, #tpu.memory_space<vmem>> -> memref<125xi32, #tpu.memory_space<vmem>>
    %dma_wait3A_561 = arith.constant 0 : i32
    %dma_wait3A_562 = arith.constant 0 : i32
    %dma_wait3A_563 = tpu.memref_slice %arg10[%dma_wait3A_561, %dma_wait3A_562] : memref<10000x64xf32, #tpu.memory_space<vmem_shared>> -> memref<10000x64xf32, #tpu.memory_space<vmem_shared>>
    tpu.wait_indirect_dma semaphore(%arg19 : memref<!tpu.dma_semaphore, #tpu.memory_space<semaphore_mem>>) src(%dma_wait3A_557 : memref<125x64xf32, #tpu.memory_space<vmem>>) dst(%dma_wait3A_563 : memref<10000x64xf32, #tpu.memory_space<vmem_shared>>)
    %dma_wait3A_564 = arith.constant 3 : i32
    %dma_wait3A_565 = arith.constant 0 : i32
    %dma_wait3A_566 = arith.constant 0 : i32
    %dma_wait3A_567 = arith.constant 0 : i32
    %dma_wait3A_568 = tpu.memref_slice %arg9[%dma_wait3A_564, %dma_wait3A_566, %dma_wait3A_567] : memref<6x125x64xf32, #tpu.memory_space<vmem>> -> memref<1x125x64xf32, #tpu.memory_space<vmem>>
    %dma_wait3A_569 = tpu.memref_squeeze %dma_wait3A_568 : memref<1x125x64xf32, #tpu.memory_space<vmem>> -> memref<125x64xf32, #tpu.memory_space<vmem>>
    %dma_wait3A_570 = arith.constant 0 : i32
    %dma_wait3A_571 = tpu.memref_slice %arg8[%dma_wait3A_565, %dma_wait3A_570] : memref<160x125xi32, #tpu.memory_space<vmem>> -> memref<1x125xi32, #tpu.memory_space<vmem>>
    %dma_wait3A_572 = tpu.memref_squeeze %dma_wait3A_571 : memref<1x125xi32, #tpu.memory_space<vmem>> -> memref<125xi32, #tpu.memory_space<vmem>>
    %dma_wait3A_573 = arith.constant 0 : i32
    %dma_wait3A_574 = arith.constant 0 : i32
    %dma_wait3A_575 = tpu.memref_slice %arg10[%dma_wait3A_573, %dma_wait3A_574] : memref<10000x64xf32, #tpu.memory_space<vmem_shared>> -> memref<10000x64xf32, #tpu.memory_space<vmem_shared>>
    tpu.wait_indirect_dma semaphore(%arg20 : memref<!tpu.dma_semaphore, #tpu.memory_space<semaphore_mem>>) src(%dma_wait3A_569 : memref<125x64xf32, #tpu.memory_space<vmem>>) dst(%dma_wait3A_575 : memref<10000x64xf32, #tpu.memory_space<vmem_shared>>)
    %dma_wait3A_576 = arith.constant 4 : i32
    %dma_wait3A_577 = arith.constant 0 : i32
    %dma_wait3A_578 = arith.constant 0 : i32
    %dma_wait3A_579 = arith.constant 0 : i32
    %dma_wait3A_580 = tpu.memref_slice %arg9[%dma_wait3A_576, %dma_wait3A_578, %dma_wait3A_579] : memref<6x125x64xf32, #tpu.memory_space<vmem>> -> memref<1x125x64xf32, #tpu.memory_space<vmem>>
    %dma_wait3A_581 = tpu.memref_squeeze %dma_wait3A_580 : memref<1x125x64xf32, #tpu.memory_space<vmem>> -> memref<125x64xf32, #tpu.memory_space<vmem>>
    %dma_wait3A_582 = arith.constant 0 : i32
    %dma_wait3A_583 = tpu.memref_slice %arg8[%dma_wait3A_577, %dma_wait3A_582] : memref<160x125xi32, #tpu.memory_space<vmem>> -> memref<1x125xi32, #tpu.memory_space<vmem>>
    %dma_wait3A_584 = tpu.memref_squeeze %dma_wait3A_583 : memref<1x125xi32, #tpu.memory_space<vmem>> -> memref<125xi32, #tpu.memory_space<vmem>>
    %dma_wait3A_585 = arith.constant 0 : i32
    %dma_wait3A_586 = arith.constant 0 : i32
    %dma_wait3A_587 = tpu.memref_slice %arg10[%dma_wait3A_585, %dma_wait3A_586] : memref<10000x64xf32, #tpu.memory_space<vmem_shared>> -> memref<10000x64xf32, #tpu.memory_space<vmem_shared>>
    tpu.wait_indirect_dma semaphore(%arg21 : memref<!tpu.dma_semaphore, #tpu.memory_space<semaphore_mem>>) src(%dma_wait3A_581 : memref<125x64xf32, #tpu.memory_space<vmem>>) dst(%dma_wait3A_587 : memref<10000x64xf32, #tpu.memory_space<vmem_shared>>)
    %dma_wait3A_588 = arith.constant 5 : i32
    %dma_wait3A_589 = arith.constant 0 : i32
    %dma_wait3A_590 = arith.constant 0 : i32
    %dma_wait3A_591 = arith.constant 0 : i32
    %dma_wait3A_592 = tpu.memref_slice %arg9[%dma_wait3A_588, %dma_wait3A_590, %dma_wait3A_591] : memref<6x125x64xf32, #tpu.memory_space<vmem>> -> memref<1x125x64xf32, #tpu.memory_space<vmem>>
    %dma_wait3A_593 = tpu.memref_squeeze %dma_wait3A_592 : memref<1x125x64xf32, #tpu.memory_space<vmem>> -> memref<125x64xf32, #tpu.memory_space<vmem>>
    %dma_wait3A_594 = arith.constant 0 : i32
    %dma_wait3A_595 = tpu.memref_slice %arg8[%dma_wait3A_589, %dma_wait3A_594] : memref<160x125xi32, #tpu.memory_space<vmem>> -> memref<1x125xi32, #tpu.memory_space<vmem>>
    %dma_wait3A_596 = tpu.memref_squeeze %dma_wait3A_595 : memref<1x125xi32, #tpu.memory_space<vmem>> -> memref<125xi32, #tpu.memory_space<vmem>>
    %dma_wait3A_597 = arith.constant 0 : i32
    %dma_wait3A_598 = arith.constant 0 : i32
    %dma_wait3A_599 = tpu.memref_slice %arg10[%dma_wait3A_597, %dma_wait3A_598] : memref<10000x64xf32, #tpu.memory_space<vmem_shared>> -> memref<10000x64xf32, #tpu.memory_space<vmem_shared>>
    tpu.wait_indirect_dma semaphore(%arg22 : memref<!tpu.dma_semaphore, #tpu.memory_space<semaphore_mem>>) src(%dma_wait3A_593 : memref<125x64xf32, #tpu.memory_space<vmem>>) dst(%dma_wait3A_599 : memref<10000x64xf32, #tpu.memory_space<vmem_shared>>)
    %barrier3A_600 = arith.constant 0 : index
    tpu.barrier barrier_id(%barrier3A_600)
    %mul3A_601 = arith.constant 624 : i32
    %mul3A_602 = arith.muli %arg1, %mul3A_601 : i32
    %mul3A_603 = arith.constant 624 : i32
    %mul3A_604 = arith.muli %arg1, %mul3A_603 : i32
    "tpu.region"() ({
      %run_scoped3A = tpu.sem_alloc : memref<!tpu.dma_semaphore, #tpu.memory_space<semaphore_mem>>
      %dma_start3A_610 = arith.constant 0 : i32
      %dma_start3A_611 = arith.constant 0 : i32
      %dma_start3A_612 = tpu.memref_slice %arg6[%arg0, %dma_start3A_610, %dma_start3A_611] : memref<2x10000x64xf32, #tpu.memory_space<hbm>> -> memref<1x10000x64xf32, #tpu.memory_space<hbm>>
      %dma_start3A_613 = tpu.memref_squeeze %dma_start3A_612 : memref<1x10000x64xf32, #tpu.memory_space<hbm>> -> memref<10000x64xf32, #tpu.memory_space<hbm>>
      %dma_start3A_614 = arith.constant 0 : i32
      %dma_start3A_615 = tpu.memref_slice %dma_start3A_613[%mul3A_604, %dma_start3A_614] : memref<10000x64xf32, #tpu.memory_space<hbm>> -> memref<624x64xf32, #tpu.memory_space<hbm>>
      %dma_start3A_616 = arith.constant 0 : i32
      %dma_start3A_617 = tpu.memref_slice %arg10[%mul3A_602, %dma_start3A_616] : memref<10000x64xf32, #tpu.memory_space<vmem_shared>> -> memref<624x64xf32, #tpu.memory_space<vmem_shared>>
      tpu.enqueue_dma source(%dma_start3A_617 : memref<624x64xf32, #tpu.memory_space<vmem_shared>>) target(%dma_start3A_615 : memref<624x64xf32, #tpu.memory_space<hbm>>) target_semaphore(%run_scoped3A : memref<!tpu.dma_semaphore, #tpu.memory_space<semaphore_mem>>)
      %dma_wait3A_618 = arith.constant 0 : i32
      %dma_wait3A_619 = arith.constant 0 : i32
      %dma_wait3A_620 = tpu.memref_slice %arg6[%arg0, %dma_wait3A_618, %dma_wait3A_619] : memref<2x10000x64xf32, #tpu.memory_space<hbm>> -> memref<1x10000x64xf32, #tpu.memory_space<hbm>>
      %dma_wait3A_621 = tpu.memref_squeeze %dma_wait3A_620 : memref<1x10000x64xf32, #tpu.memory_space<hbm>> -> memref<10000x64xf32, #tpu.memory_space<hbm>>
      %dma_wait3A_622 = arith.constant 0 : i32
      %dma_wait3A_623 = tpu.memref_slice %dma_wait3A_621[%mul3A_604, %dma_wait3A_622] : memref<10000x64xf32, #tpu.memory_space<hbm>> -> memref<624x64xf32, #tpu.memory_space<hbm>>
      %dma_wait3A_624 = arith.constant 0 : i32
      %dma_wait3A_625 = tpu.memref_slice %arg10[%mul3A_602, %dma_wait3A_624] : memref<10000x64xf32, #tpu.memory_space<vmem_shared>> -> memref<624x64xf32, #tpu.memory_space<vmem_shared>>
      tpu.wait_dma2 semaphore(%run_scoped3A : memref<!tpu.dma_semaphore, #tpu.memory_space<semaphore_mem>>) src(%dma_wait3A_625 : memref<624x64xf32, #tpu.memory_space<vmem_shared>>) dst(%dma_wait3A_623 : memref<624x64xf32, #tpu.memory_space<hbm>>)
      tpu.yield
    }) : () -> ()
    %eq3A_605 = arith.constant 15 : i32
    %eq3A_606 = arith.cmpi eq, %arg1, %eq3A_605 : i32
    %convert_element_type3A_607 = arith.extui %eq3A_606 : i1 to i32
    %cond3A_608 = arith.constant 0 : i32
    %cond3A_609 = arith.cmpi ne, %convert_element_type3A_607, %cond3A_608 : i32
    scf.if %cond3A_609 {
      "tpu.region"() ({
        %run_scoped3A = tpu.sem_alloc : memref<!tpu.dma_semaphore, #tpu.memory_space<semaphore_mem>>
        %dma_start3A_610 = arith.constant 0 : i32
        %dma_start3A_611 = arith.constant 0 : i32
        %dma_start3A_612 = tpu.memref_slice %arg6[%arg0, %dma_start3A_610, %dma_start3A_611] : memref<2x10000x64xf32, #tpu.memory_space<hbm>> -> memref<1x10000x64xf32, #tpu.memory_space<hbm>>
        %dma_start3A_613 = tpu.memref_squeeze %dma_start3A_612 : memref<1x10000x64xf32, #tpu.memory_space<hbm>> -> memref<10000x64xf32, #tpu.memory_space<hbm>>
        %dma_start3A_614 = arith.constant 9984 : i32
        %dma_start3A_615 = arith.constant 0 : i32
        %dma_start3A_616 = tpu.memref_slice %dma_start3A_613[%dma_start3A_614, %dma_start3A_615] : memref<10000x64xf32, #tpu.memory_space<hbm>> -> memref<16x64xf32, #tpu.memory_space<hbm>>
        %dma_start3A_617 = arith.constant 9984 : i32
        %dma_start3A_618 = arith.constant 0 : i32
        %dma_start3A_619 = tpu.memref_slice %arg10[%dma_start3A_617, %dma_start3A_618] : memref<10000x64xf32, #tpu.memory_space<vmem_shared>> -> memref<16x64xf32, #tpu.memory_space<vmem_shared>>
        tpu.enqueue_dma source(%dma_start3A_619 : memref<16x64xf32, #tpu.memory_space<vmem_shared>>) target(%dma_start3A_616 : memref<16x64xf32, #tpu.memory_space<hbm>>) target_semaphore(%run_scoped3A : memref<!tpu.dma_semaphore, #tpu.memory_space<semaphore_mem>>)
        %dma_wait3A_620 = arith.constant 0 : i32
        %dma_wait3A_621 = arith.constant 0 : i32
        %dma_wait3A_622 = tpu.memref_slice %arg6[%arg0, %dma_wait3A_620, %dma_wait3A_621] : memref<2x10000x64xf32, #tpu.memory_space<hbm>> -> memref<1x10000x64xf32, #tpu.memory_space<hbm>>
        %dma_wait3A_623 = tpu.memref_squeeze %dma_wait3A_622 : memref<1x10000x64xf32, #tpu.memory_space<hbm>> -> memref<10000x64xf32, #tpu.memory_space<hbm>>
        %dma_wait3A_624 = arith.constant 9984 : i32
        %dma_wait3A_625 = arith.constant 0 : i32
        %dma_wait3A_626 = tpu.memref_slice %dma_wait3A_623[%dma_wait3A_624, %dma_wait3A_625] : memref<10000x64xf32, #tpu.memory_space<hbm>> -> memref<16x64xf32, #tpu.memory_space<hbm>>
        %dma_wait3A_627 = arith.constant 9984 : i32
        %dma_wait3A_628 = arith.constant 0 : i32
        %dma_wait3A_629 = tpu.memref_slice %arg10[%dma_wait3A_627, %dma_wait3A_628] : memref<10000x64xf32, #tpu.memory_space<vmem_shared>> -> memref<16x64xf32, #tpu.memory_space<vmem_shared>>
        tpu.wait_dma2 semaphore(%run_scoped3A : memref<!tpu.dma_semaphore, #tpu.memory_space<semaphore_mem>>) src(%dma_wait3A_629 : memref<16x64xf32, #tpu.memory_space<vmem_shared>>) dst(%dma_wait3A_626 : memref<16x64xf32, #tpu.memory_space<hbm>>)
        tpu.yield
      }) : () -> ()
    } else {
    }
    return
  }
}

#map = affine_map<(d0, d1) -> (0, 0, 0)>
#map1 = affine_map<(d0, d1) -> (0, 0)>
module attributes {stable_mosaic.version = 14 : i64} {
  func.func @segsum(%arg0: i32, %arg1: i32, %arg2: memref<2x10000x64xf32, #tpu.memory_space<hbm>>, %arg3: memref<2560x125xi32, #tpu.memory_space<hbm>>, %arg4: memref<2560x125xi32, #tpu.memory_space<hbm>>, %arg5: memref<624x64xf32, #tpu.memory_space<hbm>>, %arg6: memref<2x10000x64xf32, #tpu.memory_space<hbm>>, %arg7: memref<160x125xi32, #tpu.memory_space<vmem>>, %arg8: memref<160x125xi32, #tpu.memory_space<vmem>>, %arg9: memref<6x125x64xf32, #tpu.memory_space<vmem>>, %arg10: memref<10000x64xf32, #tpu.memory_space<vmem_shared>>, %arg11: memref<!tpu.dma_semaphore, #tpu.memory_space<semaphore_mem>>, %arg12: memref<!tpu.dma_semaphore, #tpu.memory_space<semaphore_mem>>, %arg13: memref<!tpu.dma_semaphore, #tpu.memory_space<semaphore_mem>>, %arg14: memref<!tpu.dma_semaphore, #tpu.memory_space<semaphore_mem>>, %arg15: memref<!tpu.dma_semaphore, #tpu.memory_space<semaphore_mem>>, %arg16: memref<!tpu.dma_semaphore, #tpu.memory_space<semaphore_mem>>, %arg17: memref<!tpu.dma_semaphore, #tpu.memory_space<semaphore_mem>>, %arg18: memref<!tpu.dma_semaphore, #tpu.memory_space<semaphore_mem>>, %arg19: memref<!tpu.dma_semaphore, #tpu.memory_space<semaphore_mem>>, %arg20: memref<!tpu.dma_semaphore, #tpu.memory_space<semaphore_mem>>, %arg21: memref<!tpu.dma_semaphore, #tpu.memory_space<semaphore_mem>>, %arg22: memref<!tpu.dma_semaphore, #tpu.memory_space<semaphore_mem>>, %arg23: memref<!tpu.dma_semaphore, #tpu.memory_space<semaphore_mem>>, %arg24: memref<!tpu.dma_semaphore, #tpu.memory_space<semaphore_mem>>, %arg25: memref<!tpu.dma_semaphore, #tpu.memory_space<semaphore_mem>>) attributes {dimension_semantics = [#tpu.dimension_semantics<core_parallel>, #tpu.dimension_semantics<subcore_parallel>], iteration_bounds = array<i64: 2, 16>, scalar_prefetch = 0 : i64, scratch_operands = 19 : i64, tpu.core_type = #tpu.core_type<sc_vector_subcore>, window_params = [{transform_indices = #map}, {transform_indices = #map1}, {transform_indices = #map1}, {transform_indices = #map1}, {transform_indices = #map}]} {
    %mul3A = arith.constant 624 : i32
    %mul3A_0 = arith.muli %arg1, %mul3A : i32
    %dma_start3A = arith.constant 0 : i32
    %dma_start3A_1 = tpu.memref_slice %arg10[%mul3A_0, %dma_start3A] : memref<10000x64xf32, #tpu.memory_space<vmem_shared>> -> memref<624x64xf32, #tpu.memory_space<vmem_shared>>
    tpu.enqueue_dma source(%arg5 : memref<624x64xf32, #tpu.memory_space<hbm>>) target(%dma_start3A_1 : memref<624x64xf32, #tpu.memory_space<vmem_shared>>) target_semaphore(%arg23 : memref<!tpu.dma_semaphore, #tpu.memory_space<semaphore_mem>>)
    %eq3A = arith.constant 15 : i32
    %eq3A_2 = arith.cmpi eq, %arg1, %eq3A : i32
    %convert_element_type3A = arith.extui %eq3A_2 : i1 to i32
    %cond3A = arith.constant 0 : i32
    %cond3A_3 = arith.cmpi ne, %convert_element_type3A, %cond3A : i32
    scf.if %cond3A_3 {
      %dma_start3A_610 = arith.constant 9984 : i32
      %dma_start3A_611 = arith.constant 0 : i32
      %dma_start3A_612 = tpu.memref_slice %arg10[%dma_start3A_610, %dma_start3A_611] : memref<10000x64xf32, #tpu.memory_space<vmem_shared>> -> memref<16x64xf32, #tpu.memory_space<vmem_shared>>
      %dma_start3A_613 = arith.constant 0 : i32
      %dma_start3A_614 = arith.constant 0 : i32
      %dma_start3A_615 = tpu.memref_slice %arg5[%dma_start3A_613, %dma_start3A_614] : memref<624x64xf32, #tpu.memory_space<hbm>> -> memref<16x64xf32, #tpu.memory_space<hbm>>
      tpu.enqueue_dma source(%dma_start3A_615 : memref<16x64xf32, #tpu.memory_space<hbm>>) target(%dma_start3A_612 : memref<16x64xf32, #tpu.memory_space<vmem_shared>>) target_semaphore(%arg23 : memref<!tpu.dma_semaphore, #tpu.memory_space<semaphore_mem>>)
    } else {
    }
    %mul3A_4 = arith.constant 160 : i32
    %mul3A_5 = arith.muli %arg1, %mul3A_4 : i32
    %dma_start3A_6 = arith.constant 0 : i32
    %dma_start3A_7 = tpu.memref_slice %arg3[%mul3A_5, %dma_start3A_6] : memref<2560x125xi32, #tpu.memory_space<hbm>> -> memref<160x125xi32, #tpu.memory_space<hbm>>
    %dma_start3A_8 = arith.constant 0 : i32
    %dma_start3A_9 = tpu.memref_slice %arg3[%mul3A_5, %dma_start3A_8] : memref<2560x125xi32, #tpu.memory_space<hbm>> -> memref<160x125xi32, #tpu.memory_space<hbm>>
    tpu.enqueue_dma source(%dma_start3A_9 : memref<160x125xi32, #tpu.memory_space<hbm>>) target(%arg7 : memref<160x125xi32, #tpu.memory_space<vmem>>) target_semaphore(%arg24 : memref<!tpu.dma_semaphore, #tpu.memory_space<semaphore_mem>>)
    %mul3A_10 = arith.constant 160 : i32
    %mul3A_11 = arith.muli %arg1, %mul3A_10 : i32
    %dma_start3A_12 = arith.constant 0 : i32
    %dma_start3A_13 = tpu.memref_slice %arg4[%mul3A_11, %dma_start3A_12] : memref<2560x125xi32, #tpu.memory_space<hbm>> -> memref<160x125xi32, #tpu.memory_space<hbm>>
    %dma_start3A_14 = arith.constant 0 : i32
    %dma_start3A_15 = tpu.memref_slice %arg4[%mul3A_11, %dma_start3A_14] : memref<2560x125xi32, #tpu.memory_space<hbm>> -> memref<160x125xi32, #tpu.memory_space<hbm>>
    tpu.enqueue_dma source(%dma_start3A_15 : memref<160x125xi32, #tpu.memory_space<hbm>>) target(%arg8 : memref<160x125xi32, #tpu.memory_space<vmem>>) target_semaphore(%arg25 : memref<!tpu.dma_semaphore, #tpu.memory_space<semaphore_mem>>)
    %mul3A_16 = arith.constant 160 : i32
    %mul3A_17 = arith.muli %arg1, %mul3A_16 : i32
    %dma_wait3A = arith.constant 0 : i32
    %dma_wait3A_18 = tpu.memref_slice %arg3[%mul3A_17, %dma_wait3A] : memref<2560x125xi32, #tpu.memory_space<hbm>> -> memref<160x125xi32, #tpu.memory_space<hbm>>
    %dma_wait3A_19 = arith.constant 0 : i32
    %dma_wait3A_20 = tpu.memref_slice %arg3[%mul3A_17, %dma_wait3A_19] : memref<2560x125xi32, #tpu.memory_space<hbm>> -> memref<160x125xi32, #tpu.memory_space<hbm>>
    tpu.wait_dma2 semaphore(%arg24 : memref<!tpu.dma_semaphore, #tpu.memory_space<semaphore_mem>>) src(%dma_wait3A_20 : memref<160x125xi32, #tpu.memory_space<hbm>>) dst(%arg7 : memref<160x125xi32, #tpu.memory_space<vmem>>)
    %mul3A_21 = arith.constant 160 : i32
    %mul3A_22 = arith.muli %arg1, %mul3A_21 : i32
    %dma_wait3A_23 = arith.constant 0 : i32
    %dma_wait3A_24 = tpu.memref_slice %arg4[%mul3A_22, %dma_wait3A_23] : memref<2560x125xi32, #tpu.memory_space<hbm>> -> memref<160x125xi32, #tpu.memory_space<hbm>>
    %dma_wait3A_25 = arith.constant 0 : i32
    %dma_wait3A_26 = tpu.memref_slice %arg4[%mul3A_22, %dma_wait3A_25] : memref<2560x125xi32, #tpu.memory_space<hbm>> -> memref<160x125xi32, #tpu.memory_space<hbm>>
    tpu.wait_dma2 semaphore(%arg25 : memref<!tpu.dma_semaphore, #tpu.memory_space<semaphore_mem>>) src(%dma_wait3A_26 : memref<160x125xi32, #tpu.memory_space<hbm>>) dst(%arg8 : memref<160x125xi32, #tpu.memory_space<vmem>>)
    %dma_start3A_27 = arith.constant 0 : i32
    %dma_start3A_28 = arith.constant 0 : i32
    %dma_start3A_29 = arith.constant 0 : i32
    %dma_start3A_30 = arith.constant 0 : i32
    %dma_start3A_31 = tpu.memref_slice %arg9[%dma_start3A_28, %dma_start3A_29, %dma_start3A_30] : memref<6x125x64xf32, #tpu.memory_space<vmem>> -> memref<1x125x64xf32, #tpu.memory_space<vmem>>
    %dma_start3A_32 = tpu.memref_squeeze %dma_start3A_31 : memref<1x125x64xf32, #tpu.memory_space<vmem>> -> memref<125x64xf32, #tpu.memory_space<vmem>>
    %dma_start3A_33 = arith.constant 0 : i32
    %dma_start3A_34 = tpu.memref_slice %arg7[%dma_start3A_27, %dma_start3A_33] : memref<160x125xi32, #tpu.memory_space<vmem>> -> memref<1x125xi32, #tpu.memory_space<vmem>>
    %dma_start3A_35 = tpu.memref_squeeze %dma_start3A_34 : memref<1x125xi32, #tpu.memory_space<vmem>> -> memref<125xi32, #tpu.memory_space<vmem>>
    %dma_start3A_36 = arith.constant 0 : i32
    %dma_start3A_37 = arith.constant 0 : i32
    %dma_start3A_38 = tpu.memref_slice %arg2[%arg0, %dma_start3A_36, %dma_start3A_37] : memref<2x10000x64xf32, #tpu.memory_space<hbm>> -> memref<1x10000x64xf32, #tpu.memory_space<hbm>>
    %dma_start3A_39 = tpu.memref_squeeze %dma_start3A_38 : memref<1x10000x64xf32, #tpu.memory_space<hbm>> -> memref<10000x64xf32, #tpu.memory_space<hbm>>
    %dma_start3A_40 = arith.constant 0 : i32
    %dma_start3A_41 = arith.constant 0 : i32
    %dma_start3A_42 = tpu.memref_slice %dma_start3A_39[%dma_start3A_40, %dma_start3A_41] : memref<10000x64xf32, #tpu.memory_space<hbm>> -> memref<10000x64xf32, #tpu.memory_space<hbm>>
    tpu.enqueue_indirect_dma source(%dma_start3A_42 : memref<10000x64xf32, #tpu.memory_space<hbm>>) target(%dma_start3A_32 : memref<125x64xf32, #tpu.memory_space<vmem>>) offsets(%dma_start3A_35 : memref<125xi32, #tpu.memory_space<vmem>>) semaphore(%arg11 : memref<!tpu.dma_semaphore, #tpu.memory_space<semaphore_mem>>)
    %dma_start3A_43 = arith.constant 1 : i32
    %dma_start3A_44 = arith.constant 1 : i32
    %dma_start3A_45 = arith.constant 0 : i32
    %dma_start3A_46 = arith.constant 0 : i32
    %dma_start3A_47 = tpu.memref_slice %arg9[%dma_start3A_44, %dma_start3A_45, %dma_start3A_46] : memref<6x125x64xf32, #tpu.memory_space<vmem>> -> memref<1x125x64xf32, #tpu.memory_space<vmem>>
    %dma_start3A_48 = tpu.memref_squeeze %dma_start3A_47 : memref<1x125x64xf32, #tpu.memory_space<vmem>> -> memref<125x64xf32, #tpu.memory_space<vmem>>
    %dma_start3A_49 = arith.constant 0 : i32
    %dma_start3A_50 = tpu.memref_slice %arg7[%dma_start3A_43, %dma_start3A_49] : memref<160x125xi32, #tpu.memory_space<vmem>> -> memref<1x125xi32, #tpu.memory_space<vmem>>
    %dma_start3A_51 = tpu.memref_squeeze %dma_start3A_50 : memref<1x125xi32, #tpu.memory_space<vmem>> -> memref<125xi32, #tpu.memory_space<vmem>>
    %dma_start3A_52 = arith.constant 0 : i32
    %dma_start3A_53 = arith.constant 0 : i32
    %dma_start3A_54 = tpu.memref_slice %arg2[%arg0, %dma_start3A_52, %dma_start3A_53] : memref<2x10000x64xf32, #tpu.memory_space<hbm>> -> memref<1x10000x64xf32, #tpu.memory_space<hbm>>
    %dma_start3A_55 = tpu.memref_squeeze %dma_start3A_54 : memref<1x10000x64xf32, #tpu.memory_space<hbm>> -> memref<10000x64xf32, #tpu.memory_space<hbm>>
    %dma_start3A_56 = arith.constant 0 : i32
    %dma_start3A_57 = arith.constant 0 : i32
    %dma_start3A_58 = tpu.memref_slice %dma_start3A_55[%dma_start3A_56, %dma_start3A_57] : memref<10000x64xf32, #tpu.memory_space<hbm>> -> memref<10000x64xf32, #tpu.memory_space<hbm>>
    tpu.enqueue_indirect_dma source(%dma_start3A_58 : memref<10000x64xf32, #tpu.memory_space<hbm>>) target(%dma_start3A_48 : memref<125x64xf32, #tpu.memory_space<vmem>>) offsets(%dma_start3A_51 : memref<125xi32, #tpu.memory_space<vmem>>) semaphore(%arg12 : memref<!tpu.dma_semaphore, #tpu.memory_space<semaphore_mem>>)
    %dma_start3A_59 = arith.constant 2 : i32
    %dma_start3A_60 = arith.constant 2 : i32
    %dma_start3A_61 = arith.constant 0 : i32
    %dma_start3A_62 = arith.constant 0 : i32
    %dma_start3A_63 = tpu.memref_slice %arg9[%dma_start3A_60, %dma_start3A_61, %dma_start3A_62] : memref<6x125x64xf32, #tpu.memory_space<vmem>> -> memref<1x125x64xf32, #tpu.memory_space<vmem>>
    %dma_start3A_64 = tpu.memref_squeeze %dma_start3A_63 : memref<1x125x64xf32, #tpu.memory_space<vmem>> -> memref<125x64xf32, #tpu.memory_space<vmem>>
    %dma_start3A_65 = arith.constant 0 : i32
    %dma_start3A_66 = tpu.memref_slice %arg7[%dma_start3A_59, %dma_start3A_65] : memref<160x125xi32, #tpu.memory_space<vmem>> -> memref<1x125xi32, #tpu.memory_space<vmem>>
    %dma_start3A_67 = tpu.memref_squeeze %dma_start3A_66 : memref<1x125xi32, #tpu.memory_space<vmem>> -> memref<125xi32, #tpu.memory_space<vmem>>
    %dma_start3A_68 = arith.constant 0 : i32
    %dma_start3A_69 = arith.constant 0 : i32
    %dma_start3A_70 = tpu.memref_slice %arg2[%arg0, %dma_start3A_68, %dma_start3A_69] : memref<2x10000x64xf32, #tpu.memory_space<hbm>> -> memref<1x10000x64xf32, #tpu.memory_space<hbm>>
    %dma_start3A_71 = tpu.memref_squeeze %dma_start3A_70 : memref<1x10000x64xf32, #tpu.memory_space<hbm>> -> memref<10000x64xf32, #tpu.memory_space<hbm>>
    %dma_start3A_72 = arith.constant 0 : i32
    %dma_start3A_73 = arith.constant 0 : i32
    %dma_start3A_74 = tpu.memref_slice %dma_start3A_71[%dma_start3A_72, %dma_start3A_73] : memref<10000x64xf32, #tpu.memory_space<hbm>> -> memref<10000x64xf32, #tpu.memory_space<hbm>>
    tpu.enqueue_indirect_dma source(%dma_start3A_74 : memref<10000x64xf32, #tpu.memory_space<hbm>>) target(%dma_start3A_64 : memref<125x64xf32, #tpu.memory_space<vmem>>) offsets(%dma_start3A_67 : memref<125xi32, #tpu.memory_space<vmem>>) semaphore(%arg13 : memref<!tpu.dma_semaphore, #tpu.memory_space<semaphore_mem>>)
    %dma_start3A_75 = arith.constant 3 : i32
    %dma_start3A_76 = arith.constant 3 : i32
    %dma_start3A_77 = arith.constant 0 : i32
    %dma_start3A_78 = arith.constant 0 : i32
    %dma_start3A_79 = tpu.memref_slice %arg9[%dma_start3A_76, %dma_start3A_77, %dma_start3A_78] : memref<6x125x64xf32, #tpu.memory_space<vmem>> -> memref<1x125x64xf32, #tpu.memory_space<vmem>>
    %dma_start3A_80 = tpu.memref_squeeze %dma_start3A_79 : memref<1x125x64xf32, #tpu.memory_space<vmem>> -> memref<125x64xf32, #tpu.memory_space<vmem>>
    %dma_start3A_81 = arith.constant 0 : i32
    %dma_start3A_82 = tpu.memref_slice %arg7[%dma_start3A_75, %dma_start3A_81] : memref<160x125xi32, #tpu.memory_space<vmem>> -> memref<1x125xi32, #tpu.memory_space<vmem>>
    %dma_start3A_83 = tpu.memref_squeeze %dma_start3A_82 : memref<1x125xi32, #tpu.memory_space<vmem>> -> memref<125xi32, #tpu.memory_space<vmem>>
    %dma_start3A_84 = arith.constant 0 : i32
    %dma_start3A_85 = arith.constant 0 : i32
    %dma_start3A_86 = tpu.memref_slice %arg2[%arg0, %dma_start3A_84, %dma_start3A_85] : memref<2x10000x64xf32, #tpu.memory_space<hbm>> -> memref<1x10000x64xf32, #tpu.memory_space<hbm>>
    %dma_start3A_87 = tpu.memref_squeeze %dma_start3A_86 : memref<1x10000x64xf32, #tpu.memory_space<hbm>> -> memref<10000x64xf32, #tpu.memory_space<hbm>>
    %dma_start3A_88 = arith.constant 0 : i32
    %dma_start3A_89 = arith.constant 0 : i32
    %dma_start3A_90 = tpu.memref_slice %dma_start3A_87[%dma_start3A_88, %dma_start3A_89] : memref<10000x64xf32, #tpu.memory_space<hbm>> -> memref<10000x64xf32, #tpu.memory_space<hbm>>
    tpu.enqueue_indirect_dma source(%dma_start3A_90 : memref<10000x64xf32, #tpu.memory_space<hbm>>) target(%dma_start3A_80 : memref<125x64xf32, #tpu.memory_space<vmem>>) offsets(%dma_start3A_83 : memref<125xi32, #tpu.memory_space<vmem>>) semaphore(%arg14 : memref<!tpu.dma_semaphore, #tpu.memory_space<semaphore_mem>>)
    %dma_start3A_91 = arith.constant 4 : i32
    %dma_start3A_92 = arith.constant 4 : i32
    %dma_start3A_93 = arith.constant 0 : i32
    %dma_start3A_94 = arith.constant 0 : i32
    %dma_start3A_95 = tpu.memref_slice %arg9[%dma_start3A_92, %dma_start3A_93, %dma_start3A_94] : memref<6x125x64xf32, #tpu.memory_space<vmem>> -> memref<1x125x64xf32, #tpu.memory_space<vmem>>
    %dma_start3A_96 = tpu.memref_squeeze %dma_start3A_95 : memref<1x125x64xf32, #tpu.memory_space<vmem>> -> memref<125x64xf32, #tpu.memory_space<vmem>>
    %dma_start3A_97 = arith.constant 0 : i32
    %dma_start3A_98 = tpu.memref_slice %arg7[%dma_start3A_91, %dma_start3A_97] : memref<160x125xi32, #tpu.memory_space<vmem>> -> memref<1x125xi32, #tpu.memory_space<vmem>>
    %dma_start3A_99 = tpu.memref_squeeze %dma_start3A_98 : memref<1x125xi32, #tpu.memory_space<vmem>> -> memref<125xi32, #tpu.memory_space<vmem>>
    %dma_start3A_100 = arith.constant 0 : i32
    %dma_start3A_101 = arith.constant 0 : i32
    %dma_start3A_102 = tpu.memref_slice %arg2[%arg0, %dma_start3A_100, %dma_start3A_101] : memref<2x10000x64xf32, #tpu.memory_space<hbm>> -> memref<1x10000x64xf32, #tpu.memory_space<hbm>>
    %dma_start3A_103 = tpu.memref_squeeze %dma_start3A_102 : memref<1x10000x64xf32, #tpu.memory_space<hbm>> -> memref<10000x64xf32, #tpu.memory_space<hbm>>
    %dma_start3A_104 = arith.constant 0 : i32
    %dma_start3A_105 = arith.constant 0 : i32
    %dma_start3A_106 = tpu.memref_slice %dma_start3A_103[%dma_start3A_104, %dma_start3A_105] : memref<10000x64xf32, #tpu.memory_space<hbm>> -> memref<10000x64xf32, #tpu.memory_space<hbm>>
    tpu.enqueue_indirect_dma source(%dma_start3A_106 : memref<10000x64xf32, #tpu.memory_space<hbm>>) target(%dma_start3A_96 : memref<125x64xf32, #tpu.memory_space<vmem>>) offsets(%dma_start3A_99 : memref<125xi32, #tpu.memory_space<vmem>>) semaphore(%arg15 : memref<!tpu.dma_semaphore, #tpu.memory_space<semaphore_mem>>)
    %dma_start3A_107 = arith.constant 5 : i32
    %dma_start3A_108 = arith.constant 5 : i32
    %dma_start3A_109 = arith.constant 0 : i32
    %dma_start3A_110 = arith.constant 0 : i32
    %dma_start3A_111 = tpu.memref_slice %arg9[%dma_start3A_108, %dma_start3A_109, %dma_start3A_110] : memref<6x125x64xf32, #tpu.memory_space<vmem>> -> memref<1x125x64xf32, #tpu.memory_space<vmem>>
    %dma_start3A_112 = tpu.memref_squeeze %dma_start3A_111 : memref<1x125x64xf32, #tpu.memory_space<vmem>> -> memref<125x64xf32, #tpu.memory_space<vmem>>
    %dma_start3A_113 = arith.constant 0 : i32
    %dma_start3A_114 = tpu.memref_slice %arg7[%dma_start3A_107, %dma_start3A_113] : memref<160x125xi32, #tpu.memory_space<vmem>> -> memref<1x125xi32, #tpu.memory_space<vmem>>
    %dma_start3A_115 = tpu.memref_squeeze %dma_start3A_114 : memref<1x125xi32, #tpu.memory_space<vmem>> -> memref<125xi32, #tpu.memory_space<vmem>>
    %dma_start3A_116 = arith.constant 0 : i32
    %dma_start3A_117 = arith.constant 0 : i32
    %dma_start3A_118 = tpu.memref_slice %arg2[%arg0, %dma_start3A_116, %dma_start3A_117] : memref<2x10000x64xf32, #tpu.memory_space<hbm>> -> memref<1x10000x64xf32, #tpu.memory_space<hbm>>
    %dma_start3A_119 = tpu.memref_squeeze %dma_start3A_118 : memref<1x10000x64xf32, #tpu.memory_space<hbm>> -> memref<10000x64xf32, #tpu.memory_space<hbm>>
    %dma_start3A_120 = arith.constant 0 : i32
    %dma_start3A_121 = arith.constant 0 : i32
    %dma_start3A_122 = tpu.memref_slice %dma_start3A_119[%dma_start3A_120, %dma_start3A_121] : memref<10000x64xf32, #tpu.memory_space<hbm>> -> memref<10000x64xf32, #tpu.memory_space<hbm>>
    tpu.enqueue_indirect_dma source(%dma_start3A_122 : memref<10000x64xf32, #tpu.memory_space<hbm>>) target(%dma_start3A_112 : memref<125x64xf32, #tpu.memory_space<vmem>>) offsets(%dma_start3A_115 : memref<125xi32, #tpu.memory_space<vmem>>) semaphore(%arg16 : memref<!tpu.dma_semaphore, #tpu.memory_space<semaphore_mem>>)
    %mul3A_123 = arith.constant 624 : i32
    %mul3A_124 = arith.muli %arg1, %mul3A_123 : i32
    %dma_wait3A_125 = arith.constant 0 : i32
    %dma_wait3A_126 = tpu.memref_slice %arg10[%mul3A_124, %dma_wait3A_125] : memref<10000x64xf32, #tpu.memory_space<vmem_shared>> -> memref<624x64xf32, #tpu.memory_space<vmem_shared>>
    tpu.wait_dma2 semaphore(%arg23 : memref<!tpu.dma_semaphore, #tpu.memory_space<semaphore_mem>>) src(%arg5 : memref<624x64xf32, #tpu.memory_space<hbm>>) dst(%dma_wait3A_126 : memref<624x64xf32, #tpu.memory_space<vmem_shared>>)
    %eq3A_127 = arith.constant 15 : i32
    %eq3A_128 = arith.cmpi eq, %arg1, %eq3A_127 : i32
    %convert_element_type3A_129 = arith.extui %eq3A_128 : i1 to i32
    %cond3A_130 = arith.constant 0 : i32
    %cond3A_131 = arith.cmpi ne, %convert_element_type3A_129, %cond3A_130 : i32
    scf.if %cond3A_131 {
      %dma_wait3A_610 = arith.constant 9984 : i32
      %dma_wait3A_611 = arith.constant 0 : i32
      %dma_wait3A_612 = tpu.memref_slice %arg10[%dma_wait3A_610, %dma_wait3A_611] : memref<10000x64xf32, #tpu.memory_space<vmem_shared>> -> memref<16x64xf32, #tpu.memory_space<vmem_shared>>
      %dma_wait3A_613 = arith.constant 0 : i32
      %dma_wait3A_614 = arith.constant 0 : i32
      %dma_wait3A_615 = tpu.memref_slice %arg5[%dma_wait3A_613, %dma_wait3A_614] : memref<624x64xf32, #tpu.memory_space<hbm>> -> memref<16x64xf32, #tpu.memory_space<hbm>>
      tpu.wait_dma2 semaphore(%arg23 : memref<!tpu.dma_semaphore, #tpu.memory_space<semaphore_mem>>) src(%dma_wait3A_615 : memref<16x64xf32, #tpu.memory_space<hbm>>) dst(%dma_wait3A_612 : memref<16x64xf32, #tpu.memory_space<vmem_shared>>)
    } else {
    }
    %barrier3A = arith.constant 0 : index
    tpu.barrier barrier_id(%barrier3A)
    %dma_wait3A_132 = arith.constant 0 : i32
    %dma_wait3A_133 = arith.constant 0 : i32
    %dma_wait3A_134 = arith.constant 0 : i32
    %dma_wait3A_135 = arith.constant 0 : i32
    %dma_wait3A_136 = tpu.memref_slice %arg9[%dma_wait3A_133, %dma_wait3A_134, %dma_wait3A_135] : memref<6x125x64xf32, #tpu.memory_space<vmem>> -> memref<1x125x64xf32, #tpu.memory_space<vmem>>
    %dma_wait3A_137 = tpu.memref_squeeze %dma_wait3A_136 : memref<1x125x64xf32, #tpu.memory_space<vmem>> -> memref<125x64xf32, #tpu.memory_space<vmem>>
    %dma_wait3A_138 = arith.constant 0 : i32
    %dma_wait3A_139 = tpu.memref_slice %arg7[%dma_wait3A_132, %dma_wait3A_138] : memref<160x125xi32, #tpu.memory_space<vmem>> -> memref<1x125xi32, #tpu.memory_space<vmem>>
    %dma_wait3A_140 = tpu.memref_squeeze %dma_wait3A_139 : memref<1x125xi32, #tpu.memory_space<vmem>> -> memref<125xi32, #tpu.memory_space<vmem>>
    %dma_wait3A_141 = arith.constant 0 : i32
    %dma_wait3A_142 = arith.constant 0 : i32
    %dma_wait3A_143 = tpu.memref_slice %arg2[%arg0, %dma_wait3A_141, %dma_wait3A_142] : memref<2x10000x64xf32, #tpu.memory_space<hbm>> -> memref<1x10000x64xf32, #tpu.memory_space<hbm>>
    %dma_wait3A_144 = tpu.memref_squeeze %dma_wait3A_143 : memref<1x10000x64xf32, #tpu.memory_space<hbm>> -> memref<10000x64xf32, #tpu.memory_space<hbm>>
    %dma_wait3A_145 = arith.constant 0 : i32
    %dma_wait3A_146 = arith.constant 0 : i32
    %dma_wait3A_147 = tpu.memref_slice %dma_wait3A_144[%dma_wait3A_145, %dma_wait3A_146] : memref<10000x64xf32, #tpu.memory_space<hbm>> -> memref<10000x64xf32, #tpu.memory_space<hbm>>
    tpu.wait_indirect_dma semaphore(%arg11 : memref<!tpu.dma_semaphore, #tpu.memory_space<semaphore_mem>>) src(%dma_wait3A_147 : memref<10000x64xf32, #tpu.memory_space<hbm>>) dst(%dma_wait3A_137 : memref<125x64xf32, #tpu.memory_space<vmem>>)
    %dma_start3A_148 = arith.constant 0 : i32
    %dma_start3A_149 = arith.constant 0 : i32
    %dma_start3A_150 = arith.constant 0 : i32
    %dma_start3A_151 = arith.constant 0 : i32
    %dma_start3A_152 = tpu.memref_slice %arg9[%dma_start3A_148, %dma_start3A_150, %dma_start3A_151] : memref<6x125x64xf32, #tpu.memory_space<vmem>> -> memref<1x125x64xf32, #tpu.memory_space<vmem>>
    %dma_start3A_153 = tpu.memref_squeeze %dma_start3A_152 : memref<1x125x64xf32, #tpu.memory_space<vmem>> -> memref<125x64xf32, #tpu.memory_space<vmem>>
    %dma_start3A_154 = arith.constant 0 : i32
    %dma_start3A_155 = tpu.memref_slice %arg8[%dma_start3A_149, %dma_start3A_154] : memref<160x125xi32, #tpu.memory_space<vmem>> -> memref<1x125xi32, #tpu.memory_space<vmem>>
    %dma_start3A_156 = tpu.memref_squeeze %dma_start3A_155 : memref<1x125xi32, #tpu.memory_space<vmem>> -> memref<125xi32, #tpu.memory_space<vmem>>
    %dma_start3A_157 = arith.constant 0 : i32
    %dma_start3A_158 = arith.constant 0 : i32
    %dma_start3A_159 = tpu.memref_slice %arg10[%dma_start3A_157, %dma_start3A_158] : memref<10000x64xf32, #tpu.memory_space<vmem_shared>> -> memref<10000x64xf32, #tpu.memory_space<vmem_shared>>
    tpu.enqueue_indirect_dma source(%dma_start3A_153 : memref<125x64xf32, #tpu.memory_space<vmem>>) target(%dma_start3A_159 : memref<10000x64xf32, #tpu.memory_space<vmem_shared>>) offsets(%dma_start3A_156 : memref<125xi32, #tpu.memory_space<vmem>>) semaphore(%arg17 : memref<!tpu.dma_semaphore, #tpu.memory_space<semaphore_mem>>) {add = true}
    %dma_wait3A_160 = arith.constant 0 : i32
    %dma_wait3A_161 = arith.constant 1 : i32
    %dma_wait3A_162 = arith.constant 0 : i32
    %dma_wait3A_163 = arith.constant 0 : i32
    %dma_wait3A_164 = tpu.memref_slice %arg9[%dma_wait3A_161, %dma_wait3A_162, %dma_wait3A_163] : memref<6x125x64xf32, #tpu.memory_space<vmem>> -> memref<1x125x64xf32, #tpu.memory_space<vmem>>
    %dma_wait3A_165 = tpu.memref_squeeze %dma_wait3A_164 : memref<1x125x64xf32, #tpu.memory_space<vmem>> -> memref<125x64xf32, #tpu.memory_space<vmem>>
    %dma_wait3A_166 = arith.constant 0 : i32
    %dma_wait3A_167 = tpu.memref_slice %arg7[%dma_wait3A_160, %dma_wait3A_166] : memref<160x125xi32, #tpu.memory_space<vmem>> -> memref<1x125xi32, #tpu.memory_space<vmem>>
    %dma_wait3A_168 = tpu.memref_squeeze %dma_wait3A_167 : memref<1x125xi32, #tpu.memory_space<vmem>> -> memref<125xi32, #tpu.memory_space<vmem>>
    %dma_wait3A_169 = arith.constant 0 : i32
    %dma_wait3A_170 = arith.constant 0 : i32
    %dma_wait3A_171 = tpu.memref_slice %arg2[%arg0, %dma_wait3A_169, %dma_wait3A_170] : memref<2x10000x64xf32, #tpu.memory_space<hbm>> -> memref<1x10000x64xf32, #tpu.memory_space<hbm>>
    %dma_wait3A_172 = tpu.memref_squeeze %dma_wait3A_171 : memref<1x10000x64xf32, #tpu.memory_space<hbm>> -> memref<10000x64xf32, #tpu.memory_space<hbm>>
    %dma_wait3A_173 = arith.constant 0 : i32
    %dma_wait3A_174 = arith.constant 0 : i32
    %dma_wait3A_175 = tpu.memref_slice %dma_wait3A_172[%dma_wait3A_173, %dma_wait3A_174] : memref<10000x64xf32, #tpu.memory_space<hbm>> -> memref<10000x64xf32, #tpu.memory_space<hbm>>
    tpu.wait_indirect_dma semaphore(%arg12 : memref<!tpu.dma_semaphore, #tpu.memory_space<semaphore_mem>>) src(%dma_wait3A_175 : memref<10000x64xf32, #tpu.memory_space<hbm>>) dst(%dma_wait3A_165 : memref<125x64xf32, #tpu.memory_space<vmem>>)
    %dma_start3A_176 = arith.constant 1 : i32
    %dma_start3A_177 = arith.constant 1 : i32
    %dma_start3A_178 = arith.constant 0 : i32
    %dma_start3A_179 = arith.constant 0 : i32
    %dma_start3A_180 = tpu.memref_slice %arg9[%dma_start3A_176, %dma_start3A_178, %dma_start3A_179] : memref<6x125x64xf32, #tpu.memory_space<vmem>> -> memref<1x125x64xf32, #tpu.memory_space<vmem>>
    %dma_start3A_181 = tpu.memref_squeeze %dma_start3A_180 : memref<1x125x64xf32, #tpu.memory_space<vmem>> -> memref<125x64xf32, #tpu.memory_space<vmem>>
    %dma_start3A_182 = arith.constant 0 : i32
    %dma_start3A_183 = tpu.memref_slice %arg8[%dma_start3A_177, %dma_start3A_182] : memref<160x125xi32, #tpu.memory_space<vmem>> -> memref<1x125xi32, #tpu.memory_space<vmem>>
    %dma_start3A_184 = tpu.memref_squeeze %dma_start3A_183 : memref<1x125xi32, #tpu.memory_space<vmem>> -> memref<125xi32, #tpu.memory_space<vmem>>
    %dma_start3A_185 = arith.constant 0 : i32
    %dma_start3A_186 = arith.constant 0 : i32
    %dma_start3A_187 = tpu.memref_slice %arg10[%dma_start3A_185, %dma_start3A_186] : memref<10000x64xf32, #tpu.memory_space<vmem_shared>> -> memref<10000x64xf32, #tpu.memory_space<vmem_shared>>
    tpu.enqueue_indirect_dma source(%dma_start3A_181 : memref<125x64xf32, #tpu.memory_space<vmem>>) target(%dma_start3A_187 : memref<10000x64xf32, #tpu.memory_space<vmem_shared>>) offsets(%dma_start3A_184 : memref<125xi32, #tpu.memory_space<vmem>>) semaphore(%arg18 : memref<!tpu.dma_semaphore, #tpu.memory_space<semaphore_mem>>) {add = true}
    %dma_wait3A_188 = arith.constant 0 : i32
    %dma_wait3A_189 = arith.constant 2 : i32
    %dma_wait3A_190 = arith.constant 0 : i32
    %dma_wait3A_191 = arith.constant 0 : i32
    %dma_wait3A_192 = tpu.memref_slice %arg9[%dma_wait3A_189, %dma_wait3A_190, %dma_wait3A_191] : memref<6x125x64xf32, #tpu.memory_space<vmem>> -> memref<1x125x64xf32, #tpu.memory_space<vmem>>
    %dma_wait3A_193 = tpu.memref_squeeze %dma_wait3A_192 : memref<1x125x64xf32, #tpu.memory_space<vmem>> -> memref<125x64xf32, #tpu.memory_space<vmem>>
    %dma_wait3A_194 = arith.constant 0 : i32
    %dma_wait3A_195 = tpu.memref_slice %arg7[%dma_wait3A_188, %dma_wait3A_194] : memref<160x125xi32, #tpu.memory_space<vmem>> -> memref<1x125xi32, #tpu.memory_space<vmem>>
    %dma_wait3A_196 = tpu.memref_squeeze %dma_wait3A_195 : memref<1x125xi32, #tpu.memory_space<vmem>> -> memref<125xi32, #tpu.memory_space<vmem>>
    %dma_wait3A_197 = arith.constant 0 : i32
    %dma_wait3A_198 = arith.constant 0 : i32
    %dma_wait3A_199 = tpu.memref_slice %arg2[%arg0, %dma_wait3A_197, %dma_wait3A_198] : memref<2x10000x64xf32, #tpu.memory_space<hbm>> -> memref<1x10000x64xf32, #tpu.memory_space<hbm>>
    %dma_wait3A_200 = tpu.memref_squeeze %dma_wait3A_199 : memref<1x10000x64xf32, #tpu.memory_space<hbm>> -> memref<10000x64xf32, #tpu.memory_space<hbm>>
    %dma_wait3A_201 = arith.constant 0 : i32
    %dma_wait3A_202 = arith.constant 0 : i32
    %dma_wait3A_203 = tpu.memref_slice %dma_wait3A_200[%dma_wait3A_201, %dma_wait3A_202] : memref<10000x64xf32, #tpu.memory_space<hbm>> -> memref<10000x64xf32, #tpu.memory_space<hbm>>
    tpu.wait_indirect_dma semaphore(%arg13 : memref<!tpu.dma_semaphore, #tpu.memory_space<semaphore_mem>>) src(%dma_wait3A_203 : memref<10000x64xf32, #tpu.memory_space<hbm>>) dst(%dma_wait3A_193 : memref<125x64xf32, #tpu.memory_space<vmem>>)
    %dma_start3A_204 = arith.constant 2 : i32
    %dma_start3A_205 = arith.constant 2 : i32
    %dma_start3A_206 = arith.constant 0 : i32
    %dma_start3A_207 = arith.constant 0 : i32
    %dma_start3A_208 = tpu.memref_slice %arg9[%dma_start3A_204, %dma_start3A_206, %dma_start3A_207] : memref<6x125x64xf32, #tpu.memory_space<vmem>> -> memref<1x125x64xf32, #tpu.memory_space<vmem>>
    %dma_start3A_209 = tpu.memref_squeeze %dma_start3A_208 : memref<1x125x64xf32, #tpu.memory_space<vmem>> -> memref<125x64xf32, #tpu.memory_space<vmem>>
    %dma_start3A_210 = arith.constant 0 : i32
    %dma_start3A_211 = tpu.memref_slice %arg8[%dma_start3A_205, %dma_start3A_210] : memref<160x125xi32, #tpu.memory_space<vmem>> -> memref<1x125xi32, #tpu.memory_space<vmem>>
    %dma_start3A_212 = tpu.memref_squeeze %dma_start3A_211 : memref<1x125xi32, #tpu.memory_space<vmem>> -> memref<125xi32, #tpu.memory_space<vmem>>
    %dma_start3A_213 = arith.constant 0 : i32
    %dma_start3A_214 = arith.constant 0 : i32
    %dma_start3A_215 = tpu.memref_slice %arg10[%dma_start3A_213, %dma_start3A_214] : memref<10000x64xf32, #tpu.memory_space<vmem_shared>> -> memref<10000x64xf32, #tpu.memory_space<vmem_shared>>
    tpu.enqueue_indirect_dma source(%dma_start3A_209 : memref<125x64xf32, #tpu.memory_space<vmem>>) target(%dma_start3A_215 : memref<10000x64xf32, #tpu.memory_space<vmem_shared>>) offsets(%dma_start3A_212 : memref<125xi32, #tpu.memory_space<vmem>>) semaphore(%arg19 : memref<!tpu.dma_semaphore, #tpu.memory_space<semaphore_mem>>) {add = true}
    %scan3A = arith.constant 0 : i32
    %scan3A_216 = arith.constant 25 : i32
    %scan3A_217 = arith.addi %scan3A, %scan3A_216 : i32
    %scan3A_218 = arith.constant 1 : i32
    scf.for %scan3A_610 = %scan3A to %scan3A_217 step %scan3A_218  : i32 {
      %mul3A_611 = arith.constant 1 : i32
      %mul3A_612 = arith.muli %scan3A_610, %mul3A_611 : i32
      %add3A = arith.constant 0 : i32
      %add3A_613 = arith.addi %add3A, %mul3A_612 : i32
      %mul3A_614 = arith.constant 6 : i32
      %mul3A_615 = arith.muli %add3A_613, %mul3A_614 : i32
      %add3A_616 = arith.constant 6 : i32
      %add3A_617 = arith.addi %add3A_616, %mul3A_615 : i32
      %add3A_618 = arith.constant 0 : i32
      %add3A_619 = arith.addi %add3A_617, %add3A_618 : i32
      %dma_wait3A_620 = arith.constant 0 : i32
      %dma_wait3A_621 = arith.constant 0 : i32
      %dma_wait3A_622 = arith.constant 0 : i32
      %dma_wait3A_623 = arith.constant 0 : i32
      %dma_wait3A_624 = tpu.memref_slice %arg9[%dma_wait3A_620, %dma_wait3A_622, %dma_wait3A_623] : memref<6x125x64xf32, #tpu.memory_space<vmem>> -> memref<1x125x64xf32, #tpu.memory_space<vmem>>
      %dma_wait3A_625 = tpu.memref_squeeze %dma_wait3A_624 : memref<1x125x64xf32, #tpu.memory_space<vmem>> -> memref<125x64xf32, #tpu.memory_space<vmem>>
      %dma_wait3A_626 = arith.constant 0 : i32
      %dma_wait3A_627 = tpu.memref_slice %arg8[%dma_wait3A_621, %dma_wait3A_626] : memref<160x125xi32, #tpu.memory_space<vmem>> -> memref<1x125xi32, #tpu.memory_space<vmem>>
      %dma_wait3A_628 = tpu.memref_squeeze %dma_wait3A_627 : memref<1x125xi32, #tpu.memory_space<vmem>> -> memref<125xi32, #tpu.memory_space<vmem>>
      %dma_wait3A_629 = arith.constant 0 : i32
      %dma_wait3A_630 = arith.constant 0 : i32
      %dma_wait3A_631 = tpu.memref_slice %arg10[%dma_wait3A_629, %dma_wait3A_630] : memref<10000x64xf32, #tpu.memory_space<vmem_shared>> -> memref<10000x64xf32, #tpu.memory_space<vmem_shared>>
      tpu.wait_indirect_dma semaphore(%arg17 : memref<!tpu.dma_semaphore, #tpu.memory_space<semaphore_mem>>) src(%dma_wait3A_625 : memref<125x64xf32, #tpu.memory_space<vmem>>) dst(%dma_wait3A_631 : memref<10000x64xf32, #tpu.memory_space<vmem_shared>>)
      %dma_start3A_632 = arith.constant 0 : i32
      %dma_start3A_633 = arith.constant 0 : i32
      %dma_start3A_634 = arith.constant 0 : i32
      %dma_start3A_635 = tpu.memref_slice %arg9[%dma_start3A_632, %dma_start3A_633, %dma_start3A_634] : memref<6x125x64xf32, #tpu.memory_space<vmem>> -> memref<1x125x64xf32, #tpu.memory_space<vmem>>
      %dma_start3A_636 = tpu.memref_squeeze %dma_start3A_635 : memref<1x125x64xf32, #tpu.memory_space<vmem>> -> memref<125x64xf32, #tpu.memory_space<vmem>>
      %dma_start3A_637 = arith.constant 0 : i32
      %dma_start3A_638 = tpu.memref_slice %arg7[%add3A_619, %dma_start3A_637] : memref<160x125xi32, #tpu.memory_space<vmem>> -> memref<1x125xi32, #tpu.memory_space<vmem>>
      %dma_start3A_639 = tpu.memref_squeeze %dma_start3A_638 : memref<1x125xi32, #tpu.memory_space<vmem>> -> memref<125xi32, #tpu.memory_space<vmem>>
      %dma_start3A_640 = arith.constant 0 : i32
      %dma_start3A_641 = arith.constant 0 : i32
      %dma_start3A_642 = tpu.memref_slice %arg2[%arg0, %dma_start3A_640, %dma_start3A_641] : memref<2x10000x64xf32, #tpu.memory_space<hbm>> -> memref<1x10000x64xf32, #tpu.memory_space<hbm>>
      %dma_start3A_643 = tpu.memref_squeeze %dma_start3A_642 : memref<1x10000x64xf32, #tpu.memory_space<hbm>> -> memref<10000x64xf32, #tpu.memory_space<hbm>>
      %dma_start3A_644 = arith.constant 0 : i32
      %dma_start3A_645 = arith.constant 0 : i32
      %dma_start3A_646 = tpu.memref_slice %dma_start3A_643[%dma_start3A_644, %dma_start3A_645] : memref<10000x64xf32, #tpu.memory_space<hbm>> -> memref<10000x64xf32, #tpu.memory_space<hbm>>
      tpu.enqueue_indirect_dma source(%dma_start3A_646 : memref<10000x64xf32, #tpu.memory_space<hbm>>) target(%dma_start3A_636 : memref<125x64xf32, #tpu.memory_space<vmem>>) offsets(%dma_start3A_639 : memref<125xi32, #tpu.memory_space<vmem>>) semaphore(%arg11 : memref<!tpu.dma_semaphore, #tpu.memory_space<semaphore_mem>>)
      %dma_wait3A_647 = arith.constant 0 : i32
      %dma_wait3A_648 = arith.constant 3 : i32
      %dma_wait3A_649 = arith.constant 0 : i32
      %dma_wait3A_650 = arith.constant 0 : i32
      %dma_wait3A_651 = tpu.memref_slice %arg9[%dma_wait3A_648, %dma_wait3A_649, %dma_wait3A_650] : memref<6x125x64xf32, #tpu.memory_space<vmem>> -> memref<1x125x64xf32, #tpu.memory_space<vmem>>
      %dma_wait3A_652 = tpu.memref_squeeze %dma_wait3A_651 : memref<1x125x64xf32, #tpu.memory_space<vmem>> -> memref<125x64xf32, #tpu.memory_space<vmem>>
      %dma_wait3A_653 = arith.constant 0 : i32
      %dma_wait3A_654 = tpu.memref_slice %arg7[%dma_wait3A_647, %dma_wait3A_653] : memref<160x125xi32, #tpu.memory_space<vmem>> -> memref<1x125xi32, #tpu.memory_space<vmem>>
      %dma_wait3A_655 = tpu.memref_squeeze %dma_wait3A_654 : memref<1x125xi32, #tpu.memory_space<vmem>> -> memref<125xi32, #tpu.memory_space<vmem>>
      %dma_wait3A_656 = arith.constant 0 : i32
      %dma_wait3A_657 = arith.constant 0 : i32
      %dma_wait3A_658 = tpu.memref_slice %arg2[%arg0, %dma_wait3A_656, %dma_wait3A_657] : memref<2x10000x64xf32, #tpu.memory_space<hbm>> -> memref<1x10000x64xf32, #tpu.memory_space<hbm>>
      %dma_wait3A_659 = tpu.memref_squeeze %dma_wait3A_658 : memref<1x10000x64xf32, #tpu.memory_space<hbm>> -> memref<10000x64xf32, #tpu.memory_space<hbm>>
      %dma_wait3A_660 = arith.constant 0 : i32
      %dma_wait3A_661 = arith.constant 0 : i32
      %dma_wait3A_662 = tpu.memref_slice %dma_wait3A_659[%dma_wait3A_660, %dma_wait3A_661] : memref<10000x64xf32, #tpu.memory_space<hbm>> -> memref<10000x64xf32, #tpu.memory_space<hbm>>
      tpu.wait_indirect_dma semaphore(%arg14 : memref<!tpu.dma_semaphore, #tpu.memory_space<semaphore_mem>>) src(%dma_wait3A_662 : memref<10000x64xf32, #tpu.memory_space<hbm>>) dst(%dma_wait3A_652 : memref<125x64xf32, #tpu.memory_space<vmem>>)
      %sub3A = arith.constant 3 : i32
      %sub3A_663 = arith.subi %add3A_619, %sub3A : i32
      %dma_start3A_664 = arith.constant 3 : i32
      %dma_start3A_665 = arith.constant 0 : i32
      %dma_start3A_666 = arith.constant 0 : i32
      %dma_start3A_667 = tpu.memref_slice %arg9[%dma_start3A_664, %dma_start3A_665, %dma_start3A_666] : memref<6x125x64xf32, #tpu.memory_space<vmem>> -> memref<1x125x64xf32, #tpu.memory_space<vmem>>
      %dma_start3A_668 = tpu.memref_squeeze %dma_start3A_667 : memref<1x125x64xf32, #tpu.memory_space<vmem>> -> memref<125x64xf32, #tpu.memory_space<vmem>>
      %dma_start3A_669 = arith.constant 0 : i32
      %dma_start3A_670 = tpu.memref_slice %arg8[%sub3A_663, %dma_start3A_669] : memref<160x125xi32, #tpu.memory_space<vmem>> -> memref<1x125xi32, #tpu.memory_space<vmem>>
      %dma_start3A_671 = tpu.memref_squeeze %dma_start3A_670 : memref<1x125xi32, #tpu.memory_space<vmem>> -> memref<125xi32, #tpu.memory_space<vmem>>
      %dma_start3A_672 = arith.constant 0 : i32
      %dma_start3A_673 = arith.constant 0 : i32
      %dma_start3A_674 = tpu.memref_slice %arg10[%dma_start3A_672, %dma_start3A_673] : memref<10000x64xf32, #tpu.memory_space<vmem_shared>> -> memref<10000x64xf32, #tpu.memory_space<vmem_shared>>
      tpu.enqueue_indirect_dma source(%dma_start3A_668 : memref<125x64xf32, #tpu.memory_space<vmem>>) target(%dma_start3A_674 : memref<10000x64xf32, #tpu.memory_space<vmem_shared>>) offsets(%dma_start3A_671 : memref<125xi32, #tpu.memory_space<vmem>>) semaphore(%arg20 : memref<!tpu.dma_semaphore, #tpu.memory_space<semaphore_mem>>) {add = true}
      %mul3A_675 = arith.constant 6 : i32
      %mul3A_676 = arith.muli %add3A_613, %mul3A_675 : i32
      %add3A_677 = arith.constant 6 : i32
      %add3A_678 = arith.addi %add3A_677, %mul3A_676 : i32
      %add3A_679 = arith.constant 1 : i32
      %add3A_680 = arith.addi %add3A_678, %add3A_679 : i32
      %dma_wait3A_681 = arith.constant 1 : i32
      %dma_wait3A_682 = arith.constant 0 : i32
      %dma_wait3A_683 = arith.constant 0 : i32
      %dma_wait3A_684 = arith.constant 0 : i32
      %dma_wait3A_685 = tpu.memref_slice %arg9[%dma_wait3A_681, %dma_wait3A_683, %dma_wait3A_684] : memref<6x125x64xf32, #tpu.memory_space<vmem>> -> memref<1x125x64xf32, #tpu.memory_space<vmem>>
      %dma_wait3A_686 = tpu.memref_squeeze %dma_wait3A_685 : memref<1x125x64xf32, #tpu.memory_space<vmem>> -> memref<125x64xf32, #tpu.memory_space<vmem>>
      %dma_wait3A_687 = arith.constant 0 : i32
      %dma_wait3A_688 = tpu.memref_slice %arg8[%dma_wait3A_682, %dma_wait3A_687] : memref<160x125xi32, #tpu.memory_space<vmem>> -> memref<1x125xi32, #tpu.memory_space<vmem>>
      %dma_wait3A_689 = tpu.memref_squeeze %dma_wait3A_688 : memref<1x125xi32, #tpu.memory_space<vmem>> -> memref<125xi32, #tpu.memory_space<vmem>>
      %dma_wait3A_690 = arith.constant 0 : i32
      %dma_wait3A_691 = arith.constant 0 : i32
      %dma_wait3A_692 = tpu.memref_slice %arg10[%dma_wait3A_690, %dma_wait3A_691] : memref<10000x64xf32, #tpu.memory_space<vmem_shared>> -> memref<10000x64xf32, #tpu.memory_space<vmem_shared>>
      tpu.wait_indirect_dma semaphore(%arg18 : memref<!tpu.dma_semaphore, #tpu.memory_space<semaphore_mem>>) src(%dma_wait3A_686 : memref<125x64xf32, #tpu.memory_space<vmem>>) dst(%dma_wait3A_692 : memref<10000x64xf32, #tpu.memory_space<vmem_shared>>)
      %dma_start3A_693 = arith.constant 1 : i32
      %dma_start3A_694 = arith.constant 0 : i32
      %dma_start3A_695 = arith.constant 0 : i32
      %dma_start3A_696 = tpu.memref_slice %arg9[%dma_start3A_693, %dma_start3A_694, %dma_start3A_695] : memref<6x125x64xf32, #tpu.memory_space<vmem>> -> memref<1x125x64xf32, #tpu.memory_space<vmem>>
      %dma_start3A_697 = tpu.memref_squeeze %dma_start3A_696 : memref<1x125x64xf32, #tpu.memory_space<vmem>> -> memref<125x64xf32, #tpu.memory_space<vmem>>
      %dma_start3A_698 = arith.constant 0 : i32
      %dma_start3A_699 = tpu.memref_slice %arg7[%add3A_680, %dma_start3A_698] : memref<160x125xi32, #tpu.memory_space<vmem>> -> memref<1x125xi32, #tpu.memory_space<vmem>>
      %dma_start3A_700 = tpu.memref_squeeze %dma_start3A_699 : memref<1x125xi32, #tpu.memory_space<vmem>> -> memref<125xi32, #tpu.memory_space<vmem>>
      %dma_start3A_701 = arith.constant 0 : i32
      %dma_start3A_702 = arith.constant 0 : i32
      %dma_start3A_703 = tpu.memref_slice %arg2[%arg0, %dma_start3A_701, %dma_start3A_702] : memref<2x10000x64xf32, #tpu.memory_space<hbm>> -> memref<1x10000x64xf32, #tpu.memory_space<hbm>>
      %dma_start3A_704 = tpu.memref_squeeze %dma_start3A_703 : memref<1x10000x64xf32, #tpu.memory_space<hbm>> -> memref<10000x64xf32, #tpu.memory_space<hbm>>
      %dma_start3A_705 = arith.constant 0 : i32
      %dma_start3A_706 = arith.constant 0 : i32
      %dma_start3A_707 = tpu.memref_slice %dma_start3A_704[%dma_start3A_705, %dma_start3A_706] : memref<10000x64xf32, #tpu.memory_space<hbm>> -> memref<10000x64xf32, #tpu.memory_space<hbm>>
      tpu.enqueue_indirect_dma source(%dma_start3A_707 : memref<10000x64xf32, #tpu.memory_space<hbm>>) target(%dma_start3A_697 : memref<125x64xf32, #tpu.memory_space<vmem>>) offsets(%dma_start3A_700 : memref<125xi32, #tpu.memory_space<vmem>>) semaphore(%arg12 : memref<!tpu.dma_semaphore, #tpu.memory_space<semaphore_mem>>)
      %dma_wait3A_708 = arith.constant 0 : i32
      %dma_wait3A_709 = arith.constant 4 : i32
      %dma_wait3A_710 = arith.constant 0 : i32
      %dma_wait3A_711 = arith.constant 0 : i32
      %dma_wait3A_712 = tpu.memref_slice %arg9[%dma_wait3A_709, %dma_wait3A_710, %dma_wait3A_711] : memref<6x125x64xf32, #tpu.memory_space<vmem>> -> memref<1x125x64xf32, #tpu.memory_space<vmem>>
      %dma_wait3A_713 = tpu.memref_squeeze %dma_wait3A_712 : memref<1x125x64xf32, #tpu.memory_space<vmem>> -> memref<125x64xf32, #tpu.memory_space<vmem>>
      %dma_wait3A_714 = arith.constant 0 : i32
      %dma_wait3A_715 = tpu.memref_slice %arg7[%dma_wait3A_708, %dma_wait3A_714] : memref<160x125xi32, #tpu.memory_space<vmem>> -> memref<1x125xi32, #tpu.memory_space<vmem>>
      %dma_wait3A_716 = tpu.memref_squeeze %dma_wait3A_715 : memref<1x125xi32, #tpu.memory_space<vmem>> -> memref<125xi32, #tpu.memory_space<vmem>>
      %dma_wait3A_717 = arith.constant 0 : i32
      %dma_wait3A_718 = arith.constant 0 : i32
      %dma_wait3A_719 = tpu.memref_slice %arg2[%arg0, %dma_wait3A_717, %dma_wait3A_718] : memref<2x10000x64xf32, #tpu.memory_space<hbm>> -> memref<1x10000x64xf32, #tpu.memory_space<hbm>>
      %dma_wait3A_720 = tpu.memref_squeeze %dma_wait3A_719 : memref<1x10000x64xf32, #tpu.memory_space<hbm>> -> memref<10000x64xf32, #tpu.memory_space<hbm>>
      %dma_wait3A_721 = arith.constant 0 : i32
      %dma_wait3A_722 = arith.constant 0 : i32
      %dma_wait3A_723 = tpu.memref_slice %dma_wait3A_720[%dma_wait3A_721, %dma_wait3A_722] : memref<10000x64xf32, #tpu.memory_space<hbm>> -> memref<10000x64xf32, #tpu.memory_space<hbm>>
      tpu.wait_indirect_dma semaphore(%arg15 : memref<!tpu.dma_semaphore, #tpu.memory_space<semaphore_mem>>) src(%dma_wait3A_723 : memref<10000x64xf32, #tpu.memory_space<hbm>>) dst(%dma_wait3A_713 : memref<125x64xf32, #tpu.memory_space<vmem>>)
      %sub3A_724 = arith.constant 3 : i32
      %sub3A_725 = arith.subi %add3A_680, %sub3A_724 : i32
      %dma_start3A_726 = arith.constant 4 : i32
      %dma_start3A_727 = arith.constant 0 : i32
      %dma_start3A_728 = arith.constant 0 : i32
      %dma_start3A_729 = tpu.memref_slice %arg9[%dma_start3A_726, %dma_start3A_727, %dma_start3A_728] : memref<6x125x64xf32, #tpu.memory_space<vmem>> -> memref<1x125x64xf32, #tpu.memory_space<vmem>>
      %dma_start3A_730 = tpu.memref_squeeze %dma_start3A_729 : memref<1x125x64xf32, #tpu.memory_space<vmem>> -> memref<125x64xf32, #tpu.memory_space<vmem>>
      %dma_start3A_731 = arith.constant 0 : i32
      %dma_start3A_732 = tpu.memref_slice %arg8[%sub3A_725, %dma_start3A_731] : memref<160x125xi32, #tpu.memory_space<vmem>> -> memref<1x125xi32, #tpu.memory_space<vmem>>
      %dma_start3A_733 = tpu.memref_squeeze %dma_start3A_732 : memref<1x125xi32, #tpu.memory_space<vmem>> -> memref<125xi32, #tpu.memory_space<vmem>>
      %dma_start3A_734 = arith.constant 0 : i32
      %dma_start3A_735 = arith.constant 0 : i32
      %dma_start3A_736 = tpu.memref_slice %arg10[%dma_start3A_734, %dma_start3A_735] : memref<10000x64xf32, #tpu.memory_space<vmem_shared>> -> memref<10000x64xf32, #tpu.memory_space<vmem_shared>>
      tpu.enqueue_indirect_dma source(%dma_start3A_730 : memref<125x64xf32, #tpu.memory_space<vmem>>) target(%dma_start3A_736 : memref<10000x64xf32, #tpu.memory_space<vmem_shared>>) offsets(%dma_start3A_733 : memref<125xi32, #tpu.memory_space<vmem>>) semaphore(%arg21 : memref<!tpu.dma_semaphore, #tpu.memory_space<semaphore_mem>>) {add = true}
      %mul3A_737 = arith.constant 6 : i32
      %mul3A_738 = arith.muli %add3A_613, %mul3A_737 : i32
      %add3A_739 = arith.constant 6 : i32
      %add3A_740 = arith.addi %add3A_739, %mul3A_738 : i32
      %add3A_741 = arith.constant 2 : i32
      %add3A_742 = arith.addi %add3A_740, %add3A_741 : i32
      %dma_wait3A_743 = arith.constant 2 : i32
      %dma_wait3A_744 = arith.constant 0 : i32
      %dma_wait3A_745 = arith.constant 0 : i32
      %dma_wait3A_746 = arith.constant 0 : i32
      %dma_wait3A_747 = tpu.memref_slice %arg9[%dma_wait3A_743, %dma_wait3A_745, %dma_wait3A_746] : memref<6x125x64xf32, #tpu.memory_space<vmem>> -> memref<1x125x64xf32, #tpu.memory_space<vmem>>
      %dma_wait3A_748 = tpu.memref_squeeze %dma_wait3A_747 : memref<1x125x64xf32, #tpu.memory_space<vmem>> -> memref<125x64xf32, #tpu.memory_space<vmem>>
      %dma_wait3A_749 = arith.constant 0 : i32
      %dma_wait3A_750 = tpu.memref_slice %arg8[%dma_wait3A_744, %dma_wait3A_749] : memref<160x125xi32, #tpu.memory_space<vmem>> -> memref<1x125xi32, #tpu.memory_space<vmem>>
      %dma_wait3A_751 = tpu.memref_squeeze %dma_wait3A_750 : memref<1x125xi32, #tpu.memory_space<vmem>> -> memref<125xi32, #tpu.memory_space<vmem>>
      %dma_wait3A_752 = arith.constant 0 : i32
      %dma_wait3A_753 = arith.constant 0 : i32
      %dma_wait3A_754 = tpu.memref_slice %arg10[%dma_wait3A_752, %dma_wait3A_753] : memref<10000x64xf32, #tpu.memory_space<vmem_shared>> -> memref<10000x64xf32, #tpu.memory_space<vmem_shared>>
      tpu.wait_indirect_dma semaphore(%arg19 : memref<!tpu.dma_semaphore, #tpu.memory_space<semaphore_mem>>) src(%dma_wait3A_748 : memref<125x64xf32, #tpu.memory_space<vmem>>) dst(%dma_wait3A_754 : memref<10000x64xf32, #tpu.memory_space<vmem_shared>>)
      %dma_start3A_755 = arith.constant 2 : i32
      %dma_start3A_756 = arith.constant 0 : i32
      %dma_start3A_757 = arith.constant 0 : i32
      %dma_start3A_758 = tpu.memref_slice %arg9[%dma_start3A_755, %dma_start3A_756, %dma_start3A_757] : memref<6x125x64xf32, #tpu.memory_space<vmem>> -> memref<1x125x64xf32, #tpu.memory_space<vmem>>
      %dma_start3A_759 = tpu.memref_squeeze %dma_start3A_758 : memref<1x125x64xf32, #tpu.memory_space<vmem>> -> memref<125x64xf32, #tpu.memory_space<vmem>>
      %dma_start3A_760 = arith.constant 0 : i32
      %dma_start3A_761 = tpu.memref_slice %arg7[%add3A_742, %dma_start3A_760] : memref<160x125xi32, #tpu.memory_space<vmem>> -> memref<1x125xi32, #tpu.memory_space<vmem>>
      %dma_start3A_762 = tpu.memref_squeeze %dma_start3A_761 : memref<1x125xi32, #tpu.memory_space<vmem>> -> memref<125xi32, #tpu.memory_space<vmem>>
      %dma_start3A_763 = arith.constant 0 : i32
      %dma_start3A_764 = arith.constant 0 : i32
      %dma_start3A_765 = tpu.memref_slice %arg2[%arg0, %dma_start3A_763, %dma_start3A_764] : memref<2x10000x64xf32, #tpu.memory_space<hbm>> -> memref<1x10000x64xf32, #tpu.memory_space<hbm>>
      %dma_start3A_766 = tpu.memref_squeeze %dma_start3A_765 : memref<1x10000x64xf32, #tpu.memory_space<hbm>> -> memref<10000x64xf32, #tpu.memory_space<hbm>>
      %dma_start3A_767 = arith.constant 0 : i32
      %dma_start3A_768 = arith.constant 0 : i32
      %dma_start3A_769 = tpu.memref_slice %dma_start3A_766[%dma_start3A_767, %dma_start3A_768] : memref<10000x64xf32, #tpu.memory_space<hbm>> -> memref<10000x64xf32, #tpu.memory_space<hbm>>
      tpu.enqueue_indirect_dma source(%dma_start3A_769 : memref<10000x64xf32, #tpu.memory_space<hbm>>) target(%dma_start3A_759 : memref<125x64xf32, #tpu.memory_space<vmem>>) offsets(%dma_start3A_762 : memref<125xi32, #tpu.memory_space<vmem>>) semaphore(%arg13 : memref<!tpu.dma_semaphore, #tpu.memory_space<semaphore_mem>>)
      %dma_wait3A_770 = arith.constant 0 : i32
      %dma_wait3A_771 = arith.constant 5 : i32
      %dma_wait3A_772 = arith.constant 0 : i32
      %dma_wait3A_773 = arith.constant 0 : i32
      %dma_wait3A_774 = tpu.memref_slice %arg9[%dma_wait3A_771, %dma_wait3A_772, %dma_wait3A_773] : memref<6x125x64xf32, #tpu.memory_space<vmem>> -> memref<1x125x64xf32, #tpu.memory_space<vmem>>
      %dma_wait3A_775 = tpu.memref_squeeze %dma_wait3A_774 : memref<1x125x64xf32, #tpu.memory_space<vmem>> -> memref<125x64xf32, #tpu.memory_space<vmem>>
      %dma_wait3A_776 = arith.constant 0 : i32
      %dma_wait3A_777 = tpu.memref_slice %arg7[%dma_wait3A_770, %dma_wait3A_776] : memref<160x125xi32, #tpu.memory_space<vmem>> -> memref<1x125xi32, #tpu.memory_space<vmem>>
      %dma_wait3A_778 = tpu.memref_squeeze %dma_wait3A_777 : memref<1x125xi32, #tpu.memory_space<vmem>> -> memref<125xi32, #tpu.memory_space<vmem>>
      %dma_wait3A_779 = arith.constant 0 : i32
      %dma_wait3A_780 = arith.constant 0 : i32
      %dma_wait3A_781 = tpu.memref_slice %arg2[%arg0, %dma_wait3A_779, %dma_wait3A_780] : memref<2x10000x64xf32, #tpu.memory_space<hbm>> -> memref<1x10000x64xf32, #tpu.memory_space<hbm>>
      %dma_wait3A_782 = tpu.memref_squeeze %dma_wait3A_781 : memref<1x10000x64xf32, #tpu.memory_space<hbm>> -> memref<10000x64xf32, #tpu.memory_space<hbm>>
      %dma_wait3A_783 = arith.constant 0 : i32
      %dma_wait3A_784 = arith.constant 0 : i32
      %dma_wait3A_785 = tpu.memref_slice %dma_wait3A_782[%dma_wait3A_783, %dma_wait3A_784] : memref<10000x64xf32, #tpu.memory_space<hbm>> -> memref<10000x64xf32, #tpu.memory_space<hbm>>
      tpu.wait_indirect_dma semaphore(%arg16 : memref<!tpu.dma_semaphore, #tpu.memory_space<semaphore_mem>>) src(%dma_wait3A_785 : memref<10000x64xf32, #tpu.memory_space<hbm>>) dst(%dma_wait3A_775 : memref<125x64xf32, #tpu.memory_space<vmem>>)
      %sub3A_786 = arith.constant 3 : i32
      %sub3A_787 = arith.subi %add3A_742, %sub3A_786 : i32
      %dma_start3A_788 = arith.constant 5 : i32
      %dma_start3A_789 = arith.constant 0 : i32
      %dma_start3A_790 = arith.constant 0 : i32
      %dma_start3A_791 = tpu.memref_slice %arg9[%dma_start3A_788, %dma_start3A_789, %dma_start3A_790] : memref<6x125x64xf32, #tpu.memory_space<vmem>> -> memref<1x125x64xf32, #tpu.memory_space<vmem>>
      %dma_start3A_792 = tpu.memref_squeeze %dma_start3A_791 : memref<1x125x64xf32, #tpu.memory_space<vmem>> -> memref<125x64xf32, #tpu.memory_space<vmem>>
      %dma_start3A_793 = arith.constant 0 : i32
      %dma_start3A_794 = tpu.memref_slice %arg8[%sub3A_787, %dma_start3A_793] : memref<160x125xi32, #tpu.memory_space<vmem>> -> memref<1x125xi32, #tpu.memory_space<vmem>>
      %dma_start3A_795 = tpu.memref_squeeze %dma_start3A_794 : memref<1x125xi32, #tpu.memory_space<vmem>> -> memref<125xi32, #tpu.memory_space<vmem>>
      %dma_start3A_796 = arith.constant 0 : i32
      %dma_start3A_797 = arith.constant 0 : i32
      %dma_start3A_798 = tpu.memref_slice %arg10[%dma_start3A_796, %dma_start3A_797] : memref<10000x64xf32, #tpu.memory_space<vmem_shared>> -> memref<10000x64xf32, #tpu.memory_space<vmem_shared>>
      tpu.enqueue_indirect_dma source(%dma_start3A_792 : memref<125x64xf32, #tpu.memory_space<vmem>>) target(%dma_start3A_798 : memref<10000x64xf32, #tpu.memory_space<vmem_shared>>) offsets(%dma_start3A_795 : memref<125xi32, #tpu.memory_space<vmem>>) semaphore(%arg22 : memref<!tpu.dma_semaphore, #tpu.memory_space<semaphore_mem>>) {add = true}
      %mul3A_799 = arith.constant 6 : i32
      %mul3A_800 = arith.muli %add3A_613, %mul3A_799 : i32
      %add3A_801 = arith.constant 6 : i32
      %add3A_802 = arith.addi %add3A_801, %mul3A_800 : i32
      %add3A_803 = arith.constant 3 : i32
      %add3A_804 = arith.addi %add3A_802, %add3A_803 : i32
      %dma_wait3A_805 = arith.constant 3 : i32
      %dma_wait3A_806 = arith.constant 0 : i32
      %dma_wait3A_807 = arith.constant 0 : i32
      %dma_wait3A_808 = arith.constant 0 : i32
      %dma_wait3A_809 = tpu.memref_slice %arg9[%dma_wait3A_805, %dma_wait3A_807, %dma_wait3A_808] : memref<6x125x64xf32, #tpu.memory_space<vmem>> -> memref<1x125x64xf32, #tpu.memory_space<vmem>>
      %dma_wait3A_810 = tpu.memref_squeeze %dma_wait3A_809 : memref<1x125x64xf32, #tpu.memory_space<vmem>> -> memref<125x64xf32, #tpu.memory_space<vmem>>
      %dma_wait3A_811 = arith.constant 0 : i32
      %dma_wait3A_812 = tpu.memref_slice %arg8[%dma_wait3A_806, %dma_wait3A_811] : memref<160x125xi32, #tpu.memory_space<vmem>> -> memref<1x125xi32, #tpu.memory_space<vmem>>
      %dma_wait3A_813 = tpu.memref_squeeze %dma_wait3A_812 : memref<1x125xi32, #tpu.memory_space<vmem>> -> memref<125xi32, #tpu.memory_space<vmem>>
      %dma_wait3A_814 = arith.constant 0 : i32
      %dma_wait3A_815 = arith.constant 0 : i32
      %dma_wait3A_816 = tpu.memref_slice %arg10[%dma_wait3A_814, %dma_wait3A_815] : memref<10000x64xf32, #tpu.memory_space<vmem_shared>> -> memref<10000x64xf32, #tpu.memory_space<vmem_shared>>
      tpu.wait_indirect_dma semaphore(%arg20 : memref<!tpu.dma_semaphore, #tpu.memory_space<semaphore_mem>>) src(%dma_wait3A_810 : memref<125x64xf32, #tpu.memory_space<vmem>>) dst(%dma_wait3A_816 : memref<10000x64xf32, #tpu.memory_space<vmem_shared>>)
      %dma_start3A_817 = arith.constant 3 : i32
      %dma_start3A_818 = arith.constant 0 : i32
      %dma_start3A_819 = arith.constant 0 : i32
      %dma_start3A_820 = tpu.memref_slice %arg9[%dma_start3A_817, %dma_start3A_818, %dma_start3A_819] : memref<6x125x64xf32, #tpu.memory_space<vmem>> -> memref<1x125x64xf32, #tpu.memory_space<vmem>>
      %dma_start3A_821 = tpu.memref_squeeze %dma_start3A_820 : memref<1x125x64xf32, #tpu.memory_space<vmem>> -> memref<125x64xf32, #tpu.memory_space<vmem>>
      %dma_start3A_822 = arith.constant 0 : i32
      %dma_start3A_823 = tpu.memref_slice %arg7[%add3A_804, %dma_start3A_822] : memref<160x125xi32, #tpu.memory_space<vmem>> -> memref<1x125xi32, #tpu.memory_space<vmem>>
      %dma_start3A_824 = tpu.memref_squeeze %dma_start3A_823 : memref<1x125xi32, #tpu.memory_space<vmem>> -> memref<125xi32, #tpu.memory_space<vmem>>
      %dma_start3A_825 = arith.constant 0 : i32
      %dma_start3A_826 = arith.constant 0 : i32
      %dma_start3A_827 = tpu.memref_slice %arg2[%arg0, %dma_start3A_825, %dma_start3A_826] : memref<2x10000x64xf32, #tpu.memory_space<hbm>> -> memref<1x10000x64xf32, #tpu.memory_space<hbm>>
      %dma_start3A_828 = tpu.memref_squeeze %dma_start3A_827 : memref<1x10000x64xf32, #tpu.memory_space<hbm>> -> memref<10000x64xf32, #tpu.memory_space<hbm>>
      %dma_start3A_829 = arith.constant 0 : i32
      %dma_start3A_830 = arith.constant 0 : i32
      %dma_start3A_831 = tpu.memref_slice %dma_start3A_828[%dma_start3A_829, %dma_start3A_830] : memref<10000x64xf32, #tpu.memory_space<hbm>> -> memref<10000x64xf32, #tpu.memory_space<hbm>>
      tpu.enqueue_indirect_dma source(%dma_start3A_831 : memref<10000x64xf32, #tpu.memory_space<hbm>>) target(%dma_start3A_821 : memref<125x64xf32, #tpu.memory_space<vmem>>) offsets(%dma_start3A_824 : memref<125xi32, #tpu.memory_space<vmem>>) semaphore(%arg14 : memref<!tpu.dma_semaphore, #tpu.memory_space<semaphore_mem>>)
      %dma_wait3A_832 = arith.constant 0 : i32
      %dma_wait3A_833 = arith.constant 0 : i32
      %dma_wait3A_834 = arith.constant 0 : i32
      %dma_wait3A_835 = arith.constant 0 : i32
      %dma_wait3A_836 = tpu.memref_slice %arg9[%dma_wait3A_833, %dma_wait3A_834, %dma_wait3A_835] : memref<6x125x64xf32, #tpu.memory_space<vmem>> -> memref<1x125x64xf32, #tpu.memory_space<vmem>>
      %dma_wait3A_837 = tpu.memref_squeeze %dma_wait3A_836 : memref<1x125x64xf32, #tpu.memory_space<vmem>> -> memref<125x64xf32, #tpu.memory_space<vmem>>
      %dma_wait3A_838 = arith.constant 0 : i32
      %dma_wait3A_839 = tpu.memref_slice %arg7[%dma_wait3A_832, %dma_wait3A_838] : memref<160x125xi32, #tpu.memory_space<vmem>> -> memref<1x125xi32, #tpu.memory_space<vmem>>
      %dma_wait3A_840 = tpu.memref_squeeze %dma_wait3A_839 : memref<1x125xi32, #tpu.memory_space<vmem>> -> memref<125xi32, #tpu.memory_space<vmem>>
      %dma_wait3A_841 = arith.constant 0 : i32
      %dma_wait3A_842 = arith.constant 0 : i32
      %dma_wait3A_843 = tpu.memref_slice %arg2[%arg0, %dma_wait3A_841, %dma_wait3A_842] : memref<2x10000x64xf32, #tpu.memory_space<hbm>> -> memref<1x10000x64xf32, #tpu.memory_space<hbm>>
      %dma_wait3A_844 = tpu.memref_squeeze %dma_wait3A_843 : memref<1x10000x64xf32, #tpu.memory_space<hbm>> -> memref<10000x64xf32, #tpu.memory_space<hbm>>
      %dma_wait3A_845 = arith.constant 0 : i32
      %dma_wait3A_846 = arith.constant 0 : i32
      %dma_wait3A_847 = tpu.memref_slice %dma_wait3A_844[%dma_wait3A_845, %dma_wait3A_846] : memref<10000x64xf32, #tpu.memory_space<hbm>> -> memref<10000x64xf32, #tpu.memory_space<hbm>>
      tpu.wait_indirect_dma semaphore(%arg11 : memref<!tpu.dma_semaphore, #tpu.memory_space<semaphore_mem>>) src(%dma_wait3A_847 : memref<10000x64xf32, #tpu.memory_space<hbm>>) dst(%dma_wait3A_837 : memref<125x64xf32, #tpu.memory_space<vmem>>)
      %sub3A_848 = arith.constant 3 : i32
      %sub3A_849 = arith.subi %add3A_804, %sub3A_848 : i32
      %dma_start3A_850 = arith.constant 0 : i32
      %dma_start3A_851 = arith.constant 0 : i32
      %dma_start3A_852 = arith.constant 0 : i32
      %dma_start3A_853 = tpu.memref_slice %arg9[%dma_start3A_850, %dma_start3A_851, %dma_start3A_852] : memref<6x125x64xf32, #tpu.memory_space<vmem>> -> memref<1x125x64xf32, #tpu.memory_space<vmem>>
      %dma_start3A_854 = tpu.memref_squeeze %dma_start3A_853 : memref<1x125x64xf32, #tpu.memory_space<vmem>> -> memref<125x64xf32, #tpu.memory_space<vmem>>
      %dma_start3A_855 = arith.constant 0 : i32
      %dma_start3A_856 = tpu.memref_slice %arg8[%sub3A_849, %dma_start3A_855] : memref<160x125xi32, #tpu.memory_space<vmem>> -> memref<1x125xi32, #tpu.memory_space<vmem>>
      %dma_start3A_857 = tpu.memref_squeeze %dma_start3A_856 : memref<1x125xi32, #tpu.memory_space<vmem>> -> memref<125xi32, #tpu.memory_space<vmem>>
      %dma_start3A_858 = arith.constant 0 : i32
      %dma_start3A_859 = arith.constant 0 : i32
      %dma_start3A_860 = tpu.memref_slice %arg10[%dma_start3A_858, %dma_start3A_859] : memref<10000x64xf32, #tpu.memory_space<vmem_shared>> -> memref<10000x64xf32, #tpu.memory_space<vmem_shared>>
      tpu.enqueue_indirect_dma source(%dma_start3A_854 : memref<125x64xf32, #tpu.memory_space<vmem>>) target(%dma_start3A_860 : memref<10000x64xf32, #tpu.memory_space<vmem_shared>>) offsets(%dma_start3A_857 : memref<125xi32, #tpu.memory_space<vmem>>) semaphore(%arg17 : memref<!tpu.dma_semaphore, #tpu.memory_space<semaphore_mem>>) {add = true}
      %mul3A_861 = arith.constant 6 : i32
      %mul3A_862 = arith.muli %add3A_613, %mul3A_861 : i32
      %add3A_863 = arith.constant 6 : i32
      %add3A_864 = arith.addi %add3A_863, %mul3A_862 : i32
      %add3A_865 = arith.constant 4 : i32
      %add3A_866 = arith.addi %add3A_864, %add3A_865 : i32
      %dma_wait3A_867 = arith.constant 4 : i32
      %dma_wait3A_868 = arith.constant 0 : i32
      %dma_wait3A_869 = arith.constant 0 : i32
      %dma_wait3A_870 = arith.constant 0 : i32
      %dma_wait3A_871 = tpu.memref_slice %arg9[%dma_wait3A_867, %dma_wait3A_869, %dma_wait3A_870] : memref<6x125x64xf32, #tpu.memory_space<vmem>> -> memref<1x125x64xf32, #tpu.memory_space<vmem>>
      %dma_wait3A_872 = tpu.memref_squeeze %dma_wait3A_871 : memref<1x125x64xf32, #tpu.memory_space<vmem>> -> memref<125x64xf32, #tpu.memory_space<vmem>>
      %dma_wait3A_873 = arith.constant 0 : i32
      %dma_wait3A_874 = tpu.memref_slice %arg8[%dma_wait3A_868, %dma_wait3A_873] : memref<160x125xi32, #tpu.memory_space<vmem>> -> memref<1x125xi32, #tpu.memory_space<vmem>>
      %dma_wait3A_875 = tpu.memref_squeeze %dma_wait3A_874 : memref<1x125xi32, #tpu.memory_space<vmem>> -> memref<125xi32, #tpu.memory_space<vmem>>
      %dma_wait3A_876 = arith.constant 0 : i32
      %dma_wait3A_877 = arith.constant 0 : i32
      %dma_wait3A_878 = tpu.memref_slice %arg10[%dma_wait3A_876, %dma_wait3A_877] : memref<10000x64xf32, #tpu.memory_space<vmem_shared>> -> memref<10000x64xf32, #tpu.memory_space<vmem_shared>>
      tpu.wait_indirect_dma semaphore(%arg21 : memref<!tpu.dma_semaphore, #tpu.memory_space<semaphore_mem>>) src(%dma_wait3A_872 : memref<125x64xf32, #tpu.memory_space<vmem>>) dst(%dma_wait3A_878 : memref<10000x64xf32, #tpu.memory_space<vmem_shared>>)
      %dma_start3A_879 = arith.constant 4 : i32
      %dma_start3A_880 = arith.constant 0 : i32
      %dma_start3A_881 = arith.constant 0 : i32
      %dma_start3A_882 = tpu.memref_slice %arg9[%dma_start3A_879, %dma_start3A_880, %dma_start3A_881] : memref<6x125x64xf32, #tpu.memory_space<vmem>> -> memref<1x125x64xf32, #tpu.memory_space<vmem>>
      %dma_start3A_883 = tpu.memref_squeeze %dma_start3A_882 : memref<1x125x64xf32, #tpu.memory_space<vmem>> -> memref<125x64xf32, #tpu.memory_space<vmem>>
      %dma_start3A_884 = arith.constant 0 : i32
      %dma_start3A_885 = tpu.memref_slice %arg7[%add3A_866, %dma_start3A_884] : memref<160x125xi32, #tpu.memory_space<vmem>> -> memref<1x125xi32, #tpu.memory_space<vmem>>
      %dma_start3A_886 = tpu.memref_squeeze %dma_start3A_885 : memref<1x125xi32, #tpu.memory_space<vmem>> -> memref<125xi32, #tpu.memory_space<vmem>>
      %dma_start3A_887 = arith.constant 0 : i32
      %dma_start3A_888 = arith.constant 0 : i32
      %dma_start3A_889 = tpu.memref_slice %arg2[%arg0, %dma_start3A_887, %dma_start3A_888] : memref<2x10000x64xf32, #tpu.memory_space<hbm>> -> memref<1x10000x64xf32, #tpu.memory_space<hbm>>
      %dma_start3A_890 = tpu.memref_squeeze %dma_start3A_889 : memref<1x10000x64xf32, #tpu.memory_space<hbm>> -> memref<10000x64xf32, #tpu.memory_space<hbm>>
      %dma_start3A_891 = arith.constant 0 : i32
      %dma_start3A_892 = arith.constant 0 : i32
      %dma_start3A_893 = tpu.memref_slice %dma_start3A_890[%dma_start3A_891, %dma_start3A_892] : memref<10000x64xf32, #tpu.memory_space<hbm>> -> memref<10000x64xf32, #tpu.memory_space<hbm>>
      tpu.enqueue_indirect_dma source(%dma_start3A_893 : memref<10000x64xf32, #tpu.memory_space<hbm>>) target(%dma_start3A_883 : memref<125x64xf32, #tpu.memory_space<vmem>>) offsets(%dma_start3A_886 : memref<125xi32, #tpu.memory_space<vmem>>) semaphore(%arg15 : memref<!tpu.dma_semaphore, #tpu.memory_space<semaphore_mem>>)
      %dma_wait3A_894 = arith.constant 0 : i32
      %dma_wait3A_895 = arith.constant 1 : i32
      %dma_wait3A_896 = arith.constant 0 : i32
      %dma_wait3A_897 = arith.constant 0 : i32
      %dma_wait3A_898 = tpu.memref_slice %arg9[%dma_wait3A_895, %dma_wait3A_896, %dma_wait3A_897] : memref<6x125x64xf32, #tpu.memory_space<vmem>> -> memref<1x125x64xf32, #tpu.memory_space<vmem>>
      %dma_wait3A_899 = tpu.memref_squeeze %dma_wait3A_898 : memref<1x125x64xf32, #tpu.memory_space<vmem>> -> memref<125x64xf32, #tpu.memory_space<vmem>>
      %dma_wait3A_900 = arith.constant 0 : i32
      %dma_wait3A_901 = tpu.memref_slice %arg7[%dma_wait3A_894, %dma_wait3A_900] : memref<160x125xi32, #tpu.memory_space<vmem>> -> memref<1x125xi32, #tpu.memory_space<vmem>>
      %dma_wait3A_902 = tpu.memref_squeeze %dma_wait3A_901 : memref<1x125xi32, #tpu.memory_space<vmem>> -> memref<125xi32, #tpu.memory_space<vmem>>
      %dma_wait3A_903 = arith.constant 0 : i32
      %dma_wait3A_904 = arith.constant 0 : i32
      %dma_wait3A_905 = tpu.memref_slice %arg2[%arg0, %dma_wait3A_903, %dma_wait3A_904] : memref<2x10000x64xf32, #tpu.memory_space<hbm>> -> memref<1x10000x64xf32, #tpu.memory_space<hbm>>
      %dma_wait3A_906 = tpu.memref_squeeze %dma_wait3A_905 : memref<1x10000x64xf32, #tpu.memory_space<hbm>> -> memref<10000x64xf32, #tpu.memory_space<hbm>>
      %dma_wait3A_907 = arith.constant 0 : i32
      %dma_wait3A_908 = arith.constant 0 : i32
      %dma_wait3A_909 = tpu.memref_slice %dma_wait3A_906[%dma_wait3A_907, %dma_wait3A_908] : memref<10000x64xf32, #tpu.memory_space<hbm>> -> memref<10000x64xf32, #tpu.memory_space<hbm>>
      tpu.wait_indirect_dma semaphore(%arg12 : memref<!tpu.dma_semaphore, #tpu.memory_space<semaphore_mem>>) src(%dma_wait3A_909 : memref<10000x64xf32, #tpu.memory_space<hbm>>) dst(%dma_wait3A_899 : memref<125x64xf32, #tpu.memory_space<vmem>>)
      %sub3A_910 = arith.constant 3 : i32
      %sub3A_911 = arith.subi %add3A_866, %sub3A_910 : i32
      %dma_start3A_912 = arith.constant 1 : i32
      %dma_start3A_913 = arith.constant 0 : i32
      %dma_start3A_914 = arith.constant 0 : i32
      %dma_start3A_915 = tpu.memref_slice %arg9[%dma_start3A_912, %dma_start3A_913, %dma_start3A_914] : memref<6x125x64xf32, #tpu.memory_space<vmem>> -> memref<1x125x64xf32, #tpu.memory_space<vmem>>
      %dma_start3A_916 = tpu.memref_squeeze %dma_start3A_915 : memref<1x125x64xf32, #tpu.memory_space<vmem>> -> memref<125x64xf32, #tpu.memory_space<vmem>>
      %dma_start3A_917 = arith.constant 0 : i32
      %dma_start3A_918 = tpu.memref_slice %arg8[%sub3A_911, %dma_start3A_917] : memref<160x125xi32, #tpu.memory_space<vmem>> -> memref<1x125xi32, #tpu.memory_space<vmem>>
      %dma_start3A_919 = tpu.memref_squeeze %dma_start3A_918 : memref<1x125xi32, #tpu.memory_space<vmem>> -> memref<125xi32, #tpu.memory_space<vmem>>
      %dma_start3A_920 = arith.constant 0 : i32
      %dma_start3A_921 = arith.constant 0 : i32
      %dma_start3A_922 = tpu.memref_slice %arg10[%dma_start3A_920, %dma_start3A_921] : memref<10000x64xf32, #tpu.memory_space<vmem_shared>> -> memref<10000x64xf32, #tpu.memory_space<vmem_shared>>
      tpu.enqueue_indirect_dma source(%dma_start3A_916 : memref<125x64xf32, #tpu.memory_space<vmem>>) target(%dma_start3A_922 : memref<10000x64xf32, #tpu.memory_space<vmem_shared>>) offsets(%dma_start3A_919 : memref<125xi32, #tpu.memory_space<vmem>>) semaphore(%arg18 : memref<!tpu.dma_semaphore, #tpu.memory_space<semaphore_mem>>) {add = true}
      %mul3A_923 = arith.constant 6 : i32
      %mul3A_924 = arith.muli %add3A_613, %mul3A_923 : i32
      %add3A_925 = arith.constant 6 : i32
      %add3A_926 = arith.addi %add3A_925, %mul3A_924 : i32
      %add3A_927 = arith.constant 5 : i32
      %add3A_928 = arith.addi %add3A_926, %add3A_927 : i32
      %dma_wait3A_929 = arith.constant 5 : i32
      %dma_wait3A_930 = arith.constant 0 : i32
      %dma_wait3A_931 = arith.constant 0 : i32
      %dma_wait3A_932 = arith.constant 0 : i32
      %dma_wait3A_933 = tpu.memref_slice %arg9[%dma_wait3A_929, %dma_wait3A_931, %dma_wait3A_932] : memref<6x125x64xf32, #tpu.memory_space<vmem>> -> memref<1x125x64xf32, #tpu.memory_space<vmem>>
      %dma_wait3A_934 = tpu.memref_squeeze %dma_wait3A_933 : memref<1x125x64xf32, #tpu.memory_space<vmem>> -> memref<125x64xf32, #tpu.memory_space<vmem>>
      %dma_wait3A_935 = arith.constant 0 : i32
      %dma_wait3A_936 = tpu.memref_slice %arg8[%dma_wait3A_930, %dma_wait3A_935] : memref<160x125xi32, #tpu.memory_space<vmem>> -> memref<1x125xi32, #tpu.memory_space<vmem>>
      %dma_wait3A_937 = tpu.memref_squeeze %dma_wait3A_936 : memref<1x125xi32, #tpu.memory_space<vmem>> -> memref<125xi32, #tpu.memory_space<vmem>>
      %dma_wait3A_938 = arith.constant 0 : i32
      %dma_wait3A_939 = arith.constant 0 : i32
      %dma_wait3A_940 = tpu.memref_slice %arg10[%dma_wait3A_938, %dma_wait3A_939] : memref<10000x64xf32, #tpu.memory_space<vmem_shared>> -> memref<10000x64xf32, #tpu.memory_space<vmem_shared>>
      tpu.wait_indirect_dma semaphore(%arg22 : memref<!tpu.dma_semaphore, #tpu.memory_space<semaphore_mem>>) src(%dma_wait3A_934 : memref<125x64xf32, #tpu.memory_space<vmem>>) dst(%dma_wait3A_940 : memref<10000x64xf32, #tpu.memory_space<vmem_shared>>)
      %dma_start3A_941 = arith.constant 5 : i32
      %dma_start3A_942 = arith.constant 0 : i32
      %dma_start3A_943 = arith.constant 0 : i32
      %dma_start3A_944 = tpu.memref_slice %arg9[%dma_start3A_941, %dma_start3A_942, %dma_start3A_943] : memref<6x125x64xf32, #tpu.memory_space<vmem>> -> memref<1x125x64xf32, #tpu.memory_space<vmem>>
      %dma_start3A_945 = tpu.memref_squeeze %dma_start3A_944 : memref<1x125x64xf32, #tpu.memory_space<vmem>> -> memref<125x64xf32, #tpu.memory_space<vmem>>
      %dma_start3A_946 = arith.constant 0 : i32
      %dma_start3A_947 = tpu.memref_slice %arg7[%add3A_928, %dma_start3A_946] : memref<160x125xi32, #tpu.memory_space<vmem>> -> memref<1x125xi32, #tpu.memory_space<vmem>>
      %dma_start3A_948 = tpu.memref_squeeze %dma_start3A_947 : memref<1x125xi32, #tpu.memory_space<vmem>> -> memref<125xi32, #tpu.memory_space<vmem>>
      %dma_start3A_949 = arith.constant 0 : i32
      %dma_start3A_950 = arith.constant 0 : i32
      %dma_start3A_951 = tpu.memref_slice %arg2[%arg0, %dma_start3A_949, %dma_start3A_950] : memref<2x10000x64xf32, #tpu.memory_space<hbm>> -> memref<1x10000x64xf32, #tpu.memory_space<hbm>>
      %dma_start3A_952 = tpu.memref_squeeze %dma_start3A_951 : memref<1x10000x64xf32, #tpu.memory_space<hbm>> -> memref<10000x64xf32, #tpu.memory_space<hbm>>
      %dma_start3A_953 = arith.constant 0 : i32
      %dma_start3A_954 = arith.constant 0 : i32
      %dma_start3A_955 = tpu.memref_slice %dma_start3A_952[%dma_start3A_953, %dma_start3A_954] : memref<10000x64xf32, #tpu.memory_space<hbm>> -> memref<10000x64xf32, #tpu.memory_space<hbm>>
      tpu.enqueue_indirect_dma source(%dma_start3A_955 : memref<10000x64xf32, #tpu.memory_space<hbm>>) target(%dma_start3A_945 : memref<125x64xf32, #tpu.memory_space<vmem>>) offsets(%dma_start3A_948 : memref<125xi32, #tpu.memory_space<vmem>>) semaphore(%arg16 : memref<!tpu.dma_semaphore, #tpu.memory_space<semaphore_mem>>)
      %dma_wait3A_956 = arith.constant 0 : i32
      %dma_wait3A_957 = arith.constant 2 : i32
      %dma_wait3A_958 = arith.constant 0 : i32
      %dma_wait3A_959 = arith.constant 0 : i32
      %dma_wait3A_960 = tpu.memref_slice %arg9[%dma_wait3A_957, %dma_wait3A_958, %dma_wait3A_959] : memref<6x125x64xf32, #tpu.memory_space<vmem>> -> memref<1x125x64xf32, #tpu.memory_space<vmem>>
      %dma_wait3A_961 = tpu.memref_squeeze %dma_wait3A_960 : memref<1x125x64xf32, #tpu.memory_space<vmem>> -> memref<125x64xf32, #tpu.memory_space<vmem>>
      %dma_wait3A_962 = arith.constant 0 : i32
      %dma_wait3A_963 = tpu.memref_slice %arg7[%dma_wait3A_956, %dma_wait3A_962] : memref<160x125xi32, #tpu.memory_space<vmem>> -> memref<1x125xi32, #tpu.memory_space<vmem>>
      %dma_wait3A_964 = tpu.memref_squeeze %dma_wait3A_963 : memref<1x125xi32, #tpu.memory_space<vmem>> -> memref<125xi32, #tpu.memory_space<vmem>>
      %dma_wait3A_965 = arith.constant 0 : i32
      %dma_wait3A_966 = arith.constant 0 : i32
      %dma_wait3A_967 = tpu.memref_slice %arg2[%arg0, %dma_wait3A_965, %dma_wait3A_966] : memref<2x10000x64xf32, #tpu.memory_space<hbm>> -> memref<1x10000x64xf32, #tpu.memory_space<hbm>>
      %dma_wait3A_968 = tpu.memref_squeeze %dma_wait3A_967 : memref<1x10000x64xf32, #tpu.memory_space<hbm>> -> memref<10000x64xf32, #tpu.memory_space<hbm>>
      %dma_wait3A_969 = arith.constant 0 : i32
      %dma_wait3A_970 = arith.constant 0 : i32
      %dma_wait3A_971 = tpu.memref_slice %dma_wait3A_968[%dma_wait3A_969, %dma_wait3A_970] : memref<10000x64xf32, #tpu.memory_space<hbm>> -> memref<10000x64xf32, #tpu.memory_space<hbm>>
      tpu.wait_indirect_dma semaphore(%arg13 : memref<!tpu.dma_semaphore, #tpu.memory_space<semaphore_mem>>) src(%dma_wait3A_971 : memref<10000x64xf32, #tpu.memory_space<hbm>>) dst(%dma_wait3A_961 : memref<125x64xf32, #tpu.memory_space<vmem>>)
      %sub3A_972 = arith.constant 3 : i32
      %sub3A_973 = arith.subi %add3A_928, %sub3A_972 : i32
      %dma_start3A_974 = arith.constant 2 : i32
      %dma_start3A_975 = arith.constant 0 : i32
      %dma_start3A_976 = arith.constant 0 : i32
      %dma_start3A_977 = tpu.memref_slice %arg9[%dma_start3A_974, %dma_start3A_975, %dma_start3A_976] : memref<6x125x64xf32, #tpu.memory_space<vmem>> -> memref<1x125x64xf32, #tpu.memory_space<vmem>>
      %dma_start3A_978 = tpu.memref_squeeze %dma_start3A_977 : memref<1x125x64xf32, #tpu.memory_space<vmem>> -> memref<125x64xf32, #tpu.memory_space<vmem>>
      %dma_start3A_979 = arith.constant 0 : i32
      %dma_start3A_980 = tpu.memref_slice %arg8[%sub3A_973, %dma_start3A_979] : memref<160x125xi32, #tpu.memory_space<vmem>> -> memref<1x125xi32, #tpu.memory_space<vmem>>
      %dma_start3A_981 = tpu.memref_squeeze %dma_start3A_980 : memref<1x125xi32, #tpu.memory_space<vmem>> -> memref<125xi32, #tpu.memory_space<vmem>>
      %dma_start3A_982 = arith.constant 0 : i32
      %dma_start3A_983 = arith.constant 0 : i32
      %dma_start3A_984 = tpu.memref_slice %arg10[%dma_start3A_982, %dma_start3A_983] : memref<10000x64xf32, #tpu.memory_space<vmem_shared>> -> memref<10000x64xf32, #tpu.memory_space<vmem_shared>>
      tpu.enqueue_indirect_dma source(%dma_start3A_978 : memref<125x64xf32, #tpu.memory_space<vmem>>) target(%dma_start3A_984 : memref<10000x64xf32, #tpu.memory_space<vmem_shared>>) offsets(%dma_start3A_981 : memref<125xi32, #tpu.memory_space<vmem>>) semaphore(%arg19 : memref<!tpu.dma_semaphore, #tpu.memory_space<semaphore_mem>>) {add = true}
    }
    %scan3A_219 = arith.constant 25 : i32
    %dma_wait3A_220 = arith.constant 0 : i32
    %dma_wait3A_221 = arith.constant 0 : i32
    %dma_wait3A_222 = arith.constant 0 : i32
    %dma_wait3A_223 = arith.constant 0 : i32
    %dma_wait3A_224 = tpu.memref_slice %arg9[%dma_wait3A_220, %dma_wait3A_222, %dma_wait3A_223] : memref<6x125x64xf32, #tpu.memory_space<vmem>> -> memref<1x125x64xf32, #tpu.memory_space<vmem>>
    %dma_wait3A_225 = tpu.memref_squeeze %dma_wait3A_224 : memref<1x125x64xf32, #tpu.memory_space<vmem>> -> memref<125x64xf32, #tpu.memory_space<vmem>>
    %dma_wait3A_226 = arith.constant 0 : i32
    %dma_wait3A_227 = tpu.memref_slice %arg8[%dma_wait3A_221, %dma_wait3A_226] : memref<160x125xi32, #tpu.memory_space<vmem>> -> memref<1x125xi32, #tpu.memory_space<vmem>>
    %dma_wait3A_228 = tpu.memref_squeeze %dma_wait3A_227 : memref<1x125xi32, #tpu.memory_space<vmem>> -> memref<125xi32, #tpu.memory_space<vmem>>
    %dma_wait3A_229 = arith.constant 0 : i32
    %dma_wait3A_230 = arith.constant 0 : i32
    %dma_wait3A_231 = tpu.memref_slice %arg10[%dma_wait3A_229, %dma_wait3A_230] : memref<10000x64xf32, #tpu.memory_space<vmem_shared>> -> memref<10000x64xf32, #tpu.memory_space<vmem_shared>>
    tpu.wait_indirect_dma semaphore(%arg17 : memref<!tpu.dma_semaphore, #tpu.memory_space<semaphore_mem>>) src(%dma_wait3A_225 : memref<125x64xf32, #tpu.memory_space<vmem>>) dst(%dma_wait3A_231 : memref<10000x64xf32, #tpu.memory_space<vmem_shared>>)
    %dma_start3A_232 = arith.constant 156 : i32
    %dma_start3A_233 = arith.constant 0 : i32
    %dma_start3A_234 = arith.constant 0 : i32
    %dma_start3A_235 = arith.constant 0 : i32
    %dma_start3A_236 = tpu.memref_slice %arg9[%dma_start3A_233, %dma_start3A_234, %dma_start3A_235] : memref<6x125x64xf32, #tpu.memory_space<vmem>> -> memref<1x125x64xf32, #tpu.memory_space<vmem>>
    %dma_start3A_237 = tpu.memref_squeeze %dma_start3A_236 : memref<1x125x64xf32, #tpu.memory_space<vmem>> -> memref<125x64xf32, #tpu.memory_space<vmem>>
    %dma_start3A_238 = arith.constant 0 : i32
    %dma_start3A_239 = tpu.memref_slice %arg7[%dma_start3A_232, %dma_start3A_238] : memref<160x125xi32, #tpu.memory_space<vmem>> -> memref<1x125xi32, #tpu.memory_space<vmem>>
    %dma_start3A_240 = tpu.memref_squeeze %dma_start3A_239 : memref<1x125xi32, #tpu.memory_space<vmem>> -> memref<125xi32, #tpu.memory_space<vmem>>
    %dma_start3A_241 = arith.constant 0 : i32
    %dma_start3A_242 = arith.constant 0 : i32
    %dma_start3A_243 = tpu.memref_slice %arg2[%arg0, %dma_start3A_241, %dma_start3A_242] : memref<2x10000x64xf32, #tpu.memory_space<hbm>> -> memref<1x10000x64xf32, #tpu.memory_space<hbm>>
    %dma_start3A_244 = tpu.memref_squeeze %dma_start3A_243 : memref<1x10000x64xf32, #tpu.memory_space<hbm>> -> memref<10000x64xf32, #tpu.memory_space<hbm>>
    %dma_start3A_245 = arith.constant 0 : i32
    %dma_start3A_246 = arith.constant 0 : i32
    %dma_start3A_247 = tpu.memref_slice %dma_start3A_244[%dma_start3A_245, %dma_start3A_246] : memref<10000x64xf32, #tpu.memory_space<hbm>> -> memref<10000x64xf32, #tpu.memory_space<hbm>>
    tpu.enqueue_indirect_dma source(%dma_start3A_247 : memref<10000x64xf32, #tpu.memory_space<hbm>>) target(%dma_start3A_237 : memref<125x64xf32, #tpu.memory_space<vmem>>) offsets(%dma_start3A_240 : memref<125xi32, #tpu.memory_space<vmem>>) semaphore(%arg11 : memref<!tpu.dma_semaphore, #tpu.memory_space<semaphore_mem>>)
    %dma_wait3A_248 = arith.constant 0 : i32
    %dma_wait3A_249 = arith.constant 3 : i32
    %dma_wait3A_250 = arith.constant 0 : i32
    %dma_wait3A_251 = arith.constant 0 : i32
    %dma_wait3A_252 = tpu.memref_slice %arg9[%dma_wait3A_249, %dma_wait3A_250, %dma_wait3A_251] : memref<6x125x64xf32, #tpu.memory_space<vmem>> -> memref<1x125x64xf32, #tpu.memory_space<vmem>>
    %dma_wait3A_253 = tpu.memref_squeeze %dma_wait3A_252 : memref<1x125x64xf32, #tpu.memory_space<vmem>> -> memref<125x64xf32, #tpu.memory_space<vmem>>
    %dma_wait3A_254 = arith.constant 0 : i32
    %dma_wait3A_255 = tpu.memref_slice %arg7[%dma_wait3A_248, %dma_wait3A_254] : memref<160x125xi32, #tpu.memory_space<vmem>> -> memref<1x125xi32, #tpu.memory_space<vmem>>
    %dma_wait3A_256 = tpu.memref_squeeze %dma_wait3A_255 : memref<1x125xi32, #tpu.memory_space<vmem>> -> memref<125xi32, #tpu.memory_space<vmem>>
    %dma_wait3A_257 = arith.constant 0 : i32
    %dma_wait3A_258 = arith.constant 0 : i32
    %dma_wait3A_259 = tpu.memref_slice %arg2[%arg0, %dma_wait3A_257, %dma_wait3A_258] : memref<2x10000x64xf32, #tpu.memory_space<hbm>> -> memref<1x10000x64xf32, #tpu.memory_space<hbm>>
    %dma_wait3A_260 = tpu.memref_squeeze %dma_wait3A_259 : memref<1x10000x64xf32, #tpu.memory_space<hbm>> -> memref<10000x64xf32, #tpu.memory_space<hbm>>
    %dma_wait3A_261 = arith.constant 0 : i32
    %dma_wait3A_262 = arith.constant 0 : i32
    %dma_wait3A_263 = tpu.memref_slice %dma_wait3A_260[%dma_wait3A_261, %dma_wait3A_262] : memref<10000x64xf32, #tpu.memory_space<hbm>> -> memref<10000x64xf32, #tpu.memory_space<hbm>>
    tpu.wait_indirect_dma semaphore(%arg14 : memref<!tpu.dma_semaphore, #tpu.memory_space<semaphore_mem>>) src(%dma_wait3A_263 : memref<10000x64xf32, #tpu.memory_space<hbm>>) dst(%dma_wait3A_253 : memref<125x64xf32, #tpu.memory_space<vmem>>)
    %dma_start3A_264 = arith.constant 3 : i32
    %dma_start3A_265 = arith.constant 153 : i32
    %dma_start3A_266 = arith.constant 0 : i32
    %dma_start3A_267 = arith.constant 0 : i32
    %dma_start3A_268 = tpu.memref_slice %arg9[%dma_start3A_264, %dma_start3A_266, %dma_start3A_267] : memref<6x125x64xf32, #tpu.memory_space<vmem>> -> memref<1x125x64xf32, #tpu.memory_space<vmem>>
    %dma_start3A_269 = tpu.memref_squeeze %dma_start3A_268 : memref<1x125x64xf32, #tpu.memory_space<vmem>> -> memref<125x64xf32, #tpu.memory_space<vmem>>
    %dma_start3A_270 = arith.constant 0 : i32
    %dma_start3A_271 = tpu.memref_slice %arg8[%dma_start3A_265, %dma_start3A_270] : memref<160x125xi32, #tpu.memory_space<vmem>> -> memref<1x125xi32, #tpu.memory_space<vmem>>
    %dma_start3A_272 = tpu.memref_squeeze %dma_start3A_271 : memref<1x125xi32, #tpu.memory_space<vmem>> -> memref<125xi32, #tpu.memory_space<vmem>>
    %dma_start3A_273 = arith.constant 0 : i32
    %dma_start3A_274 = arith.constant 0 : i32
    %dma_start3A_275 = tpu.memref_slice %arg10[%dma_start3A_273, %dma_start3A_274] : memref<10000x64xf32, #tpu.memory_space<vmem_shared>> -> memref<10000x64xf32, #tpu.memory_space<vmem_shared>>
    tpu.enqueue_indirect_dma source(%dma_start3A_269 : memref<125x64xf32, #tpu.memory_space<vmem>>) target(%dma_start3A_275 : memref<10000x64xf32, #tpu.memory_space<vmem_shared>>) offsets(%dma_start3A_272 : memref<125xi32, #tpu.memory_space<vmem>>) semaphore(%arg20 : memref<!tpu.dma_semaphore, #tpu.memory_space<semaphore_mem>>) {add = true}
    %dma_wait3A_276 = arith.constant 1 : i32
    %dma_wait3A_277 = arith.constant 0 : i32
    %dma_wait3A_278 = arith.constant 0 : i32
    %dma_wait3A_279 = arith.constant 0 : i32
    %dma_wait3A_280 = tpu.memref_slice %arg9[%dma_wait3A_276, %dma_wait3A_278, %dma_wait3A_279] : memref<6x125x64xf32, #tpu.memory_space<vmem>> -> memref<1x125x64xf32, #tpu.memory_space<vmem>>
    %dma_wait3A_281 = tpu.memref_squeeze %dma_wait3A_280 : memref<1x125x64xf32, #tpu.memory_space<vmem>> -> memref<125x64xf32, #tpu.memory_space<vmem>>
    %dma_wait3A_282 = arith.constant 0 : i32
    %dma_wait3A_283 = tpu.memref_slice %arg8[%dma_wait3A_277, %dma_wait3A_282] : memref<160x125xi32, #tpu.memory_space<vmem>> -> memref<1x125xi32, #tpu.memory_space<vmem>>
    %dma_wait3A_284 = tpu.memref_squeeze %dma_wait3A_283 : memref<1x125xi32, #tpu.memory_space<vmem>> -> memref<125xi32, #tpu.memory_space<vmem>>
    %dma_wait3A_285 = arith.constant 0 : i32
    %dma_wait3A_286 = arith.constant 0 : i32
    %dma_wait3A_287 = tpu.memref_slice %arg10[%dma_wait3A_285, %dma_wait3A_286] : memref<10000x64xf32, #tpu.memory_space<vmem_shared>> -> memref<10000x64xf32, #tpu.memory_space<vmem_shared>>
    tpu.wait_indirect_dma semaphore(%arg18 : memref<!tpu.dma_semaphore, #tpu.memory_space<semaphore_mem>>) src(%dma_wait3A_281 : memref<125x64xf32, #tpu.memory_space<vmem>>) dst(%dma_wait3A_287 : memref<10000x64xf32, #tpu.memory_space<vmem_shared>>)
    %dma_start3A_288 = arith.constant 157 : i32
    %dma_start3A_289 = arith.constant 1 : i32
    %dma_start3A_290 = arith.constant 0 : i32
    %dma_start3A_291 = arith.constant 0 : i32
    %dma_start3A_292 = tpu.memref_slice %arg9[%dma_start3A_289, %dma_start3A_290, %dma_start3A_291] : memref<6x125x64xf32, #tpu.memory_space<vmem>> -> memref<1x125x64xf32, #tpu.memory_space<vmem>>
    %dma_start3A_293 = tpu.memref_squeeze %dma_start3A_292 : memref<1x125x64xf32, #tpu.memory_space<vmem>> -> memref<125x64xf32, #tpu.memory_space<vmem>>
    %dma_start3A_294 = arith.constant 0 : i32
    %dma_start3A_295 = tpu.memref_slice %arg7[%dma_start3A_288, %dma_start3A_294] : memref<160x125xi32, #tpu.memory_space<vmem>> -> memref<1x125xi32, #tpu.memory_space<vmem>>
    %dma_start3A_296 = tpu.memref_squeeze %dma_start3A_295 : memref<1x125xi32, #tpu.memory_space<vmem>> -> memref<125xi32, #tpu.memory_space<vmem>>
    %dma_start3A_297 = arith.constant 0 : i32
    %dma_start3A_298 = arith.constant 0 : i32
    %dma_start3A_299 = tpu.memref_slice %arg2[%arg0, %dma_start3A_297, %dma_start3A_298] : memref<2x10000x64xf32, #tpu.memory_space<hbm>> -> memref<1x10000x64xf32, #tpu.memory_space<hbm>>
    %dma_start3A_300 = tpu.memref_squeeze %dma_start3A_299 : memref<1x10000x64xf32, #tpu.memory_space<hbm>> -> memref<10000x64xf32, #tpu.memory_space<hbm>>
    %dma_start3A_301 = arith.constant 0 : i32
    %dma_start3A_302 = arith.constant 0 : i32
    %dma_start3A_303 = tpu.memref_slice %dma_start3A_300[%dma_start3A_301, %dma_start3A_302] : memref<10000x64xf32, #tpu.memory_space<hbm>> -> memref<10000x64xf32, #tpu.memory_space<hbm>>
    tpu.enqueue_indirect_dma source(%dma_start3A_303 : memref<10000x64xf32, #tpu.memory_space<hbm>>) target(%dma_start3A_293 : memref<125x64xf32, #tpu.memory_space<vmem>>) offsets(%dma_start3A_296 : memref<125xi32, #tpu.memory_space<vmem>>) semaphore(%arg12 : memref<!tpu.dma_semaphore, #tpu.memory_space<semaphore_mem>>)
    %dma_wait3A_304 = arith.constant 0 : i32
    %dma_wait3A_305 = arith.constant 4 : i32
    %dma_wait3A_306 = arith.constant 0 : i32
    %dma_wait3A_307 = arith.constant 0 : i32
    %dma_wait3A_308 = tpu.memref_slice %arg9[%dma_wait3A_305, %dma_wait3A_306, %dma_wait3A_307] : memref<6x125x64xf32, #tpu.memory_space<vmem>> -> memref<1x125x64xf32, #tpu.memory_space<vmem>>
    %dma_wait3A_309 = tpu.memref_squeeze %dma_wait3A_308 : memref<1x125x64xf32, #tpu.memory_space<vmem>> -> memref<125x64xf32, #tpu.memory_space<vmem>>
    %dma_wait3A_310 = arith.constant 0 : i32
    %dma_wait3A_311 = tpu.memref_slice %arg7[%dma_wait3A_304, %dma_wait3A_310] : memref<160x125xi32, #tpu.memory_space<vmem>> -> memref<1x125xi32, #tpu.memory_space<vmem>>
    %dma_wait3A_312 = tpu.memref_squeeze %dma_wait3A_311 : memref<1x125xi32, #tpu.memory_space<vmem>> -> memref<125xi32, #tpu.memory_space<vmem>>
    %dma_wait3A_313 = arith.constant 0 : i32
    %dma_wait3A_314 = arith.constant 0 : i32
    %dma_wait3A_315 = tpu.memref_slice %arg2[%arg0, %dma_wait3A_313, %dma_wait3A_314] : memref<2x10000x64xf32, #tpu.memory_space<hbm>> -> memref<1x10000x64xf32, #tpu.memory_space<hbm>>
    %dma_wait3A_316 = tpu.memref_squeeze %dma_wait3A_315 : memref<1x10000x64xf32, #tpu.memory_space<hbm>> -> memref<10000x64xf32, #tpu.memory_space<hbm>>
    %dma_wait3A_317 = arith.constant 0 : i32
    %dma_wait3A_318 = arith.constant 0 : i32
    %dma_wait3A_319 = tpu.memref_slice %dma_wait3A_316[%dma_wait3A_317, %dma_wait3A_318] : memref<10000x64xf32, #tpu.memory_space<hbm>> -> memref<10000x64xf32, #tpu.memory_space<hbm>>
    tpu.wait_indirect_dma semaphore(%arg15 : memref<!tpu.dma_semaphore, #tpu.memory_space<semaphore_mem>>) src(%dma_wait3A_319 : memref<10000x64xf32, #tpu.memory_space<hbm>>) dst(%dma_wait3A_309 : memref<125x64xf32, #tpu.memory_space<vmem>>)
    %dma_start3A_320 = arith.constant 4 : i32
    %dma_start3A_321 = arith.constant 154 : i32
    %dma_start3A_322 = arith.constant 0 : i32
    %dma_start3A_323 = arith.constant 0 : i32
    %dma_start3A_324 = tpu.memref_slice %arg9[%dma_start3A_320, %dma_start3A_322, %dma_start3A_323] : memref<6x125x64xf32, #tpu.memory_space<vmem>> -> memref<1x125x64xf32, #tpu.memory_space<vmem>>
    %dma_start3A_325 = tpu.memref_squeeze %dma_start3A_324 : memref<1x125x64xf32, #tpu.memory_space<vmem>> -> memref<125x64xf32, #tpu.memory_space<vmem>>
    %dma_start3A_326 = arith.constant 0 : i32
    %dma_start3A_327 = tpu.memref_slice %arg8[%dma_start3A_321, %dma_start3A_326] : memref<160x125xi32, #tpu.memory_space<vmem>> -> memref<1x125xi32, #tpu.memory_space<vmem>>
    %dma_start3A_328 = tpu.memref_squeeze %dma_start3A_327 : memref<1x125xi32, #tpu.memory_space<vmem>> -> memref<125xi32, #tpu.memory_space<vmem>>
    %dma_start3A_329 = arith.constant 0 : i32
    %dma_start3A_330 = arith.constant 0 : i32
    %dma_start3A_331 = tpu.memref_slice %arg10[%dma_start3A_329, %dma_start3A_330] : memref<10000x64xf32, #tpu.memory_space<vmem_shared>> -> memref<10000x64xf32, #tpu.memory_space<vmem_shared>>
    tpu.enqueue_indirect_dma source(%dma_start3A_325 : memref<125x64xf32, #tpu.memory_space<vmem>>) target(%dma_start3A_331 : memref<10000x64xf32, #tpu.memory_space<vmem_shared>>) offsets(%dma_start3A_328 : memref<125xi32, #tpu.memory_space<vmem>>) semaphore(%arg21 : memref<!tpu.dma_semaphore, #tpu.memory_space<semaphore_mem>>) {add = true}
    %dma_wait3A_332 = arith.constant 2 : i32
    %dma_wait3A_333 = arith.constant 0 : i32
    %dma_wait3A_334 = arith.constant 0 : i32
    %dma_wait3A_335 = arith.constant 0 : i32
    %dma_wait3A_336 = tpu.memref_slice %arg9[%dma_wait3A_332, %dma_wait3A_334, %dma_wait3A_335] : memref<6x125x64xf32, #tpu.memory_space<vmem>> -> memref<1x125x64xf32, #tpu.memory_space<vmem>>
    %dma_wait3A_337 = tpu.memref_squeeze %dma_wait3A_336 : memref<1x125x64xf32, #tpu.memory_space<vmem>> -> memref<125x64xf32, #tpu.memory_space<vmem>>
    %dma_wait3A_338 = arith.constant 0 : i32
    %dma_wait3A_339 = tpu.memref_slice %arg8[%dma_wait3A_333, %dma_wait3A_338] : memref<160x125xi32, #tpu.memory_space<vmem>> -> memref<1x125xi32, #tpu.memory_space<vmem>>
    %dma_wait3A_340 = tpu.memref_squeeze %dma_wait3A_339 : memref<1x125xi32, #tpu.memory_space<vmem>> -> memref<125xi32, #tpu.memory_space<vmem>>
    %dma_wait3A_341 = arith.constant 0 : i32
    %dma_wait3A_342 = arith.constant 0 : i32
    %dma_wait3A_343 = tpu.memref_slice %arg10[%dma_wait3A_341, %dma_wait3A_342] : memref<10000x64xf32, #tpu.memory_space<vmem_shared>> -> memref<10000x64xf32, #tpu.memory_space<vmem_shared>>
    tpu.wait_indirect_dma semaphore(%arg19 : memref<!tpu.dma_semaphore, #tpu.memory_space<semaphore_mem>>) src(%dma_wait3A_337 : memref<125x64xf32, #tpu.memory_space<vmem>>) dst(%dma_wait3A_343 : memref<10000x64xf32, #tpu.memory_space<vmem_shared>>)
    %dma_start3A_344 = arith.constant 158 : i32
    %dma_start3A_345 = arith.constant 2 : i32
    %dma_start3A_346 = arith.constant 0 : i32
    %dma_start3A_347 = arith.constant 0 : i32
    %dma_start3A_348 = tpu.memref_slice %arg9[%dma_start3A_345, %dma_start3A_346, %dma_start3A_347] : memref<6x125x64xf32, #tpu.memory_space<vmem>> -> memref<1x125x64xf32, #tpu.memory_space<vmem>>
    %dma_start3A_349 = tpu.memref_squeeze %dma_start3A_348 : memref<1x125x64xf32, #tpu.memory_space<vmem>> -> memref<125x64xf32, #tpu.memory_space<vmem>>
    %dma_start3A_350 = arith.constant 0 : i32
    %dma_start3A_351 = tpu.memref_slice %arg7[%dma_start3A_344, %dma_start3A_350] : memref<160x125xi32, #tpu.memory_space<vmem>> -> memref<1x125xi32, #tpu.memory_space<vmem>>
    %dma_start3A_352 = tpu.memref_squeeze %dma_start3A_351 : memref<1x125xi32, #tpu.memory_space<vmem>> -> memref<125xi32, #tpu.memory_space<vmem>>
    %dma_start3A_353 = arith.constant 0 : i32
    %dma_start3A_354 = arith.constant 0 : i32
    %dma_start3A_355 = tpu.memref_slice %arg2[%arg0, %dma_start3A_353, %dma_start3A_354] : memref<2x10000x64xf32, #tpu.memory_space<hbm>> -> memref<1x10000x64xf32, #tpu.memory_space<hbm>>
    %dma_start3A_356 = tpu.memref_squeeze %dma_start3A_355 : memref<1x10000x64xf32, #tpu.memory_space<hbm>> -> memref<10000x64xf32, #tpu.memory_space<hbm>>
    %dma_start3A_357 = arith.constant 0 : i32
    %dma_start3A_358 = arith.constant 0 : i32
    %dma_start3A_359 = tpu.memref_slice %dma_start3A_356[%dma_start3A_357, %dma_start3A_358] : memref<10000x64xf32, #tpu.memory_space<hbm>> -> memref<10000x64xf32, #tpu.memory_space<hbm>>
    tpu.enqueue_indirect_dma source(%dma_start3A_359 : memref<10000x64xf32, #tpu.memory_space<hbm>>) target(%dma_start3A_349 : memref<125x64xf32, #tpu.memory_space<vmem>>) offsets(%dma_start3A_352 : memref<125xi32, #tpu.memory_space<vmem>>) semaphore(%arg13 : memref<!tpu.dma_semaphore, #tpu.memory_space<semaphore_mem>>)
    %dma_wait3A_360 = arith.constant 0 : i32
    %dma_wait3A_361 = arith.constant 5 : i32
    %dma_wait3A_362 = arith.constant 0 : i32
    %dma_wait3A_363 = arith.constant 0 : i32
    %dma_wait3A_364 = tpu.memref_slice %arg9[%dma_wait3A_361, %dma_wait3A_362, %dma_wait3A_363] : memref<6x125x64xf32, #tpu.memory_space<vmem>> -> memref<1x125x64xf32, #tpu.memory_space<vmem>>
    %dma_wait3A_365 = tpu.memref_squeeze %dma_wait3A_364 : memref<1x125x64xf32, #tpu.memory_space<vmem>> -> memref<125x64xf32, #tpu.memory_space<vmem>>
    %dma_wait3A_366 = arith.constant 0 : i32
    %dma_wait3A_367 = tpu.memref_slice %arg7[%dma_wait3A_360, %dma_wait3A_366] : memref<160x125xi32, #tpu.memory_space<vmem>> -> memref<1x125xi32, #tpu.memory_space<vmem>>
    %dma_wait3A_368 = tpu.memref_squeeze %dma_wait3A_367 : memref<1x125xi32, #tpu.memory_space<vmem>> -> memref<125xi32, #tpu.memory_space<vmem>>
    %dma_wait3A_369 = arith.constant 0 : i32
    %dma_wait3A_370 = arith.constant 0 : i32
    %dma_wait3A_371 = tpu.memref_slice %arg2[%arg0, %dma_wait3A_369, %dma_wait3A_370] : memref<2x10000x64xf32, #tpu.memory_space<hbm>> -> memref<1x10000x64xf32, #tpu.memory_space<hbm>>
    %dma_wait3A_372 = tpu.memref_squeeze %dma_wait3A_371 : memref<1x10000x64xf32, #tpu.memory_space<hbm>> -> memref<10000x64xf32, #tpu.memory_space<hbm>>
    %dma_wait3A_373 = arith.constant 0 : i32
    %dma_wait3A_374 = arith.constant 0 : i32
    %dma_wait3A_375 = tpu.memref_slice %dma_wait3A_372[%dma_wait3A_373, %dma_wait3A_374] : memref<10000x64xf32, #tpu.memory_space<hbm>> -> memref<10000x64xf32, #tpu.memory_space<hbm>>
    tpu.wait_indirect_dma semaphore(%arg16 : memref<!tpu.dma_semaphore, #tpu.memory_space<semaphore_mem>>) src(%dma_wait3A_375 : memref<10000x64xf32, #tpu.memory_space<hbm>>) dst(%dma_wait3A_365 : memref<125x64xf32, #tpu.memory_space<vmem>>)
    %dma_start3A_376 = arith.constant 5 : i32
    %dma_start3A_377 = arith.constant 155 : i32
    %dma_start3A_378 = arith.constant 0 : i32
    %dma_start3A_379 = arith.constant 0 : i32
    %dma_start3A_380 = tpu.memref_slice %arg9[%dma_start3A_376, %dma_start3A_378, %dma_start3A_379] : memref<6x125x64xf32, #tpu.memory_space<vmem>> -> memref<1x125x64xf32, #tpu.memory_space<vmem>>
    %dma_start3A_381 = tpu.memref_squeeze %dma_start3A_380 : memref<1x125x64xf32, #tpu.memory_space<vmem>> -> memref<125x64xf32, #tpu.memory_space<vmem>>
    %dma_start3A_382 = arith.constant 0 : i32
    %dma_start3A_383 = tpu.memref_slice %arg8[%dma_start3A_377, %dma_start3A_382] : memref<160x125xi32, #tpu.memory_space<vmem>> -> memref<1x125xi32, #tpu.memory_space<vmem>>
    %dma_start3A_384 = tpu.memref_squeeze %dma_start3A_383 : memref<1x125xi32, #tpu.memory_space<vmem>> -> memref<125xi32, #tpu.memory_space<vmem>>
    %dma_start3A_385 = arith.constant 0 : i32
    %dma_start3A_386 = arith.constant 0 : i32
    %dma_start3A_387 = tpu.memref_slice %arg10[%dma_start3A_385, %dma_start3A_386] : memref<10000x64xf32, #tpu.memory_space<vmem_shared>> -> memref<10000x64xf32, #tpu.memory_space<vmem_shared>>
    tpu.enqueue_indirect_dma source(%dma_start3A_381 : memref<125x64xf32, #tpu.memory_space<vmem>>) target(%dma_start3A_387 : memref<10000x64xf32, #tpu.memory_space<vmem_shared>>) offsets(%dma_start3A_384 : memref<125xi32, #tpu.memory_space<vmem>>) semaphore(%arg22 : memref<!tpu.dma_semaphore, #tpu.memory_space<semaphore_mem>>) {add = true}
    %dma_wait3A_388 = arith.constant 3 : i32
    %dma_wait3A_389 = arith.constant 0 : i32
    %dma_wait3A_390 = arith.constant 0 : i32
    %dma_wait3A_391 = arith.constant 0 : i32
    %dma_wait3A_392 = tpu.memref_slice %arg9[%dma_wait3A_388, %dma_wait3A_390, %dma_wait3A_391] : memref<6x125x64xf32, #tpu.memory_space<vmem>> -> memref<1x125x64xf32, #tpu.memory_space<vmem>>
    %dma_wait3A_393 = tpu.memref_squeeze %dma_wait3A_392 : memref<1x125x64xf32, #tpu.memory_space<vmem>> -> memref<125x64xf32, #tpu.memory_space<vmem>>
    %dma_wait3A_394 = arith.constant 0 : i32
    %dma_wait3A_395 = tpu.memref_slice %arg8[%dma_wait3A_389, %dma_wait3A_394] : memref<160x125xi32, #tpu.memory_space<vmem>> -> memref<1x125xi32, #tpu.memory_space<vmem>>
    %dma_wait3A_396 = tpu.memref_squeeze %dma_wait3A_395 : memref<1x125xi32, #tpu.memory_space<vmem>> -> memref<125xi32, #tpu.memory_space<vmem>>
    %dma_wait3A_397 = arith.constant 0 : i32
    %dma_wait3A_398 = arith.constant 0 : i32
    %dma_wait3A_399 = tpu.memref_slice %arg10[%dma_wait3A_397, %dma_wait3A_398] : memref<10000x64xf32, #tpu.memory_space<vmem_shared>> -> memref<10000x64xf32, #tpu.memory_space<vmem_shared>>
    tpu.wait_indirect_dma semaphore(%arg20 : memref<!tpu.dma_semaphore, #tpu.memory_space<semaphore_mem>>) src(%dma_wait3A_393 : memref<125x64xf32, #tpu.memory_space<vmem>>) dst(%dma_wait3A_399 : memref<10000x64xf32, #tpu.memory_space<vmem_shared>>)
    %dma_start3A_400 = arith.constant 159 : i32
    %dma_start3A_401 = arith.constant 3 : i32
    %dma_start3A_402 = arith.constant 0 : i32
    %dma_start3A_403 = arith.constant 0 : i32
    %dma_start3A_404 = tpu.memref_slice %arg9[%dma_start3A_401, %dma_start3A_402, %dma_start3A_403] : memref<6x125x64xf32, #tpu.memory_space<vmem>> -> memref<1x125x64xf32, #tpu.memory_space<vmem>>
    %dma_start3A_405 = tpu.memref_squeeze %dma_start3A_404 : memref<1x125x64xf32, #tpu.memory_space<vmem>> -> memref<125x64xf32, #tpu.memory_space<vmem>>
    %dma_start3A_406 = arith.constant 0 : i32
    %dma_start3A_407 = tpu.memref_slice %arg7[%dma_start3A_400, %dma_start3A_406] : memref<160x125xi32, #tpu.memory_space<vmem>> -> memref<1x125xi32, #tpu.memory_space<vmem>>
    %dma_start3A_408 = tpu.memref_squeeze %dma_start3A_407 : memref<1x125xi32, #tpu.memory_space<vmem>> -> memref<125xi32, #tpu.memory_space<vmem>>
    %dma_start3A_409 = arith.constant 0 : i32
    %dma_start3A_410 = arith.constant 0 : i32
    %dma_start3A_411 = tpu.memref_slice %arg2[%arg0, %dma_start3A_409, %dma_start3A_410] : memref<2x10000x64xf32, #tpu.memory_space<hbm>> -> memref<1x10000x64xf32, #tpu.memory_space<hbm>>
    %dma_start3A_412 = tpu.memref_squeeze %dma_start3A_411 : memref<1x10000x64xf32, #tpu.memory_space<hbm>> -> memref<10000x64xf32, #tpu.memory_space<hbm>>
    %dma_start3A_413 = arith.constant 0 : i32
    %dma_start3A_414 = arith.constant 0 : i32
    %dma_start3A_415 = tpu.memref_slice %dma_start3A_412[%dma_start3A_413, %dma_start3A_414] : memref<10000x64xf32, #tpu.memory_space<hbm>> -> memref<10000x64xf32, #tpu.memory_space<hbm>>
    tpu.enqueue_indirect_dma source(%dma_start3A_415 : memref<10000x64xf32, #tpu.memory_space<hbm>>) target(%dma_start3A_405 : memref<125x64xf32, #tpu.memory_space<vmem>>) offsets(%dma_start3A_408 : memref<125xi32, #tpu.memory_space<vmem>>) semaphore(%arg14 : memref<!tpu.dma_semaphore, #tpu.memory_space<semaphore_mem>>)
    %dma_wait3A_416 = arith.constant 0 : i32
    %dma_wait3A_417 = arith.constant 0 : i32
    %dma_wait3A_418 = arith.constant 0 : i32
    %dma_wait3A_419 = arith.constant 0 : i32
    %dma_wait3A_420 = tpu.memref_slice %arg9[%dma_wait3A_417, %dma_wait3A_418, %dma_wait3A_419] : memref<6x125x64xf32, #tpu.memory_space<vmem>> -> memref<1x125x64xf32, #tpu.memory_space<vmem>>
    %dma_wait3A_421 = tpu.memref_squeeze %dma_wait3A_420 : memref<1x125x64xf32, #tpu.memory_space<vmem>> -> memref<125x64xf32, #tpu.memory_space<vmem>>
    %dma_wait3A_422 = arith.constant 0 : i32
    %dma_wait3A_423 = tpu.memref_slice %arg7[%dma_wait3A_416, %dma_wait3A_422] : memref<160x125xi32, #tpu.memory_space<vmem>> -> memref<1x125xi32, #tpu.memory_space<vmem>>
    %dma_wait3A_424 = tpu.memref_squeeze %dma_wait3A_423 : memref<1x125xi32, #tpu.memory_space<vmem>> -> memref<125xi32, #tpu.memory_space<vmem>>
    %dma_wait3A_425 = arith.constant 0 : i32
    %dma_wait3A_426 = arith.constant 0 : i32
    %dma_wait3A_427 = tpu.memref_slice %arg2[%arg0, %dma_wait3A_425, %dma_wait3A_426] : memref<2x10000x64xf32, #tpu.memory_space<hbm>> -> memref<1x10000x64xf32, #tpu.memory_space<hbm>>
    %dma_wait3A_428 = tpu.memref_squeeze %dma_wait3A_427 : memref<1x10000x64xf32, #tpu.memory_space<hbm>> -> memref<10000x64xf32, #tpu.memory_space<hbm>>
    %dma_wait3A_429 = arith.constant 0 : i32
    %dma_wait3A_430 = arith.constant 0 : i32
    %dma_wait3A_431 = tpu.memref_slice %dma_wait3A_428[%dma_wait3A_429, %dma_wait3A_430] : memref<10000x64xf32, #tpu.memory_space<hbm>> -> memref<10000x64xf32, #tpu.memory_space<hbm>>
    tpu.wait_indirect_dma semaphore(%arg11 : memref<!tpu.dma_semaphore, #tpu.memory_space<semaphore_mem>>) src(%dma_wait3A_431 : memref<10000x64xf32, #tpu.memory_space<hbm>>) dst(%dma_wait3A_421 : memref<125x64xf32, #tpu.memory_space<vmem>>)
    %dma_start3A_432 = arith.constant 0 : i32
    %dma_start3A_433 = arith.constant 156 : i32
    %dma_start3A_434 = arith.constant 0 : i32
    %dma_start3A_435 = arith.constant 0 : i32
    %dma_start3A_436 = tpu.memref_slice %arg9[%dma_start3A_432, %dma_start3A_434, %dma_start3A_435] : memref<6x125x64xf32, #tpu.memory_space<vmem>> -> memref<1x125x64xf32, #tpu.memory_space<vmem>>
    %dma_start3A_437 = tpu.memref_squeeze %dma_start3A_436 : memref<1x125x64xf32, #tpu.memory_space<vmem>> -> memref<125x64xf32, #tpu.memory_space<vmem>>
    %dma_start3A_438 = arith.constant 0 : i32
    %dma_start3A_439 = tpu.memref_slice %arg8[%dma_start3A_433, %dma_start3A_438] : memref<160x125xi32, #tpu.memory_space<vmem>> -> memref<1x125xi32, #tpu.memory_space<vmem>>
    %dma_start3A_440 = tpu.memref_squeeze %dma_start3A_439 : memref<1x125xi32, #tpu.memory_space<vmem>> -> memref<125xi32, #tpu.memory_space<vmem>>
    %dma_start3A_441 = arith.constant 0 : i32
    %dma_start3A_442 = arith.constant 0 : i32
    %dma_start3A_443 = tpu.memref_slice %arg10[%dma_start3A_441, %dma_start3A_442] : memref<10000x64xf32, #tpu.memory_space<vmem_shared>> -> memref<10000x64xf32, #tpu.memory_space<vmem_shared>>
    tpu.enqueue_indirect_dma source(%dma_start3A_437 : memref<125x64xf32, #tpu.memory_space<vmem>>) target(%dma_start3A_443 : memref<10000x64xf32, #tpu.memory_space<vmem_shared>>) offsets(%dma_start3A_440 : memref<125xi32, #tpu.memory_space<vmem>>) semaphore(%arg17 : memref<!tpu.dma_semaphore, #tpu.memory_space<semaphore_mem>>) {add = true}
    %dma_wait3A_444 = arith.constant 0 : i32
    %dma_wait3A_445 = arith.constant 1 : i32
    %dma_wait3A_446 = arith.constant 0 : i32
    %dma_wait3A_447 = arith.constant 0 : i32
    %dma_wait3A_448 = tpu.memref_slice %arg9[%dma_wait3A_445, %dma_wait3A_446, %dma_wait3A_447] : memref<6x125x64xf32, #tpu.memory_space<vmem>> -> memref<1x125x64xf32, #tpu.memory_space<vmem>>
    %dma_wait3A_449 = tpu.memref_squeeze %dma_wait3A_448 : memref<1x125x64xf32, #tpu.memory_space<vmem>> -> memref<125x64xf32, #tpu.memory_space<vmem>>
    %dma_wait3A_450 = arith.constant 0 : i32
    %dma_wait3A_451 = tpu.memref_slice %arg7[%dma_wait3A_444, %dma_wait3A_450] : memref<160x125xi32, #tpu.memory_space<vmem>> -> memref<1x125xi32, #tpu.memory_space<vmem>>
    %dma_wait3A_452 = tpu.memref_squeeze %dma_wait3A_451 : memref<1x125xi32, #tpu.memory_space<vmem>> -> memref<125xi32, #tpu.memory_space<vmem>>
    %dma_wait3A_453 = arith.constant 0 : i32
    %dma_wait3A_454 = arith.constant 0 : i32
    %dma_wait3A_455 = tpu.memref_slice %arg2[%arg0, %dma_wait3A_453, %dma_wait3A_454] : memref<2x10000x64xf32, #tpu.memory_space<hbm>> -> memref<1x10000x64xf32, #tpu.memory_space<hbm>>
    %dma_wait3A_456 = tpu.memref_squeeze %dma_wait3A_455 : memref<1x10000x64xf32, #tpu.memory_space<hbm>> -> memref<10000x64xf32, #tpu.memory_space<hbm>>
    %dma_wait3A_457 = arith.constant 0 : i32
    %dma_wait3A_458 = arith.constant 0 : i32
    %dma_wait3A_459 = tpu.memref_slice %dma_wait3A_456[%dma_wait3A_457, %dma_wait3A_458] : memref<10000x64xf32, #tpu.memory_space<hbm>> -> memref<10000x64xf32, #tpu.memory_space<hbm>>
    tpu.wait_indirect_dma semaphore(%arg12 : memref<!tpu.dma_semaphore, #tpu.memory_space<semaphore_mem>>) src(%dma_wait3A_459 : memref<10000x64xf32, #tpu.memory_space<hbm>>) dst(%dma_wait3A_449 : memref<125x64xf32, #tpu.memory_space<vmem>>)
    %dma_start3A_460 = arith.constant 1 : i32
    %dma_start3A_461 = arith.constant 157 : i32
    %dma_start3A_462 = arith.constant 0 : i32
    %dma_start3A_463 = arith.constant 0 : i32
    %dma_start3A_464 = tpu.memref_slice %arg9[%dma_start3A_460, %dma_start3A_462, %dma_start3A_463] : memref<6x125x64xf32, #tpu.memory_space<vmem>> -> memref<1x125x64xf32, #tpu.memory_space<vmem>>
    %dma_start3A_465 = tpu.memref_squeeze %dma_start3A_464 : memref<1x125x64xf32, #tpu.memory_space<vmem>> -> memref<125x64xf32, #tpu.memory_space<vmem>>
    %dma_start3A_466 = arith.constant 0 : i32
    %dma_start3A_467 = tpu.memref_slice %arg8[%dma_start3A_461, %dma_start3A_466] : memref<160x125xi32, #tpu.memory_space<vmem>> -> memref<1x125xi32, #tpu.memory_space<vmem>>
    %dma_start3A_468 = tpu.memref_squeeze %dma_start3A_467 : memref<1x125xi32, #tpu.memory_space<vmem>> -> memref<125xi32, #tpu.memory_space<vmem>>
    %dma_start3A_469 = arith.constant 0 : i32
    %dma_start3A_470 = arith.constant 0 : i32
    %dma_start3A_471 = tpu.memref_slice %arg10[%dma_start3A_469, %dma_start3A_470] : memref<10000x64xf32, #tpu.memory_space<vmem_shared>> -> memref<10000x64xf32, #tpu.memory_space<vmem_shared>>
    tpu.enqueue_indirect_dma source(%dma_start3A_465 : memref<125x64xf32, #tpu.memory_space<vmem>>) target(%dma_start3A_471 : memref<10000x64xf32, #tpu.memory_space<vmem_shared>>) offsets(%dma_start3A_468 : memref<125xi32, #tpu.memory_space<vmem>>) semaphore(%arg18 : memref<!tpu.dma_semaphore, #tpu.memory_space<semaphore_mem>>) {add = true}
    %dma_wait3A_472 = arith.constant 0 : i32
    %dma_wait3A_473 = arith.constant 2 : i32
    %dma_wait3A_474 = arith.constant 0 : i32
    %dma_wait3A_475 = arith.constant 0 : i32
    %dma_wait3A_476 = tpu.memref_slice %arg9[%dma_wait3A_473, %dma_wait3A_474, %dma_wait3A_475] : memref<6x125x64xf32, #tpu.memory_space<vmem>> -> memref<1x125x64xf32, #tpu.memory_space<vmem>>
    %dma_wait3A_477 = tpu.memref_squeeze %dma_wait3A_476 : memref<1x125x64xf32, #tpu.memory_space<vmem>> -> memref<125x64xf32, #tpu.memory_space<vmem>>
    %dma_wait3A_478 = arith.constant 0 : i32
    %dma_wait3A_479 = tpu.memref_slice %arg7[%dma_wait3A_472, %dma_wait3A_478] : memref<160x125xi32, #tpu.memory_space<vmem>> -> memref<1x125xi32, #tpu.memory_space<vmem>>
    %dma_wait3A_480 = tpu.memref_squeeze %dma_wait3A_479 : memref<1x125xi32, #tpu.memory_space<vmem>> -> memref<125xi32, #tpu.memory_space<vmem>>
    %dma_wait3A_481 = arith.constant 0 : i32
    %dma_wait3A_482 = arith.constant 0 : i32
    %dma_wait3A_483 = tpu.memref_slice %arg2[%arg0, %dma_wait3A_481, %dma_wait3A_482] : memref<2x10000x64xf32, #tpu.memory_space<hbm>> -> memref<1x10000x64xf32, #tpu.memory_space<hbm>>
    %dma_wait3A_484 = tpu.memref_squeeze %dma_wait3A_483 : memref<1x10000x64xf32, #tpu.memory_space<hbm>> -> memref<10000x64xf32, #tpu.memory_space<hbm>>
    %dma_wait3A_485 = arith.constant 0 : i32
    %dma_wait3A_486 = arith.constant 0 : i32
    %dma_wait3A_487 = tpu.memref_slice %dma_wait3A_484[%dma_wait3A_485, %dma_wait3A_486] : memref<10000x64xf32, #tpu.memory_space<hbm>> -> memref<10000x64xf32, #tpu.memory_space<hbm>>
    tpu.wait_indirect_dma semaphore(%arg13 : memref<!tpu.dma_semaphore, #tpu.memory_space<semaphore_mem>>) src(%dma_wait3A_487 : memref<10000x64xf32, #tpu.memory_space<hbm>>) dst(%dma_wait3A_477 : memref<125x64xf32, #tpu.memory_space<vmem>>)
    %dma_start3A_488 = arith.constant 2 : i32
    %dma_start3A_489 = arith.constant 158 : i32
    %dma_start3A_490 = arith.constant 0 : i32
    %dma_start3A_491 = arith.constant 0 : i32
    %dma_start3A_492 = tpu.memref_slice %arg9[%dma_start3A_488, %dma_start3A_490, %dma_start3A_491] : memref<6x125x64xf32, #tpu.memory_space<vmem>> -> memref<1x125x64xf32, #tpu.memory_space<vmem>>
    %dma_start3A_493 = tpu.memref_squeeze %dma_start3A_492 : memref<1x125x64xf32, #tpu.memory_space<vmem>> -> memref<125x64xf32, #tpu.memory_space<vmem>>
    %dma_start3A_494 = arith.constant 0 : i32
    %dma_start3A_495 = tpu.memref_slice %arg8[%dma_start3A_489, %dma_start3A_494] : memref<160x125xi32, #tpu.memory_space<vmem>> -> memref<1x125xi32, #tpu.memory_space<vmem>>
    %dma_start3A_496 = tpu.memref_squeeze %dma_start3A_495 : memref<1x125xi32, #tpu.memory_space<vmem>> -> memref<125xi32, #tpu.memory_space<vmem>>
    %dma_start3A_497 = arith.constant 0 : i32
    %dma_start3A_498 = arith.constant 0 : i32
    %dma_start3A_499 = tpu.memref_slice %arg10[%dma_start3A_497, %dma_start3A_498] : memref<10000x64xf32, #tpu.memory_space<vmem_shared>> -> memref<10000x64xf32, #tpu.memory_space<vmem_shared>>
    tpu.enqueue_indirect_dma source(%dma_start3A_493 : memref<125x64xf32, #tpu.memory_space<vmem>>) target(%dma_start3A_499 : memref<10000x64xf32, #tpu.memory_space<vmem_shared>>) offsets(%dma_start3A_496 : memref<125xi32, #tpu.memory_space<vmem>>) semaphore(%arg19 : memref<!tpu.dma_semaphore, #tpu.memory_space<semaphore_mem>>) {add = true}
    %dma_wait3A_500 = arith.constant 0 : i32
    %dma_wait3A_501 = arith.constant 3 : i32
    %dma_wait3A_502 = arith.constant 0 : i32
    %dma_wait3A_503 = arith.constant 0 : i32
    %dma_wait3A_504 = tpu.memref_slice %arg9[%dma_wait3A_501, %dma_wait3A_502, %dma_wait3A_503] : memref<6x125x64xf32, #tpu.memory_space<vmem>> -> memref<1x125x64xf32, #tpu.memory_space<vmem>>
    %dma_wait3A_505 = tpu.memref_squeeze %dma_wait3A_504 : memref<1x125x64xf32, #tpu.memory_space<vmem>> -> memref<125x64xf32, #tpu.memory_space<vmem>>
    %dma_wait3A_506 = arith.constant 0 : i32
    %dma_wait3A_507 = tpu.memref_slice %arg7[%dma_wait3A_500, %dma_wait3A_506] : memref<160x125xi32, #tpu.memory_space<vmem>> -> memref<1x125xi32, #tpu.memory_space<vmem>>
    %dma_wait3A_508 = tpu.memref_squeeze %dma_wait3A_507 : memref<1x125xi32, #tpu.memory_space<vmem>> -> memref<125xi32, #tpu.memory_space<vmem>>
    %dma_wait3A_509 = arith.constant 0 : i32
    %dma_wait3A_510 = arith.constant 0 : i32
    %dma_wait3A_511 = tpu.memref_slice %arg2[%arg0, %dma_wait3A_509, %dma_wait3A_510] : memref<2x10000x64xf32, #tpu.memory_space<hbm>> -> memref<1x10000x64xf32, #tpu.memory_space<hbm>>
    %dma_wait3A_512 = tpu.memref_squeeze %dma_wait3A_511 : memref<1x10000x64xf32, #tpu.memory_space<hbm>> -> memref<10000x64xf32, #tpu.memory_space<hbm>>
    %dma_wait3A_513 = arith.constant 0 : i32
    %dma_wait3A_514 = arith.constant 0 : i32
    %dma_wait3A_515 = tpu.memref_slice %dma_wait3A_512[%dma_wait3A_513, %dma_wait3A_514] : memref<10000x64xf32, #tpu.memory_space<hbm>> -> memref<10000x64xf32, #tpu.memory_space<hbm>>
    tpu.wait_indirect_dma semaphore(%arg14 : memref<!tpu.dma_semaphore, #tpu.memory_space<semaphore_mem>>) src(%dma_wait3A_515 : memref<10000x64xf32, #tpu.memory_space<hbm>>) dst(%dma_wait3A_505 : memref<125x64xf32, #tpu.memory_space<vmem>>)
    %dma_start3A_516 = arith.constant 3 : i32
    %dma_start3A_517 = arith.constant 159 : i32
    %dma_start3A_518 = arith.constant 0 : i32
    %dma_start3A_519 = arith.constant 0 : i32
    %dma_start3A_520 = tpu.memref_slice %arg9[%dma_start3A_516, %dma_start3A_518, %dma_start3A_519] : memref<6x125x64xf32, #tpu.memory_space<vmem>> -> memref<1x125x64xf32, #tpu.memory_space<vmem>>
    %dma_start3A_521 = tpu.memref_squeeze %dma_start3A_520 : memref<1x125x64xf32, #tpu.memory_space<vmem>> -> memref<125x64xf32, #tpu.memory_space<vmem>>
    %dma_start3A_522 = arith.constant 0 : i32
    %dma_start3A_523 = tpu.memref_slice %arg8[%dma_start3A_517, %dma_start3A_522] : memref<160x125xi32, #tpu.memory_space<vmem>> -> memref<1x125xi32, #tpu.memory_space<vmem>>
    %dma_start3A_524 = tpu.memref_squeeze %dma_start3A_523 : memref<1x125xi32, #tpu.memory_space<vmem>> -> memref<125xi32, #tpu.memory_space<vmem>>
    %dma_start3A_525 = arith.constant 0 : i32
    %dma_start3A_526 = arith.constant 0 : i32
    %dma_start3A_527 = tpu.memref_slice %arg10[%dma_start3A_525, %dma_start3A_526] : memref<10000x64xf32, #tpu.memory_space<vmem_shared>> -> memref<10000x64xf32, #tpu.memory_space<vmem_shared>>
    tpu.enqueue_indirect_dma source(%dma_start3A_521 : memref<125x64xf32, #tpu.memory_space<vmem>>) target(%dma_start3A_527 : memref<10000x64xf32, #tpu.memory_space<vmem_shared>>) offsets(%dma_start3A_524 : memref<125xi32, #tpu.memory_space<vmem>>) semaphore(%arg20 : memref<!tpu.dma_semaphore, #tpu.memory_space<semaphore_mem>>) {add = true}
    %dma_wait3A_528 = arith.constant 0 : i32
    %dma_wait3A_529 = arith.constant 0 : i32
    %dma_wait3A_530 = arith.constant 0 : i32
    %dma_wait3A_531 = arith.constant 0 : i32
    %dma_wait3A_532 = tpu.memref_slice %arg9[%dma_wait3A_528, %dma_wait3A_530, %dma_wait3A_531] : memref<6x125x64xf32, #tpu.memory_space<vmem>> -> memref<1x125x64xf32, #tpu.memory_space<vmem>>
    %dma_wait3A_533 = tpu.memref_squeeze %dma_wait3A_532 : memref<1x125x64xf32, #tpu.memory_space<vmem>> -> memref<125x64xf32, #tpu.memory_space<vmem>>
    %dma_wait3A_534 = arith.constant 0 : i32
    %dma_wait3A_535 = tpu.memref_slice %arg8[%dma_wait3A_529, %dma_wait3A_534] : memref<160x125xi32, #tpu.memory_space<vmem>> -> memref<1x125xi32, #tpu.memory_space<vmem>>
    %dma_wait3A_536 = tpu.memref_squeeze %dma_wait3A_535 : memref<1x125xi32, #tpu.memory_space<vmem>> -> memref<125xi32, #tpu.memory_space<vmem>>
    %dma_wait3A_537 = arith.constant 0 : i32
    %dma_wait3A_538 = arith.constant 0 : i32
    %dma_wait3A_539 = tpu.memref_slice %arg10[%dma_wait3A_537, %dma_wait3A_538] : memref<10000x64xf32, #tpu.memory_space<vmem_shared>> -> memref<10000x64xf32, #tpu.memory_space<vmem_shared>>
    tpu.wait_indirect_dma semaphore(%arg17 : memref<!tpu.dma_semaphore, #tpu.memory_space<semaphore_mem>>) src(%dma_wait3A_533 : memref<125x64xf32, #tpu.memory_space<vmem>>) dst(%dma_wait3A_539 : memref<10000x64xf32, #tpu.memory_space<vmem_shared>>)
    %dma_wait3A_540 = arith.constant 1 : i32
    %dma_wait3A_541 = arith.constant 0 : i32
    %dma_wait3A_542 = arith.constant 0 : i32
    %dma_wait3A_543 = arith.constant 0 : i32
    %dma_wait3A_544 = tpu.memref_slice %arg9[%dma_wait3A_540, %dma_wait3A_542, %dma_wait3A_543] : memref<6x125x64xf32, #tpu.memory_space<vmem>> -> memref<1x125x64xf32, #tpu.memory_space<vmem>>
    %dma_wait3A_545 = tpu.memref_squeeze %dma_wait3A_544 : memref<1x125x64xf32, #tpu.memory_space<vmem>> -> memref<125x64xf32, #tpu.memory_space<vmem>>
    %dma_wait3A_546 = arith.constant 0 : i32
    %dma_wait3A_547 = tpu.memref_slice %arg8[%dma_wait3A_541, %dma_wait3A_546] : memref<160x125xi32, #tpu.memory_space<vmem>> -> memref<1x125xi32, #tpu.memory_space<vmem>>
    %dma_wait3A_548 = tpu.memref_squeeze %dma_wait3A_547 : memref<1x125xi32, #tpu.memory_space<vmem>> -> memref<125xi32, #tpu.memory_space<vmem>>
    %dma_wait3A_549 = arith.constant 0 : i32
    %dma_wait3A_550 = arith.constant 0 : i32
    %dma_wait3A_551 = tpu.memref_slice %arg10[%dma_wait3A_549, %dma_wait3A_550] : memref<10000x64xf32, #tpu.memory_space<vmem_shared>> -> memref<10000x64xf32, #tpu.memory_space<vmem_shared>>
    tpu.wait_indirect_dma semaphore(%arg18 : memref<!tpu.dma_semaphore, #tpu.memory_space<semaphore_mem>>) src(%dma_wait3A_545 : memref<125x64xf32, #tpu.memory_space<vmem>>) dst(%dma_wait3A_551 : memref<10000x64xf32, #tpu.memory_space<vmem_shared>>)
    %dma_wait3A_552 = arith.constant 2 : i32
    %dma_wait3A_553 = arith.constant 0 : i32
    %dma_wait3A_554 = arith.constant 0 : i32
    %dma_wait3A_555 = arith.constant 0 : i32
    %dma_wait3A_556 = tpu.memref_slice %arg9[%dma_wait3A_552, %dma_wait3A_554, %dma_wait3A_555] : memref<6x125x64xf32, #tpu.memory_space<vmem>> -> memref<1x125x64xf32, #tpu.memory_space<vmem>>
    %dma_wait3A_557 = tpu.memref_squeeze %dma_wait3A_556 : memref<1x125x64xf32, #tpu.memory_space<vmem>> -> memref<125x64xf32, #tpu.memory_space<vmem>>
    %dma_wait3A_558 = arith.constant 0 : i32
    %dma_wait3A_559 = tpu.memref_slice %arg8[%dma_wait3A_553, %dma_wait3A_558] : memref<160x125xi32, #tpu.memory_space<vmem>> -> memref<1x125xi32, #tpu.memory_space<vmem>>
    %dma_wait3A_560 = tpu.memref_squeeze %dma_wait3A_559 : memref<1x125xi32, #tpu.memory_space<vmem>> -> memref<125xi32, #tpu.memory_space<vmem>>
    %dma_wait3A_561 = arith.constant 0 : i32
    %dma_wait3A_562 = arith.constant 0 : i32
    %dma_wait3A_563 = tpu.memref_slice %arg10[%dma_wait3A_561, %dma_wait3A_562] : memref<10000x64xf32, #tpu.memory_space<vmem_shared>> -> memref<10000x64xf32, #tpu.memory_space<vmem_shared>>
    tpu.wait_indirect_dma semaphore(%arg19 : memref<!tpu.dma_semaphore, #tpu.memory_space<semaphore_mem>>) src(%dma_wait3A_557 : memref<125x64xf32, #tpu.memory_space<vmem>>) dst(%dma_wait3A_563 : memref<10000x64xf32, #tpu.memory_space<vmem_shared>>)
    %dma_wait3A_564 = arith.constant 3 : i32
    %dma_wait3A_565 = arith.constant 0 : i32
    %dma_wait3A_566 = arith.constant 0 : i32
    %dma_wait3A_567 = arith.constant 0 : i32
    %dma_wait3A_568 = tpu.memref_slice %arg9[%dma_wait3A_564, %dma_wait3A_566, %dma_wait3A_567] : memref<6x125x64xf32, #tpu.memory_space<vmem>> -> memref<1x125x64xf32, #tpu.memory_space<vmem>>
    %dma_wait3A_569 = tpu.memref_squeeze %dma_wait3A_568 : memref<1x125x64xf32, #tpu.memory_space<vmem>> -> memref<125x64xf32, #tpu.memory_space<vmem>>
    %dma_wait3A_570 = arith.constant 0 : i32
    %dma_wait3A_571 = tpu.memref_slice %arg8[%dma_wait3A_565, %dma_wait3A_570] : memref<160x125xi32, #tpu.memory_space<vmem>> -> memref<1x125xi32, #tpu.memory_space<vmem>>
    %dma_wait3A_572 = tpu.memref_squeeze %dma_wait3A_571 : memref<1x125xi32, #tpu.memory_space<vmem>> -> memref<125xi32, #tpu.memory_space<vmem>>
    %dma_wait3A_573 = arith.constant 0 : i32
    %dma_wait3A_574 = arith.constant 0 : i32
    %dma_wait3A_575 = tpu.memref_slice %arg10[%dma_wait3A_573, %dma_wait3A_574] : memref<10000x64xf32, #tpu.memory_space<vmem_shared>> -> memref<10000x64xf32, #tpu.memory_space<vmem_shared>>
    tpu.wait_indirect_dma semaphore(%arg20 : memref<!tpu.dma_semaphore, #tpu.memory_space<semaphore_mem>>) src(%dma_wait3A_569 : memref<125x64xf32, #tpu.memory_space<vmem>>) dst(%dma_wait3A_575 : memref<10000x64xf32, #tpu.memory_space<vmem_shared>>)
    %dma_wait3A_576 = arith.constant 4 : i32
    %dma_wait3A_577 = arith.constant 0 : i32
    %dma_wait3A_578 = arith.constant 0 : i32
    %dma_wait3A_579 = arith.constant 0 : i32
    %dma_wait3A_580 = tpu.memref_slice %arg9[%dma_wait3A_576, %dma_wait3A_578, %dma_wait3A_579] : memref<6x125x64xf32, #tpu.memory_space<vmem>> -> memref<1x125x64xf32, #tpu.memory_space<vmem>>
    %dma_wait3A_581 = tpu.memref_squeeze %dma_wait3A_580 : memref<1x125x64xf32, #tpu.memory_space<vmem>> -> memref<125x64xf32, #tpu.memory_space<vmem>>
    %dma_wait3A_582 = arith.constant 0 : i32
    %dma_wait3A_583 = tpu.memref_slice %arg8[%dma_wait3A_577, %dma_wait3A_582] : memref<160x125xi32, #tpu.memory_space<vmem>> -> memref<1x125xi32, #tpu.memory_space<vmem>>
    %dma_wait3A_584 = tpu.memref_squeeze %dma_wait3A_583 : memref<1x125xi32, #tpu.memory_space<vmem>> -> memref<125xi32, #tpu.memory_space<vmem>>
    %dma_wait3A_585 = arith.constant 0 : i32
    %dma_wait3A_586 = arith.constant 0 : i32
    %dma_wait3A_587 = tpu.memref_slice %arg10[%dma_wait3A_585, %dma_wait3A_586] : memref<10000x64xf32, #tpu.memory_space<vmem_shared>> -> memref<10000x64xf32, #tpu.memory_space<vmem_shared>>
    tpu.wait_indirect_dma semaphore(%arg21 : memref<!tpu.dma_semaphore, #tpu.memory_space<semaphore_mem>>) src(%dma_wait3A_581 : memref<125x64xf32, #tpu.memory_space<vmem>>) dst(%dma_wait3A_587 : memref<10000x64xf32, #tpu.memory_space<vmem_shared>>)
    %dma_wait3A_588 = arith.constant 5 : i32
    %dma_wait3A_589 = arith.constant 0 : i32
    %dma_wait3A_590 = arith.constant 0 : i32
    %dma_wait3A_591 = arith.constant 0 : i32
    %dma_wait3A_592 = tpu.memref_slice %arg9[%dma_wait3A_588, %dma_wait3A_590, %dma_wait3A_591] : memref<6x125x64xf32, #tpu.memory_space<vmem>> -> memref<1x125x64xf32, #tpu.memory_space<vmem>>
    %dma_wait3A_593 = tpu.memref_squeeze %dma_wait3A_592 : memref<1x125x64xf32, #tpu.memory_space<vmem>> -> memref<125x64xf32, #tpu.memory_space<vmem>>
    %dma_wait3A_594 = arith.constant 0 : i32
    %dma_wait3A_595 = tpu.memref_slice %arg8[%dma_wait3A_589, %dma_wait3A_594] : memref<160x125xi32, #tpu.memory_space<vmem>> -> memref<1x125xi32, #tpu.memory_space<vmem>>
    %dma_wait3A_596 = tpu.memref_squeeze %dma_wait3A_595 : memref<1x125xi32, #tpu.memory_space<vmem>> -> memref<125xi32, #tpu.memory_space<vmem>>
    %dma_wait3A_597 = arith.constant 0 : i32
    %dma_wait3A_598 = arith.constant 0 : i32
    %dma_wait3A_599 = tpu.memref_slice %arg10[%dma_wait3A_597, %dma_wait3A_598] : memref<10000x64xf32, #tpu.memory_space<vmem_shared>> -> memref<10000x64xf32, #tpu.memory_space<vmem_shared>>
    tpu.wait_indirect_dma semaphore(%arg22 : memref<!tpu.dma_semaphore, #tpu.memory_space<semaphore_mem>>) src(%dma_wait3A_593 : memref<125x64xf32, #tpu.memory_space<vmem>>) dst(%dma_wait3A_599 : memref<10000x64xf32, #tpu.memory_space<vmem_shared>>)
    %barrier3A_600 = arith.constant 0 : index
    tpu.barrier barrier_id(%barrier3A_600)
    %mul3A_601 = arith.constant 624 : i32
    %mul3A_602 = arith.muli %arg1, %mul3A_601 : i32
    %mul3A_603 = arith.constant 624 : i32
    %mul3A_604 = arith.muli %arg1, %mul3A_603 : i32
    "tpu.region"() ({
      %run_scoped3A = tpu.sem_alloc : memref<!tpu.dma_semaphore, #tpu.memory_space<semaphore_mem>>
      %dma_start3A_610 = arith.constant 0 : i32
      %dma_start3A_611 = arith.constant 0 : i32
      %dma_start3A_612 = tpu.memref_slice %arg6[%arg0, %dma_start3A_610, %dma_start3A_611] : memref<2x10000x64xf32, #tpu.memory_space<hbm>> -> memref<1x10000x64xf32, #tpu.memory_space<hbm>>
      %dma_start3A_613 = tpu.memref_squeeze %dma_start3A_612 : memref<1x10000x64xf32, #tpu.memory_space<hbm>> -> memref<10000x64xf32, #tpu.memory_space<hbm>>
      %dma_start3A_614 = arith.constant 0 : i32
      %dma_start3A_615 = tpu.memref_slice %dma_start3A_613[%mul3A_604, %dma_start3A_614] : memref<10000x64xf32, #tpu.memory_space<hbm>> -> memref<624x64xf32, #tpu.memory_space<hbm>>
      %dma_start3A_616 = arith.constant 0 : i32
      %dma_start3A_617 = tpu.memref_slice %arg10[%mul3A_602, %dma_start3A_616] : memref<10000x64xf32, #tpu.memory_space<vmem_shared>> -> memref<624x64xf32, #tpu.memory_space<vmem_shared>>
      tpu.enqueue_dma source(%dma_start3A_617 : memref<624x64xf32, #tpu.memory_space<vmem_shared>>) target(%dma_start3A_615 : memref<624x64xf32, #tpu.memory_space<hbm>>) target_semaphore(%run_scoped3A : memref<!tpu.dma_semaphore, #tpu.memory_space<semaphore_mem>>)
      %dma_wait3A_618 = arith.constant 0 : i32
      %dma_wait3A_619 = arith.constant 0 : i32
      %dma_wait3A_620 = tpu.memref_slice %arg6[%arg0, %dma_wait3A_618, %dma_wait3A_619] : memref<2x10000x64xf32, #tpu.memory_space<hbm>> -> memref<1x10000x64xf32, #tpu.memory_space<hbm>>
      %dma_wait3A_621 = tpu.memref_squeeze %dma_wait3A_620 : memref<1x10000x64xf32, #tpu.memory_space<hbm>> -> memref<10000x64xf32, #tpu.memory_space<hbm>>
      %dma_wait3A_622 = arith.constant 0 : i32
      %dma_wait3A_623 = tpu.memref_slice %dma_wait3A_621[%mul3A_604, %dma_wait3A_622] : memref<10000x64xf32, #tpu.memory_space<hbm>> -> memref<624x64xf32, #tpu.memory_space<hbm>>
      %dma_wait3A_624 = arith.constant 0 : i32
      %dma_wait3A_625 = tpu.memref_slice %arg10[%mul3A_602, %dma_wait3A_624] : memref<10000x64xf32, #tpu.memory_space<vmem_shared>> -> memref<624x64xf32, #tpu.memory_space<vmem_shared>>
      tpu.wait_dma2 semaphore(%run_scoped3A : memref<!tpu.dma_semaphore, #tpu.memory_space<semaphore_mem>>) src(%dma_wait3A_625 : memref<624x64xf32, #tpu.memory_space<vmem_shared>>) dst(%dma_wait3A_623 : memref<624x64xf32, #tpu.memory_space<hbm>>)
      tpu.yield
    }) : () -> ()
    %eq3A_605 = arith.constant 15 : i32
    %eq3A_606 = arith.cmpi eq, %arg1, %eq3A_605 : i32
    %convert_element_type3A_607 = arith.extui %eq3A_606 : i1 to i32
    %cond3A_608 = arith.constant 0 : i32
    %cond3A_609 = arith.cmpi ne, %convert_element_type3A_607, %cond3A_608 : i32
    scf.if %cond3A_609 {
      "tpu.region"() ({
        %run_scoped3A = tpu.sem_alloc : memref<!tpu.dma_semaphore, #tpu.memory_space<semaphore_mem>>
        %dma_start3A_610 = arith.constant 0 : i32
        %dma_start3A_611 = arith.constant 0 : i32
        %dma_start3A_612 = tpu.memref_slice %arg6[%arg0, %dma_start3A_610, %dma_start3A_611] : memref<2x10000x64xf32, #tpu.memory_space<hbm>> -> memref<1x10000x64xf32, #tpu.memory_space<hbm>>
        %dma_start3A_613 = tpu.memref_squeeze %dma_start3A_612 : memref<1x10000x64xf32, #tpu.memory_space<hbm>> -> memref<10000x64xf32, #tpu.memory_space<hbm>>
        %dma_start3A_614 = arith.constant 9984 : i32
        %dma_start3A_615 = arith.constant 0 : i32
        %dma_start3A_616 = tpu.memref_slice %dma_start3A_613[%dma_start3A_614, %dma_start3A_615] : memref<10000x64xf32, #tpu.memory_space<hbm>> -> memref<16x64xf32, #tpu.memory_space<hbm>>
        %dma_start3A_617 = arith.constant 9984 : i32
        %dma_start3A_618 = arith.constant 0 : i32
        %dma_start3A_619 = tpu.memref_slice %arg10[%dma_start3A_617, %dma_start3A_618] : memref<10000x64xf32, #tpu.memory_space<vmem_shared>> -> memref<16x64xf32, #tpu.memory_space<vmem_shared>>
        tpu.enqueue_dma source(%dma_start3A_619 : memref<16x64xf32, #tpu.memory_space<vmem_shared>>) target(%dma_start3A_616 : memref<16x64xf32, #tpu.memory_space<hbm>>) target_semaphore(%run_scoped3A : memref<!tpu.dma_semaphore, #tpu.memory_space<semaphore_mem>>)
        %dma_wait3A_620 = arith.constant 0 : i32
        %dma_wait3A_621 = arith.constant 0 : i32
        %dma_wait3A_622 = tpu.memref_slice %arg6[%arg0, %dma_wait3A_620, %dma_wait3A_621] : memref<2x10000x64xf32, #tpu.memory_space<hbm>> -> memref<1x10000x64xf32, #tpu.memory_space<hbm>>
        %dma_wait3A_623 = tpu.memref_squeeze %dma_wait3A_622 : memref<1x10000x64xf32, #tpu.memory_space<hbm>> -> memref<10000x64xf32, #tpu.memory_space<hbm>>
        %dma_wait3A_624 = arith.constant 9984 : i32
        %dma_wait3A_625 = arith.constant 0 : i32
        %dma_wait3A_626 = tpu.memref_slice %dma_wait3A_623[%dma_wait3A_624, %dma_wait3A_625] : memref<10000x64xf32, #tpu.memory_space<hbm>> -> memref<16x64xf32, #tpu.memory_space<hbm>>
        %dma_wait3A_627 = arith.constant 9984 : i32
        %dma_wait3A_628 = arith.constant 0 : i32
        %dma_wait3A_629 = tpu.memref_slice %arg10[%dma_wait3A_627, %dma_wait3A_628] : memref<10000x64xf32, #tpu.memory_space<vmem_shared>> -> memref<16x64xf32, #tpu.memory_space<vmem_shared>>
        tpu.wait_dma2 semaphore(%run_scoped3A : memref<!tpu.dma_semaphore, #tpu.memory_space<semaphore_mem>>) src(%dma_wait3A_629 : memref<16x64xf32, #tpu.memory_space<vmem_shared>>) dst(%dma_wait3A_626 : memref<16x64xf32, #tpu.memory_space<hbm>>)
        tpu.yield
      }) : () -> ()
    } else {
    }
    return
  }
}

module attributes {stable_mosaic.version = 14 : i64} {
  func.func @_prep_body(%arg0: i32, %arg1: memref<2000x128xf32, #tpu.memory_space<vmem>>, %arg2: memref<256x128xf32, #tpu.memory_space<vmem>>, %arg3: memref<256x128xf32, #tpu.memory_space<vmem>>, %arg4: memref<2x1000x128xf32, #tpu.memory_space<vmem>>) attributes {dimension_semantics = [#tpu.dimension_semantics<arbitrary>], iteration_bounds = array<i64: 5>, scalar_prefetch = 0 : i64, scratch_operands = 0 : i64, tpu.core_type = #tpu.core_type<tc>, window_params = [{transform_indices = @transform_0, window_bounds = array<i64: 2000, 128>}, {pipeline_mode = #tpu.pipeline_mode<synchronous>, transform_indices = @transform_1, window_bounds = array<i64: 256, 128>}, {pipeline_mode = #tpu.pipeline_mode<synchronous>, transform_indices = @transform_2, window_bounds = array<i64: 256, 128>}, {transform_indices = @transform_3, window_bounds = array<i64: 2, 1000, 128>}]} {
    %get3A = arith.constant 0 : index
    %get3A_0 = arith.constant 0 : index
    %get3A_1 = vector.load %arg1[%get3A, %get3A_0] : memref<2000x128xf32, #tpu.memory_space<vmem>>, vector<2000x128xf32>
    %reshape3A = vector.shape_cast %get3A_1 : vector<2000x128xf32> to vector<1000x256xf32>
    %get3A_2 = arith.constant 0 : index
    %get3A_3 = arith.constant 0 : index
    %get3A_4 = vector.load %arg2[%get3A_2, %get3A_3] : memref<256x128xf32, #tpu.memory_space<vmem>>, vector<256x128xf32>
    %dot_general3A = arith.constant dense<0.000000e+00> : vector<1000x128xf32>
    %dot_general3A_5 = tpu.matmul %reshape3A, %get3A_4, %dot_general3A {dimension_numbers = #tpu.dot_dimension_numbers<[1], [0], [0], [1], [0, 0, 1, 1], [], []>, transpose_lhs_hint = false} : vector<1000x256xf32>, vector<256x128xf32>, vector<1000x128xf32> -> vector<1000x128xf32>
    %swap3A = arith.constant 0 : index
    %swap3A_6 = arith.constant 0 : index
    %swap3A_7 = arith.constant 0 : index
    %swap3A_8 = vector.load %arg4[%swap3A, %swap3A_6, %swap3A_7] : memref<2x1000x128xf32, #tpu.memory_space<vmem>>, vector<1x1000x128xf32>
    %swap3A_9 = vector.shape_cast %swap3A_8 : vector<1x1000x128xf32> to vector<1000x128xf32>
    %swap3A_10 = vector.shape_cast %dot_general3A_5 : vector<1000x128xf32> to vector<1x1000x128xf32>
    tpu.vector_store %arg4[%swap3A, %swap3A_6, %swap3A_7], %swap3A_10 {strides = array<i32>} : memref<2x1000x128xf32, #tpu.memory_space<vmem>>, vector<1x1000x128xf32>,
    %get3A_11 = arith.constant 0 : index
    %get3A_12 = arith.constant 0 : index
    %get3A_13 = vector.load %arg3[%get3A_11, %get3A_12] : memref<256x128xf32, #tpu.memory_space<vmem>>, vector<256x128xf32>
    %dot_general3A_14 = arith.constant dense<0.000000e+00> : vector<1000x128xf32>
    %dot_general3A_15 = tpu.matmul %reshape3A, %get3A_13, %dot_general3A_14 {dimension_numbers = #tpu.dot_dimension_numbers<[1], [0], [0], [1], [0, 0, 1, 1], [], []>, transpose_lhs_hint = false} : vector<1000x256xf32>, vector<256x128xf32>, vector<1000x128xf32> -> vector<1000x128xf32>
    %swap3A_16 = arith.constant 1 : index
    %swap3A_17 = arith.constant 0 : index
    %swap3A_18 = arith.constant 0 : index
    %swap3A_19 = vector.load %arg4[%swap3A_16, %swap3A_17, %swap3A_18] : memref<2x1000x128xf32, #tpu.memory_space<vmem>>, vector<1x1000x128xf32>
    %swap3A_20 = vector.shape_cast %swap3A_19 : vector<1x1000x128xf32> to vector<1000x128xf32>
    %swap3A_21 = vector.shape_cast %dot_general3A_15 : vector<1000x128xf32> to vector<1x1000x128xf32>
    tpu.vector_store %arg4[%swap3A_16, %swap3A_17, %swap3A_18], %swap3A_21 {strides = array<i32>} : memref<2x1000x128xf32, #tpu.memory_space<vmem>>, vector<1x1000x128xf32>,
    return
  }
  func.func @transform_0(%arg0: i32) -> (i32, i32) {
    %c0_i32 = arith.constant 0 : i32
    %c0_i32_0 = arith.constant 0 : i32
    return %arg0, %c0_i32 : i32, i32
  }
  func.func @transform_1(%arg0: i32) -> (i32, i32) {
    %c0_i32 = arith.constant 0 : i32
    %c0_i32_0 = arith.constant 0 : i32
    %c0_i32_1 = arith.constant 0 : i32
    return %c0_i32, %c0_i32_0 : i32, i32
  }
  func.func @transform_2(%arg0: i32) -> (i32, i32) {
    %c0_i32 = arith.constant 0 : i32
    %c0_i32_0 = arith.constant 0 : i32
    %c0_i32_1 = arith.constant 0 : i32
    return %c0_i32, %c0_i32_0 : i32, i32
  }
  func.func @transform_3(%arg0: i32) -> (i32, i32, i32) {
    %c0_i32 = arith.constant 0 : i32
    %c0_i32_0 = arith.constant 0 : i32
    %c0_i32_1 = arith.constant 0 : i32
    return %c0_i32, %arg0, %c0_i32_0 : i32, i32, i32
  }
}

module attributes {stable_mosaic.version = 14 : i64} {
  func.func @_layer_body(%arg0: i32, %arg1: memref<2x1000x128xf32, #tpu.memory_space<vmem>>, %arg2: memref<2000x128xf32, #tpu.memory_space<vmem>>, %arg3: memref<128x128xf32, #tpu.memory_space<vmem>>, %arg4: memref<128x128xf32, #tpu.memory_space<vmem>>, %arg5: memref<1x128xf32, #tpu.memory_space<vmem>>, %arg6: memref<256x256xf32, #tpu.memory_space<vmem>>, %arg7: memref<256x128xf32, #tpu.memory_space<vmem>>, %arg8: memref<256x128xf32, #tpu.memory_space<vmem>>, %arg9: memref<2000x128xf32, #tpu.memory_space<vmem>>, %arg10: memref<2x1000x128xf32, #tpu.memory_space<vmem>>) attributes {dimension_semantics = [#tpu.dimension_semantics<arbitrary>], iteration_bounds = array<i64: 5>, scalar_prefetch = 0 : i64, scratch_operands = 0 : i64, tpu.core_type = #tpu.core_type<tc>, window_params = [{transform_indices = @transform_0, window_bounds = array<i64: 2, 1000, 128>}, {transform_indices = @transform_1, window_bounds = array<i64: 2000, 128>}, {pipeline_mode = #tpu.pipeline_mode<synchronous>, transform_indices = @transform_2, window_bounds = array<i64: 128, 128>}, {pipeline_mode = #tpu.pipeline_mode<synchronous>, transform_indices = @transform_3, window_bounds = array<i64: 128, 128>}, {pipeline_mode = #tpu.pipeline_mode<synchronous>, transform_indices = @transform_4, window_bounds = array<i64: 1, 128>}, {pipeline_mode = #tpu.pipeline_mode<synchronous>, transform_indices = @transform_5, window_bounds = array<i64: 256, 256>}, {pipeline_mode = #tpu.pipeline_mode<synchronous>, transform_indices = @transform_6, window_bounds = array<i64: 256, 128>}, {pipeline_mode = #tpu.pipeline_mode<synchronous>, transform_indices = @transform_7, window_bounds = array<i64: 256, 128>}, {transform_indices = @transform_8, window_bounds = array<i64: 2000, 128>}, {transform_indices = @transform_9, window_bounds = array<i64: 2, 1000, 128>}]} {
    %get3A = arith.constant 0 : index
    %get3A_0 = arith.constant 0 : index
    %get3A_1 = arith.constant 0 : index
    %get3A_2 = vector.load %arg1[%get3A, %get3A_0, %get3A_1] : memref<2x1000x128xf32, #tpu.memory_space<vmem>>, vector<1x1000x128xf32>
    %get3A_3 = vector.shape_cast %get3A_2 : vector<1x1000x128xf32> to vector<1000x128xf32>
    %get3A_4 = arith.constant 1 : index
    %get3A_5 = arith.constant 0 : index
    %get3A_6 = arith.constant 0 : index
    %get3A_7 = vector.load %arg1[%get3A_4, %get3A_5, %get3A_6] : memref<2x1000x128xf32, #tpu.memory_space<vmem>>, vector<1x1000x128xf32>
    %get3A_8 = vector.shape_cast %get3A_7 : vector<1x1000x128xf32> to vector<1000x128xf32>
    %concatenate3A = tpu.concatenate %get3A_3, %get3A_8 in 1 : vector<1000x128xf32>, vector<1000x128xf32> -> vector<1000x256xf32>
    %get3A_9 = arith.constant 0 : index
    %get3A_10 = arith.constant 0 : index
    %get3A_11 = vector.load %arg6[%get3A_9, %get3A_10] : memref<256x256xf32, #tpu.memory_space<vmem>>, vector<256x256xf32>
    %dot_general3A = arith.constant dense<0.000000e+00> : vector<1000x256xf32>
    %dot_general3A_12 = tpu.matmul %concatenate3A, %get3A_11, %dot_general3A {dimension_numbers = #tpu.dot_dimension_numbers<[1], [0], [0], [1], [0, 0, 1, 1], [], []>, transpose_lhs_hint = false} : vector<1000x256xf32>, vector<256x256xf32>, vector<1000x256xf32> -> vector<1000x256xf32>
    %reshape3A = vector.shape_cast %dot_general3A_12 : vector<1000x256xf32> to vector<2000x128xf32>
    %get3A_13 = arith.constant 0 : index
    %get3A_14 = arith.constant 0 : index
    %get3A_15 = vector.load %arg3[%get3A_13, %get3A_14] : memref<128x128xf32, #tpu.memory_space<vmem>>, vector<128x128xf32>
    %dot_general3A_16 = arith.constant dense<0.000000e+00> : vector<2000x128xf32>
    %dot_general3A_17 = tpu.matmul %reshape3A, %get3A_15, %dot_general3A_16 {dimension_numbers = #tpu.dot_dimension_numbers<[1], [0], [0], [1], [0, 0, 1, 1], [], []>, transpose_lhs_hint = false} : vector<2000x128xf32>, vector<128x128xf32>, vector<2000x128xf32> -> vector<2000x128xf32>
    %get3A_18 = arith.constant 0 : index
    %get3A_19 = arith.constant 0 : index
    %get3A_20 = vector.load %arg2[%get3A_18, %get3A_19] : memref<2000x128xf32, #tpu.memory_space<vmem>>, vector<2000x128xf32>
    %get3A_21 = arith.constant 0 : index
    %get3A_22 = arith.constant 0 : index
    %get3A_23 = vector.load %arg4[%get3A_21, %get3A_22] : memref<128x128xf32, #tpu.memory_space<vmem>>, vector<128x128xf32>
    %dot_general3A_24 = arith.constant dense<0.000000e+00> : vector<2000x128xf32>
    %dot_general3A_25 = tpu.matmul %get3A_20, %get3A_23, %dot_general3A_24 {dimension_numbers = #tpu.dot_dimension_numbers<[1], [0], [0], [1], [0, 0, 1, 1], [], []>, transpose_lhs_hint = false} : vector<2000x128xf32>, vector<128x128xf32>, vector<2000x128xf32> -> vector<2000x128xf32>
    %add3A = arith.addf %dot_general3A_17, %dot_general3A_25 : vector<2000x128xf32>
    %get3A_26 = arith.constant 0 : index
    %get3A_27 = arith.constant 0 : index
    %get3A_28 = vector.load %arg5[%get3A_26, %get3A_27] : memref<1x128xf32, #tpu.memory_space<vmem>>, vector<1x128xf32>
    %add3A_29 = vector.broadcast %get3A_28 : vector<1x128xf32> to vector<2000x128xf32>
    %add3A_30 = arith.addf %add3A, %add3A_29 : vector<2000x128xf32>
    %max3A = arith.constant 0.000000e+00 : f32
    %max3A_31 = vector.broadcast %max3A : f32 to vector<2000x128xf32>
    %max3A_32 = arith.maximumf %add3A_30, %max3A_31 : vector<2000x128xf32>
    %swap3A = arith.constant 0 : index
    %swap3A_33 = arith.constant 0 : index
    %swap3A_34 = vector.load %arg9[%swap3A, %swap3A_33] : memref<2000x128xf32, #tpu.memory_space<vmem>>, vector<2000x128xf32>
    tpu.vector_store %arg9[%swap3A, %swap3A_33], %max3A_32 {strides = array<i32>} : memref<2000x128xf32, #tpu.memory_space<vmem>>, vector<2000x128xf32>,
    %reshape3A_35 = vector.shape_cast %max3A_32 : vector<2000x128xf32> to vector<1000x256xf32>
    %get3A_36 = arith.constant 0 : index
    %get3A_37 = arith.constant 0 : index
    %get3A_38 = vector.load %arg7[%get3A_36, %get3A_37] : memref<256x128xf32, #tpu.memory_space<vmem>>, vector<256x128xf32>
    %dot_general3A_39 = arith.constant dense<0.000000e+00> : vector<1000x128xf32>
    %dot_general3A_40 = tpu.matmul %reshape3A_35, %get3A_38, %dot_general3A_39 {dimension_numbers = #tpu.dot_dimension_numbers<[1], [0], [0], [1], [0, 0, 1, 1], [], []>, transpose_lhs_hint = false} : vector<1000x256xf32>, vector<256x128xf32>, vector<1000x128xf32> -> vector<1000x128xf32>
    %swap3A_41 = arith.constant 0 : index
    %swap3A_42 = arith.constant 0 : index
    %swap3A_43 = arith.constant 0 : index
    %swap3A_44 = vector.load %arg10[%swap3A_41, %swap3A_42, %swap3A_43] : memref<2x1000x128xf32, #tpu.memory_space<vmem>>, vector<1x1000x128xf32>
    %swap3A_45 = vector.shape_cast %swap3A_44 : vector<1x1000x128xf32> to vector<1000x128xf32>
    %swap3A_46 = vector.shape_cast %dot_general3A_40 : vector<1000x128xf32> to vector<1x1000x128xf32>
    tpu.vector_store %arg10[%swap3A_41, %swap3A_42, %swap3A_43], %swap3A_46 {strides = array<i32>} : memref<2x1000x128xf32, #tpu.memory_space<vmem>>, vector<1x1000x128xf32>,
    %get3A_47 = arith.constant 0 : index
    %get3A_48 = arith.constant 0 : index
    %get3A_49 = vector.load %arg8[%get3A_47, %get3A_48] : memref<256x128xf32, #tpu.memory_space<vmem>>, vector<256x128xf32>
    %dot_general3A_50 = arith.constant dense<0.000000e+00> : vector<1000x128xf32>
    %dot_general3A_51 = tpu.matmul %reshape3A_35, %get3A_49, %dot_general3A_50 {dimension_numbers = #tpu.dot_dimension_numbers<[1], [0], [0], [1], [0, 0, 1, 1], [], []>, transpose_lhs_hint = false} : vector<1000x256xf32>, vector<256x128xf32>, vector<1000x128xf32> -> vector<1000x128xf32>
    %swap3A_52 = arith.constant 1 : index
    %swap3A_53 = arith.constant 0 : index
    %swap3A_54 = arith.constant 0 : index
    %swap3A_55 = vector.load %arg10[%swap3A_52, %swap3A_53, %swap3A_54] : memref<2x1000x128xf32, #tpu.memory_space<vmem>>, vector<1x1000x128xf32>
    %swap3A_56 = vector.shape_cast %swap3A_55 : vector<1x1000x128xf32> to vector<1000x128xf32>
    %swap3A_57 = vector.shape_cast %dot_general3A_51 : vector<1000x128xf32> to vector<1x1000x128xf32>
    tpu.vector_store %arg10[%swap3A_52, %swap3A_53, %swap3A_54], %swap3A_57 {strides = array<i32>} : memref<2x1000x128xf32, #tpu.memory_space<vmem>>, vector<1x1000x128xf32>,
    return
  }
  func.func @transform_0(%arg0: i32) -> (i32, i32, i32) {
    %c0_i32 = arith.constant 0 : i32
    %c0_i32_0 = arith.constant 0 : i32
    %c0_i32_1 = arith.constant 0 : i32
    return %c0_i32, %arg0, %c0_i32_0 : i32, i32, i32
  }
  func.func @transform_1(%arg0: i32) -> (i32, i32) {
    %c0_i32 = arith.constant 0 : i32
    %c0_i32_0 = arith.constant 0 : i32
    return %arg0, %c0_i32 : i32, i32
  }
  func.func @transform_2(%arg0: i32) -> (i32, i32) {
    %c0_i32 = arith.constant 0 : i32
    %c0_i32_0 = arith.constant 0 : i32
    %c0_i32_1 = arith.constant 0 : i32
    return %c0_i32, %c0_i32_0 : i32, i32
  }
  func.func @transform_3(%arg0: i32) -> (i32, i32) {
    %c0_i32 = arith.constant 0 : i32
    %c0_i32_0 = arith.constant 0 : i32
    %c0_i32_1 = arith.constant 0 : i32
    return %c0_i32, %c0_i32_0 : i32, i32
  }
  func.func @transform_4(%arg0: i32) -> (i32, i32) {
    %c0_i32 = arith.constant 0 : i32
    %c0_i32_0 = arith.constant 0 : i32
    %c0_i32_1 = arith.constant 0 : i32
    return %c0_i32, %c0_i32_0 : i32, i32
  }
  func.func @transform_5(%arg0: i32) -> (i32, i32) {
    %c0_i32 = arith.constant 0 : i32
    %c0_i32_0 = arith.constant 0 : i32
    %c0_i32_1 = arith.constant 0 : i32
    return %c0_i32, %c0_i32_0 : i32, i32
  }
  func.func @transform_6(%arg0: i32) -> (i32, i32) {
    %c0_i32 = arith.constant 0 : i32
    %c0_i32_0 = arith.constant 0 : i32
    %c0_i32_1 = arith.constant 0 : i32
    return %c0_i32, %c0_i32_0 : i32, i32
  }
  func.func @transform_7(%arg0: i32) -> (i32, i32) {
    %c0_i32 = arith.constant 0 : i32
    %c0_i32_0 = arith.constant 0 : i32
    %c0_i32_1 = arith.constant 0 : i32
    return %c0_i32, %c0_i32_0 : i32, i32
  }
  func.func @transform_8(%arg0: i32) -> (i32, i32) {
    %c0_i32 = arith.constant 0 : i32
    %c0_i32_0 = arith.constant 0 : i32
    return %arg0, %c0_i32 : i32, i32
  }
  func.func @transform_9(%arg0: i32) -> (i32, i32, i32) {
    %c0_i32 = arith.constant 0 : i32
    %c0_i32_0 = arith.constant 0 : i32
    %c0_i32_1 = arith.constant 0 : i32
    return %c0_i32, %arg0, %c0_i32_0 : i32, i32, i32
  }
}

module attributes {stable_mosaic.version = 14 : i64} {
  func.func @_final_body(%arg0: i32, %arg1: memref<2x1000x128xf32, #tpu.memory_space<vmem>>, %arg2: memref<2000x128xf32, #tpu.memory_space<vmem>>, %arg3: memref<128x128xf32, #tpu.memory_space<vmem>>, %arg4: memref<128x128xf32, #tpu.memory_space<vmem>>, %arg5: memref<1x128xf32, #tpu.memory_space<vmem>>, %arg6: memref<256x256xf32, #tpu.memory_space<vmem>>, %arg7: memref<1x1x2000xi32, #tpu.memory_space<vmem>>, %arg8: memref<64x1xf32, #tpu.memory_space<vmem>>, %arg9: memref<128x64xf32, #tpu.memory_space<vmem>>, %arg10: memref<1x64xf32, #tpu.memory_space<vmem>>, %arg11: memref<64x16xf32, #tpu.memory_space<vmem>>, %arg12: memref<1x16xf32, #tpu.memory_space<vmem>>, %arg13: memref<64x16xf32, #tpu.memory_space<vmem>>, %arg14: memref<64x128xf32, #tpu.memory_space<vmem>>, %arg15: memref<64x128xf32, #tpu.memory_space<vmem>>) attributes {dimension_semantics = [#tpu.dimension_semantics<arbitrary>], iteration_bounds = array<i64: 5>, scalar_prefetch = 0 : i64, scratch_operands = 2 : i64, tpu.core_type = #tpu.core_type<tc>, window_params = [{transform_indices = @transform_0, window_bounds = array<i64: 2, 1000, 128>}, {transform_indices = @transform_1, window_bounds = array<i64: 2000, 128>}, {pipeline_mode = #tpu.pipeline_mode<synchronous>, transform_indices = @transform_2, window_bounds = array<i64: 128, 128>}, {pipeline_mode = #tpu.pipeline_mode<synchronous>, transform_indices = @transform_3, window_bounds = array<i64: 128, 128>}, {pipeline_mode = #tpu.pipeline_mode<synchronous>, transform_indices = @transform_4, window_bounds = array<i64: 1, 128>}, {pipeline_mode = #tpu.pipeline_mode<synchronous>, transform_indices = @transform_5, window_bounds = array<i64: 256, 256>}, {transform_indices = @transform_6, window_bounds = array<i64: 1, 1, 2000>}, {pipeline_mode = #tpu.pipeline_mode<synchronous>, transform_indices = @transform_7, window_bounds = array<i64: 64, 1>}, {pipeline_mode = #tpu.pipeline_mode<synchronous>, transform_indices = @transform_8, window_bounds = array<i64: 128, 64>}, {pipeline_mode = #tpu.pipeline_mode<synchronous>, transform_indices = @transform_9, window_bounds = array<i64: 1, 64>}, {pipeline_mode = #tpu.pipeline_mode<synchronous>, transform_indices = @transform_10, window_bounds = array<i64: 64, 16>}, {pipeline_mode = #tpu.pipeline_mode<synchronous>, transform_indices = @transform_11, window_bounds = array<i64: 1, 16>}, {pipeline_mode = #tpu.pipeline_mode<synchronous>, transform_indices = @transform_12, window_bounds = array<i64: 64, 16>}]} {
    %eq3A = arith.constant 0 : i32
    %eq3A_0 = arith.cmpi eq, %arg0, %eq3A : i32
    %convert_element_type3A = arith.extui %eq3A_0 : i1 to i32
    %cond3A = arith.constant 0 : i32
    %cond3A_1 = arith.cmpi ne, %convert_element_type3A, %cond3A : i32
    scf.if %cond3A_1 {
      %broadcast_in_dim3A_68 = arith.constant 0.000000e+00 : f32
      %broadcast_in_dim3A_69 = vector.broadcast %broadcast_in_dim3A_68 : f32 to vector<64x128xf32>
      %swap3A_70 = arith.constant 0 : index
      %swap3A_71 = arith.constant 0 : index
      %swap3A_72 = vector.load %arg14[%swap3A_70, %swap3A_71] : memref<64x128xf32, #tpu.memory_space<vmem>>, vector<64x128xf32>
      tpu.vector_store %arg14[%swap3A_70, %swap3A_71], %broadcast_in_dim3A_69 {strides = array<i32>} : memref<64x128xf32, #tpu.memory_space<vmem>>, vector<64x128xf32>,
      %broadcast_in_dim3A_73 = arith.constant 0.000000e+00 : f32
      %broadcast_in_dim3A_74 = vector.broadcast %broadcast_in_dim3A_73 : f32 to vector<64x128xf32>
      %swap3A_75 = arith.constant 0 : index
      %swap3A_76 = arith.constant 0 : index
      %swap3A_77 = vector.load %arg15[%swap3A_75, %swap3A_76] : memref<64x128xf32, #tpu.memory_space<vmem>>, vector<64x128xf32>
      tpu.vector_store %arg15[%swap3A_75, %swap3A_76], %broadcast_in_dim3A_74 {strides = array<i32>} : memref<64x128xf32, #tpu.memory_space<vmem>>, vector<64x128xf32>,
    } else {
    }
    %get3A = arith.constant 0 : index
    %get3A_2 = arith.constant 0 : index
    %get3A_3 = arith.constant 0 : index
    %get3A_4 = vector.load %arg1[%get3A, %get3A_2, %get3A_3] : memref<2x1000x128xf32, #tpu.memory_space<vmem>>, vector<1x1000x128xf32>
    %get3A_5 = vector.shape_cast %get3A_4 : vector<1x1000x128xf32> to vector<1000x128xf32>
    %get3A_6 = arith.constant 1 : index
    %get3A_7 = arith.constant 0 : index
    %get3A_8 = arith.constant 0 : index
    %get3A_9 = vector.load %arg1[%get3A_6, %get3A_7, %get3A_8] : memref<2x1000x128xf32, #tpu.memory_space<vmem>>, vector<1x1000x128xf32>
    %get3A_10 = vector.shape_cast %get3A_9 : vector<1x1000x128xf32> to vector<1000x128xf32>
    %concatenate3A = tpu.concatenate %get3A_5, %get3A_10 in 1 : vector<1000x128xf32>, vector<1000x128xf32> -> vector<1000x256xf32>
    %get3A_11 = arith.constant 0 : index
    %get3A_12 = arith.constant 0 : index
    %get3A_13 = vector.load %arg6[%get3A_11, %get3A_12] : memref<256x256xf32, #tpu.memory_space<vmem>>, vector<256x256xf32>
    %dot_general3A = arith.constant dense<0.000000e+00> : vector<1000x256xf32>
    %dot_general3A_14 = tpu.matmul %concatenate3A, %get3A_13, %dot_general3A {dimension_numbers = #tpu.dot_dimension_numbers<[1], [0], [0], [1], [0, 0, 1, 1], [], []>, transpose_lhs_hint = false} : vector<1000x256xf32>, vector<256x256xf32>, vector<1000x256xf32> -> vector<1000x256xf32>
    %reshape3A = vector.shape_cast %dot_general3A_14 : vector<1000x256xf32> to vector<2000x128xf32>
    %get3A_15 = arith.constant 0 : index
    %get3A_16 = arith.constant 0 : index
    %get3A_17 = vector.load %arg3[%get3A_15, %get3A_16] : memref<128x128xf32, #tpu.memory_space<vmem>>, vector<128x128xf32>
    %dot_general3A_18 = arith.constant dense<0.000000e+00> : vector<2000x128xf32>
    %dot_general3A_19 = tpu.matmul %reshape3A, %get3A_17, %dot_general3A_18 {dimension_numbers = #tpu.dot_dimension_numbers<[1], [0], [0], [1], [0, 0, 1, 1], [], []>, transpose_lhs_hint = false} : vector<2000x128xf32>, vector<128x128xf32>, vector<2000x128xf32> -> vector<2000x128xf32>
    %get3A_20 = arith.constant 0 : index
    %get3A_21 = arith.constant 0 : index
    %get3A_22 = vector.load %arg2[%get3A_20, %get3A_21] : memref<2000x128xf32, #tpu.memory_space<vmem>>, vector<2000x128xf32>
    %get3A_23 = arith.constant 0 : index
    %get3A_24 = arith.constant 0 : index
    %get3A_25 = vector.load %arg4[%get3A_23, %get3A_24] : memref<128x128xf32, #tpu.memory_space<vmem>>, vector<128x128xf32>
    %dot_general3A_26 = arith.constant dense<0.000000e+00> : vector<2000x128xf32>
    %dot_general3A_27 = tpu.matmul %get3A_22, %get3A_25, %dot_general3A_26 {dimension_numbers = #tpu.dot_dimension_numbers<[1], [0], [0], [1], [0, 0, 1, 1], [], []>, transpose_lhs_hint = false} : vector<2000x128xf32>, vector<128x128xf32>, vector<2000x128xf32> -> vector<2000x128xf32>
    %add3A = arith.addf %dot_general3A_19, %dot_general3A_27 : vector<2000x128xf32>
    %get3A_28 = arith.constant 0 : index
    %get3A_29 = arith.constant 0 : index
    %get3A_30 = vector.load %arg5[%get3A_28, %get3A_29] : memref<1x128xf32, #tpu.memory_space<vmem>>, vector<1x128xf32>
    %add3A_31 = vector.broadcast %get3A_30 : vector<1x128xf32> to vector<2000x128xf32>
    %add3A_32 = arith.addf %add3A, %add3A_31 : vector<2000x128xf32>
    %max3A = arith.constant 0.000000e+00 : f32
    %max3A_33 = vector.broadcast %max3A : f32 to vector<2000x128xf32>
    %max3A_34 = arith.maximumf %add3A_32, %max3A_33 : vector<2000x128xf32>
    %iota3A = tpu.iota {dimensions = array<i32: 0>} : vector<64x2000xi32>
    %get3A_35 = arith.constant 0 : index
    %get3A_36 = arith.constant 0 : index
    %get3A_37 = arith.constant 0 : index
    %get3A_38 = vector.load %arg7[%get3A_35, %get3A_36, %get3A_37] : memref<1x1x2000xi32, #tpu.memory_space<vmem>>, vector<1x1x2000xi32>
    %get3A_39 = vector.shape_cast %get3A_38 : vector<1x1x2000xi32> to vector<1x2000xi32>
    %broadcast_in_dim3A = vector.shape_cast %get3A_39 : vector<1x2000xi32> to vector<1x2000xi32>
    %broadcast_in_dim3A_40 = vector.broadcast %broadcast_in_dim3A : vector<1x2000xi32> to vector<64x2000xi32>
    %eq3A_41 = arith.cmpi eq, %broadcast_in_dim3A_40, %iota3A : vector<64x2000xi32>
    %convert_element_type3A_42 = arith.extui %eq3A_41 : vector<64x2000xi1> to vector<64x2000xi32>
    %convert_element_type3A_43 = arith.sitofp %convert_element_type3A_42 : vector<64x2000xi32> to vector<64x2000xf32>
    %get3A_44 = arith.constant 0 : index
    %get3A_45 = arith.constant 0 : index
    %get3A_46 = vector.load %arg14[%get3A_44, %get3A_45] : memref<64x128xf32, #tpu.memory_space<vmem>>, vector<64x128xf32>
    %dot_general3A_47 = arith.constant dense<0.000000e+00> : vector<64x128xf32>
    %dot_general3A_48 = tpu.matmul %convert_element_type3A_43, %max3A_34, %dot_general3A_47 {dimension_numbers = #tpu.dot_dimension_numbers<[1], [0], [0], [1], [0, 0, 1, 1], [], []>, transpose_lhs_hint = false} : vector<64x2000xf32>, vector<2000x128xf32>, vector<64x128xf32> -> vector<64x128xf32>
    %add3A_49 = arith.addf %get3A_46, %dot_general3A_48 : vector<64x128xf32>
    %swap3A = arith.constant 0 : index
    %swap3A_50 = arith.constant 0 : index
    %swap3A_51 = vector.load %arg14[%swap3A, %swap3A_50] : memref<64x128xf32, #tpu.memory_space<vmem>>, vector<64x128xf32>
    tpu.vector_store %arg14[%swap3A, %swap3A_50], %add3A_49 {strides = array<i32>} : memref<64x128xf32, #tpu.memory_space<vmem>>, vector<64x128xf32>,
    %get3A_52 = arith.constant 0 : index
    %get3A_53 = arith.constant 0 : index
    %get3A_54 = vector.load %arg15[%get3A_52, %get3A_53] : memref<64x128xf32, #tpu.memory_space<vmem>>, vector<64x128xf32>
    %reduce_sum3A = arith.constant dense<0.000000e+00> : vector<64xf32>
    %reduce_sum3A_55 = vector.multi_reduction <add>, %convert_element_type3A_43, %reduce_sum3A [1] : vector<64x2000xf32> to vector<64xf32>
    %broadcast_in_dim3A_56 = vector.shape_cast %reduce_sum3A_55 : vector<64xf32> to vector<64x1xf32>
    %broadcast_in_dim3A_57 = vector.shape_cast %broadcast_in_dim3A_56 : vector<64x1xf32> to vector<64x1xf32>
    %broadcast_in_dim3A_58 = vector.broadcast %broadcast_in_dim3A_57 : vector<64x1xf32> to vector<64x128xf32>
    %add3A_59 = arith.addf %get3A_54, %broadcast_in_dim3A_58 : vector<64x128xf32>
    %swap3A_60 = arith.constant 0 : index
    %swap3A_61 = arith.constant 0 : index
    %swap3A_62 = vector.load %arg15[%swap3A_60, %swap3A_61] : memref<64x128xf32, #tpu.memory_space<vmem>>, vector<64x128xf32>
    tpu.vector_store %arg15[%swap3A_60, %swap3A_61], %add3A_59 {strides = array<i32>} : memref<64x128xf32, #tpu.memory_space<vmem>>, vector<64x128xf32>,
    %eq3A_63 = arith.constant 4 : i32
    %eq3A_64 = arith.cmpi eq, %arg0, %eq3A_63 : i32
    %convert_element_type3A_65 = arith.extui %eq3A_64 : i1 to i32
    %cond3A_66 = arith.constant 0 : i32
    %cond3A_67 = arith.cmpi ne, %convert_element_type3A_65, %cond3A_66 : i32
    scf.if %cond3A_67 {
      %get3A_68 = arith.constant 0 : index
      %get3A_69 = arith.constant 0 : index
      %get3A_70 = vector.load %arg8[%get3A_68, %get3A_69] : memref<64x1xf32, #tpu.memory_space<vmem>>, vector<64x1xf32>
      %get3A_71 = arith.constant 0 : index
      %get3A_72 = arith.constant 0 : index
      %get3A_73 = vector.load %arg14[%get3A_71, %get3A_72] : memref<64x128xf32, #tpu.memory_space<vmem>>, vector<64x128xf32>
      %mul3A = vector.broadcast %get3A_70 : vector<64x1xf32> to vector<64x128xf32>
      %mul3A_74 = arith.mulf %get3A_73, %mul3A : vector<64x128xf32>
      %get3A_75 = arith.constant 0 : index
      %get3A_76 = arith.constant 0 : index
      %get3A_77 = vector.load %arg15[%get3A_75, %get3A_76] : memref<64x128xf32, #tpu.memory_space<vmem>>, vector<64x128xf32>
      %mul3A_78 = vector.broadcast %get3A_70 : vector<64x1xf32> to vector<64x128xf32>
      %mul3A_79 = arith.mulf %get3A_77, %mul3A_78 : vector<64x128xf32>
      %max3A_80 = arith.constant 1.000000e+00 : f32
      %max3A_81 = vector.broadcast %max3A_80 : f32 to vector<64x128xf32>
      %max3A_82 = arith.maximumf %mul3A_79, %max3A_81 : vector<64x128xf32>
      %div3A = arith.divf %mul3A_74, %max3A_82 : vector<64x128xf32>
      %get3A_83 = arith.constant 0 : index
      %get3A_84 = arith.constant 0 : index
      %get3A_85 = vector.load %arg9[%get3A_83, %get3A_84] : memref<128x64xf32, #tpu.memory_space<vmem>>, vector<128x64xf32>
      %dot_general3A_86 = arith.constant dense<0.000000e+00> : vector<64x64xf32>
      %dot_general3A_87 = tpu.matmul %div3A, %get3A_85, %dot_general3A_86 {dimension_numbers = #tpu.dot_dimension_numbers<[1], [0], [0], [1], [0, 0, 1, 1], [], []>, transpose_lhs_hint = false} : vector<64x128xf32>, vector<128x64xf32>, vector<64x64xf32> -> vector<64x64xf32>
      %get3A_88 = arith.constant 0 : index
      %get3A_89 = arith.constant 0 : index
      %get3A_90 = vector.load %arg10[%get3A_88, %get3A_89] : memref<1x64xf32, #tpu.memory_space<vmem>>, vector<1x64xf32>
      %add3A_91 = vector.broadcast %get3A_90 : vector<1x64xf32> to vector<64x64xf32>
      %add3A_92 = arith.addf %dot_general3A_87, %add3A_91 : vector<64x64xf32>
      %max3A_93 = arith.constant 0.000000e+00 : f32
      %max3A_94 = vector.broadcast %max3A_93 : f32 to vector<64x64xf32>
      %max3A_95 = arith.maximumf %add3A_92, %max3A_94 : vector<64x64xf32>
      %get3A_96 = arith.constant 0 : index
      %get3A_97 = arith.constant 0 : index
      %get3A_98 = vector.load %arg11[%get3A_96, %get3A_97] : memref<64x16xf32, #tpu.memory_space<vmem>>, vector<64x16xf32>
      %dot_general3A_99 = arith.constant dense<0.000000e+00> : vector<64x16xf32>
      %dot_general3A_100 = tpu.matmul %max3A_95, %get3A_98, %dot_general3A_99 {dimension_numbers = #tpu.dot_dimension_numbers<[1], [0], [0], [1], [0, 0, 1, 1], [], []>, transpose_lhs_hint = false} : vector<64x64xf32>, vector<64x16xf32>, vector<64x16xf32> -> vector<64x16xf32>
      %get3A_101 = arith.constant 0 : index
      %get3A_102 = arith.constant 0 : index
      %get3A_103 = vector.load %arg12[%get3A_101, %get3A_102] : memref<1x16xf32, #tpu.memory_space<vmem>>, vector<1x16xf32>
      %add3A_104 = vector.broadcast %get3A_103 : vector<1x16xf32> to vector<64x16xf32>
      %add3A_105 = arith.addf %dot_general3A_100, %add3A_104 : vector<64x16xf32>
      %reduce_max3A = arith.constant dense<0xFF800000> : vector<64xf32>
      %reduce_max3A_106 = vector.multi_reduction <maximumf>, %add3A_105, %reduce_max3A [1] : vector<64x16xf32> to vector<64xf32>
      %broadcast_in_dim3A_107 = vector.shape_cast %reduce_max3A_106 : vector<64xf32> to vector<64x1xf32>
      %sub3A = vector.broadcast %broadcast_in_dim3A_107 : vector<64x1xf32> to vector<64x16xf32>
      %sub3A_108 = arith.subf %add3A_105, %sub3A : vector<64x16xf32>
      %exp3A = math.exp %sub3A_108 : vector<64x16xf32>
      %reduce_sum3A_109 = arith.constant dense<0.000000e+00> : vector<64xf32>
      %reduce_sum3A_110 = vector.multi_reduction <add>, %exp3A, %reduce_sum3A_109 [1] : vector<64x16xf32> to vector<64xf32>
      %broadcast_in_dim3A_111 = vector.shape_cast %reduce_sum3A_110 : vector<64xf32> to vector<64x1xf32>
      %log3A = math.log %broadcast_in_dim3A_111 : vector<64x1xf32>
      %add3A_112 = arith.addf %log3A, %broadcast_in_dim3A_107 : vector<64x1xf32>
      %sub3A_113 = vector.broadcast %add3A_112 : vector<64x1xf32> to vector<64x16xf32>
      %sub3A_114 = arith.subf %add3A_105, %sub3A_113 : vector<64x16xf32>
      %swap3A_115 = arith.constant 0 : index
      %swap3A_116 = arith.constant 0 : index
      %swap3A_117 = vector.load %arg13[%swap3A_115, %swap3A_116] : memref<64x16xf32, #tpu.memory_space<vmem>>, vector<64x16xf32>
      tpu.vector_store %arg13[%swap3A_115, %swap3A_116], %sub3A_114 {strides = array<i32>} : memref<64x16xf32, #tpu.memory_space<vmem>>, vector<64x16xf32>,
    } else {
    }
    return
  }
  func.func @transform_0(%arg0: i32) -> (i32, i32, i32) {
    %c0_i32 = arith.constant 0 : i32
    %c0_i32_0 = arith.constant 0 : i32
    %c0_i32_1 = arith.constant 0 : i32
    return %c0_i32, %arg0, %c0_i32_0 : i32, i32, i32
  }
  func.func @transform_1(%arg0: i32) -> (i32, i32) {
    %c0_i32 = arith.constant 0 : i32
    %c0_i32_0 = arith.constant 0 : i32
    return %arg0, %c0_i32 : i32, i32
  }
  func.func @transform_2(%arg0: i32) -> (i32, i32) {
    %c0_i32 = arith.constant 0 : i32
    %c0_i32_0 = arith.constant 0 : i32
    %c0_i32_1 = arith.constant 0 : i32
    return %c0_i32, %c0_i32_0 : i32, i32
  }
  func.func @transform_3(%arg0: i32) -> (i32, i32) {
    %c0_i32 = arith.constant 0 : i32
    %c0_i32_0 = arith.constant 0 : i32
    %c0_i32_1 = arith.constant 0 : i32
    return %c0_i32, %c0_i32_0 : i32, i32
  }
  func.func @transform_4(%arg0: i32) -> (i32, i32) {
    %c0_i32 = arith.constant 0 : i32
    %c0_i32_0 = arith.constant 0 : i32
    %c0_i32_1 = arith.constant 0 : i32
    return %c0_i32, %c0_i32_0 : i32, i32
  }
  func.func @transform_5(%arg0: i32) -> (i32, i32) {
    %c0_i32 = arith.constant 0 : i32
    %c0_i32_0 = arith.constant 0 : i32
    %c0_i32_1 = arith.constant 0 : i32
    return %c0_i32, %c0_i32_0 : i32, i32
  }
  func.func @transform_6(%arg0: i32) -> (i32, i32, i32) {
    %c0_i32 = arith.constant 0 : i32
    %c0_i32_0 = arith.constant 0 : i32
    %c0_i32_1 = arith.constant 0 : i32
    return %arg0, %c0_i32, %c0_i32_0 : i32, i32, i32
  }
  func.func @transform_7(%arg0: i32) -> (i32, i32) {
    %c0_i32 = arith.constant 0 : i32
    %c0_i32_0 = arith.constant 0 : i32
    %c0_i32_1 = arith.constant 0 : i32
    return %c0_i32, %c0_i32_0 : i32, i32
  }
  func.func @transform_8(%arg0: i32) -> (i32, i32) {
    %c0_i32 = arith.constant 0 : i32
    %c0_i32_0 = arith.constant 0 : i32
    %c0_i32_1 = arith.constant 0 : i32
    return %c0_i32, %c0_i32_0 : i32, i32
  }
  func.func @transform_9(%arg0: i32) -> (i32, i32) {
    %c0_i32 = arith.constant 0 : i32
    %c0_i32_0 = arith.constant 0 : i32
    %c0_i32_1 = arith.constant 0 : i32
    return %c0_i32, %c0_i32_0 : i32, i32
  }
  func.func @transform_10(%arg0: i32) -> (i32, i32) {
    %c0_i32 = arith.constant 0 : i32
    %c0_i32_0 = arith.constant 0 : i32
    %c0_i32_1 = arith.constant 0 : i32
    return %c0_i32, %c0_i32_0 : i32, i32
  }
  func.func @transform_11(%arg0: i32) -> (i32, i32) {
    %c0_i32 = arith.constant 0 : i32
    %c0_i32_0 = arith.constant 0 : i32
    %c0_i32_1 = arith.constant 0 : i32
    return %c0_i32, %c0_i32_0 : i32, i32
  }
  func.func @transform_12(%arg0: i32) -> (i32, i32) {
    %c0_i32 = arith.constant 0 : i32
    %c0_i32_0 = arith.constant 0 : i32
    %c0_i32_1 = arith.constant 0 : i32
    return %c0_i32, %c0_i32_0 : i32, i32
  }
}

</mosaic_0001>

<sc_bundles>
// kernel: kernel.12.cloned.1.call-start
scs
__scs_entry_jumppad:
0x0: {  	(pc) =	sbr.rel $0x88, $3  }
0x1: {  	(tag) =	ssettag $0x0;
	lr =	simm.s32 $0x1  }
0x2: {  	[smem:$0x3F90] =	sst lr;
	_ =	strace $0xD0000000  }
0x3: {  	_ = 	snop  }
0x4: {  	_ = 	snop  }
0x5: {  	_ = 	snop  }
0x6: {  	_ = 	snop  }
0x7: {  	_ = 	snop  }
__scs_overlays_trampoline_lowered:
0x8: {  	[smem:$0x3F9F] =	sst s0  }
0x9: {  	[smem:$0x3FA0] =	sst s1  }
0xa: {  	[smem:$0x3FA1] =	sst s2  }
0xb: {  	[smem:$0x3FA2] =	sst s3  }
0xc: {  	[smem:$0x3FA3] =	sst s4  }
0xd: {  	[smem:$0x3FA4] =	sst s5  }
0xe: {  	[smem:$0x3FA5] =	sst s6  }
0xf: {  	[smem:$0x3FA6] =	sst s7  }
0x10: {  	[smem:$0x3FA7] =	sst s8  }
0x11: {  	[smem:$0x3FA8] =	sst s9;
	s0 =	simm.s32 @!p0 $0x0  }
0x12: {  	s1 =	sld [smem:$0x3F8E];
	s0 =	simm.s32 @p0 $0x1  }
0x13: {  	[smem:$0x3FA9] =	sst s0;
	s0 =	simm.s32 @!p1 $0x0  }
0x14: {  	s2 =	sld [smem:$0x3F8D];
	s0 =	simm.s32 @p1 $0x1  }
0x15: {  	[smem:$0x3FAA] =	sst s0;
	s0 =	simm.s32 @!p2 $0x0  }
0x16: {  	s3 =	sld [smem:$0x3FDB];
	s0 =	simm.s32 @p2 $0x1  }
0x17: {  	s4 =	simm.s32 $0x1BF5;
	[smem:$0x3FAC] =	sst s0  }
0x18: {  	s0 =	sld [smem:$0x3F8F];
	_ =	swait.ge [sflag:s4], $0x0  }
0x19: {  	s7 =	sld [smem:$0x3F90]  }
0x1a: {  	s8 =	sadd.s32 $0xFFFFE003, lr  }
0x1b: {  	s9 =	sadd.s32 $0xFFFFFEF7, lr;
	s5 =	simm.s32 $0xFFFFFFFF;
	p2 =	slt.u32 s8, $0xFFFFF086  }
0x1c: {  	p1 =	slt.u32 s9, $0xF7A;
	s5 =	simm.s32 @!p2 $0x0  }
0x1d: {  	s5 =	simm.s32 @p1 $0x1;
	p0 =	seq.s32 s7, s2  }
0x1e: {  	s7 =	smul.u32 @!p0 $0xF7A, s2;
	p2 =	seq.s32 @!p0 s5, $0x0  }
0x1f: {  	s9 =	smul.u32 $0xF7A, s1;
	s8 =	simm.s32 @!p0 $0x1BF5;
	p2 =	por !p2, p0  }
0x20: {  	[sflag:s8] =	ssyncset.s32 @!p0 $0xFFFFF086;
	s6 =	sadd.s32 @!p0 s3, s7;
	s7 =	simm.s32 @!p0 $0x108  }
0x21: {  	s3 =	sadd.s32 s3, s9;
	s6 =	sadd.s32 @!p0 $0x88, s6;
	s7 =	simm.s32 @p2 $0x1082  }
0x22: {  	[simem:s7], [sflag:s8] =	dma.local @!p0 [hbm:s6], $0xF7A  }
0x23: {  	s9 =	sor.u32 $0xD0000000, s2;
	s6 =	simm.s32 $0x108;
	_ =	swait.ge @!p0 [sflag:s8], $0x0  }
0x24: {  	s3 =	sadd.s32 $0x88, s3;
	s6 =	simm.s32 @!p1 $0x1082;
	[sflag:s4] =	ssyncset.s32 $0xFFFFF086  }
0x25: {  	[simem:s6], [sflag:s4] =	dma.local [hbm:s3], $0xF7A  }
0x26: {  	[smem:$0x3F90] =	sst s1;
	(tag) =	ssettag s2;
	_ =	strace s9  }
0x27: {  	s1 =	sld [smem:$0x3FA0]  }
0x28: {  	s2 =	sld [smem:$0x3FA1]  }
0x29: {  	s4 =	sld [smem:$0x3FA3]  }
0x2a: {  	p0 =	seq.s32 s5, $0x0;
	s5 =	sld [smem:$0x3FA4]  }
0x2b: {  	s6 =	sld [smem:$0x3FA5]  }
0x2c: {  	s7 =	sld [smem:$0x3FA6]  }
0x2d: {  	s3 =	simm.s32 $0x108;
	s8 =	sld [smem:$0x3FA7]  }
0x2e: {  	s3 =	simm.s32 @!p0 $0x1082;
	s9 =	sld [smem:$0x3FA8]  }
0x2f: {  	lr =	sadd.s32 s0, s3;
	s0 =	sld [smem:$0x3F9F]  }
0x30: {  	s3 =	sld [smem:$0x3FA2]  }
0x31: {  	[smem:$0x3FAB] =	sst s10  }
0x32: {  	s10 =	sld [smem:$0x3FA9];
	_ =	sdelay $0x3  }
0x33: {  	p0 =	seq.s32 s10, $0x1;
	s10 =	sld [smem:$0x3FAB];
	_ =	sdelay $0x3  }
0x34: {  	[smem:$0x3FAB] =	sst s10  }
0x35: {  	s10 =	sld [smem:$0x3FAA];
	_ =	sdelay $0x3  }
0x36: {  	p1 =	seq.s32 s10, $0x1;
	s10 =	sld [smem:$0x3FAB];
	_ =	sdelay $0x3  }
0x37: {  	[smem:$0x3FAB] =	sst s10  }
0x38: {  	s10 =	sld [smem:$0x3FAC]  }
0x39: {  	_ = 	snop;
	(pc) =	sbr.ind lr, $3  }
0x3a: {  	_ = 	snop  }
0x3b: {  	_ = 	snop  }
0x3c: {  	p2 =	seq.s32 s10, $0x1;
	s10 =	sld [smem:$0x3FAB]  }
0x3d: {  	_ =	shalt  }
0x3e: {  	_ =	shalt  }
0x3f: {  	_ =	shalt  }
0x40: {  	_ =	shalt  }
0x41: {  	_ =	shalt  }
0x42: {  	_ =	shalt  }
0x43: {  	_ =	shalt  }
0x44: {  	_ =	shalt  }
0x45: {  	_ =	shalt  }
0x46: {  	_ =	shalt  }
0x47: {  	_ =	shalt  }
0x48: {  	_ =	shalt  }
0x49: {  	_ =	shalt  }
0x4a: {  	_ =	shalt  }
0x4b: {  	_ =	shalt  }
0x4c: {  	_ =	shalt  }
0x4d: {  	_ =	shalt  }
0x4e: {  	_ =	shalt  }
0x4f: {  	_ =	shalt  }
0x50: {  	_ =	shalt  }
0x51: {  	_ =	shalt  }
0x52: {  	_ =	shalt  }
0x53: {  	_ =	shalt  }
0x54: {  	_ =	shalt  }
0x55: {  	_ =	shalt  }
0x56: {  	_ =	shalt  }
0x57: {  	_ =	shalt  }
0x58: {  	_ =	shalt  }
0x59: {  	_ =	shalt  }
0x5a: {  	_ =	shalt  }
0x5b: {  	_ =	shalt  }
0x5c: {  	_ =	shalt  }
0x5d: {  	_ =	shalt  }
0x5e: {  	_ =	shalt  }
0x5f: {  	_ =	shalt  }
0x60: {  	_ =	shalt  }
0x61: {  	_ =	shalt  }
0x62: {  	_ =	shalt  }
0x63: {  	_ =	shalt  }
0x64: {  	_ =	shalt  }
0x65: {  	_ =	shalt  }
0x66: {  	_ =	shalt  }
0x67: {  	_ =	shalt  }
0x68: {  	_ =	shalt  }
0x69: {  	_ =	shalt  }
0x6a: {  	_ =	shalt  }
0x6b: {  	_ =	shalt  }
0x6c: {  	_ =	shalt  }
0x6d: {  	_ =	shalt  }
0x6e: {  	_ =	shalt  }
0x6f: {  	_ =	shalt  }
0x70: {  	_ =	shalt  }
0x71: {  	_ =	shalt  }
0x72: {  	_ =	shalt  }
0x73: {  	_ =	shalt  }
0x74: {  	_ =	shalt  }
0x75: {  	_ =	shalt  }
0x76: {  	_ =	shalt  }
0x77: {  	_ =	shalt  }
0x78: {  	_ =	shalt  }
0x79: {  	_ =	shalt  }
0x7a: {  	_ =	shalt  }
0x7b: {  	_ =	shalt  }
0x7c: {  	_ =	shalt  }
0x7d: {  	_ =	shalt  }
0x7e: {  	_ =	shalt  }
0x7f: {  	_ =	shalt  }
0x80: {  	_ =	shalt  }
0x81: {  	_ =	shalt  }
0x82: {  	_ =	shalt  }
0x83: {  	_ =	shalt  }
0x84: {  	_ =	shalt  }
0x85: {  	_ =	shalt  }
0x86: {  	_ =	shalt  }
0x87: {  	_ =	shalt  }
.Lfunc_end0:
.L_simem_size_0:
called_computation.1_lowered:
.L_overlay_start_0:
0x88: {  	s2 =	sld [smem:$0x3FD9]  }
0x89: {  	s3 =	sld [smem:$0x3FFE];
	_ =	sdelay $0x1  }
0x8a: {  	s1 =	srdreg.scid  }
0x8b: {  	s0 =	sand.u32 $0x1, s1  }
0x8c: {  	s16 =	sshll.u32 s0, $0xA;
	s2 =	sadd.s32 s3, s2  }
0x8d: {  	s2 =	sadd.s32 s2, s16  }
0x8e: {  	[smem:$0x3FB7] =	sst s2  }
0x8f: {  	_ = 	snop  }
0x90: {  	(tm) =	ssettm $0x1  }
0x91: {  	s17 =	sld [smem:$0x3FFB];
	_ =	sdelay $0x3  }
0x92: {  	_ =	strace s17  }
0x93: {  	s2 =	sld [smem:$0x3FFC];
	_ =	sdelay $0x3  }
0x94: {  	_ =	strace s2  }
0x95: {  	s2 =	sld [smem:$0x3FFD];
	_ =	sdelay $0x3  }
0x96: {  	_ =	strace s2  }
0x97: {  	_ =	strace $0x8FFFFFFF  }
0x98: {  	s18 =	sld [smem:$0x3FDB];
	_ =	sdelay $0x1  }
0x99: {  	s19 =	simm.s32 $_scs_section_size  }
0x9a: {  	s4 =	simm.s32 $_size__tile_overlayer_lowered;
	s5 =	simm.s32 $_tile_overlayer_lowered  }
0x9b: {  	s22 =	simm.s32 $0x1BFF;
	s21 =	sshll.u32 s5, $0x1;
	s2 =	sadd.s32 s19, s18  }
0x9c: {  	s6 =	simm.s32 $0x0;
	s20 =	sshll.u32 s4, $0x1;
	s4 =	sadd.s32 s21, s2  }
0x9d: {  	[timem:s6], [sflag:s22] =	dma.local [hbm:s4], s20  }
0x9e: {  	_ =	swait.ge [sflag:s22], s20  }
0x9f: {  	s3 =	ssub.s32 $0x0, s20;
	[sflag:s22] =	ssyncset.done $0x0  }
0xa0: {  	[sflag:s22] =	ssyncadd.s32 s3;
	_ =	sdelay $0x1  }
0xa1: {  	s23 =	simm.s32 $0x1B8B  }
0xa2: {  	_ =	swait.ge [sflag:s23], $0x1  }
0xa3: {  	[sflag:s23] =	ssyncset.done $0x0  }
0xa4: {  	s25 =	simm.s32 $0x1B8E;
	s24 =	sld [smem:$0x3FFE];
	[sflag:s23] =	ssyncadd.s32 $0xFFFFFFFF  }
0xa5: {  	s26 =	simm.s32 $execute0_lowered;
	[smem:$0x3FD2] =	sst s25  }
0xa6: {  	s4 =	sshll.u32 s26, $0x1;
	_ =	strace $0x80000049;
	[dreg:$0x1] =	wrdreg $0xFFFFFFFF  }
0xa7: {  	s28 =	simm.s32 $_size_execute0_lowered;
	s2 =	sadd.s32 s2, s4;
	[dreg:$0x0] =	wrdreg $0x0  }
0xa8: {  	s4 =	sshll.u32 s28, $0x1;
	[dreg:$0x2] =	wrdreg s2  }
0xa9: {  	[dreg:$0x3] =	wrdreg s4  }
0xaa: {  	[dreg:$0x4] =	wrdreg $0xC0  }
0xab: {  	_ =	task [dreg:s6], $0x5FFFF  }
0xac: {  	[dreg:$0x1] =	wrdreg $0xFFFFFFFF  }
0xad: {  	[dreg:$0x0] =	wrdreg $0x60  }
0xae: {  	[dreg:$0x2] =	wrdreg s24  }
0xaf: {  	[dreg:$0x3] =	wrdreg $0x15B800  }
0xb0: {  	[dreg:$0x4] =	wrdreg $0x9  }
0xb1: {  	_ =	task.clear_ibuf [dreg:s6], $0x5FFFF;
	_ =	strace $0x90000049  }
0xb2: {  	s29 =	simm.s32 $0x9;
	_ =	strace $0x8000004B  }
0xb3: {  	_ =	swait.ge [sflag:s29], $0x1  }
0xb4: {  	[sflag:s29] =	ssyncadd.s32 $0xFFFFFFFF  }
0xb5: {  	_ =	strace $0x9000004B  }
0xb6: {  	_ =	sfence  }
0xb7: {  	s30 =	sld [smem:$0x0];
	_ =	sdelay $0x2  }
0xb8: {  	s31 =	sshll.u32 s1, $0xD;
	s1 =	sshrl.u32 s1, $0x2  }
0xb9: {  	s3 =	sand.u32 $0x4000, s31;
	s1 =	sadd.s32 s1, s30  }
0xba: {  	s0 =	sor.u32 s3, s0;
	s1 =	sshll.u32 s1, $0x11  }
0xbb: {  	s0 =	sor.u32 s1, s0  }
0xbc: {  	s0 =	sadd.s32 $0x8F2B, s0  }
0xbd: {  	[sflag:s0] =	ssyncadd.remote.s32 $0x1  }
0xbe: {  	_ =	sfence.sel $0xFFFF  }
0xbf: {  	[dreg:$0x0] =	wrdreg $0xFFFFFFFF;
	(pc) =	sbr.abs _section_cstart, $3  }
0xc0: {  	[dreg:$0x1] =	wrdreg $0xFFFFFFFF  }
0xc1: {  	_ =	task.clear_ibuf [dreg:s6], $0x2FFFF;
	_ =	strace $0x9FFFFFFF  }
0xc2: {  	(tm) =	ssettm $0x7FFFFFFF  }
0xc3: {  	_ =	shalt  }
tec
execute0_lowered:
.L_overlay_start_1:
0x0: {  	(tag) =	ssettag $0x1  }
0x1: {  	s0 =	rddreg [dreg:$0x0]  }
0x2: {  	s2 =	rddreg [dreg:$0x1]  }
0x3: {  	s10 =	stileid.u32;
	s4 =	simm.s32 $0x0;
	s3 =	srdreg.scid  }
0x4: {  	s17 =	simm.s32 $0x7D;
	s18 =	simm.s32 $0xA000;
	s20 =	simm.s32 $0xBF40  }
0x5: {  	s22 =	simm.s32 $0xDE80;
	s28 =	simm.s32 $0x11D00;
	s30 =	simm.s32 $0x13C40  }
0x6: {  	s31 =	simm.s32 $0xD;
	s21 =	simm.s32 $0x3;
	s29 =	simm.s32 $0x4  }
0x7: {  	s19 =	simm.s32 $0x8;
	s14 =	simm.s32 $0xA;
	s11 =	simm.s32 $0xB  }
0x8: {  	s1 =	smul.u32 $0xA00, s10;
	[smem:$0x7FF] =	sst s4;
	s3 =	sand.u32 $0x1, s3  }
0x9: {  	s4 =	sadd.s32 $0x3F000, s0;
	s7 =	smul.u32 $0x9C00, s10;
	s6 =	sshll.u32 s10, $0x6  }
0xa: {  	s8 =	sadd.s32 $0x9C000, s2;
	p0 =	sne.s32 s10, $0xF;
	s10 =	simm.s32 $0x10  }
0xb: {  	_ =	strace $0x8000004A;
	s5 =	smul.u32 $0x13880, s3;
	s3 =	ssub.s32 $0x2, s3  }
0xc: {  	[dreg:$0x3] =	wrdreg s6;
	s6 =	sor.u32 $0x1C0D, s6;
	s13 =	sshrl.u32 @!p0 s8, $0x3  }
0xd: {  	s8 =	simm.s32 $0x6;
	s1 =	sadd.s32 s1, s0;
	s23 =	sshrl.u32 s3, $0x1  }
0xe: {  	s24 =	sadd.s32 s7, s2;
	s26 =	sshrl.u32 s7, $0x3;
	s7 =	simm.s32 $0x9  }
0xf: {  	s0 =	sadd.s32 s5, s0;
	s3 =	ssub.s32 s3, s23;
	s9 =	sadd.s32 $0xDE00, s1  }
0x10: {  	s1 =	sadd.s32 $0x3E00, s1;
	s12 =	sshrl.u32 s24, $0x3;
	s24 =	simm.s32 $0xFDC0  }
0x11: {  	s23 =	simm.s32 $0x5;
	s5 =	simm.s32 $0xC;
	[dreg:$0x4] =	wrdreg s9  }
0x12: {  	[dreg:$0x5] =	wrdreg s1;
	s9 =	sadd.s32 $0x17E00, s0;
	s3 =	smax.u32 s3, $0x1  }
0x13: {  	s25 =	sadd.s32 $0x40400, s0;
	s1 =	simm.s32 $0x2;
	[dreg:$0x7] =	wrdreg s3  }
0x14: {  	[dreg:$0x6] =	wrdreg s25;
	s0 =	sadd.s32 s26, s25;
	s26 =	simm.s32 $0x7  }
0x15: {  	s25 =	simm.s32 $0x0;
	[dreg:$0x8] =	wrdreg s0;
	s0 =	simm.s32 $0x1  }
.LBB2_1:
0x16: {  	[spmem:s12], [sflag:s6] =	dma.local [hbm:s4], $0x1380  }
0x17: {  	[spmem:s13], [sflag:s6] =	dma.local @!p0 [hbm:s4], $0x80  }
0x18: {  	s3 =	simm.s32 $0x0;
	s15 =	rddreg [dreg:$0x4]  }
0x19: {  	[tilespmem:s3], [sflag:$0xE] =	stream.linear.gather [hbm4b:s15+s3], $0x5000, $0x38;
	[tilespmem:$0x1F7C0] =	vst v63  }
0x1a: {  	s16 =	simm.s32 $0x5000;
	s15 =	rddreg [dreg:$0x5]  }
0x1b: {  	[tilespmem:s16], [sflag:$0xF] =	stream.linear.gather [hbm4b:s15+s3], $0x5000, $0x38;
	[tilespmem:$0x1F7C0] =	vst v63  }
0x1c: {  	s15 =	simm.s32 $0xE  }
0x1d: {  	_ =	swait.ge [sflag:s15], $0x5000  }
0x1e: {  	[sflag:s15] =	ssyncset.done $0x0  }
0x1f: {  	[sflag:s15] =	ssyncadd.s32 $0xFFFFB000;
	s15 =	simm.s32 $0xF  }
0x20: {  	_ =	swait.ge [sflag:s15], $0x5000  }
0x21: {  	[sflag:s15] =	ssyncset.done $0x0  }
0x22: {  	[sflag:s15] =	ssyncadd.s32 $0xFFFFB000  }
0x23: {  	[tilespmem:s18], [sflag:$0x1] =	stream.indirect.gather [hbm4b:s9+s17], $0x40, s3, s17, $0xb8;
	[tilespmem:$0x1F7C0] =	vst v63  }
0x24: {  	s15 =	simm.s32 $0x80  }
0x25: {  	[tilespmem:s20], [sflag:$0x2] =	stream.indirect.gather [hbm4b:s9+s17], $0x40, s15, s17, $0xb8;
	[tilespmem:$0x1F7C0] =	vst v63  }
0x26: {  	s15 =	simm.s32 $0x100  }
0x27: {  	[tilespmem:s22], [sflag:$0x3] =	stream.indirect.gather [hbm4b:s9+s17], $0x40, s15, s17, $0xb8;
	[tilespmem:$0x1F7C0] =	vst v63  }
0x28: {  	s15 =	simm.s32 $0x180  }
0x29: {  	[tilespmem:s24], [sflag:$0x4] =	stream.indirect.gather [hbm4b:s9+s17], $0x40, s15, s17, $0xb8;
	[tilespmem:$0x1F7C0] =	vst v63  }
0x2a: {  	s15 =	simm.s32 $0x200  }
0x2b: {  	[tilespmem:s28], [sflag:$0x5] =	stream.indirect.gather [hbm4b:s9+s17], $0x40, s15, s17, $0xb8;
	[tilespmem:$0x1F7C0] =	vst v63  }
0x2c: {  	s15 =	simm.s32 $0x280  }
0x2d: {  	[tilespmem:s30], [sflag:$0x6] =	stream.indirect.gather [hbm4b:s9+s17], $0x40, s15, s17, $0xb8;
	[tilespmem:$0x1F7C0] =	vst v63  }
0x2e: {  	_ =	swait.ge [sflag:s31], $0x1380  }
0x2f: {  	[sflag:s31] =	ssyncset.done $0x0  }
0x30: {  	s3 =	simm.s32 @!p0 $0xD;
	[sflag:s31] =	ssyncadd.s32 $0xFFFFEC80  }
0x31: {  	_ =	swait.ge @!p0 [sflag:s3], $0x80  }
0x32: {  	[sflag:s3] =	ssyncset.done @!p0 $0x0  }
0x33: {  	[sflag:s3] =	ssyncadd.s32 @!p0 $0xFFFFFF80  }
0x34: {  	[bflag:$0x0] =	sbarrier.arrive $0xFFFF  }
0x35: {  	_ =	swait.ge [sflag:s0], $0x1F40  }
0x36: {  	[sflag:s0] =	ssyncset.done $0x0  }
0x37: {  	[sflag:s0] =	ssyncadd.s32 $0xFFFFE0C0  }
0x38: {  	[spmem:s2] =	stream.indirect.scatter.add.f32 [tilespmem:s18], [sflag:$0x7], $0x40, s16, s17, $0xb8;
	[tilespmem:$0x1F7C0] =	vst v63  }
0x39: {  	_ =	swait.ge [sflag:s1], $0x1F40  }
0x3a: {  	[sflag:s1] =	ssyncset.done $0x0  }
0x3b: {  	s16 =	simm.s32 $0x5080;
	[sflag:s1] =	ssyncadd.s32 $0xFFFFE0C0  }
0x3c: {  	[spmem:s2] =	stream.indirect.scatter.add.f32 [tilespmem:s20], [sflag:$0x8], $0x40, s16, s17, $0xb8;
	[tilespmem:$0x1F7C0] =	vst v63  }
0x3d: {  	_ =	swait.ge [sflag:s21], $0x1F40  }
0x3e: {  	[sflag:s21] =	ssyncset.done $0x0  }
0x3f: {  	s15 =	simm.s32 $0x5100;
	[sflag:s21] =	ssyncadd.s32 $0xFFFFE0C0  }
0x40: {  	[spmem:s2] =	stream.indirect.scatter.add.f32 [tilespmem:s22], [sflag:$0x9], $0x40, s15, s17, $0xb8;
	[tilespmem:$0x1F7C0] =	vst v63  }
0x41: {  	_ =	swait.ge [sflag:s26], $0x1F40  }
0x42: {  	[sflag:s26] =	ssyncset.done $0x0  }
0x43: {  	s16 =	simm.s32 $0x300;
	[sflag:s26] =	ssyncadd.s32 $0xFFFFE0C0  }
0x44: {  	[tilespmem:s18], [sflag:$0x1] =	stream.indirect.gather [hbm4b:s9+s17], $0x40, s16, s17, $0xb8;
	[tilespmem:$0x1F7C0] =	vst v63  }
0x45: {  	_ =	swait.ge [sflag:s29], $0x1F40  }
0x46: {  	[sflag:s29] =	ssyncset.done $0x0  }
0x47: {  	s15 =	simm.s32 $0x5180;
	[sflag:s29] =	ssyncadd.s32 $0xFFFFE0C0  }
0x48: {  	[spmem:s2] =	stream.indirect.scatter.add.f32 [tilespmem:s24], [sflag:$0xA], $0x40, s15, s17, $0xb8;
	[tilespmem:$0x1F7C0] =	vst v63  }
0x49: {  	_ =	swait.ge [sflag:s19], $0x1F40  }
0x4a: {  	[sflag:s19] =	ssyncset.done $0x0  }
0x4b: {  	s16 =	simm.s32 $0x380;
	[sflag:s19] =	ssyncadd.s32 $0xFFFFE0C0  }
0x4c: {  	[tilespmem:s20], [sflag:$0x2] =	stream.indirect.gather [hbm4b:s9+s17], $0x40, s16, s17, $0xb8;
	[tilespmem:$0x1F7C0] =	vst v63  }
0x4d: {  	_ =	swait.ge [sflag:s23], $0x1F40  }
0x4e: {  	[sflag:s23] =	ssyncset.done $0x0  }
0x4f: {  	s15 =	simm.s32 $0x5200;
	[sflag:s23] =	ssyncadd.s32 $0xFFFFE0C0  }
0x50: {  	[spmem:s2] =	stream.indirect.scatter.add.f32 [tilespmem:s28], [sflag:$0xB], $0x40, s15, s17, $0xb8;
	[tilespmem:$0x1F7C0] =	vst v63  }
0x51: {  	_ =	swait.ge [sflag:s7], $0x1F40  }
0x52: {  	[sflag:s7] =	ssyncset.done $0x0  }
0x53: {  	s16 =	simm.s32 $0x400;
	[sflag:s7] =	ssyncadd.s32 $0xFFFFE0C0  }
0x54: {  	[tilespmem:s22], [sflag:$0x3] =	stream.indirect.gather [hbm4b:s9+s17], $0x40, s16, s17, $0xb8;
	[tilespmem:$0x1F7C0] =	vst v63  }
0x55: {  	_ =	swait.ge [sflag:s8], $0x1F40  }
0x56: {  	[sflag:s8] =	ssyncset.done $0x0  }
0x57: {  	s15 =	simm.s32 $0x5280;
	[sflag:s8] =	ssyncadd.s32 $0xFFFFE0C0  }
0x58: {  	[spmem:s2] =	stream.indirect.scatter.add.f32 [tilespmem:s30], [sflag:$0xC], $0x40, s15, s17, $0xb8;
	[tilespmem:$0x1F7C0] =	vst v63  }
0x59: {  	_ =	swait.ge [sflag:s14], $0x1F40  }
0x5a: {  	[sflag:s14] =	ssyncset.done $0x0  }
0x5b: {  	s16 =	simm.s32 $0x480;
	[sflag:s14] =	ssyncadd.s32 $0xFFFFE0C0  }
0x5c: {  	[tilespmem:s24], [sflag:$0x4] =	stream.indirect.gather [hbm4b:s9+s17], $0x40, s16, s17, $0xb8;
	[tilespmem:$0x1F7C0] =	vst v63  }
0x5d: {  	_ =	swait.ge [sflag:s0], $0x1F40  }
0x5e: {  	[sflag:s0] =	ssyncset.done $0x0  }
0x5f: {  	s15 =	simm.s32 $0x5300;
	[sflag:s0] =	ssyncadd.s32 $0xFFFFE0C0  }
0x60: {  	[spmem:s2] =	stream.indirect.scatter.add.f32 [tilespmem:s18], [sflag:$0x7], $0x40, s15, s17, $0xb8;
	[tilespmem:$0x1F7C0] =	vst v63  }
0x61: {  	_ =	swait.ge [sflag:s11], $0x1F40  }
0x62: {  	[sflag:s11] =	ssyncset.done $0x0  }
0x63: {  	s16 =	simm.s32 $0x500;
	[sflag:s11] =	ssyncadd.s32 $0xFFFFE0C0  }
0x64: {  	[tilespmem:s28], [sflag:$0x5] =	stream.indirect.gather [hbm4b:s9+s17], $0x40, s16, s17, $0xb8;
	[tilespmem:$0x1F7C0] =	vst v63  }
0x65: {  	_ =	swait.ge [sflag:s1], $0x1F40  }
0x66: {  	[sflag:s1] =	ssyncset.done $0x0  }
0x67: {  	s15 =	simm.s32 $0x5380;
	[sflag:s1] =	ssyncadd.s32 $0xFFFFE0C0  }
0x68: {  	[spmem:s2] =	stream.indirect.scatter.add.f32 [tilespmem:s20], [sflag:$0x8], $0x40, s15, s17, $0xb8;
	[tilespmem:$0x1F7C0] =	vst v63  }
0x69: {  	_ =	swait.ge [sflag:s5], $0x1F40  }
0x6a: {  	[sflag:s5] =	ssyncset.done $0x0  }
0x6b: {  	s16 =	simm.s32 $0x580;
	[sflag:s5] =	ssyncadd.s32 $0xFFFFE0C0  }
0x6c: {  	[tilespmem:s30], [sflag:$0x6] =	stream.indirect.gather [hbm4b:s9+s17], $0x40, s16, s17, $0xb8;
	[tilespmem:$0x1F7C0] =	vst v63  }
0x6d: {  	_ =	swait.ge [sflag:s21], $0x1F40  }
0x6e: {  	[sflag:s21] =	ssyncset.done $0x0  }
0x6f: {  	s3 =	simm.s32 $0xC00;
	s15 =	simm.s32 $0x5400;
	[sflag:s21] =	ssyncadd.s32 $0xFFFFE0C0  }
.LBB2_2:
0x70: {  	[spmem:s2] =	stream.indirect.scatter.add.f32 [tilespmem:s22], [sflag:$0x9], $0x40, s15, s17, $0xb8;
	[tilespmem:$0x1F7C0] =	vst v63  }
0x71: {  	s15 =	smov.u32 s3  }
0x72: {  	p1 =	sne.s32 s3, $0x12000;
	s3 =	sadd.s32 $0xC00, s3;
	_ =	swait.ge [sflag:s26], $0x1F40  }
0x73: {  	s15 =	sshra.s32 s15, $0x2;
	[sflag:s26] =	ssyncset.done $0x0  }
0x74: {  	s16 =	sadd.s32 $0x300, s15;
	[sflag:s26] =	ssyncadd.s32 $0xFFFFE0C0  }
0x75: {  	[tilespmem:s18], [sflag:$0x1] =	stream.indirect.gather [hbm4b:s9+s17], $0x40, s16, s17, $0xb8;
	[tilespmem:$0x1F7C0] =	vst v63  }
0x76: {  	_ =	swait.ge [sflag:s29], $0x1F40  }
0x77: {  	[sflag:s29] =	ssyncset.done $0x0  }
0x78: {  	s16 =	sadd.s32 $0x5180, s15;
	[sflag:s29] =	ssyncadd.s32 $0xFFFFE0C0  }
0x79: {  	[spmem:s2] =	stream.indirect.scatter.add.f32 [tilespmem:s24], [sflag:$0xA], $0x40, s16, s17, $0xb8;
	[tilespmem:$0x1F7C0] =	vst v63  }
0x7a: {  	_ =	swait.ge [sflag:s19], $0x1F40  }
0x7b: {  	[sflag:s19] =	ssyncset.done $0x0  }
0x7c: {  	s16 =	sadd.s32 $0x380, s15;
	[sflag:s19] =	ssyncadd.s32 $0xFFFFE0C0  }
0x7d: {  	[tilespmem:s20], [sflag:$0x2] =	stream.indirect.gather [hbm4b:s9+s17], $0x40, s16, s17, $0xb8;
	[tilespmem:$0x1F7C0] =	vst v63  }
0x7e: {  	_ =	swait.ge [sflag:s23], $0x1F40  }
0x7f: {  	[sflag:s23] =	ssyncset.done $0x0  }
0x80: {  	s16 =	sadd.s32 $0x5200, s15;
	[sflag:s23] =	ssyncadd.s32 $0xFFFFE0C0  }
0x81: {  	[spmem:s2] =	stream.indirect.scatter.add.f32 [tilespmem:s28], [sflag:$0xB], $0x40, s16, s17, $0xb8;
	[tilespmem:$0x1F7C0] =	vst v63  }
0x82: {  	_ =	swait.ge [sflag:s7], $0x1F40  }
0x83: {  	[sflag:s7] =	ssyncset.done $0x0  }
0x84: {  	s16 =	sadd.s32 $0x400, s15;
	[sflag:s7] =	ssyncadd.s32 $0xFFFFE0C0  }
0x85: {  	[tilespmem:s22], [sflag:$0x3] =	stream.indirect.gather [hbm4b:s9+s17], $0x40, s16, s17, $0xb8;
	[tilespmem:$0x1F7C0] =	vst v63  }
0x86: {  	_ =	swait.ge [sflag:s8], $0x1F40  }
0x87: {  	[sflag:s8] =	ssyncset.done $0x0  }
0x88: {  	s16 =	sadd.s32 $0x5280, s15;
	[sflag:s8] =	ssyncadd.s32 $0xFFFFE0C0  }
0x89: {  	[spmem:s2] =	stream.indirect.scatter.add.f32 [tilespmem:s30], [sflag:$0xC], $0x40, s16, s17, $0xb8;
	[tilespmem:$0x1F7C0] =	vst v63  }
0x8a: {  	_ =	swait.ge [sflag:s14], $0x1F40  }
0x8b: {  	[sflag:s14] =	ssyncset.done $0x0  }
0x8c: {  	s16 =	sadd.s32 $0x480, s15;
	[sflag:s14] =	ssyncadd.s32 $0xFFFFE0C0  }
0x8d: {  	[tilespmem:s24], [sflag:$0x4] =	stream.indirect.gather [hbm4b:s9+s17], $0x40, s16, s17, $0xb8;
	[tilespmem:$0x1F7C0] =	vst v63  }
0x8e: {  	_ =	swait.ge [sflag:s0], $0x1F40  }
0x8f: {  	[sflag:s0] =	ssyncset.done $0x0  }
0x90: {  	s16 =	sadd.s32 $0x5300, s15;
	[sflag:s0] =	ssyncadd.s32 $0xFFFFE0C0  }
0x91: {  	[spmem:s2] =	stream.indirect.scatter.add.f32 [tilespmem:s18], [sflag:$0x7], $0x40, s16, s17, $0xb8;
	[tilespmem:$0x1F7C0] =	vst v63  }
0x92: {  	_ =	swait.ge [sflag:s11], $0x1F40  }
0x93: {  	[sflag:s11] =	ssyncset.done $0x0  }
0x94: {  	s16 =	sadd.s32 $0x500, s15;
	[sflag:s11] =	ssyncadd.s32 $0xFFFFE0C0  }
0x95: {  	[tilespmem:s28], [sflag:$0x5] =	stream.indirect.gather [hbm4b:s9+s17], $0x40, s16, s17, $0xb8;
	[tilespmem:$0x1F7C0] =	vst v63  }
0x96: {  	_ =	swait.ge [sflag:s1], $0x1F40  }
0x97: {  	[sflag:s1] =	ssyncset.done $0x0  }
0x98: {  	s16 =	sadd.s32 $0x5380, s15;
	[sflag:s1] =	ssyncadd.s32 $0xFFFFE0C0  }
0x99: {  	[spmem:s2] =	stream.indirect.scatter.add.f32 [tilespmem:s20], [sflag:$0x8], $0x40, s16, s17, $0xb8;
	[tilespmem:$0x1F7C0] =	vst v63  }
0x9a: {  	_ =	swait.ge [sflag:s5], $0x1F40  }
0x9b: {  	[sflag:s5] =	ssyncset.done $0x0  }
.Ltmp0:
0x9c: {  	s16 =	sadd.s32 $0x580, s15;
	[sflag:s5] =	ssyncadd.s32 $0xFFFFE0C0;
	(pc) =	sbr.rel @p1 .LBB2_2-.Ltmp0, $4  }
0x9d: {  	[tilespmem:s30], [sflag:$0x6] =	stream.indirect.gather [hbm4b:s9+s17], $0x40, s16, s17, $0xb8;
	[tilespmem:$0x1F7C0] =	vst v63  }
0x9e: {  	_ =	swait.ge [sflag:s21], $0x1F40  }
0x9f: {  	[sflag:s21] =	ssyncset.done $0x0  }
0xa0: {  	s15 =	sadd.s32 $0x5400, s15;
	[sflag:s21] =	ssyncadd.s32 $0xFFFFE0C0  }
0xa1: {  	[spmem:s2] =	stream.indirect.scatter.add.f32 [tilespmem:s22], [sflag:$0x9], $0x40, s15, s17, $0xb8;
	[tilespmem:$0x1F7C0] =	vst v63  }
0xa2: {  	_ =	swait.ge [sflag:s26], $0x1F40  }
0xa3: {  	[sflag:s26] =	ssyncset.done $0x0  }
0xa4: {  	s3 =	simm.s32 $0x4E00;
	[sflag:s26] =	ssyncadd.s32 $0xFFFFE0C0  }
0xa5: {  	[tilespmem:s18], [sflag:$0x1] =	stream.indirect.gather [hbm4b:s9+s17], $0x40, s3, s17, $0xb8;
	[tilespmem:$0x1F7C0] =	vst v63  }
0xa6: {  	_ =	swait.ge [sflag:s29], $0x1F40  }
0xa7: {  	[sflag:s29] =	ssyncset.done $0x0  }
0xa8: {  	s15 =	simm.s32 $0x9C80;
	[sflag:s29] =	ssyncadd.s32 $0xFFFFE0C0  }
0xa9: {  	[spmem:s2] =	stream.indirect.scatter.add.f32 [tilespmem:s24], [sflag:$0xA], $0x40, s15, s17, $0xb8;
	[tilespmem:$0x1F7C0] =	vst v63  }
0xaa: {  	_ =	swait.ge [sflag:s19], $0x1F40  }
0xab: {  	[sflag:s19] =	ssyncset.done $0x0  }
0xac: {  	s16 =	simm.s32 $0x4E80;
	[sflag:s19] =	ssyncadd.s32 $0xFFFFE0C0  }
0xad: {  	[tilespmem:s20], [sflag:$0x2] =	stream.indirect.gather [hbm4b:s9+s17], $0x40, s16, s17, $0xb8;
	[tilespmem:$0x1F7C0] =	vst v63  }
0xae: {  	_ =	swait.ge [sflag:s23], $0x1F40  }
0xaf: {  	[sflag:s23] =	ssyncset.done $0x0  }
0xb0: {  	s15 =	simm.s32 $0x9D00;
	[sflag:s23] =	ssyncadd.s32 $0xFFFFE0C0  }
0xb1: {  	[spmem:s2] =	stream.indirect.scatter.add.f32 [tilespmem:s28], [sflag:$0xB], $0x40, s15, s17, $0xb8;
	[tilespmem:$0x1F7C0] =	vst v63  }
0xb2: {  	_ =	swait.ge [sflag:s7], $0x1F40  }
0xb3: {  	[sflag:s7] =	ssyncset.done $0x0  }
0xb4: {  	s16 =	simm.s32 $0x4F00;
	[sflag:s7] =	ssyncadd.s32 $0xFFFFE0C0  }
0xb5: {  	[tilespmem:s22], [sflag:$0x3] =	stream.indirect.gather [hbm4b:s9+s17], $0x40, s16, s17, $0xb8;
	[tilespmem:$0x1F7C0] =	vst v63  }
0xb6: {  	_ =	swait.ge [sflag:s8], $0x1F40  }
0xb7: {  	[sflag:s8] =	ssyncset.done $0x0  }
0xb8: {  	s15 =	simm.s32 $0x9D80;
	[sflag:s8] =	ssyncadd.s32 $0xFFFFE0C0  }
0xb9: {  	[spmem:s2] =	stream.indirect.scatter.add.f32 [tilespmem:s30], [sflag:$0xC], $0x40, s15, s17, $0xb8;
	[tilespmem:$0x1F7C0] =	vst v63  }
0xba: {  	_ =	swait.ge [sflag:s14], $0x1F40  }
0xbb: {  	[sflag:s14] =	ssyncset.done $0x0  }
0xbc: {  	s16 =	simm.s32 $0x4F80;
	[sflag:s14] =	ssyncadd.s32 $0xFFFFE0C0  }
0xbd: {  	[tilespmem:s24], [sflag:$0x4] =	stream.indirect.gather [hbm4b:s9+s17], $0x40, s16, s17, $0xb8;
	[tilespmem:$0x1F7C0] =	vst v63  }
0xbe: {  	_ =	swait.ge [sflag:s0], $0x1F40  }
0xbf: {  	[sflag:s0] =	ssyncset.done $0x0  }
0xc0: {  	s15 =	simm.s32 $0x9E00;
	[sflag:s0] =	ssyncadd.s32 $0xFFFFE0C0  }
0xc1: {  	[spmem:s2] =	stream.indirect.scatter.add.f32 [tilespmem:s18], [sflag:$0x7], $0x40, s15, s17, $0xb8;
	[tilespmem:$0x1F7C0] =	vst v63  }
0xc2: {  	_ =	swait.ge [sflag:s1], $0x1F40  }
0xc3: {  	[sflag:s1] =	ssyncset.done $0x0  }
0xc4: {  	s16 =	simm.s32 $0x9E80;
	[sflag:s1] =	ssyncadd.s32 $0xFFFFE0C0  }
0xc5: {  	[spmem:s2] =	stream.indirect.scatter.add.f32 [tilespmem:s20], [sflag:$0x8], $0x40, s16, s17, $0xb8;
	[tilespmem:$0x1F7C0] =	vst v63  }
0xc6: {  	_ =	swait.ge [sflag:s21], $0x1F40  }
0xc7: {  	[sflag:s21] =	ssyncset.done $0x0  }
0xc8: {  	s15 =	simm.s32 $0x9F00;
	[sflag:s21] =	ssyncadd.s32 $0xFFFFE0C0  }
0xc9: {  	[spmem:s2] =	stream.indirect.scatter.add.f32 [tilespmem:s22], [sflag:$0x9], $0x40, s15, s17, $0xb8;
	[tilespmem:$0x1F7C0] =	vst v63  }
0xca: {  	_ =	swait.ge [sflag:s29], $0x1F40  }
0xcb: {  	[sflag:s29] =	ssyncset.done $0x0  }
0xcc: {  	s16 =	simm.s32 $0x9F80;
	[sflag:s29] =	ssyncadd.s32 $0xFFFFE0C0  }
0xcd: {  	[spmem:s2] =	stream.indirect.scatter.add.f32 [tilespmem:s24], [sflag:$0xA], $0x40, s16, s17, $0xb8;
	[tilespmem:$0x1F7C0] =	vst v63  }
0xce: {  	_ =	swait.ge [sflag:s26], $0x1F40  }
0xcf: {  	[sflag:s26] =	ssyncset.done $0x0  }
0xd0: {  	[sflag:s26] =	ssyncadd.s32 $0xFFFFE0C0  }
0xd1: {  	_ =	swait.ge [sflag:s19], $0x1F40  }
0xd2: {  	[sflag:s19] =	ssyncset.done $0x0  }
0xd3: {  	[sflag:s19] =	ssyncadd.s32 $0xFFFFE0C0  }
0xd4: {  	_ =	swait.ge [sflag:s7], $0x1F40  }
0xd5: {  	[sflag:s7] =	ssyncset.done $0x0  }
0xd6: {  	[sflag:s7] =	ssyncadd.s32 $0xFFFFE0C0  }
0xd7: {  	_ =	swait.ge [sflag:s14], $0x1F40  }
0xd8: {  	[sflag:s14] =	ssyncset.done $0x0  }
0xd9: {  	[sflag:s14] =	ssyncadd.s32 $0xFFFFE0C0  }
0xda: {  	_ =	swait.ge [sflag:s11], $0x1F40  }
0xdb: {  	[sflag:s11] =	ssyncset.done $0x0  }
0xdc: {  	[sflag:s11] =	ssyncadd.s32 $0xFFFFE0C0  }
0xdd: {  	_ =	swait.ge [sflag:s5], $0x1F40  }
0xde: {  	[sflag:s5] =	ssyncset.done $0x0  }
0xdf: {  	[sflag:s5] =	ssyncadd.s32 $0xFFFFE0C0  }
0xe0: {  	[bflag:$0x0] =	sbarrier.arrive $0xFFFF  }
0xe1: {  	s15 =	rddreg [dreg:$0x3]  }
0xe2: {  	s16 =	rddreg [dreg:$0x8];
	s3 =	sor.u32 $0x1C10, s15  }
0xe3: {  	[hbm:s16], [sflag:s3] =	dma.local [spmem:s12], $0x1380  }
0xe4: {  	_ =	swait.ge [sflag:s10], $0x1380  }
0xe5: {  	[sflag:s10] =	ssyncset.done $0x0;
	s15 =	rddreg [dreg:$0x6]  }
0xe6: {  	[sflag:s10] =	ssyncadd.s32 $0xFFFFEC80;
	s15 =	sadd.s32 @!p0 $0x13800, s15  }
0xe7: {  	[hbm:s15], [sflag:s3] =	dma.local @!p0 [spmem:s13], $0x80  }
0xe8: {  	s3 =	simm.s32 @!p0 $0x10  }
0xe9: {  	_ =	swait.ge @!p0 [sflag:s3], $0x80  }
0xea: {  	s25 =	sadd.s32 $0x1, s25;
	s16 =	rddreg [dreg:$0x7]  }
0xeb: {  	p1 =	sne.s32 s25, s16  }
.Ltmp1:
0xec: {  	_ = 	snop;
	(pc) =	sbr.rel @p1 .LBB2_1-.Ltmp1, $3  }
0xed: {  	_ =	sdelay $0x1  }
0xee: {  	[sflag:s3] =	ssyncset.done @!p0 $0x0  }
0xef: {  	[sflag:s3] =	ssyncadd.s32 @!p0 $0xFFFFFF80  }
0xf0: {  	_ =	sfence.sel $0x180000  }
0xf1: {  	[bflag:$0x0] =	sbarrier.arrive $0xFFFF  }
0xf2: {  	_ =	strace $0x9000004A  }
0xf3: {  	s0 =	stileid.u32;
	[bflag:$0x2] =	sbarrier.arrive $0xFFFF  }
0xf4: {  	p0 =	sne.s32 s0, $0x0;
	s0 =	rddreg [dreg:$0x2]  }
0xf5: {  	s0 =	sadd.s32 @!p0 $0x100000, s0  }
0xf6: {  	[sflag:s0] =	ssyncadd.tile.s32 @!p0 $0x1;
	_ =	shalt  }
.Lfunc_end2:
_tile_overlayer_lowered:
.L_overlay_start_2:
0xf7: {  	(tag) =	ssettag $0x2  }
0xf8: {  	s0 =	rddreg [dreg:$0x0];
	s2 =	stileid.u32  }
0xf9: {  	s1 =	rddreg [dreg:$0x1];
	p0 =	sne.s32 s2, $0x0  }
0xfa: {  	s3 =	rddreg [dreg:$0x2];
	[bflag:$0x3] =	sbarrier.arrive $0xFFFF;
	s2 =	simm.s32 @!p0 $0x1C10  }
0xfb: {  	[timem:s3], [sflag:s2] =	dma.local @!p0 [hbm:s0], s1  }
0xfc: {  	s0 =	simm.s32 @!p0 $0x10  }
0xfd: {  	_ =	swait.ge @!p0 [sflag:s0], s1  }
0xfe: {  	s1 =	ssub.s32 @!p0 $0x0, s1;
	[sflag:s0] =	ssyncset.done @!p0 $0x0  }
0xff: {  	[sflag:s0] =	ssyncadd.s32 @!p0 s1  }
0x100: {  	[bflag:$0x3] =	sbarrier.arrive $0xFFFF  }
0x101: {  	_ =	shalt  }

// kernel: kernel.15.cloned.1.call-start
scs
__scs_entry_jumppad:
0x0: {  	(pc) =	sbr.rel $0x88, $3  }
0x1: {  	(tag) =	ssettag $0x0;
	lr =	simm.s32 $0x1  }
0x2: {  	[smem:$0x3F90] =	sst lr;
	_ =	strace $0xD0000000  }
0x3: {  	_ = 	snop  }
0x4: {  	_ = 	snop  }
0x5: {  	_ = 	snop  }
0x6: {  	_ = 	snop  }
0x7: {  	_ = 	snop  }
__scs_overlays_trampoline_lowered:
0x8: {  	[smem:$0x3F9F] =	sst s0  }
0x9: {  	[smem:$0x3FA0] =	sst s1  }
0xa: {  	[smem:$0x3FA1] =	sst s2  }
0xb: {  	[smem:$0x3FA2] =	sst s3  }
0xc: {  	[smem:$0x3FA3] =	sst s4  }
0xd: {  	[smem:$0x3FA4] =	sst s5  }
0xe: {  	[smem:$0x3FA5] =	sst s6  }
0xf: {  	[smem:$0x3FA6] =	sst s7  }
0x10: {  	[smem:$0x3FA7] =	sst s8  }
0x11: {  	[smem:$0x3FA8] =	sst s9;
	s0 =	simm.s32 @!p0 $0x0  }
0x12: {  	s1 =	sld [smem:$0x3F8E];
	s0 =	simm.s32 @p0 $0x1  }
0x13: {  	[smem:$0x3FA9] =	sst s0;
	s0 =	simm.s32 @!p1 $0x0  }
0x14: {  	s2 =	sld [smem:$0x3F8D];
	s0 =	simm.s32 @p1 $0x1  }
0x15: {  	[smem:$0x3FAA] =	sst s0;
	s0 =	simm.s32 @!p2 $0x0  }
0x16: {  	s3 =	sld [smem:$0x3FDB];
	s0 =	simm.s32 @p2 $0x1  }
0x17: {  	s4 =	simm.s32 $0x1BF5;
	[smem:$0x3FAC] =	sst s0  }
0x18: {  	s0 =	sld [smem:$0x3F8F];
	_ =	swait.ge [sflag:s4], $0x0  }
0x19: {  	s7 =	sld [smem:$0x3F90]  }
0x1a: {  	s8 =	sadd.s32 $0xFFFFE003, lr  }
0x1b: {  	s9 =	sadd.s32 $0xFFFFFEF7, lr;
	s5 =	simm.s32 $0xFFFFFFFF;
	p2 =	slt.u32 s8, $0xFFFFF086  }
0x1c: {  	p1 =	slt.u32 s9, $0xF7A;
	s5 =	simm.s32 @!p2 $0x0  }
0x1d: {  	s5 =	simm.s32 @p1 $0x1;
	p0 =	seq.s32 s7, s2  }
0x1e: {  	s7 =	smul.u32 @!p0 $0xF7A, s2;
	p2 =	seq.s32 @!p0 s5, $0x0  }
0x1f: {  	s9 =	smul.u32 $0xF7A, s1;
	s8 =	simm.s32 @!p0 $0x1BF5;
	p2 =	por !p2, p0  }
0x20: {  	[sflag:s8] =	ssyncset.s32 @!p0 $0xFFFFF086;
	s6 =	sadd.s32 @!p0 s3, s7;
	s7 =	simm.s32 @!p0 $0x108  }
0x21: {  	s3 =	sadd.s32 s3, s9;
	s6 =	sadd.s32 @!p0 $0x88, s6;
	s7 =	simm.s32 @p2 $0x1082  }
0x22: {  	[simem:s7], [sflag:s8] =	dma.local @!p0 [hbm:s6], $0xF7A  }
0x23: {  	s9 =	sor.u32 $0xD0000000, s2;
	s6 =	simm.s32 $0x108;
	_ =	swait.ge @!p0 [sflag:s8], $0x0  }
0x24: {  	s3 =	sadd.s32 $0x88, s3;
	s6 =	simm.s32 @!p1 $0x1082;
	[sflag:s4] =	ssyncset.s32 $0xFFFFF086  }
0x25: {  	[simem:s6], [sflag:s4] =	dma.local [hbm:s3], $0xF7A  }
0x26: {  	[smem:$0x3F90] =	sst s1;
	(tag) =	ssettag s2;
	_ =	strace s9  }
0x27: {  	s1 =	sld [smem:$0x3FA0]  }
0x28: {  	s2 =	sld [smem:$0x3FA1]  }
0x29: {  	s4 =	sld [smem:$0x3FA3]  }
0x2a: {  	p0 =	seq.s32 s5, $0x0;
	s5 =	sld [smem:$0x3FA4]  }
0x2b: {  	s6 =	sld [smem:$0x3FA5]  }
0x2c: {  	s7 =	sld [smem:$0x3FA6]  }
0x2d: {  	s3 =	simm.s32 $0x108;
	s8 =	sld [smem:$0x3FA7]  }
0x2e: {  	s3 =	simm.s32 @!p0 $0x1082;
	s9 =	sld [smem:$0x3FA8]  }
0x2f: {  	lr =	sadd.s32 s0, s3;
	s0 =	sld [smem:$0x3F9F]  }
0x30: {  	s3 =	sld [smem:$0x3FA2]  }
0x31: {  	[smem:$0x3FAB] =	sst s10  }
0x32: {  	s10 =	sld [smem:$0x3FA9];
	_ =	sdelay $0x3  }
0x33: {  	p0 =	seq.s32 s10, $0x1;
	s10 =	sld [smem:$0x3FAB];
	_ =	sdelay $0x3  }
0x34: {  	[smem:$0x3FAB] =	sst s10  }
0x35: {  	s10 =	sld [smem:$0x3FAA];
	_ =	sdelay $0x3  }
0x36: {  	p1 =	seq.s32 s10, $0x1;
	s10 =	sld [smem:$0x3FAB];
	_ =	sdelay $0x3  }
0x37: {  	[smem:$0x3FAB] =	sst s10  }
0x38: {  	s10 =	sld [smem:$0x3FAC]  }
0x39: {  	_ = 	snop;
	(pc) =	sbr.ind lr, $3  }
0x3a: {  	_ = 	snop  }
0x3b: {  	_ = 	snop  }
0x3c: {  	p2 =	seq.s32 s10, $0x1;
	s10 =	sld [smem:$0x3FAB]  }
0x3d: {  	_ =	shalt  }
0x3e: {  	_ =	shalt  }
0x3f: {  	_ =	shalt  }
0x40: {  	_ =	shalt  }
0x41: {  	_ =	shalt  }
0x42: {  	_ =	shalt  }
0x43: {  	_ =	shalt  }
0x44: {  	_ =	shalt  }
0x45: {  	_ =	shalt  }
0x46: {  	_ =	shalt  }
0x47: {  	_ =	shalt  }
0x48: {  	_ =	shalt  }
0x49: {  	_ =	shalt  }
0x4a: {  	_ =	shalt  }
0x4b: {  	_ =	shalt  }
0x4c: {  	_ =	shalt  }
0x4d: {  	_ =	shalt  }
0x4e: {  	_ =	shalt  }
0x4f: {  	_ =	shalt  }
0x50: {  	_ =	shalt  }
0x51: {  	_ =	shalt  }
0x52: {  	_ =	shalt  }
0x53: {  	_ =	shalt  }
0x54: {  	_ =	shalt  }
0x55: {  	_ =	shalt  }
0x56: {  	_ =	shalt  }
0x57: {  	_ =	shalt  }
0x58: {  	_ =	shalt  }
0x59: {  	_ =	shalt  }
0x5a: {  	_ =	shalt  }
0x5b: {  	_ =	shalt  }
0x5c: {  	_ =	shalt  }
0x5d: {  	_ =	shalt  }
0x5e: {  	_ =	shalt  }
0x5f: {  	_ =	shalt  }
0x60: {  	_ =	shalt  }
0x61: {  	_ =	shalt  }
0x62: {  	_ =	shalt  }
0x63: {  	_ =	shalt  }
0x64: {  	_ =	shalt  }
0x65: {  	_ =	shalt  }
0x66: {  	_ =	shalt  }
0x67: {  	_ =	shalt  }
0x68: {  	_ =	shalt  }
0x69: {  	_ =	shalt  }
0x6a: {  	_ =	shalt  }
0x6b: {  	_ =	shalt  }
0x6c: {  	_ =	shalt  }
0x6d: {  	_ =	shalt  }
0x6e: {  	_ =	shalt  }
0x6f: {  	_ =	shalt  }
0x70: {  	_ =	shalt  }
0x71: {  	_ =	shalt  }
0x72: {  	_ =	shalt  }
0x73: {  	_ =	shalt  }
0x74: {  	_ =	shalt  }
0x75: {  	_ =	shalt  }
0x76: {  	_ =	shalt  }
0x77: {  	_ =	shalt  }
0x78: {  	_ =	shalt  }
0x79: {  	_ =	shalt  }
0x7a: {  	_ =	shalt  }
0x7b: {  	_ =	shalt  }
0x7c: {  	_ =	shalt  }
0x7d: {  	_ =	shalt  }
0x7e: {  	_ =	shalt  }
0x7f: {  	_ =	shalt  }
0x80: {  	_ =	shalt  }
0x81: {  	_ =	shalt  }
0x82: {  	_ =	shalt  }
0x83: {  	_ =	shalt  }
0x84: {  	_ =	shalt  }
0x85: {  	_ =	shalt  }
0x86: {  	_ =	shalt  }
0x87: {  	_ =	shalt  }
.Lfunc_end0:
.L_simem_size_0:
called_computation.2_lowered:
.L_overlay_start_0:
0x88: {  	s2 =	sld [smem:$0x3FD9]  }
0x89: {  	s3 =	sld [smem:$0x3FFE];
	_ =	sdelay $0x1  }
0x8a: {  	s1 =	srdreg.scid  }
0x8b: {  	s0 =	sand.u32 $0x1, s1  }
0x8c: {  	s16 =	sshll.u32 s0, $0xA;
	s2 =	sadd.s32 s3, s2  }
0x8d: {  	s2 =	sadd.s32 s2, s16  }
0x8e: {  	[smem:$0x3FB7] =	sst s2  }
0x8f: {  	_ = 	snop  }
0x90: {  	(tm) =	ssettm $0x1  }
0x91: {  	s17 =	sld [smem:$0x3FFB];
	_ =	sdelay $0x3  }
0x92: {  	_ =	strace s17  }
0x93: {  	s2 =	sld [smem:$0x3FFC];
	_ =	sdelay $0x3  }
0x94: {  	_ =	strace s2  }
0x95: {  	s2 =	sld [smem:$0x3FFD];
	_ =	sdelay $0x3  }
0x96: {  	_ =	strace s2  }
0x97: {  	_ =	strace $0x8FFFFFFF  }
0x98: {  	s18 =	sld [smem:$0x3FDB];
	_ =	sdelay $0x1  }
0x99: {  	s19 =	simm.s32 $_scs_section_size  }
0x9a: {  	s4 =	simm.s32 $_size__tile_overlayer_lowered;
	s5 =	simm.s32 $_tile_overlayer_lowered  }
0x9b: {  	s22 =	simm.s32 $0x1BFF;
	s21 =	sshll.u32 s5, $0x1;
	s2 =	sadd.s32 s19, s18  }
0x9c: {  	s6 =	simm.s32 $0x0;
	s20 =	sshll.u32 s4, $0x1;
	s4 =	sadd.s32 s21, s2  }
0x9d: {  	[timem:s6], [sflag:s22] =	dma.local [hbm:s4], s20  }
0x9e: {  	_ =	swait.ge [sflag:s22], s20  }
0x9f: {  	s3 =	ssub.s32 $0x0, s20;
	[sflag:s22] =	ssyncset.done $0x0  }
0xa0: {  	[sflag:s22] =	ssyncadd.s32 s3;
	_ =	sdelay $0x1  }
0xa1: {  	s23 =	simm.s32 $0x1B8B  }
0xa2: {  	_ =	swait.ge [sflag:s23], $0x1  }
0xa3: {  	[sflag:s23] =	ssyncset.done $0x0  }
0xa4: {  	s25 =	simm.s32 $0x1B8E;
	s24 =	sld [smem:$0x3FFE];
	[sflag:s23] =	ssyncadd.s32 $0xFFFFFFFF  }
0xa5: {  	s26 =	simm.s32 $execute0_lowered;
	[smem:$0x3FD2] =	sst s25  }
0xa6: {  	s4 =	sshll.u32 s26, $0x1;
	_ =	strace $0x8000004C;
	[dreg:$0x1] =	wrdreg $0xFFFFFFFF  }
0xa7: {  	s28 =	simm.s32 $_size_execute0_lowered;
	s2 =	sadd.s32 s2, s4;
	[dreg:$0x0] =	wrdreg $0x0  }
0xa8: {  	s4 =	sshll.u32 s28, $0x1;
	[dreg:$0x2] =	wrdreg s2  }
0xa9: {  	[dreg:$0x3] =	wrdreg s4  }
0xaa: {  	[dreg:$0x4] =	wrdreg $0xC0  }
0xab: {  	_ =	task [dreg:s6], $0x5FFFF  }
0xac: {  	[dreg:$0x1] =	wrdreg $0xFFFFFFFF  }
0xad: {  	[dreg:$0x0] =	wrdreg $0x60  }
0xae: {  	[dreg:$0x2] =	wrdreg s24  }
0xaf: {  	[dreg:$0x3] =	wrdreg $0x15B800  }
0xb0: {  	[dreg:$0x4] =	wrdreg $0x9  }
0xb1: {  	_ =	task.clear_ibuf [dreg:s6], $0x5FFFF;
	_ =	strace $0x9000004C  }
0xb2: {  	s29 =	simm.s32 $0x9;
	_ =	strace $0x8000004E  }
0xb3: {  	_ =	swait.ge [sflag:s29], $0x1  }
0xb4: {  	[sflag:s29] =	ssyncadd.s32 $0xFFFFFFFF  }
0xb5: {  	_ =	strace $0x9000004E  }
0xb6: {  	_ =	sfence  }
0xb7: {  	s30 =	sld [smem:$0x0];
	_ =	sdelay $0x2  }
0xb8: {  	s31 =	sshll.u32 s1, $0xD;
	s1 =	sshrl.u32 s1, $0x2  }
0xb9: {  	s3 =	sand.u32 $0x4000, s31;
	s1 =	sadd.s32 s1, s30  }
0xba: {  	s0 =	sor.u32 s3, s0;
	s1 =	sshll.u32 s1, $0x11  }
0xbb: {  	s0 =	sor.u32 s1, s0  }
0xbc: {  	s0 =	sadd.s32 $0x8F2B, s0  }
0xbd: {  	[sflag:s0] =	ssyncadd.remote.s32 $0x1  }
0xbe: {  	_ =	sfence.sel $0xFFFF  }
0xbf: {  	[dreg:$0x0] =	wrdreg $0xFFFFFFFF;
	(pc) =	sbr.abs _section_cstart, $3  }
0xc0: {  	[dreg:$0x1] =	wrdreg $0xFFFFFFFF  }
0xc1: {  	_ =	task.clear_ibuf [dreg:s6], $0x2FFFF;
	_ =	strace $0x9FFFFFFF  }
0xc2: {  	(tm) =	ssettm $0x7FFFFFFF  }
0xc3: {  	_ =	shalt  }
tec
execute0_lowered:
.L_overlay_start_1:
0x0: {  	(tag) =	ssettag $0x1  }
0x1: {  	s0 =	rddreg [dreg:$0x0]  }
0x2: {  	s2 =	rddreg [dreg:$0x1]  }
0x3: {  	s10 =	stileid.u32;
	s4 =	simm.s32 $0x0;
	s3 =	srdreg.scid  }
0x4: {  	s17 =	simm.s32 $0x7D;
	s18 =	simm.s32 $0xA000;
	s20 =	simm.s32 $0xBF40  }
0x5: {  	s22 =	simm.s32 $0xDE80;
	s28 =	simm.s32 $0x11D00;
	s30 =	simm.s32 $0x13C40  }
0x6: {  	s31 =	simm.s32 $0xD;
	s21 =	simm.s32 $0x3;
	s29 =	simm.s32 $0x4  }
0x7: {  	s19 =	simm.s32 $0x8;
	s14 =	simm.s32 $0xA;
	s11 =	simm.s32 $0xB  }
0x8: {  	s1 =	smul.u32 $0xA00, s10;
	[smem:$0x7FF] =	sst s4;
	s3 =	sand.u32 $0x1, s3  }
0x9: {  	s4 =	sadd.s32 $0x3F000, s0;
	s7 =	smul.u32 $0x9C00, s10;
	s6 =	sshll.u32 s10, $0x6  }
0xa: {  	s8 =	sadd.s32 $0x9C000, s2;
	p0 =	sne.s32 s10, $0xF;
	s10 =	simm.s32 $0x10  }
0xb: {  	_ =	strace $0x8000004D;
	s5 =	smul.u32 $0x13880, s3;
	s3 =	ssub.s32 $0x2, s3  }
0xc: {  	[dreg:$0x3] =	wrdreg s6;
	s6 =	sor.u32 $0x1C0D, s6;
	s13 =	sshrl.u32 @!p0 s8, $0x3  }
0xd: {  	s8 =	simm.s32 $0x6;
	s1 =	sadd.s32 s1, s0;
	s23 =	sshrl.u32 s3, $0x1  }
0xe: {  	s24 =	sadd.s32 s7, s2;
	s26 =	sshrl.u32 s7, $0x3;
	s7 =	simm.s32 $0x9  }
0xf: {  	s0 =	sadd.s32 s5, s0;
	s3 =	ssub.s32 s3, s23;
	s9 =	sadd.s32 $0xDE00, s1  }
0x10: {  	s1 =	sadd.s32 $0x3E00, s1;
	s12 =	sshrl.u32 s24, $0x3;
	s24 =	simm.s32 $0xFDC0  }
0x11: {  	s23 =	simm.s32 $0x5;
	s5 =	simm.s32 $0xC;
	[dreg:$0x4] =	wrdreg s9  }
0x12: {  	[dreg:$0x5] =	wrdreg s1;
	s9 =	sadd.s32 $0x17E00, s0;
	s3 =	smax.u32 s3, $0x1  }
0x13: {  	s25 =	sadd.s32 $0x40400, s0;
	s1 =	simm.s32 $0x2;
	[dreg:$0x7] =	wrdreg s3  }
0x14: {  	[dreg:$0x6] =	wrdreg s25;
	s0 =	sadd.s32 s26, s25;
	s26 =	simm.s32 $0x7  }
0x15: {  	s25 =	simm.s32 $0x0;
	[dreg:$0x8] =	wrdreg s0;
	s0 =	simm.s32 $0x1  }
.LBB2_1:
0x16: {  	[spmem:s12], [sflag:s6] =	dma.local [hbm:s4], $0x1380  }
0x17: {  	[spmem:s13], [sflag:s6] =	dma.local @!p0 [hbm:s4], $0x80  }
0x18: {  	s3 =	simm.s32 $0x0;
	s15 =	rddreg [dreg:$0x4]  }
0x19: {  	[tilespmem:s3], [sflag:$0xE] =	stream.linear.gather [hbm4b:s15+s3], $0x5000, $0x38;
	[tilespmem:$0x1F7C0] =	vst v63  }
0x1a: {  	s16 =	simm.s32 $0x5000;
	s15 =	rddreg [dreg:$0x5]  }
0x1b: {  	[tilespmem:s16], [sflag:$0xF] =	stream.linear.gather [hbm4b:s15+s3], $0x5000, $0x38;
	[tilespmem:$0x1F7C0] =	vst v63  }
0x1c: {  	s15 =	simm.s32 $0xE  }
0x1d: {  	_ =	swait.ge [sflag:s15], $0x5000  }
0x1e: {  	[sflag:s15] =	ssyncset.done $0x0  }
0x1f: {  	[sflag:s15] =	ssyncadd.s32 $0xFFFFB000;
	s15 =	simm.s32 $0xF  }
0x20: {  	_ =	swait.ge [sflag:s15], $0x5000  }
0x21: {  	[sflag:s15] =	ssyncset.done $0x0  }
0x22: {  	[sflag:s15] =	ssyncadd.s32 $0xFFFFB000  }
0x23: {  	[tilespmem:s18], [sflag:$0x1] =	stream.indirect.gather [hbm4b:s9+s17], $0x40, s3, s17, $0xb8;
	[tilespmem:$0x1F7C0] =	vst v63  }
0x24: {  	s15 =	simm.s32 $0x80  }
0x25: {  	[tilespmem:s20], [sflag:$0x2] =	stream.indirect.gather [hbm4b:s9+s17], $0x40, s15, s17, $0xb8;
	[tilespmem:$0x1F7C0] =	vst v63  }
0x26: {  	s15 =	simm.s32 $0x100  }
0x27: {  	[tilespmem:s22], [sflag:$0x3] =	stream.indirect.gather [hbm4b:s9+s17], $0x40, s15, s17, $0xb8;
	[tilespmem:$0x1F7C0] =	vst v63  }
0x28: {  	s15 =	simm.s32 $0x180  }
0x29: {  	[tilespmem:s24], [sflag:$0x4] =	stream.indirect.gather [hbm4b:s9+s17], $0x40, s15, s17, $0xb8;
	[tilespmem:$0x1F7C0] =	vst v63  }
0x2a: {  	s15 =	simm.s32 $0x200  }
0x2b: {  	[tilespmem:s28], [sflag:$0x5] =	stream.indirect.gather [hbm4b:s9+s17], $0x40, s15, s17, $0xb8;
	[tilespmem:$0x1F7C0] =	vst v63  }
0x2c: {  	s15 =	simm.s32 $0x280  }
0x2d: {  	[tilespmem:s30], [sflag:$0x6] =	stream.indirect.gather [hbm4b:s9+s17], $0x40, s15, s17, $0xb8;
	[tilespmem:$0x1F7C0] =	vst v63  }
0x2e: {  	_ =	swait.ge [sflag:s31], $0x1380  }
0x2f: {  	[sflag:s31] =	ssyncset.done $0x0  }
0x30: {  	s3 =	simm.s32 @!p0 $0xD;
	[sflag:s31] =	ssyncadd.s32 $0xFFFFEC80  }
0x31: {  	_ =	swait.ge @!p0 [sflag:s3], $0x80  }
0x32: {  	[sflag:s3] =	ssyncset.done @!p0 $0x0  }
0x33: {  	[sflag:s3] =	ssyncadd.s32 @!p0 $0xFFFFFF80  }
0x34: {  	[bflag:$0x0] =	sbarrier.arrive $0xFFFF  }
0x35: {  	_ =	swait.ge [sflag:s0], $0x1F40  }
0x36: {  	[sflag:s0] =	ssyncset.done $0x0  }
0x37: {  	[sflag:s0] =	ssyncadd.s32 $0xFFFFE0C0  }
0x38: {  	[spmem:s2] =	stream.indirect.scatter.add.f32 [tilespmem:s18], [sflag:$0x7], $0x40, s16, s17, $0xb8;
	[tilespmem:$0x1F7C0] =	vst v63  }
0x39: {  	_ =	swait.ge [sflag:s1], $0x1F40  }
0x3a: {  	[sflag:s1] =	ssyncset.done $0x0  }
0x3b: {  	s16 =	simm.s32 $0x5080;
	[sflag:s1] =	ssyncadd.s32 $0xFFFFE0C0  }
0x3c: {  	[spmem:s2] =	stream.indirect.scatter.add.f32 [tilespmem:s20], [sflag:$0x8], $0x40, s16, s17, $0xb8;
	[tilespmem:$0x1F7C0] =	vst v63  }
0x3d: {  	_ =	swait.ge [sflag:s21], $0x1F40  }
0x3e: {  	[sflag:s21] =	ssyncset.done $0x0  }
0x3f: {  	s15 =	simm.s32 $0x5100;
	[sflag:s21] =	ssyncadd.s32 $0xFFFFE0C0  }
0x40: {  	[spmem:s2] =	stream.indirect.scatter.add.f32 [tilespmem:s22], [sflag:$0x9], $0x40, s15, s17, $0xb8;
	[tilespmem:$0x1F7C0] =	vst v63  }
0x41: {  	_ =	swait.ge [sflag:s26], $0x1F40  }
0x42: {  	[sflag:s26] =	ssyncset.done $0x0  }
0x43: {  	s16 =	simm.s32 $0x300;
	[sflag:s26] =	ssyncadd.s32 $0xFFFFE0C0  }
0x44: {  	[tilespmem:s18], [sflag:$0x1] =	stream.indirect.gather [hbm4b:s9+s17], $0x40, s16, s17, $0xb8;
	[tilespmem:$0x1F7C0] =	vst v63  }
0x45: {  	_ =	swait.ge [sflag:s29], $0x1F40  }
0x46: {  	[sflag:s29] =	ssyncset.done $0x0  }
0x47: {  	s15 =	simm.s32 $0x5180;
	[sflag:s29] =	ssyncadd.s32 $0xFFFFE0C0  }
0x48: {  	[spmem:s2] =	stream.indirect.scatter.add.f32 [tilespmem:s24], [sflag:$0xA], $0x40, s15, s17, $0xb8;
	[tilespmem:$0x1F7C0] =	vst v63  }
0x49: {  	_ =	swait.ge [sflag:s19], $0x1F40  }
0x4a: {  	[sflag:s19] =	ssyncset.done $0x0  }
0x4b: {  	s16 =	simm.s32 $0x380;
	[sflag:s19] =	ssyncadd.s32 $0xFFFFE0C0  }
0x4c: {  	[tilespmem:s20], [sflag:$0x2] =	stream.indirect.gather [hbm4b:s9+s17], $0x40, s16, s17, $0xb8;
	[tilespmem:$0x1F7C0] =	vst v63  }
0x4d: {  	_ =	swait.ge [sflag:s23], $0x1F40  }
0x4e: {  	[sflag:s23] =	ssyncset.done $0x0  }
0x4f: {  	s15 =	simm.s32 $0x5200;
	[sflag:s23] =	ssyncadd.s32 $0xFFFFE0C0  }
0x50: {  	[spmem:s2] =	stream.indirect.scatter.add.f32 [tilespmem:s28], [sflag:$0xB], $0x40, s15, s17, $0xb8;
	[tilespmem:$0x1F7C0] =	vst v63  }
0x51: {  	_ =	swait.ge [sflag:s7], $0x1F40  }
0x52: {  	[sflag:s7] =	ssyncset.done $0x0  }
0x53: {  	s16 =	simm.s32 $0x400;
	[sflag:s7] =	ssyncadd.s32 $0xFFFFE0C0  }
0x54: {  	[tilespmem:s22], [sflag:$0x3] =	stream.indirect.gather [hbm4b:s9+s17], $0x40, s16, s17, $0xb8;
	[tilespmem:$0x1F7C0] =	vst v63  }
0x55: {  	_ =	swait.ge [sflag:s8], $0x1F40  }
0x56: {  	[sflag:s8] =	ssyncset.done $0x0  }
0x57: {  	s15 =	simm.s32 $0x5280;
	[sflag:s8] =	ssyncadd.s32 $0xFFFFE0C0  }
0x58: {  	[spmem:s2] =	stream.indirect.scatter.add.f32 [tilespmem:s30], [sflag:$0xC], $0x40, s15, s17, $0xb8;
	[tilespmem:$0x1F7C0] =	vst v63  }
0x59: {  	_ =	swait.ge [sflag:s14], $0x1F40  }
0x5a: {  	[sflag:s14] =	ssyncset.done $0x0  }
0x5b: {  	s16 =	simm.s32 $0x480;
	[sflag:s14] =	ssyncadd.s32 $0xFFFFE0C0  }
0x5c: {  	[tilespmem:s24], [sflag:$0x4] =	stream.indirect.gather [hbm4b:s9+s17], $0x40, s16, s17, $0xb8;
	[tilespmem:$0x1F7C0] =	vst v63  }
0x5d: {  	_ =	swait.ge [sflag:s0], $0x1F40  }
0x5e: {  	[sflag:s0] =	ssyncset.done $0x0  }
0x5f: {  	s15 =	simm.s32 $0x5300;
	[sflag:s0] =	ssyncadd.s32 $0xFFFFE0C0  }
0x60: {  	[spmem:s2] =	stream.indirect.scatter.add.f32 [tilespmem:s18], [sflag:$0x7], $0x40, s15, s17, $0xb8;
	[tilespmem:$0x1F7C0] =	vst v63  }
0x61: {  	_ =	swait.ge [sflag:s11], $0x1F40  }
0x62: {  	[sflag:s11] =	ssyncset.done $0x0  }
0x63: {  	s16 =	simm.s32 $0x500;
	[sflag:s11] =	ssyncadd.s32 $0xFFFFE0C0  }
0x64: {  	[tilespmem:s28], [sflag:$0x5] =	stream.indirect.gather [hbm4b:s9+s17], $0x40, s16, s17, $0xb8;
	[tilespmem:$0x1F7C0] =	vst v63  }
0x65: {  	_ =	swait.ge [sflag:s1], $0x1F40  }
0x66: {  	[sflag:s1] =	ssyncset.done $0x0  }
0x67: {  	s15 =	simm.s32 $0x5380;
	[sflag:s1] =	ssyncadd.s32 $0xFFFFE0C0  }
0x68: {  	[spmem:s2] =	stream.indirect.scatter.add.f32 [tilespmem:s20], [sflag:$0x8], $0x40, s15, s17, $0xb8;
	[tilespmem:$0x1F7C0] =	vst v63  }
0x69: {  	_ =	swait.ge [sflag:s5], $0x1F40  }
0x6a: {  	[sflag:s5] =	ssyncset.done $0x0  }
0x6b: {  	s16 =	simm.s32 $0x580;
	[sflag:s5] =	ssyncadd.s32 $0xFFFFE0C0  }
0x6c: {  	[tilespmem:s30], [sflag:$0x6] =	stream.indirect.gather [hbm4b:s9+s17], $0x40, s16, s17, $0xb8;
	[tilespmem:$0x1F7C0] =	vst v63  }
0x6d: {  	_ =	swait.ge [sflag:s21], $0x1F40  }
0x6e: {  	[sflag:s21] =	ssyncset.done $0x0  }
0x6f: {  	s3 =	simm.s32 $0xC00;
	s15 =	simm.s32 $0x5400;
	[sflag:s21] =	ssyncadd.s32 $0xFFFFE0C0  }
.LBB2_2:
0x70: {  	[spmem:s2] =	stream.indirect.scatter.add.f32 [tilespmem:s22], [sflag:$0x9], $0x40, s15, s17, $0xb8;
	[tilespmem:$0x1F7C0] =	vst v63  }
0x71: {  	s15 =	smov.u32 s3  }
0x72: {  	p1 =	sne.s32 s3, $0x12000;
	s3 =	sadd.s32 $0xC00, s3;
	_ =	swait.ge [sflag:s26], $0x1F40  }
0x73: {  	s15 =	sshra.s32 s15, $0x2;
	[sflag:s26] =	ssyncset.done $0x0  }
0x74: {  	s16 =	sadd.s32 $0x300, s15;
	[sflag:s26] =	ssyncadd.s32 $0xFFFFE0C0  }
0x75: {  	[tilespmem:s18], [sflag:$0x1] =	stream.indirect.gather [hbm4b:s9+s17], $0x40, s16, s17, $0xb8;
	[tilespmem:$0x1F7C0] =	vst v63  }
0x76: {  	_ =	swait.ge [sflag:s29], $0x1F40  }
0x77: {  	[sflag:s29] =	ssyncset.done $0x0  }
0x78: {  	s16 =	sadd.s32 $0x5180, s15;
	[sflag:s29] =	ssyncadd.s32 $0xFFFFE0C0  }
0x79: {  	[spmem:s2] =	stream.indirect.scatter.add.f32 [tilespmem:s24], [sflag:$0xA], $0x40, s16, s17, $0xb8;
	[tilespmem:$0x1F7C0] =	vst v63  }
0x7a: {  	_ =	swait.ge [sflag:s19], $0x1F40  }
0x7b: {  	[sflag:s19] =	ssyncset.done $0x0  }
0x7c: {  	s16 =	sadd.s32 $0x380, s15;
	[sflag:s19] =	ssyncadd.s32 $0xFFFFE0C0  }
0x7d: {  	[tilespmem:s20], [sflag:$0x2] =	stream.indirect.gather [hbm4b:s9+s17], $0x40, s16, s17, $0xb8;
	[tilespmem:$0x1F7C0] =	vst v63  }
0x7e: {  	_ =	swait.ge [sflag:s23], $0x1F40  }
0x7f: {  	[sflag:s23] =	ssyncset.done $0x0  }
0x80: {  	s16 =	sadd.s32 $0x5200, s15;
	[sflag:s23] =	ssyncadd.s32 $0xFFFFE0C0  }
0x81: {  	[spmem:s2] =	stream.indirect.scatter.add.f32 [tilespmem:s28], [sflag:$0xB], $0x40, s16, s17, $0xb8;
	[tilespmem:$0x1F7C0] =	vst v63  }
0x82: {  	_ =	swait.ge [sflag:s7], $0x1F40  }
0x83: {  	[sflag:s7] =	ssyncset.done $0x0  }
0x84: {  	s16 =	sadd.s32 $0x400, s15;
	[sflag:s7] =	ssyncadd.s32 $0xFFFFE0C0  }
0x85: {  	[tilespmem:s22], [sflag:$0x3] =	stream.indirect.gather [hbm4b:s9+s17], $0x40, s16, s17, $0xb8;
	[tilespmem:$0x1F7C0] =	vst v63  }
0x86: {  	_ =	swait.ge [sflag:s8], $0x1F40  }
0x87: {  	[sflag:s8] =	ssyncset.done $0x0  }
0x88: {  	s16 =	sadd.s32 $0x5280, s15;
	[sflag:s8] =	ssyncadd.s32 $0xFFFFE0C0  }
0x89: {  	[spmem:s2] =	stream.indirect.scatter.add.f32 [tilespmem:s30], [sflag:$0xC], $0x40, s16, s17, $0xb8;
	[tilespmem:$0x1F7C0] =	vst v63  }
0x8a: {  	_ =	swait.ge [sflag:s14], $0x1F40  }
0x8b: {  	[sflag:s14] =	ssyncset.done $0x0  }
0x8c: {  	s16 =	sadd.s32 $0x480, s15;
	[sflag:s14] =	ssyncadd.s32 $0xFFFFE0C0  }
0x8d: {  	[tilespmem:s24], [sflag:$0x4] =	stream.indirect.gather [hbm4b:s9+s17], $0x40, s16, s17, $0xb8;
	[tilespmem:$0x1F7C0] =	vst v63  }
0x8e: {  	_ =	swait.ge [sflag:s0], $0x1F40  }
0x8f: {  	[sflag:s0] =	ssyncset.done $0x0  }
0x90: {  	s16 =	sadd.s32 $0x5300, s15;
	[sflag:s0] =	ssyncadd.s32 $0xFFFFE0C0  }
0x91: {  	[spmem:s2] =	stream.indirect.scatter.add.f32 [tilespmem:s18], [sflag:$0x7], $0x40, s16, s17, $0xb8;
	[tilespmem:$0x1F7C0] =	vst v63  }
0x92: {  	_ =	swait.ge [sflag:s11], $0x1F40  }
0x93: {  	[sflag:s11] =	ssyncset.done $0x0  }
0x94: {  	s16 =	sadd.s32 $0x500, s15;
	[sflag:s11] =	ssyncadd.s32 $0xFFFFE0C0  }
0x95: {  	[tilespmem:s28], [sflag:$0x5] =	stream.indirect.gather [hbm4b:s9+s17], $0x40, s16, s17, $0xb8;
	[tilespmem:$0x1F7C0] =	vst v63  }
0x96: {  	_ =	swait.ge [sflag:s1], $0x1F40  }
0x97: {  	[sflag:s1] =	ssyncset.done $0x0  }
0x98: {  	s16 =	sadd.s32 $0x5380, s15;
	[sflag:s1] =	ssyncadd.s32 $0xFFFFE0C0  }
0x99: {  	[spmem:s2] =	stream.indirect.scatter.add.f32 [tilespmem:s20], [sflag:$0x8], $0x40, s16, s17, $0xb8;
	[tilespmem:$0x1F7C0] =	vst v63  }
0x9a: {  	_ =	swait.ge [sflag:s5], $0x1F40  }
0x9b: {  	[sflag:s5] =	ssyncset.done $0x0  }
.Ltmp0:
0x9c: {  	s16 =	sadd.s32 $0x580, s15;
	[sflag:s5] =	ssyncadd.s32 $0xFFFFE0C0;
	(pc) =	sbr.rel @p1 .LBB2_2-.Ltmp0, $4  }
0x9d: {  	[tilespmem:s30], [sflag:$0x6] =	stream.indirect.gather [hbm4b:s9+s17], $0x40, s16, s17, $0xb8;
	[tilespmem:$0x1F7C0] =	vst v63  }
0x9e: {  	_ =	swait.ge [sflag:s21], $0x1F40  }
0x9f: {  	[sflag:s21] =	ssyncset.done $0x0  }
0xa0: {  	s15 =	sadd.s32 $0x5400, s15;
	[sflag:s21] =	ssyncadd.s32 $0xFFFFE0C0  }
0xa1: {  	[spmem:s2] =	stream.indirect.scatter.add.f32 [tilespmem:s22], [sflag:$0x9], $0x40, s15, s17, $0xb8;
	[tilespmem:$0x1F7C0] =	vst v63  }
0xa2: {  	_ =	swait.ge [sflag:s26], $0x1F40  }
0xa3: {  	[sflag:s26] =	ssyncset.done $0x0  }
0xa4: {  	s3 =	simm.s32 $0x4E00;
	[sflag:s26] =	ssyncadd.s32 $0xFFFFE0C0  }
0xa5: {  	[tilespmem:s18], [sflag:$0x1] =	stream.indirect.gather [hbm4b:s9+s17], $0x40, s3, s17, $0xb8;
	[tilespmem:$0x1F7C0] =	vst v63  }
0xa6: {  	_ =	swait.ge [sflag:s29], $0x1F40  }
0xa7: {  	[sflag:s29] =	ssyncset.done $0x0  }
0xa8: {  	s15 =	simm.s32 $0x9C80;
	[sflag:s29] =	ssyncadd.s32 $0xFFFFE0C0  }
0xa9: {  	[spmem:s2] =	stream.indirect.scatter.add.f32 [tilespmem:s24], [sflag:$0xA], $0x40, s15, s17, $0xb8;
	[tilespmem:$0x1F7C0] =	vst v63  }
0xaa: {  	_ =	swait.ge [sflag:s19], $0x1F40  }
0xab: {  	[sflag:s19] =	ssyncset.done $0x0  }
0xac: {  	s16 =	simm.s32 $0x4E80;
	[sflag:s19] =	ssyncadd.s32 $0xFFFFE0C0  }
0xad: {  	[tilespmem:s20], [sflag:$0x2] =	stream.indirect.gather [hbm4b:s9+s17], $0x40, s16, s17, $0xb8;
	[tilespmem:$0x1F7C0] =	vst v63  }
0xae: {  	_ =	swait.ge [sflag:s23], $0x1F40  }
0xaf: {  	[sflag:s23] =	ssyncset.done $0x0  }
0xb0: {  	s15 =	simm.s32 $0x9D00;
	[sflag:s23] =	ssyncadd.s32 $0xFFFFE0C0  }
0xb1: {  	[spmem:s2] =	stream.indirect.scatter.add.f32 [tilespmem:s28], [sflag:$0xB], $0x40, s15, s17, $0xb8;
	[tilespmem:$0x1F7C0] =	vst v63  }
0xb2: {  	_ =	swait.ge [sflag:s7], $0x1F40  }
0xb3: {  	[sflag:s7] =	ssyncset.done $0x0  }
0xb4: {  	s16 =	simm.s32 $0x4F00;
	[sflag:s7] =	ssyncadd.s32 $0xFFFFE0C0  }
0xb5: {  	[tilespmem:s22], [sflag:$0x3] =	stream.indirect.gather [hbm4b:s9+s17], $0x40, s16, s17, $0xb8;
	[tilespmem:$0x1F7C0] =	vst v63  }
0xb6: {  	_ =	swait.ge [sflag:s8], $0x1F40  }
0xb7: {  	[sflag:s8] =	ssyncset.done $0x0  }
0xb8: {  	s15 =	simm.s32 $0x9D80;
	[sflag:s8] =	ssyncadd.s32 $0xFFFFE0C0  }
0xb9: {  	[spmem:s2] =	stream.indirect.scatter.add.f32 [tilespmem:s30], [sflag:$0xC], $0x40, s15, s17, $0xb8;
	[tilespmem:$0x1F7C0] =	vst v63  }
0xba: {  	_ =	swait.ge [sflag:s14], $0x1F40  }
0xbb: {  	[sflag:s14] =	ssyncset.done $0x0  }
0xbc: {  	s16 =	simm.s32 $0x4F80;
	[sflag:s14] =	ssyncadd.s32 $0xFFFFE0C0  }
0xbd: {  	[tilespmem:s24], [sflag:$0x4] =	stream.indirect.gather [hbm4b:s9+s17], $0x40, s16, s17, $0xb8;
	[tilespmem:$0x1F7C0] =	vst v63  }
0xbe: {  	_ =	swait.ge [sflag:s0], $0x1F40  }
0xbf: {  	[sflag:s0] =	ssyncset.done $0x0  }
0xc0: {  	s15 =	simm.s32 $0x9E00;
	[sflag:s0] =	ssyncadd.s32 $0xFFFFE0C0  }
0xc1: {  	[spmem:s2] =	stream.indirect.scatter.add.f32 [tilespmem:s18], [sflag:$0x7], $0x40, s15, s17, $0xb8;
	[tilespmem:$0x1F7C0] =	vst v63  }
0xc2: {  	_ =	swait.ge [sflag:s1], $0x1F40  }
0xc3: {  	[sflag:s1] =	ssyncset.done $0x0  }
0xc4: {  	s16 =	simm.s32 $0x9E80;
	[sflag:s1] =	ssyncadd.s32 $0xFFFFE0C0  }
0xc5: {  	[spmem:s2] =	stream.indirect.scatter.add.f32 [tilespmem:s20], [sflag:$0x8], $0x40, s16, s17, $0xb8;
	[tilespmem:$0x1F7C0] =	vst v63  }
0xc6: {  	_ =	swait.ge [sflag:s21], $0x1F40  }
0xc7: {  	[sflag:s21] =	ssyncset.done $0x0  }
0xc8: {  	s15 =	simm.s32 $0x9F00;
	[sflag:s21] =	ssyncadd.s32 $0xFFFFE0C0  }
0xc9: {  	[spmem:s2] =	stream.indirect.scatter.add.f32 [tilespmem:s22], [sflag:$0x9], $0x40, s15, s17, $0xb8;
	[tilespmem:$0x1F7C0] =	vst v63  }
0xca: {  	_ =	swait.ge [sflag:s29], $0x1F40  }
0xcb: {  	[sflag:s29] =	ssyncset.done $0x0  }
0xcc: {  	s16 =	simm.s32 $0x9F80;
	[sflag:s29] =	ssyncadd.s32 $0xFFFFE0C0  }
0xcd: {  	[spmem:s2] =	stream.indirect.scatter.add.f32 [tilespmem:s24], [sflag:$0xA], $0x40, s16, s17, $0xb8;
	[tilespmem:$0x1F7C0] =	vst v63  }
0xce: {  	_ =	swait.ge [sflag:s26], $0x1F40  }
0xcf: {  	[sflag:s26] =	ssyncset.done $0x0  }
0xd0: {  	[sflag:s26] =	ssyncadd.s32 $0xFFFFE0C0  }
0xd1: {  	_ =	swait.ge [sflag:s19], $0x1F40  }
0xd2: {  	[sflag:s19] =	ssyncset.done $0x0  }
0xd3: {  	[sflag:s19] =	ssyncadd.s32 $0xFFFFE0C0  }
0xd4: {  	_ =	swait.ge [sflag:s7], $0x1F40  }
0xd5: {  	[sflag:s7] =	ssyncset.done $0x0  }
0xd6: {  	[sflag:s7] =	ssyncadd.s32 $0xFFFFE0C0  }
0xd7: {  	_ =	swait.ge [sflag:s14], $0x1F40  }
0xd8: {  	[sflag:s14] =	ssyncset.done $0x0  }
0xd9: {  	[sflag:s14] =	ssyncadd.s32 $0xFFFFE0C0  }
0xda: {  	_ =	swait.ge [sflag:s11], $0x1F40  }
0xdb: {  	[sflag:s11] =	ssyncset.done $0x0  }
0xdc: {  	[sflag:s11] =	ssyncadd.s32 $0xFFFFE0C0  }
0xdd: {  	_ =	swait.ge [sflag:s5], $0x1F40  }
0xde: {  	[sflag:s5] =	ssyncset.done $0x0  }
0xdf: {  	[sflag:s5] =	ssyncadd.s32 $0xFFFFE0C0  }
0xe0: {  	[bflag:$0x0] =	sbarrier.arrive $0xFFFF  }
0xe1: {  	s15 =	rddreg [dreg:$0x3]  }
0xe2: {  	s16 =	rddreg [dreg:$0x8];
	s3 =	sor.u32 $0x1C10, s15  }
0xe3: {  	[hbm:s16], [sflag:s3] =	dma.local [spmem:s12], $0x1380  }
0xe4: {  	_ =	swait.ge [sflag:s10], $0x1380  }
0xe5: {  	[sflag:s10] =	ssyncset.done $0x0;
	s15 =	rddreg [dreg:$0x6]  }
0xe6: {  	[sflag:s10] =	ssyncadd.s32 $0xFFFFEC80;
	s15 =	sadd.s32 @!p0 $0x13800, s15  }
0xe7: {  	[hbm:s15], [sflag:s3] =	dma.local @!p0 [spmem:s13], $0x80  }
0xe8: {  	s3 =	simm.s32 @!p0 $0x10  }
0xe9: {  	_ =	swait.ge @!p0 [sflag:s3], $0x80  }
0xea: {  	s25 =	sadd.s32 $0x1, s25;
	s16 =	rddreg [dreg:$0x7]  }
0xeb: {  	p1 =	sne.s32 s25, s16  }
.Ltmp1:
0xec: {  	_ = 	snop;
	(pc) =	sbr.rel @p1 .LBB2_1-.Ltmp1, $3  }
0xed: {  	_ =	sdelay $0x1  }
0xee: {  	[sflag:s3] =	ssyncset.done @!p0 $0x0  }
0xef: {  	[sflag:s3] =	ssyncadd.s32 @!p0 $0xFFFFFF80  }
0xf0: {  	_ =	sfence.sel $0x180000  }
0xf1: {  	[bflag:$0x0] =	sbarrier.arrive $0xFFFF  }
0xf2: {  	_ =	strace $0x9000004D  }
0xf3: {  	s0 =	stileid.u32;
	[bflag:$0x2] =	sbarrier.arrive $0xFFFF  }
0xf4: {  	p0 =	sne.s32 s0, $0x0;
	s0 =	rddreg [dreg:$0x2]  }
0xf5: {  	s0 =	sadd.s32 @!p0 $0x100000, s0  }
0xf6: {  	[sflag:s0] =	ssyncadd.tile.s32 @!p0 $0x1;
	_ =	shalt  }
.Lfunc_end2:
_tile_overlayer_lowered:
.L_overlay_start_2:
0xf7: {  	(tag) =	ssettag $0x2  }
0xf8: {  	s0 =	rddreg [dreg:$0x0];
	s2 =	stileid.u32  }
0xf9: {  	s1 =	rddreg [dreg:$0x1];
	p0 =	sne.s32 s2, $0x0  }
0xfa: {  	s3 =	rddreg [dreg:$0x2];
	[bflag:$0x3] =	sbarrier.arrive $0xFFFF;
	s2 =	simm.s32 @!p0 $0x1C10  }
0xfb: {  	[timem:s3], [sflag:s2] =	dma.local @!p0 [hbm:s0], s1  }
0xfc: {  	s0 =	simm.s32 @!p0 $0x10  }
0xfd: {  	_ =	swait.ge @!p0 [sflag:s0], s1  }
0xfe: {  	s1 =	ssub.s32 @!p0 $0x0, s1;
	[sflag:s0] =	ssyncset.done @!p0 $0x0  }
0xff: {  	[sflag:s0] =	ssyncadd.s32 @!p0 s1  }
0x100: {  	[bflag:$0x3] =	sbarrier.arrive $0xFFFF  }
0x101: {  	_ =	shalt  }

// kernel: kernel.9.cloned.1.call-start
scs
__scs_entry_jumppad:
0x0: {  	(pc) =	sbr.rel $0x88, $3  }
0x1: {  	(tag) =	ssettag $0x0;
	lr =	simm.s32 $0x1  }
0x2: {  	[smem:$0x3F90] =	sst lr;
	_ =	strace $0xD0000000  }
0x3: {  	_ = 	snop  }
0x4: {  	_ = 	snop  }
0x5: {  	_ = 	snop  }
0x6: {  	_ = 	snop  }
0x7: {  	_ = 	snop  }
__scs_overlays_trampoline_lowered:
0x8: {  	[smem:$0x3F9F] =	sst s0  }
0x9: {  	[smem:$0x3FA0] =	sst s1  }
0xa: {  	[smem:$0x3FA1] =	sst s2  }
0xb: {  	[smem:$0x3FA2] =	sst s3  }
0xc: {  	[smem:$0x3FA3] =	sst s4  }
0xd: {  	[smem:$0x3FA4] =	sst s5  }
0xe: {  	[smem:$0x3FA5] =	sst s6  }
0xf: {  	[smem:$0x3FA6] =	sst s7  }
0x10: {  	[smem:$0x3FA7] =	sst s8  }
0x11: {  	[smem:$0x3FA8] =	sst s9;
	s0 =	simm.s32 @!p0 $0x0  }
0x12: {  	s1 =	sld [smem:$0x3F8E];
	s0 =	simm.s32 @p0 $0x1  }
0x13: {  	[smem:$0x3FA9] =	sst s0;
	s0 =	simm.s32 @!p1 $0x0  }
0x14: {  	s2 =	sld [smem:$0x3F8D];
	s0 =	simm.s32 @p1 $0x1  }
0x15: {  	[smem:$0x3FAA] =	sst s0;
	s0 =	simm.s32 @!p2 $0x0  }
0x16: {  	s3 =	sld [smem:$0x3FDB];
	s0 =	simm.s32 @p2 $0x1  }
0x17: {  	s4 =	simm.s32 $0x1BF5;
	[smem:$0x3FAC] =	sst s0  }
0x18: {  	s0 =	sld [smem:$0x3F8F];
	_ =	swait.ge [sflag:s4], $0x0  }
0x19: {  	s7 =	sld [smem:$0x3F90]  }
0x1a: {  	s8 =	sadd.s32 $0xFFFFE003, lr  }
0x1b: {  	s9 =	sadd.s32 $0xFFFFFEF7, lr;
	s5 =	simm.s32 $0xFFFFFFFF;
	p2 =	slt.u32 s8, $0xFFFFF086  }
0x1c: {  	p1 =	slt.u32 s9, $0xF7A;
	s5 =	simm.s32 @!p2 $0x0  }
0x1d: {  	s5 =	simm.s32 @p1 $0x1;
	p0 =	seq.s32 s7, s2  }
0x1e: {  	s7 =	smul.u32 @!p0 $0xF7A, s2;
	p2 =	seq.s32 @!p0 s5, $0x0  }
0x1f: {  	s9 =	smul.u32 $0xF7A, s1;
	s8 =	simm.s32 @!p0 $0x1BF5;
	p2 =	por !p2, p0  }
0x20: {  	[sflag:s8] =	ssyncset.s32 @!p0 $0xFFFFF086;
	s6 =	sadd.s32 @!p0 s3, s7;
	s7 =	simm.s32 @!p0 $0x108  }
0x21: {  	s3 =	sadd.s32 s3, s9;
	s6 =	sadd.s32 @!p0 $0x88, s6;
	s7 =	simm.s32 @p2 $0x1082  }
0x22: {  	[simem:s7], [sflag:s8] =	dma.local @!p0 [hbm:s6], $0xF7A  }
0x23: {  	s9 =	sor.u32 $0xD0000000, s2;
	s6 =	simm.s32 $0x108;
	_ =	swait.ge @!p0 [sflag:s8], $0x0  }
0x24: {  	s3 =	sadd.s32 $0x88, s3;
	s6 =	simm.s32 @!p1 $0x1082;
	[sflag:s4] =	ssyncset.s32 $0xFFFFF086  }
0x25: {  	[simem:s6], [sflag:s4] =	dma.local [hbm:s3], $0xF7A  }
0x26: {  	[smem:$0x3F90] =	sst s1;
	(tag) =	ssettag s2;
	_ =	strace s9  }
0x27: {  	s1 =	sld [smem:$0x3FA0]  }
0x28: {  	s2 =	sld [smem:$0x3FA1]  }
0x29: {  	s4 =	sld [smem:$0x3FA3]  }
0x2a: {  	p0 =	seq.s32 s5, $0x0;
	s5 =	sld [smem:$0x3FA4]  }
0x2b: {  	s6 =	sld [smem:$0x3FA5]  }
0x2c: {  	s7 =	sld [smem:$0x3FA6]  }
0x2d: {  	s3 =	simm.s32 $0x108;
	s8 =	sld [smem:$0x3FA7]  }
0x2e: {  	s3 =	simm.s32 @!p0 $0x1082;
	s9 =	sld [smem:$0x3FA8]  }
0x2f: {  	lr =	sadd.s32 s0, s3;
	s0 =	sld [smem:$0x3F9F]  }
0x30: {  	s3 =	sld [smem:$0x3FA2]  }
0x31: {  	[smem:$0x3FAB] =	sst s10  }
0x32: {  	s10 =	sld [smem:$0x3FA9];
	_ =	sdelay $0x3  }
0x33: {  	p0 =	seq.s32 s10, $0x1;
	s10 =	sld [smem:$0x3FAB];
	_ =	sdelay $0x3  }
0x34: {  	[smem:$0x3FAB] =	sst s10  }
0x35: {  	s10 =	sld [smem:$0x3FAA];
	_ =	sdelay $0x3  }
0x36: {  	p1 =	seq.s32 s10, $0x1;
	s10 =	sld [smem:$0x3FAB];
	_ =	sdelay $0x3  }
0x37: {  	[smem:$0x3FAB] =	sst s10  }
0x38: {  	s10 =	sld [smem:$0x3FAC]  }
0x39: {  	_ = 	snop;
	(pc) =	sbr.ind lr, $3  }
0x3a: {  	_ = 	snop  }
0x3b: {  	_ = 	snop  }
0x3c: {  	p2 =	seq.s32 s10, $0x1;
	s10 =	sld [smem:$0x3FAB]  }
0x3d: {  	_ =	shalt  }
0x3e: {  	_ =	shalt  }
0x3f: {  	_ =	shalt  }
0x40: {  	_ =	shalt  }
0x41: {  	_ =	shalt  }
0x42: {  	_ =	shalt  }
0x43: {  	_ =	shalt  }
0x44: {  	_ =	shalt  }
0x45: {  	_ =	shalt  }
0x46: {  	_ =	shalt  }
0x47: {  	_ =	shalt  }
0x48: {  	_ =	shalt  }
0x49: {  	_ =	shalt  }
0x4a: {  	_ =	shalt  }
0x4b: {  	_ =	shalt  }
0x4c: {  	_ =	shalt  }
0x4d: {  	_ =	shalt  }
0x4e: {  	_ =	shalt  }
0x4f: {  	_ =	shalt  }
0x50: {  	_ =	shalt  }
0x51: {  	_ =	shalt  }
0x52: {  	_ =	shalt  }
0x53: {  	_ =	shalt  }
0x54: {  	_ =	shalt  }
0x55: {  	_ =	shalt  }
0x56: {  	_ =	shalt  }
0x57: {  	_ =	shalt  }
0x58: {  	_ =	shalt  }
0x59: {  	_ =	shalt  }
0x5a: {  	_ =	shalt  }
0x5b: {  	_ =	shalt  }
0x5c: {  	_ =	shalt  }
0x5d: {  	_ =	shalt  }
0x5e: {  	_ =	shalt  }
0x5f: {  	_ =	shalt  }
0x60: {  	_ =	shalt  }
0x61: {  	_ =	shalt  }
0x62: {  	_ =	shalt  }
0x63: {  	_ =	shalt  }
0x64: {  	_ =	shalt  }
0x65: {  	_ =	shalt  }
0x66: {  	_ =	shalt  }
0x67: {  	_ =	shalt  }
0x68: {  	_ =	shalt  }
0x69: {  	_ =	shalt  }
0x6a: {  	_ =	shalt  }
0x6b: {  	_ =	shalt  }
0x6c: {  	_ =	shalt  }
0x6d: {  	_ =	shalt  }
0x6e: {  	_ =	shalt  }
0x6f: {  	_ =	shalt  }
0x70: {  	_ =	shalt  }
0x71: {  	_ =	shalt  }
0x72: {  	_ =	shalt  }
0x73: {  	_ =	shalt  }
0x74: {  	_ =	shalt  }
0x75: {  	_ =	shalt  }
0x76: {  	_ =	shalt  }
0x77: {  	_ =	shalt  }
0x78: {  	_ =	shalt  }
0x79: {  	_ =	shalt  }
0x7a: {  	_ =	shalt  }
0x7b: {  	_ =	shalt  }
0x7c: {  	_ =	shalt  }
0x7d: {  	_ =	shalt  }
0x7e: {  	_ =	shalt  }
0x7f: {  	_ =	shalt  }
0x80: {  	_ =	shalt  }
0x81: {  	_ =	shalt  }
0x82: {  	_ =	shalt  }
0x83: {  	_ =	shalt  }
0x84: {  	_ =	shalt  }
0x85: {  	_ =	shalt  }
0x86: {  	_ =	shalt  }
0x87: {  	_ =	shalt  }
.Lfunc_end0:
.L_simem_size_0:
called_computation_lowered:
.L_overlay_start_0:
0x88: {  	s2 =	sld [smem:$0x3FD9]  }
0x89: {  	s3 =	sld [smem:$0x3FFE];
	_ =	sdelay $0x1  }
0x8a: {  	s1 =	srdreg.scid  }
0x8b: {  	s0 =	sand.u32 $0x1, s1  }
0x8c: {  	s16 =	sshll.u32 s0, $0xA;
	s2 =	sadd.s32 s3, s2  }
0x8d: {  	s2 =	sadd.s32 s2, s16  }
0x8e: {  	[smem:$0x3FB7] =	sst s2  }
0x8f: {  	_ = 	snop  }
0x90: {  	(tm) =	ssettm $0x1  }
0x91: {  	s17 =	sld [smem:$0x3FFB];
	_ =	sdelay $0x3  }
0x92: {  	_ =	strace s17  }
0x93: {  	s2 =	sld [smem:$0x3FFC];
	_ =	sdelay $0x3  }
0x94: {  	_ =	strace s2  }
0x95: {  	s2 =	sld [smem:$0x3FFD];
	_ =	sdelay $0x3  }
0x96: {  	_ =	strace s2  }
0x97: {  	_ =	strace $0x8FFFFFFF  }
0x98: {  	s18 =	sld [smem:$0x3FDB];
	_ =	sdelay $0x1  }
0x99: {  	s19 =	simm.s32 $_scs_section_size  }
0x9a: {  	s4 =	simm.s32 $_size__tile_overlayer_lowered;
	s5 =	simm.s32 $_tile_overlayer_lowered  }
0x9b: {  	s22 =	simm.s32 $0x1BFF;
	s21 =	sshll.u32 s5, $0x1;
	s2 =	sadd.s32 s19, s18  }
0x9c: {  	s6 =	simm.s32 $0x0;
	s20 =	sshll.u32 s4, $0x1;
	s4 =	sadd.s32 s21, s2  }
0x9d: {  	[timem:s6], [sflag:s22] =	dma.local [hbm:s4], s20  }
0x9e: {  	_ =	swait.ge [sflag:s22], s20  }
0x9f: {  	s3 =	ssub.s32 $0x0, s20;
	[sflag:s22] =	ssyncset.done $0x0  }
0xa0: {  	[sflag:s22] =	ssyncadd.s32 s3;
	_ =	sdelay $0x1  }
0xa1: {  	s23 =	simm.s32 $0x1B8B  }
0xa2: {  	_ =	swait.ge [sflag:s23], $0x1  }
0xa3: {  	[sflag:s23] =	ssyncset.done $0x0  }
0xa4: {  	s25 =	simm.s32 $0x1B8E;
	s24 =	sld [smem:$0x3FFE];
	[sflag:s23] =	ssyncadd.s32 $0xFFFFFFFF  }
0xa5: {  	s26 =	simm.s32 $execute0_lowered;
	[smem:$0x3FD2] =	sst s25  }
0xa6: {  	s4 =	sshll.u32 s26, $0x1;
	_ =	strace $0x80000046;
	[dreg:$0x1] =	wrdreg $0xFFFFFFFF  }
0xa7: {  	s28 =	simm.s32 $_size_execute0_lowered;
	s2 =	sadd.s32 s2, s4;
	[dreg:$0x0] =	wrdreg $0x0  }
0xa8: {  	s4 =	sshll.u32 s28, $0x1;
	[dreg:$0x2] =	wrdreg s2  }
0xa9: {  	[dreg:$0x3] =	wrdreg s4  }
0xaa: {  	[dreg:$0x4] =	wrdreg $0xC0  }
0xab: {  	_ =	task [dreg:s6], $0x5FFFF  }
0xac: {  	[dreg:$0x1] =	wrdreg $0xFFFFFFFF  }
0xad: {  	[dreg:$0x0] =	wrdreg $0x60  }
0xae: {  	[dreg:$0x2] =	wrdreg s24  }
0xaf: {  	[dreg:$0x3] =	wrdreg $0x15B800  }
0xb0: {  	[dreg:$0x4] =	wrdreg $0x9  }
0xb1: {  	_ =	task.clear_ibuf [dreg:s6], $0x5FFFF;
	_ =	strace $0x90000046  }
0xb2: {  	s29 =	simm.s32 $0x9;
	_ =	strace $0x80000048  }
0xb3: {  	_ =	swait.ge [sflag:s29], $0x1  }
0xb4: {  	[sflag:s29] =	ssyncadd.s32 $0xFFFFFFFF  }
0xb5: {  	_ =	strace $0x90000048  }
0xb6: {  	_ =	sfence  }
0xb7: {  	s30 =	sld [smem:$0x0];
	_ =	sdelay $0x2  }
0xb8: {  	s31 =	sshll.u32 s1, $0xD;
	s1 =	sshrl.u32 s1, $0x2  }
0xb9: {  	s3 =	sand.u32 $0x4000, s31;
	s1 =	sadd.s32 s1, s30  }
0xba: {  	s0 =	sor.u32 s3, s0;
	s1 =	sshll.u32 s1, $0x11  }
0xbb: {  	s0 =	sor.u32 s1, s0  }
0xbc: {  	s0 =	sadd.s32 $0x8F2B, s0  }
0xbd: {  	[sflag:s0] =	ssyncadd.remote.s32 $0x1  }
0xbe: {  	_ =	sfence.sel $0xFFFF  }
0xbf: {  	[dreg:$0x0] =	wrdreg $0xFFFFFFFF;
	(pc) =	sbr.abs _section_cstart, $3  }
0xc0: {  	[dreg:$0x1] =	wrdreg $0xFFFFFFFF  }
0xc1: {  	_ =	task.clear_ibuf [dreg:s6], $0x2FFFF;
	_ =	strace $0x9FFFFFFF  }
0xc2: {  	(tm) =	ssettm $0x7FFFFFFF  }
0xc3: {  	_ =	shalt  }
tec
execute0_lowered:
.L_overlay_start_1:
0x0: {  	(tag) =	ssettag $0x1  }
0x1: {  	s0 =	rddreg [dreg:$0x0]  }
0x2: {  	s2 =	rddreg [dreg:$0x1]  }
0x3: {  	s10 =	stileid.u32;
	s4 =	simm.s32 $0x0;
	s3 =	srdreg.scid  }
0x4: {  	s17 =	simm.s32 $0x7D;
	s18 =	simm.s32 $0xA000;
	s20 =	simm.s32 $0xBF40  }
0x5: {  	s22 =	simm.s32 $0xDE80;
	s28 =	simm.s32 $0x11D00;
	s30 =	simm.s32 $0x13C40  }
0x6: {  	s31 =	simm.s32 $0xD;
	s21 =	simm.s32 $0x3;
	s29 =	simm.s32 $0x4  }
0x7: {  	s19 =	simm.s32 $0x8;
	s14 =	simm.s32 $0xA;
	s11 =	simm.s32 $0xB  }
0x8: {  	s1 =	smul.u32 $0xA00, s10;
	[smem:$0x7FF] =	sst s4;
	s3 =	sand.u32 $0x1, s3  }
0x9: {  	s4 =	sadd.s32 $0x3F000, s0;
	s7 =	smul.u32 $0x9C00, s10;
	s6 =	sshll.u32 s10, $0x6  }
0xa: {  	s8 =	sadd.s32 $0x9C000, s2;
	p0 =	sne.s32 s10, $0xF;
	s10 =	simm.s32 $0x10  }
0xb: {  	_ =	strace $0x80000047;
	s5 =	smul.u32 $0x13880, s3;
	s3 =	ssub.s32 $0x2, s3  }
0xc: {  	[dreg:$0x3] =	wrdreg s6;
	s6 =	sor.u32 $0x1C0D, s6;
	s13 =	sshrl.u32 @!p0 s8, $0x3  }
0xd: {  	s8 =	simm.s32 $0x6;
	s1 =	sadd.s32 s1, s0;
	s23 =	sshrl.u32 s3, $0x1  }
0xe: {  	s24 =	sadd.s32 s7, s2;
	s26 =	sshrl.u32 s7, $0x3;
	s7 =	simm.s32 $0x9  }
0xf: {  	s0 =	sadd.s32 s5, s0;
	s3 =	ssub.s32 s3, s23;
	s9 =	sadd.s32 $0xDE00, s1  }
0x10: {  	s1 =	sadd.s32 $0x3E00, s1;
	s12 =	sshrl.u32 s24, $0x3;
	s24 =	simm.s32 $0xFDC0  }
0x11: {  	s23 =	simm.s32 $0x5;
	s5 =	simm.s32 $0xC;
	[dreg:$0x4] =	wrdreg s9  }
0x12: {  	[dreg:$0x5] =	wrdreg s1;
	s9 =	sadd.s32 $0x17E00, s0;
	s3 =	smax.u32 s3, $0x1  }
0x13: {  	s25 =	sadd.s32 $0x40400, s0;
	s1 =	simm.s32 $0x2;
	[dreg:$0x7] =	wrdreg s3  }
0x14: {  	[dreg:$0x6] =	wrdreg s25;
	s0 =	sadd.s32 s26, s25;
	s26 =	simm.s32 $0x7  }
0x15: {  	s25 =	simm.s32 $0x0;
	[dreg:$0x8] =	wrdreg s0;
	s0 =	simm.s32 $0x1  }
.LBB2_1:
0x16: {  	[spmem:s12], [sflag:s6] =	dma.local [hbm:s4], $0x1380  }
0x17: {  	[spmem:s13], [sflag:s6] =	dma.local @!p0 [hbm:s4], $0x80  }
0x18: {  	s3 =	simm.s32 $0x0;
	s15 =	rddreg [dreg:$0x4]  }
0x19: {  	[tilespmem:s3], [sflag:$0xE] =	stream.linear.gather [hbm4b:s15+s3], $0x5000, $0x38;
	[tilespmem:$0x1F7C0] =	vst v63  }
0x1a: {  	s16 =	simm.s32 $0x5000;
	s15 =	rddreg [dreg:$0x5]  }
0x1b: {  	[tilespmem:s16], [sflag:$0xF] =	stream.linear.gather [hbm4b:s15+s3], $0x5000, $0x38;
	[tilespmem:$0x1F7C0] =	vst v63  }
0x1c: {  	s15 =	simm.s32 $0xE  }
0x1d: {  	_ =	swait.ge [sflag:s15], $0x5000  }
0x1e: {  	[sflag:s15] =	ssyncset.done $0x0  }
0x1f: {  	[sflag:s15] =	ssyncadd.s32 $0xFFFFB000;
	s15 =	simm.s32 $0xF  }
0x20: {  	_ =	swait.ge [sflag:s15], $0x5000  }
0x21: {  	[sflag:s15] =	ssyncset.done $0x0  }
0x22: {  	[sflag:s15] =	ssyncadd.s32 $0xFFFFB000  }
0x23: {  	[tilespmem:s18], [sflag:$0x1] =	stream.indirect.gather [hbm4b:s9+s17], $0x40, s3, s17, $0xb8;
	[tilespmem:$0x1F7C0] =	vst v63  }
0x24: {  	s15 =	simm.s32 $0x80  }
0x25: {  	[tilespmem:s20], [sflag:$0x2] =	stream.indirect.gather [hbm4b:s9+s17], $0x40, s15, s17, $0xb8;
	[tilespmem:$0x1F7C0] =	vst v63  }
0x26: {  	s15 =	simm.s32 $0x100  }
0x27: {  	[tilespmem:s22], [sflag:$0x3] =	stream.indirect.gather [hbm4b:s9+s17], $0x40, s15, s17, $0xb8;
	[tilespmem:$0x1F7C0] =	vst v63  }
0x28: {  	s15 =	simm.s32 $0x180  }
0x29: {  	[tilespmem:s24], [sflag:$0x4] =	stream.indirect.gather [hbm4b:s9+s17], $0x40, s15, s17, $0xb8;
	[tilespmem:$0x1F7C0] =	vst v63  }
0x2a: {  	s15 =	simm.s32 $0x200  }
0x2b: {  	[tilespmem:s28], [sflag:$0x5] =	stream.indirect.gather [hbm4b:s9+s17], $0x40, s15, s17, $0xb8;
	[tilespmem:$0x1F7C0] =	vst v63  }
0x2c: {  	s15 =	simm.s32 $0x280  }
0x2d: {  	[tilespmem:s30], [sflag:$0x6] =	stream.indirect.gather [hbm4b:s9+s17], $0x40, s15, s17, $0xb8;
	[tilespmem:$0x1F7C0] =	vst v63  }
0x2e: {  	_ =	swait.ge [sflag:s31], $0x1380  }
0x2f: {  	[sflag:s31] =	ssyncset.done $0x0  }
0x30: {  	s3 =	simm.s32 @!p0 $0xD;
	[sflag:s31] =	ssyncadd.s32 $0xFFFFEC80  }
0x31: {  	_ =	swait.ge @!p0 [sflag:s3], $0x80  }
0x32: {  	[sflag:s3] =	ssyncset.done @!p0 $0x0  }
0x33: {  	[sflag:s3] =	ssyncadd.s32 @!p0 $0xFFFFFF80  }
0x34: {  	[bflag:$0x0] =	sbarrier.arrive $0xFFFF  }
0x35: {  	_ =	swait.ge [sflag:s0], $0x1F40  }
0x36: {  	[sflag:s0] =	ssyncset.done $0x0  }
0x37: {  	[sflag:s0] =	ssyncadd.s32 $0xFFFFE0C0  }
0x38: {  	[spmem:s2] =	stream.indirect.scatter.add.f32 [tilespmem:s18], [sflag:$0x7], $0x40, s16, s17, $0xb8;
	[tilespmem:$0x1F7C0] =	vst v63  }
0x39: {  	_ =	swait.ge [sflag:s1], $0x1F40  }
0x3a: {  	[sflag:s1] =	ssyncset.done $0x0  }
0x3b: {  	s16 =	simm.s32 $0x5080;
	[sflag:s1] =	ssyncadd.s32 $0xFFFFE0C0  }
0x3c: {  	[spmem:s2] =	stream.indirect.scatter.add.f32 [tilespmem:s20], [sflag:$0x8], $0x40, s16, s17, $0xb8;
	[tilespmem:$0x1F7C0] =	vst v63  }
0x3d: {  	_ =	swait.ge [sflag:s21], $0x1F40  }
0x3e: {  	[sflag:s21] =	ssyncset.done $0x0  }
0x3f: {  	s15 =	simm.s32 $0x5100;
	[sflag:s21] =	ssyncadd.s32 $0xFFFFE0C0  }
0x40: {  	[spmem:s2] =	stream.indirect.scatter.add.f32 [tilespmem:s22], [sflag:$0x9], $0x40, s15, s17, $0xb8;
	[tilespmem:$0x1F7C0] =	vst v63  }
0x41: {  	_ =	swait.ge [sflag:s26], $0x1F40  }
0x42: {  	[sflag:s26] =	ssyncset.done $0x0  }
0x43: {  	s16 =	simm.s32 $0x300;
	[sflag:s26] =	ssyncadd.s32 $0xFFFFE0C0  }
0x44: {  	[tilespmem:s18], [sflag:$0x1] =	stream.indirect.gather [hbm4b:s9+s17], $0x40, s16, s17, $0xb8;
	[tilespmem:$0x1F7C0] =	vst v63  }
0x45: {  	_ =	swait.ge [sflag:s29], $0x1F40  }
0x46: {  	[sflag:s29] =	ssyncset.done $0x0  }
0x47: {  	s15 =	simm.s32 $0x5180;
	[sflag:s29] =	ssyncadd.s32 $0xFFFFE0C0  }
0x48: {  	[spmem:s2] =	stream.indirect.scatter.add.f32 [tilespmem:s24], [sflag:$0xA], $0x40, s15, s17, $0xb8;
	[tilespmem:$0x1F7C0] =	vst v63  }
0x49: {  	_ =	swait.ge [sflag:s19], $0x1F40  }
0x4a: {  	[sflag:s19] =	ssyncset.done $0x0  }
0x4b: {  	s16 =	simm.s32 $0x380;
	[sflag:s19] =	ssyncadd.s32 $0xFFFFE0C0  }
0x4c: {  	[tilespmem:s20], [sflag:$0x2] =	stream.indirect.gather [hbm4b:s9+s17], $0x40, s16, s17, $0xb8;
	[tilespmem:$0x1F7C0] =	vst v63  }
0x4d: {  	_ =	swait.ge [sflag:s23], $0x1F40  }
0x4e: {  	[sflag:s23] =	ssyncset.done $0x0  }
0x4f: {  	s15 =	simm.s32 $0x5200;
	[sflag:s23] =	ssyncadd.s32 $0xFFFFE0C0  }
0x50: {  	[spmem:s2] =	stream.indirect.scatter.add.f32 [tilespmem:s28], [sflag:$0xB], $0x40, s15, s17, $0xb8;
	[tilespmem:$0x1F7C0] =	vst v63  }
0x51: {  	_ =	swait.ge [sflag:s7], $0x1F40  }
0x52: {  	[sflag:s7] =	ssyncset.done $0x0  }
0x53: {  	s16 =	simm.s32 $0x400;
	[sflag:s7] =	ssyncadd.s32 $0xFFFFE0C0  }
0x54: {  	[tilespmem:s22], [sflag:$0x3] =	stream.indirect.gather [hbm4b:s9+s17], $0x40, s16, s17, $0xb8;
	[tilespmem:$0x1F7C0] =	vst v63  }
0x55: {  	_ =	swait.ge [sflag:s8], $0x1F40  }
0x56: {  	[sflag:s8] =	ssyncset.done $0x0  }
0x57: {  	s15 =	simm.s32 $0x5280;
	[sflag:s8] =	ssyncadd.s32 $0xFFFFE0C0  }
0x58: {  	[spmem:s2] =	stream.indirect.scatter.add.f32 [tilespmem:s30], [sflag:$0xC], $0x40, s15, s17, $0xb8;
	[tilespmem:$0x1F7C0] =	vst v63  }
0x59: {  	_ =	swait.ge [sflag:s14], $0x1F40  }
0x5a: {  	[sflag:s14] =	ssyncset.done $0x0  }
0x5b: {  	s16 =	simm.s32 $0x480;
	[sflag:s14] =	ssyncadd.s32 $0xFFFFE0C0  }
0x5c: {  	[tilespmem:s24], [sflag:$0x4] =	stream.indirect.gather [hbm4b:s9+s17], $0x40, s16, s17, $0xb8;
	[tilespmem:$0x1F7C0] =	vst v63  }
0x5d: {  	_ =	swait.ge [sflag:s0], $0x1F40  }
0x5e: {  	[sflag:s0] =	ssyncset.done $0x0  }
0x5f: {  	s15 =	simm.s32 $0x5300;
	[sflag:s0] =	ssyncadd.s32 $0xFFFFE0C0  }
0x60: {  	[spmem:s2] =	stream.indirect.scatter.add.f32 [tilespmem:s18], [sflag:$0x7], $0x40, s15, s17, $0xb8;
	[tilespmem:$0x1F7C0] =	vst v63  }
0x61: {  	_ =	swait.ge [sflag:s11], $0x1F40  }
0x62: {  	[sflag:s11] =	ssyncset.done $0x0  }
0x63: {  	s16 =	simm.s32 $0x500;
	[sflag:s11] =	ssyncadd.s32 $0xFFFFE0C0  }
0x64: {  	[tilespmem:s28], [sflag:$0x5] =	stream.indirect.gather [hbm4b:s9+s17], $0x40, s16, s17, $0xb8;
	[tilespmem:$0x1F7C0] =	vst v63  }
0x65: {  	_ =	swait.ge [sflag:s1], $0x1F40  }
0x66: {  	[sflag:s1] =	ssyncset.done $0x0  }
0x67: {  	s15 =	simm.s32 $0x5380;
	[sflag:s1] =	ssyncadd.s32 $0xFFFFE0C0  }
0x68: {  	[spmem:s2] =	stream.indirect.scatter.add.f32 [tilespmem:s20], [sflag:$0x8], $0x40, s15, s17, $0xb8;
	[tilespmem:$0x1F7C0] =	vst v63  }
0x69: {  	_ =	swait.ge [sflag:s5], $0x1F40  }
0x6a: {  	[sflag:s5] =	ssyncset.done $0x0  }
0x6b: {  	s16 =	simm.s32 $0x580;
	[sflag:s5] =	ssyncadd.s32 $0xFFFFE0C0  }
0x6c: {  	[tilespmem:s30], [sflag:$0x6] =	stream.indirect.gather [hbm4b:s9+s17], $0x40, s16, s17, $0xb8;
	[tilespmem:$0x1F7C0] =	vst v63  }
0x6d: {  	_ =	swait.ge [sflag:s21], $0x1F40  }
0x6e: {  	[sflag:s21] =	ssyncset.done $0x0  }
0x6f: {  	s3 =	simm.s32 $0xC00;
	s15 =	simm.s32 $0x5400;
	[sflag:s21] =	ssyncadd.s32 $0xFFFFE0C0  }
.LBB2_2:
0x70: {  	[spmem:s2] =	stream.indirect.scatter.add.f32 [tilespmem:s22], [sflag:$0x9], $0x40, s15, s17, $0xb8;
	[tilespmem:$0x1F7C0] =	vst v63  }
0x71: {  	s15 =	smov.u32 s3  }
0x72: {  	p1 =	sne.s32 s3, $0x12000;
	s3 =	sadd.s32 $0xC00, s3;
	_ =	swait.ge [sflag:s26], $0x1F40  }
0x73: {  	s15 =	sshra.s32 s15, $0x2;
	[sflag:s26] =	ssyncset.done $0x0  }
0x74: {  	s16 =	sadd.s32 $0x300, s15;
	[sflag:s26] =	ssyncadd.s32 $0xFFFFE0C0  }
0x75: {  	[tilespmem:s18], [sflag:$0x1] =	stream.indirect.gather [hbm4b:s9+s17], $0x40, s16, s17, $0xb8;
	[tilespmem:$0x1F7C0] =	vst v63  }
0x76: {  	_ =	swait.ge [sflag:s29], $0x1F40  }
0x77: {  	[sflag:s29] =	ssyncset.done $0x0  }
0x78: {  	s16 =	sadd.s32 $0x5180, s15;
	[sflag:s29] =	ssyncadd.s32 $0xFFFFE0C0  }
0x79: {  	[spmem:s2] =	stream.indirect.scatter.add.f32 [tilespmem:s24], [sflag:$0xA], $0x40, s16, s17, $0xb8;
	[tilespmem:$0x1F7C0] =	vst v63  }
0x7a: {  	_ =	swait.ge [sflag:s19], $0x1F40  }
0x7b: {  	[sflag:s19] =	ssyncset.done $0x0  }
0x7c: {  	s16 =	sadd.s32 $0x380, s15;
	[sflag:s19] =	ssyncadd.s32 $0xFFFFE0C0  }
0x7d: {  	[tilespmem:s20], [sflag:$0x2] =	stream.indirect.gather [hbm4b:s9+s17], $0x40, s16, s17, $0xb8;
	[tilespmem:$0x1F7C0] =	vst v63  }
0x7e: {  	_ =	swait.ge [sflag:s23], $0x1F40  }
0x7f: {  	[sflag:s23] =	ssyncset.done $0x0  }
0x80: {  	s16 =	sadd.s32 $0x5200, s15;
	[sflag:s23] =	ssyncadd.s32 $0xFFFFE0C0  }
0x81: {  	[spmem:s2] =	stream.indirect.scatter.add.f32 [tilespmem:s28], [sflag:$0xB], $0x40, s16, s17, $0xb8;
	[tilespmem:$0x1F7C0] =	vst v63  }
0x82: {  	_ =	swait.ge [sflag:s7], $0x1F40  }
0x83: {  	[sflag:s7] =	ssyncset.done $0x0  }
0x84: {  	s16 =	sadd.s32 $0x400, s15;
	[sflag:s7] =	ssyncadd.s32 $0xFFFFE0C0  }
0x85: {  	[tilespmem:s22], [sflag:$0x3] =	stream.indirect.gather [hbm4b:s9+s17], $0x40, s16, s17, $0xb8;
	[tilespmem:$0x1F7C0] =	vst v63  }
0x86: {  	_ =	swait.ge [sflag:s8], $0x1F40  }
0x87: {  	[sflag:s8] =	ssyncset.done $0x0  }
0x88: {  	s16 =	sadd.s32 $0x5280, s15;
	[sflag:s8] =	ssyncadd.s32 $0xFFFFE0C0  }
0x89: {  	[spmem:s2] =	stream.indirect.scatter.add.f32 [tilespmem:s30], [sflag:$0xC], $0x40, s16, s17, $0xb8;
	[tilespmem:$0x1F7C0] =	vst v63  }
0x8a: {  	_ =	swait.ge [sflag:s14], $0x1F40  }
0x8b: {  	[sflag:s14] =	ssyncset.done $0x0  }
0x8c: {  	s16 =	sadd.s32 $0x480, s15;
	[sflag:s14] =	ssyncadd.s32 $0xFFFFE0C0  }
0x8d: {  	[tilespmem:s24], [sflag:$0x4] =	stream.indirect.gather [hbm4b:s9+s17], $0x40, s16, s17, $0xb8;
	[tilespmem:$0x1F7C0] =	vst v63  }
0x8e: {  	_ =	swait.ge [sflag:s0], $0x1F40  }
0x8f: {  	[sflag:s0] =	ssyncset.done $0x0  }
0x90: {  	s16 =	sadd.s32 $0x5300, s15;
	[sflag:s0] =	ssyncadd.s32 $0xFFFFE0C0  }
0x91: {  	[spmem:s2] =	stream.indirect.scatter.add.f32 [tilespmem:s18], [sflag:$0x7], $0x40, s16, s17, $0xb8;
	[tilespmem:$0x1F7C0] =	vst v63  }
0x92: {  	_ =	swait.ge [sflag:s11], $0x1F40  }
0x93: {  	[sflag:s11] =	ssyncset.done $0x0  }
0x94: {  	s16 =	sadd.s32 $0x500, s15;
	[sflag:s11] =	ssyncadd.s32 $0xFFFFE0C0  }
0x95: {  	[tilespmem:s28], [sflag:$0x5] =	stream.indirect.gather [hbm4b:s9+s17], $0x40, s16, s17, $0xb8;
	[tilespmem:$0x1F7C0] =	vst v63  }
0x96: {  	_ =	swait.ge [sflag:s1], $0x1F40  }
0x97: {  	[sflag:s1] =	ssyncset.done $0x0  }
0x98: {  	s16 =	sadd.s32 $0x5380, s15;
	[sflag:s1] =	ssyncadd.s32 $0xFFFFE0C0  }
0x99: {  	[spmem:s2] =	stream.indirect.scatter.add.f32 [tilespmem:s20], [sflag:$0x8], $0x40, s16, s17, $0xb8;
	[tilespmem:$0x1F7C0] =	vst v63  }
0x9a: {  	_ =	swait.ge [sflag:s5], $0x1F40  }
0x9b: {  	[sflag:s5] =	ssyncset.done $0x0  }
.Ltmp0:
0x9c: {  	s16 =	sadd.s32 $0x580, s15;
	[sflag:s5] =	ssyncadd.s32 $0xFFFFE0C0;
	(pc) =	sbr.rel @p1 .LBB2_2-.Ltmp0, $4  }
0x9d: {  	[tilespmem:s30], [sflag:$0x6] =	stream.indirect.gather [hbm4b:s9+s17], $0x40, s16, s17, $0xb8;
	[tilespmem:$0x1F7C0] =	vst v63  }
0x9e: {  	_ =	swait.ge [sflag:s21], $0x1F40  }
0x9f: {  	[sflag:s21] =	ssyncset.done $0x0  }
0xa0: {  	s15 =	sadd.s32 $0x5400, s15;
	[sflag:s21] =	ssyncadd.s32 $0xFFFFE0C0  }
0xa1: {  	[spmem:s2] =	stream.indirect.scatter.add.f32 [tilespmem:s22], [sflag:$0x9], $0x40, s15, s17, $0xb8;
	[tilespmem:$0x1F7C0] =	vst v63  }
0xa2: {  	_ =	swait.ge [sflag:s26], $0x1F40  }
0xa3: {  	[sflag:s26] =	ssyncset.done $0x0  }
0xa4: {  	s3 =	simm.s32 $0x4E00;
	[sflag:s26] =	ssyncadd.s32 $0xFFFFE0C0  }
0xa5: {  	[tilespmem:s18], [sflag:$0x1] =	stream.indirect.gather [hbm4b:s9+s17], $0x40, s3, s17, $0xb8;
	[tilespmem:$0x1F7C0] =	vst v63  }
0xa6: {  	_ =	swait.ge [sflag:s29], $0x1F40  }
0xa7: {  	[sflag:s29] =	ssyncset.done $0x0  }
0xa8: {  	s15 =	simm.s32 $0x9C80;
	[sflag:s29] =	ssyncadd.s32 $0xFFFFE0C0  }
0xa9: {  	[spmem:s2] =	stream.indirect.scatter.add.f32 [tilespmem:s24], [sflag:$0xA], $0x40, s15, s17, $0xb8;
	[tilespmem:$0x1F7C0] =	vst v63  }
0xaa: {  	_ =	swait.ge [sflag:s19], $0x1F40  }
0xab: {  	[sflag:s19] =	ssyncset.done $0x0  }
0xac: {  	s16 =	simm.s32 $0x4E80;
	[sflag:s19] =	ssyncadd.s32 $0xFFFFE0C0  }
0xad: {  	[tilespmem:s20], [sflag:$0x2] =	stream.indirect.gather [hbm4b:s9+s17], $0x40, s16, s17, $0xb8;
	[tilespmem:$0x1F7C0] =	vst v63  }
0xae: {  	_ =	swait.ge [sflag:s23], $0x1F40  }
0xaf: {  	[sflag:s23] =	ssyncset.done $0x0  }
0xb0: {  	s15 =	simm.s32 $0x9D00;
	[sflag:s23] =	ssyncadd.s32 $0xFFFFE0C0  }
0xb1: {  	[spmem:s2] =	stream.indirect.scatter.add.f32 [tilespmem:s28], [sflag:$0xB], $0x40, s15, s17, $0xb8;
	[tilespmem:$0x1F7C0] =	vst v63  }
0xb2: {  	_ =	swait.ge [sflag:s7], $0x1F40  }
0xb3: {  	[sflag:s7] =	ssyncset.done $0x0  }
0xb4: {  	s16 =	simm.s32 $0x4F00;
	[sflag:s7] =	ssyncadd.s32 $0xFFFFE0C0  }
0xb5: {  	[tilespmem:s22], [sflag:$0x3] =	stream.indirect.gather [hbm4b:s9+s17], $0x40, s16, s17, $0xb8;
	[tilespmem:$0x1F7C0] =	vst v63  }
0xb6: {  	_ =	swait.ge [sflag:s8], $0x1F40  }
0xb7: {  	[sflag:s8] =	ssyncset.done $0x0  }
0xb8: {  	s15 =	simm.s32 $0x9D80;
	[sflag:s8] =	ssyncadd.s32 $0xFFFFE0C0  }
0xb9: {  	[spmem:s2] =	stream.indirect.scatter.add.f32 [tilespmem:s30], [sflag:$0xC], $0x40, s15, s17, $0xb8;
	[tilespmem:$0x1F7C0] =	vst v63  }
0xba: {  	_ =	swait.ge [sflag:s14], $0x1F40  }
0xbb: {  	[sflag:s14] =	ssyncset.done $0x0  }
0xbc: {  	s16 =	simm.s32 $0x4F80;
	[sflag:s14] =	ssyncadd.s32 $0xFFFFE0C0  }
0xbd: {  	[tilespmem:s24], [sflag:$0x4] =	stream.indirect.gather [hbm4b:s9+s17], $0x40, s16, s17, $0xb8;
	[tilespmem:$0x1F7C0] =	vst v63  }
0xbe: {  	_ =	swait.ge [sflag:s0], $0x1F40  }
0xbf: {  	[sflag:s0] =	ssyncset.done $0x0  }
0xc0: {  	s15 =	simm.s32 $0x9E00;
	[sflag:s0] =	ssyncadd.s32 $0xFFFFE0C0  }
0xc1: {  	[spmem:s2] =	stream.indirect.scatter.add.f32 [tilespmem:s18], [sflag:$0x7], $0x40, s15, s17, $0xb8;
	[tilespmem:$0x1F7C0] =	vst v63  }
0xc2: {  	_ =	swait.ge [sflag:s1], $0x1F40  }
0xc3: {  	[sflag:s1] =	ssyncset.done $0x0  }
0xc4: {  	s16 =	simm.s32 $0x9E80;
	[sflag:s1] =	ssyncadd.s32 $0xFFFFE0C0  }
0xc5: {  	[spmem:s2] =	stream.indirect.scatter.add.f32 [tilespmem:s20], [sflag:$0x8], $0x40, s16, s17, $0xb8;
	[tilespmem:$0x1F7C0] =	vst v63  }
0xc6: {  	_ =	swait.ge [sflag:s21], $0x1F40  }
0xc7: {  	[sflag:s21] =	ssyncset.done $0x0  }
0xc8: {  	s15 =	simm.s32 $0x9F00;
	[sflag:s21] =	ssyncadd.s32 $0xFFFFE0C0  }
0xc9: {  	[spmem:s2] =	stream.indirect.scatter.add.f32 [tilespmem:s22], [sflag:$0x9], $0x40, s15, s17, $0xb8;
	[tilespmem:$0x1F7C0] =	vst v63  }
0xca: {  	_ =	swait.ge [sflag:s29], $0x1F40  }
0xcb: {  	[sflag:s29] =	ssyncset.done $0x0  }
0xcc: {  	s16 =	simm.s32 $0x9F80;
	[sflag:s29] =	ssyncadd.s32 $0xFFFFE0C0  }
0xcd: {  	[spmem:s2] =	stream.indirect.scatter.add.f32 [tilespmem:s24], [sflag:$0xA], $0x40, s16, s17, $0xb8;
	[tilespmem:$0x1F7C0] =	vst v63  }
0xce: {  	_ =	swait.ge [sflag:s26], $0x1F40  }
0xcf: {  	[sflag:s26] =	ssyncset.done $0x0  }
0xd0: {  	[sflag:s26] =	ssyncadd.s32 $0xFFFFE0C0  }
0xd1: {  	_ =	swait.ge [sflag:s19], $0x1F40  }
0xd2: {  	[sflag:s19] =	ssyncset.done $0x0  }
0xd3: {  	[sflag:s19] =	ssyncadd.s32 $0xFFFFE0C0  }
0xd4: {  	_ =	swait.ge [sflag:s7], $0x1F40  }
0xd5: {  	[sflag:s7] =	ssyncset.done $0x0  }
0xd6: {  	[sflag:s7] =	ssyncadd.s32 $0xFFFFE0C0  }
0xd7: {  	_ =	swait.ge [sflag:s14], $0x1F40  }
0xd8: {  	[sflag:s14] =	ssyncset.done $0x0  }
0xd9: {  	[sflag:s14] =	ssyncadd.s32 $0xFFFFE0C0  }
0xda: {  	_ =	swait.ge [sflag:s11], $0x1F40  }
0xdb: {  	[sflag:s11] =	ssyncset.done $0x0  }
0xdc: {  	[sflag:s11] =	ssyncadd.s32 $0xFFFFE0C0  }
0xdd: {  	_ =	swait.ge [sflag:s5], $0x1F40  }
0xde: {  	[sflag:s5] =	ssyncset.done $0x0  }
0xdf: {  	[sflag:s5] =	ssyncadd.s32 $0xFFFFE0C0  }
0xe0: {  	[bflag:$0x0] =	sbarrier.arrive $0xFFFF  }
0xe1: {  	s15 =	rddreg [dreg:$0x3]  }
0xe2: {  	s16 =	rddreg [dreg:$0x8];
	s3 =	sor.u32 $0x1C10, s15  }
0xe3: {  	[hbm:s16], [sflag:s3] =	dma.local [spmem:s12], $0x1380  }
0xe4: {  	_ =	swait.ge [sflag:s10], $0x1380  }
0xe5: {  	[sflag:s10] =	ssyncset.done $0x0;
	s15 =	rddreg [dreg:$0x6]  }
0xe6: {  	[sflag:s10] =	ssyncadd.s32 $0xFFFFEC80;
	s15 =	sadd.s32 @!p0 $0x13800, s15  }
0xe7: {  	[hbm:s15], [sflag:s3] =	dma.local @!p0 [spmem:s13], $0x80  }
0xe8: {  	s3 =	simm.s32 @!p0 $0x10  }
0xe9: {  	_ =	swait.ge @!p0 [sflag:s3], $0x80  }
0xea: {  	s25 =	sadd.s32 $0x1, s25;
	s16 =	rddreg [dreg:$0x7]  }
0xeb: {  	p1 =	sne.s32 s25, s16  }
.Ltmp1:
0xec: {  	_ = 	snop;
	(pc) =	sbr.rel @p1 .LBB2_1-.Ltmp1, $3  }
0xed: {  	_ =	sdelay $0x1  }
0xee: {  	[sflag:s3] =	ssyncset.done @!p0 $0x0  }
0xef: {  	[sflag:s3] =	ssyncadd.s32 @!p0 $0xFFFFFF80  }
0xf0: {  	_ =	sfence.sel $0x180000  }
0xf1: {  	[bflag:$0x0] =	sbarrier.arrive $0xFFFF  }
0xf2: {  	_ =	strace $0x90000047  }
0xf3: {  	s0 =	stileid.u32;
	[bflag:$0x2] =	sbarrier.arrive $0xFFFF  }
0xf4: {  	p0 =	sne.s32 s0, $0x0;
	s0 =	rddreg [dreg:$0x2]  }
0xf5: {  	s0 =	sadd.s32 @!p0 $0x100000, s0  }
0xf6: {  	[sflag:s0] =	ssyncadd.tile.s32 @!p0 $0x1;
	_ =	shalt  }
.Lfunc_end2:
_tile_overlayer_lowered:
.L_overlay_start_2:
0xf7: {  	(tag) =	ssettag $0x2  }
0xf8: {  	s0 =	rddreg [dreg:$0x0];
	s2 =	stileid.u32  }
0xf9: {  	s1 =	rddreg [dreg:$0x1];
	p0 =	sne.s32 s2, $0x0  }
0xfa: {  	s3 =	rddreg [dreg:$0x2];
	[bflag:$0x3] =	sbarrier.arrive $0xFFFF;
	s2 =	simm.s32 @!p0 $0x1C10  }
0xfb: {  	[timem:s3], [sflag:s2] =	dma.local @!p0 [hbm:s0], s1  }
0xfc: {  	s0 =	simm.s32 @!p0 $0x10  }
0xfd: {  	_ =	swait.ge @!p0 [sflag:s0], s1  }
0xfe: {  	s1 =	ssub.s32 @!p0 $0x0, s1;
	[sflag:s0] =	ssyncset.done @!p0 $0x0  }
0xff: {  	[sflag:s0] =	ssyncadd.s32 @!p0 s1  }
0x100: {  	[bflag:$0x3] =	sbarrier.arrive $0xFFFF  }
0x101: {  	_ =	shalt  }

</sc_bundles>
